<compile_context>
chip_gen: v7x
topology: tpu7x:2x2x1
jax: 0.10.2.dev20260603
libtpu: 0.0.44.dev20260713+nightly
codegen_flags: <defaults>
</compile_context>

<pallas_src>
import functools

import jax
import jax.numpy as jnp
from jax import lax
from jax.experimental import pallas as pl
from jax.experimental.pallas import tpu as pltpu
from jax.experimental.pallas import tpu_sc as plsc

N_NODES = 100800
N_EDGES = 3225600
NPG = 28
NGRAPH = N_NODES // NPG

NC, NS = 2, 16
NW = NC * NS

NPAD = 102400
NPT_CORE = NPAD // NS

EB = 512
ROWS_PER_TILE = 200
EPAD = NW * ROWS_PER_TILE * EB
CH = 20
N_SUPER = ROWS_PER_TILE // CH

_MESH = plsc.VectorSubcoreMesh(
    core_axis_name="c", subcore_axis_name="s", num_cores=NC, num_subcores=NS
)
_SC_PARAMS = pltpu.CompilerParams(use_tc_tiling_on_sc=False)


def _wid():
    return lax.axis_index("c") * NS + lax.axis_index("s")


@functools.partial(
    pl.kernel,
    out_type=jax.ShapeDtypeStruct((NC * NPAD,), jnp.float32),
    mesh=_MESH,
    compiler_params=_SC_PARAMS,
    scratch_types=[
        pltpu.VMEM_SHARED((NPAD,), jnp.float32),
        pltpu.VMEM((CH, EB), jnp.int32),
        pltpu.VMEM((EB,), jnp.float32),
        pltpu.VMEM((NPT_CORE,), jnp.float32),
        pltpu.SemaphoreType.DMA,
    ],
)
def _deg_kernel(dst2d, zeros1d, ones1, degp_out, deg_sp, idx_v, ones_v, zbuf, sem):
    c = lax.axis_index("c")
    s = lax.axis_index("s")
    wid = _wid()
    sl_core = pl.ds(s * NPT_CORE, NPT_CORE)
    pltpu.sync_copy(zeros1d, zbuf)
    pltpu.sync_copy(zbuf, deg_sp.at[sl_core])
    pltpu.sync_copy(ones1, ones_v)
    plsc.subcore_barrier()

    row0 = wid * ROWS_PER_TILE

    def body(i, carry):
        pltpu.sync_copy(dst2d.at[pl.ds(row0 + i * CH, CH)], idx_v)
        cps = [
            pltpu.async_copy(ones_v, deg_sp.at[idx_v.at[j]], sem, add=True)
            for j in range(CH)
        ]
        for cp in cps:
            cp.wait()
        return carry

    lax.fori_loop(0, N_SUPER, body, 0)
    plsc.subcore_barrier()
    pltpu.sync_copy(deg_sp.at[sl_core], zbuf)
    pltpu.sync_copy(zbuf, degp_out.at[pl.ds(c * NPAD + s * NPT_CORE, NPT_CORE)])


YR = NPAD // 128


def _y_body(p0, p1, x0, x1, y0_ref, y1_ref):
    deg = p0[...] + p1[...] + 1.0
    dis = lax.rsqrt(deg)
    y0_ref[...] = dis * x0[...]
    y1_ref[...] = dis * x1[...]


def _y_kernel(d0, d1, x0, x1):
    return pl.pallas_call(
        _y_body,
        out_shape=[
            jax.ShapeDtypeStruct((YR, 128), jnp.float32),
            jax.ShapeDtypeStruct((YR, 128), jnp.float32),
        ],
    )(d0, d1, x0, x1)


@functools.partial(
    pl.kernel,
    out_type=(
        jax.ShapeDtypeStruct((NC * NPAD,), jnp.float32),
        jax.ShapeDtypeStruct((NC * NPAD,), jnp.float32),
    ),
    mesh=_MESH,
    compiler_params=_SC_PARAMS,
    scratch_types=[
        pltpu.VMEM_SHARED((NPAD,), jnp.float32),
        pltpu.VMEM_SHARED((NPAD,), jnp.float32),
        pltpu.VMEM_SHARED((NPAD,), jnp.float32),
        pltpu.VMEM_SHARED((NPAD,), jnp.float32),
        pltpu.VMEM((CH, EB), jnp.int32),
        pltpu.VMEM((CH, EB), jnp.int32),
        pltpu.VMEM((CH, EB), jnp.float32),
        pltpu.VMEM((CH, EB), jnp.float32),
        pltpu.VMEM((NPT_CORE,), jnp.float32),
        pltpu.SemaphoreType.DMA,
        pltpu.SemaphoreType.DMA,
        pltpu.SemaphoreType.DMA,
        pltpu.SemaphoreType.DMA,
    ],
)
def _scatter_kernel(
    src2d, dst2d, y0, y1, zeros1d,
    acc0_out, acc1_out,
    y0_sp, y1_sp, acc0_sp, acc1_sp,
    sidx_v, didx_v, g0, g1, zbuf, sem0, sem1, sem2, sem3,
):
    c = lax.axis_index("c")
    s = lax.axis_index("s")
    wid = _wid()
    sl_core = pl.ds(s * NPT_CORE, NPT_CORE)
    pltpu.sync_copy(zeros1d, zbuf)
    pltpu.sync_copy(zbuf, acc0_sp.at[sl_core])
    pltpu.sync_copy(zbuf, acc1_sp.at[sl_core])
    pltpu.sync_copy(y0.at[sl_core], zbuf)
    pltpu.sync_copy(zbuf, y0_sp.at[sl_core])
    pltpu.sync_copy(y1.at[sl_core], zbuf)
    pltpu.sync_copy(zbuf, y1_sp.at[sl_core])
    plsc.subcore_barrier()

    row0 = wid * ROWS_PER_TILE

    def body(i, carry):
        base = row0 + i * CH
        pltpu.sync_copy(src2d.at[pl.ds(base, CH)], sidx_v)
        pltpu.sync_copy(dst2d.at[pl.ds(base, CH)], didx_v)
        gathers = []
        for j in range(CH):
            gathers.append(
                (pltpu.async_copy(y0_sp.at[sidx_v.at[j]], g0.at[j], sem0),
                 pltpu.async_copy(y1_sp.at[sidx_v.at[j]], g1.at[j], sem1))
            )
        scatters = []
        for j in range(CH):
            cp0, cp1 = gathers[j]
            cp0.wait()
            scatters.append(
                pltpu.async_copy(g0.at[j], acc0_sp.at[didx_v.at[j]], sem2, add=True)
            )
            cp1.wait()
            scatters.append(
                pltpu.async_copy(g1.at[j], acc1_sp.at[didx_v.at[j]], sem3, add=True)
            )
        for cp in scatters:
            cp.wait()
        return carry

    lax.fori_loop(0, N_SUPER, body, 0)
    plsc.subcore_barrier()
    out_sl = pl.ds(c * NPAD + s * NPT_CORE, NPT_CORE)
    pltpu.sync_copy(acc0_sp.at[sl_core], zbuf)
    pltpu.sync_copy(zbuf, acc0_out.at[out_sl])
    pltpu.sync_copy(acc1_sp.at[sl_core], zbuf)
    pltpu.sync_copy(zbuf, acc1_out.at[out_sl])


GB = 120
NB = NGRAPH // GB
RB = GB * NPG


def _tail_kernel(accp, degp, x, wc, bc, w1r, b1, w2, b2, mu_ref, th_ref):
    deg = degp[0] + degp[1] + 1.0
    dis = lax.rsqrt(deg)
    acc = accp[0] + accp[1]
    z = dis * acc + dis * dis * x[...]
    h = jnp.maximum(
        jax.lax.dot_general(z, wc[...], (((1,), (0,)), ((), ())),
                            preferred_element_type=jnp.float32) + bc[0],
        0.0,
    )
    h3 = h.reshape(GB, NPG, 32)
    t = jnp.broadcast_to(b1[0], (GB, 256))
    for k in range(NPG):
        t = t + jax.lax.dot_general(
            h3[:, k, :], w1r[k], (((1,), (0,)), ((), ())),
            preferred_element_type=jnp.float32)
    nrm = jnp.sqrt(jnp.sum(t * t, axis=1, keepdims=True))
    t = t / jnp.maximum(nrm, 1e-12)
    u = jax.lax.dot_general(t, w2[...], (((1,), (0,)), ((), ())),
                            preferred_element_type=jnp.float32) + b2[0]
    mu_ref[...] = jax.nn.sigmoid(u[:, 0:1])
    th_ref[...] = u[:, 1:2]


def _tail(accp, degp, x, wc, bc, w1r, b1, w2, b2):
    return pl.pallas_call(
        _tail_kernel,
        grid=(NB,),
        in_specs=[
            pl.BlockSpec((NC, RB, 2), lambda i: (0, i, 0)),
            pl.BlockSpec((NC, RB, 2), lambda i: (0, i, 0)),
            pl.BlockSpec((RB, 2), lambda i: (i, 0)),
            pl.BlockSpec((2, 32), lambda i: (0, 0)),
            pl.BlockSpec((1, 32), lambda i: (0, 0)),
            pl.BlockSpec((NPG, 32, 256), lambda i: (0, 0, 0)),
            pl.BlockSpec((1, 256), lambda i: (0, 0)),
            pl.BlockSpec((256, 2), lambda i: (0, 0)),
            pl.BlockSpec((1, 2), lambda i: (0, 0)),
        ],
        out_specs=[
            pl.BlockSpec((GB, 1), lambda i: (i, 0)),
            pl.BlockSpec((GB, 1), lambda i: (i, 0)),
        ],
        out_shape=[
            jax.ShapeDtypeStruct((NGRAPH, 1), jnp.float32),
            jax.ShapeDtypeStruct((NGRAPH, 1), jnp.float32),
        ],
    )(accp, degp, x, wc, bc, w1r, b1, w2, b2)


def kernel(x, edge_index, W_conv, b_conv, W1, b1, W2, b2):
    pad_e = EPAD - N_EDGES
    ei_p = jnp.concatenate(
        [edge_index, jnp.full((2, pad_e), N_NODES, jnp.int32)], axis=1
    )
    src2d = ei_p[0].reshape(EPAD // EB, EB)
    dst2d = ei_p[1].reshape(EPAD // EB, EB)
    pad_n = NPAD - N_NODES
    x0 = jnp.pad(x[:, 0], (0, pad_n)).reshape(YR, 128)
    x1 = jnp.pad(x[:, 1], (0, pad_n)).reshape(YR, 128)
    zeros1d = jnp.zeros((NPT_CORE,), jnp.float32)
    ones1 = jnp.ones((EB,), jnp.float32)

    degp = _deg_kernel(dst2d, zeros1d, ones1).reshape(NC, NPAD)
    y0, y1 = _y_kernel(
        degp[0].reshape(YR, 128), degp[1].reshape(YR, 128), x0, x1
    )
    acc0p, acc1p = _scatter_kernel(
        src2d, dst2d, y0.reshape(NPAD), y1.reshape(NPAD), zeros1d
    )

    accp2 = jnp.stack(
        [acc0p.reshape(NC, NPAD), acc1p.reshape(NC, NPAD)], axis=2
    )[:, :N_NODES]
    degp2 = jnp.broadcast_to(degp[:, :, None], (NC, NPAD, 2))[:, :N_NODES]

    mu2, th2 = _tail(
        accp2,
        degp2,
        x,
        W_conv,
        b_conv.reshape(1, 32),
        W1.reshape(NPG, 32, 256),
        b1.reshape(1, 256),
        W2,
        b2.reshape(1, 2),
    )
    return mu2.reshape(NGRAPH), th2.reshape(NGRAPH)

# --- scband reference (transcript-rebuilt; emitter-appended) ---
"""Pipeline reference for scband-gnn-69758858822501 (READ-ONLY COPY).

The authoritative reference and input builder live on the scoring server;
editing this copy changes nothing except your own understanding.
"""

import jax, jax.numpy as jnp
import numpy as np

N_NODES = 100800
N_EDGES = 3225600
NODES_PER_GRAPH = 28  # 896 = 32 * 28


def setup_inputs(seed: int = 0) -> dict:
    key = jax.random.key(seed)
    ks = jax.random.split(key, 8)
    x = jax.random.normal(ks[0], (N_NODES, 2), dtype=jnp.float32)
    edge_index = jax.random.randint(ks[1], (2, N_EDGES), 0, N_NODES, dtype=jnp.int32)
    W_conv = jax.random.normal(ks[2], (2, 32), dtype=jnp.float32) * 0.5
    b_conv = jnp.zeros((32,), dtype=jnp.float32)
    W1 = jax.random.normal(ks[3], (896, 256), dtype=jnp.float32) * 0.03
    b1 = jnp.zeros((256,), dtype=jnp.float32)
    W2 = jax.random.normal(ks[4], (256, 2), dtype=jnp.float32) * 0.06
    b2 = jnp.zeros((2,), dtype=jnp.float32)
    return {"x": x, "edge_index": edge_index, "W_conv": W_conv, "b_conv": b_conv,
            "W1": W1, "b1": b1, "W2": W2, "b2": b2}


def gcn_conv(x, edge_index, W, b, num_nodes):
    # PyG GCNConv: add self-loops, symmetric normalization D^-1/2 A_hat D^-1/2 X W + b
    src = edge_index[0]
    dst = edge_index[1]
    loop = jnp.arange(num_nodes, dtype=src.dtype)
    src = jnp.concatenate([src, loop])
    dst = jnp.concatenate([dst, loop])
    xw = x @ W
    deg = jax.ops.segment_sum(jnp.ones_like(dst, dtype=xw.dtype), dst, num_segments=num_nodes)
    deg_inv_sqrt = jnp.where(deg > 0, deg ** -0.5, 0.0)
    norm = deg_inv_sqrt[src] * deg_inv_sqrt[dst]
    msgs = xw[src] * norm[:, None]
    out = jax.ops.segment_sum(msgs, dst, num_segments=num_nodes)
    return out + b


def reference(x, edge_index, W_conv, b_conv, W1, b1, W2, b2):
    h = gcn_conv(x, edge_index, W_conv, b_conv, N_NODES)
    h = jax.nn.relu(h)
    # flatten 28-node graphs: [N, 32] -> [N/28, 896] (fc1 expects 896)
    h = h.reshape(-1, NODES_PER_GRAPH * 32)
    h = h @ W1 + b1
    # F.normalize(p=2, dim=1, eps=1e-12)
    nrm = jnp.sqrt(jnp.sum(h * h, axis=1, keepdims=True))
    h = h / jnp.maximum(nrm, 1e-12)
    x1 = h @ W2 + b2
    mu = jax.nn.sigmoid(x1[:, 0])
    theta = x1[:, 1]
    return (mu, theta)

if __name__ == "__main__":
    import jax
    _d = setup_inputs()
    print(jax.jit(kernel)(*tuple(_d.values())))

</pallas_src>

<mosaic_0001>
#map = affine_map<(d0, d1) -> (0, 0)>
#map1 = affine_map<(d0, d1) -> (0)>
module attributes {stable_mosaic.version = 14 : i64} {
  func.func @_deg_kernel(%arg0: i32, %arg1: i32, %arg2: memref<6400x512xi32, #tpu.memory_space<hbm>>, %arg3: memref<6400xf32, #tpu.memory_space<hbm>>, %arg4: memref<512xf32, #tpu.memory_space<hbm>>, %arg5: memref<204800xf32, #tpu.memory_space<hbm>>, %arg6: memref<102400xf32, #tpu.memory_space<vmem_shared>>, %arg7: memref<20x512xi32, #tpu.memory_space<vmem>>, %arg8: memref<512xf32, #tpu.memory_space<vmem>>, %arg9: memref<6400xf32, #tpu.memory_space<vmem>>, %arg10: memref<!tpu.dma_semaphore, #tpu.memory_space<semaphore_mem>>) attributes {dimension_semantics = [#tpu.dimension_semantics<core_parallel>, #tpu.dimension_semantics<subcore_parallel>], iteration_bounds = array<i64: 2, 16>, scalar_prefetch = 0 : i64, scratch_operands = 5 : i64, tpu.core_type = #tpu.core_type<sc_vector_subcore>, window_params = [{transform_indices = #map}, {transform_indices = #map1}, {transform_indices = #map1}, {transform_indices = #map1}]} {
    %mul3A = arith.constant 16 : i32
    %mul3A_0 = arith.muli %arg0, %mul3A : i32
    %add3A = arith.addi %mul3A_0, %arg1 : i32
    %mul3A_1 = arith.constant 6400 : i32
    %mul3A_2 = arith.muli %arg1, %mul3A_1 : i32
    "tpu.region"() ({
      %run_scoped3A = tpu.sem_alloc : memref<!tpu.dma_semaphore, #tpu.memory_space<semaphore_mem>>
      tpu.enqueue_dma source(%arg3 : memref<6400xf32, #tpu.memory_space<hbm>>) target(%arg9 : memref<6400xf32, #tpu.memory_space<vmem>>) target_semaphore(%run_scoped3A : memref<!tpu.dma_semaphore, #tpu.memory_space<semaphore_mem>>)
      tpu.wait_dma2 semaphore(%run_scoped3A : memref<!tpu.dma_semaphore, #tpu.memory_space<semaphore_mem>>) src(%arg3 : memref<6400xf32, #tpu.memory_space<hbm>>) dst(%arg9 : memref<6400xf32, #tpu.memory_space<vmem>>)
      tpu.yield
    }) : () -> ()
    "tpu.region"() ({
      %run_scoped3A = tpu.sem_alloc : memref<!tpu.dma_semaphore, #tpu.memory_space<semaphore_mem>>
      %dma_start3A = tpu.memref_slice %arg6[%mul3A_2] : memref<102400xf32, #tpu.memory_space<vmem_shared>> -> memref<6400xf32, #tpu.memory_space<vmem_shared>>
      %dma_start3A_16 = tpu.memref_slice %arg6[%mul3A_2] : memref<102400xf32, #tpu.memory_space<vmem_shared>> -> memref<6400xf32, #tpu.memory_space<vmem_shared>>
      tpu.enqueue_dma source(%arg9 : memref<6400xf32, #tpu.memory_space<vmem>>) target(%dma_start3A_16 : memref<6400xf32, #tpu.memory_space<vmem_shared>>) target_semaphore(%run_scoped3A : memref<!tpu.dma_semaphore, #tpu.memory_space<semaphore_mem>>)
      %dma_wait3A = tpu.memref_slice %arg6[%mul3A_2] : memref<102400xf32, #tpu.memory_space<vmem_shared>> -> memref<6400xf32, #tpu.memory_space<vmem_shared>>
      %dma_wait3A_17 = tpu.memref_slice %arg6[%mul3A_2] : memref<102400xf32, #tpu.memory_space<vmem_shared>> -> memref<6400xf32, #tpu.memory_space<vmem_shared>>
      tpu.wait_dma2 semaphore(%run_scoped3A : memref<!tpu.dma_semaphore, #tpu.memory_space<semaphore_mem>>) src(%arg9 : memref<6400xf32, #tpu.memory_space<vmem>>) dst(%dma_wait3A_17 : memref<6400xf32, #tpu.memory_space<vmem_shared>>)
      tpu.yield
    }) : () -> ()
    "tpu.region"() ({
      %run_scoped3A = tpu.sem_alloc : memref<!tpu.dma_semaphore, #tpu.memory_space<semaphore_mem>>
      tpu.enqueue_dma source(%arg4 : memref<512xf32, #tpu.memory_space<hbm>>) target(%arg8 : memref<512xf32, #tpu.memory_space<vmem>>) target_semaphore(%run_scoped3A : memref<!tpu.dma_semaphore, #tpu.memory_space<semaphore_mem>>)
      tpu.wait_dma2 semaphore(%run_scoped3A : memref<!tpu.dma_semaphore, #tpu.memory_space<semaphore_mem>>) src(%arg4 : memref<512xf32, #tpu.memory_space<hbm>>) dst(%arg8 : memref<512xf32, #tpu.memory_space<vmem>>)
      tpu.yield
    }) : () -> ()
    %barrier3A = arith.constant 0 : index
    tpu.barrier barrier_id(%barrier3A)
    %mul3A_3 = arith.constant 200 : i32
    %mul3A_4 = arith.muli %add3A, %mul3A_3 : i32
    %scan3A = arith.constant 0 : i32
    %scan3A_5 = arith.constant 0 : i32
    %scan3A_6 = arith.constant 10 : i32
    %scan3A_7 = arith.addi %scan3A_5, %scan3A_6 : i32
    %scan3A_8 = arith.constant 1 : i32
    scf.for %scan3A_16 = %scan3A_5 to %scan3A_7 step %scan3A_8  : i32 {
      %mul3A_17 = arith.constant 20 : i32
      %mul3A_18 = arith.muli %scan3A_16, %mul3A_17 : i32
      %add3A_19 = arith.addi %mul3A_4, %mul3A_18 : i32
      "tpu.region"() ({
        %run_scoped3A = tpu.sem_alloc : memref<!tpu.dma_semaphore, #tpu.memory_space<semaphore_mem>>
        %dma_start3A_258 = arith.constant 0 : i32
        %dma_start3A_259 = tpu.memref_slice %arg2[%add3A_19, %dma_start3A_258] : memref<6400x512xi32, #tpu.memory_space<hbm>> -> memref<20x512xi32, #tpu.memory_space<hbm>>
        %dma_start3A_260 = arith.constant 0 : i32
        %dma_start3A_261 = tpu.memref_slice %arg2[%add3A_19, %dma_start3A_260] : memref<6400x512xi32, #tpu.memory_space<hbm>> -> memref<20x512xi32, #tpu.memory_space<hbm>>
        tpu.enqueue_dma source(%dma_start3A_261 : memref<20x512xi32, #tpu.memory_space<hbm>>) target(%arg7 : memref<20x512xi32, #tpu.memory_space<vmem>>) target_semaphore(%run_scoped3A : memref<!tpu.dma_semaphore, #tpu.memory_space<semaphore_mem>>)
        %dma_wait3A_262 = arith.constant 0 : i32
        %dma_wait3A_263 = tpu.memref_slice %arg2[%add3A_19, %dma_wait3A_262] : memref<6400x512xi32, #tpu.memory_space<hbm>> -> memref<20x512xi32, #tpu.memory_space<hbm>>
        %dma_wait3A_264 = arith.constant 0 : i32
        %dma_wait3A_265 = tpu.memref_slice %arg2[%add3A_19, %dma_wait3A_264] : memref<6400x512xi32, #tpu.memory_space<hbm>> -> memref<20x512xi32, #tpu.memory_space<hbm>>
        tpu.wait_dma2 semaphore(%run_scoped3A : memref<!tpu.dma_semaphore, #tpu.memory_space<semaphore_mem>>) src(%dma_wait3A_265 : memref<20x512xi32, #tpu.memory_space<hbm>>) dst(%arg7 : memref<20x512xi32, #tpu.memory_space<vmem>>)
        tpu.yield
      }) : () -> ()
      %dma_start3A = arith.constant 0 : i32
      %dma_start3A_20 = arith.constant 0 : i32
      %dma_start3A_21 = tpu.memref_slice %arg7[%dma_start3A, %dma_start3A_20] : memref<20x512xi32, #tpu.memory_space<vmem>> -> memref<1x512xi32, #tpu.memory_space<vmem>>
      %dma_start3A_22 = tpu.memref_squeeze %dma_start3A_21 : memref<1x512xi32, #tpu.memory_space<vmem>> -> memref<512xi32, #tpu.memory_space<vmem>>
      %dma_start3A_23 = arith.constant 0 : i32
      %dma_start3A_24 = tpu.memref_slice %arg6[%dma_start3A_23] : memref<102400xf32, #tpu.memory_space<vmem_shared>> -> memref<102400xf32, #tpu.memory_space<vmem_shared>>
      tpu.enqueue_indirect_dma source(%arg8 : memref<512xf32, #tpu.memory_space<vmem>>) target(%dma_start3A_24 : memref<102400xf32, #tpu.memory_space<vmem_shared>>) offsets(%dma_start3A_22 : memref<512xi32, #tpu.memory_space<vmem>>) semaphore(%arg10 : memref<!tpu.dma_semaphore, #tpu.memory_space<semaphore_mem>>) {add = true}
      %dma_start3A_25 = arith.constant 1 : i32
      %dma_start3A_26 = arith.constant 0 : i32
      %dma_start3A_27 = tpu.memref_slice %arg7[%dma_start3A_25, %dma_start3A_26] : memref<20x512xi32, #tpu.memory_space<vmem>> -> memref<1x512xi32, #tpu.memory_space<vmem>>
      %dma_start3A_28 = tpu.memref_squeeze %dma_start3A_27 : memref<1x512xi32, #tpu.memory_space<vmem>> -> memref<512xi32, #tpu.memory_space<vmem>>
      %dma_start3A_29 = arith.constant 0 : i32
      %dma_start3A_30 = tpu.memref_slice %arg6[%dma_start3A_29] : memref<102400xf32, #tpu.memory_space<vmem_shared>> -> memref<102400xf32, #tpu.memory_space<vmem_shared>>
      tpu.enqueue_indirect_dma source(%arg8 : memref<512xf32, #tpu.memory_space<vmem>>) target(%dma_start3A_30 : memref<102400xf32, #tpu.memory_space<vmem_shared>>) offsets(%dma_start3A_28 : memref<512xi32, #tpu.memory_space<vmem>>) semaphore(%arg10 : memref<!tpu.dma_semaphore, #tpu.memory_space<semaphore_mem>>) {add = true}
      %dma_start3A_31 = arith.constant 2 : i32
      %dma_start3A_32 = arith.constant 0 : i32
      %dma_start3A_33 = tpu.memref_slice %arg7[%dma_start3A_31, %dma_start3A_32] : memref<20x512xi32, #tpu.memory_space<vmem>> -> memref<1x512xi32, #tpu.memory_space<vmem>>
      %dma_start3A_34 = tpu.memref_squeeze %dma_start3A_33 : memref<1x512xi32, #tpu.memory_space<vmem>> -> memref<512xi32, #tpu.memory_space<vmem>>
      %dma_start3A_35 = arith.constant 0 : i32
      %dma_start3A_36 = tpu.memref_slice %arg6[%dma_start3A_35] : memref<102400xf32, #tpu.memory_space<vmem_shared>> -> memref<102400xf32, #tpu.memory_space<vmem_shared>>
      tpu.enqueue_indirect_dma source(%arg8 : memref<512xf32, #tpu.memory_space<vmem>>) target(%dma_start3A_36 : memref<102400xf32, #tpu.memory_space<vmem_shared>>) offsets(%dma_start3A_34 : memref<512xi32, #tpu.memory_space<vmem>>) semaphore(%arg10 : memref<!tpu.dma_semaphore, #tpu.memory_space<semaphore_mem>>) {add = true}
      %dma_start3A_37 = arith.constant 3 : i32
      %dma_start3A_38 = arith.constant 0 : i32
      %dma_start3A_39 = tpu.memref_slice %arg7[%dma_start3A_37, %dma_start3A_38] : memref<20x512xi32, #tpu.memory_space<vmem>> -> memref<1x512xi32, #tpu.memory_space<vmem>>
      %dma_start3A_40 = tpu.memref_squeeze %dma_start3A_39 : memref<1x512xi32, #tpu.memory_space<vmem>> -> memref<512xi32, #tpu.memory_space<vmem>>
      %dma_start3A_41 = arith.constant 0 : i32
      %dma_start3A_42 = tpu.memref_slice %arg6[%dma_start3A_41] : memref<102400xf32, #tpu.memory_space<vmem_shared>> -> memref<102400xf32, #tpu.memory_space<vmem_shared>>
      tpu.enqueue_indirect_dma source(%arg8 : memref<512xf32, #tpu.memory_space<vmem>>) target(%dma_start3A_42 : memref<102400xf32, #tpu.memory_space<vmem_shared>>) offsets(%dma_start3A_40 : memref<512xi32, #tpu.memory_space<vmem>>) semaphore(%arg10 : memref<!tpu.dma_semaphore, #tpu.memory_space<semaphore_mem>>) {add = true}
      %dma_start3A_43 = arith.constant 4 : i32
      %dma_start3A_44 = arith.constant 0 : i32
      %dma_start3A_45 = tpu.memref_slice %arg7[%dma_start3A_43, %dma_start3A_44] : memref<20x512xi32, #tpu.memory_space<vmem>> -> memref<1x512xi32, #tpu.memory_space<vmem>>
      %dma_start3A_46 = tpu.memref_squeeze %dma_start3A_45 : memref<1x512xi32, #tpu.memory_space<vmem>> -> memref<512xi32, #tpu.memory_space<vmem>>
      %dma_start3A_47 = arith.constant 0 : i32
      %dma_start3A_48 = tpu.memref_slice %arg6[%dma_start3A_47] : memref<102400xf32, #tpu.memory_space<vmem_shared>> -> memref<102400xf32, #tpu.memory_space<vmem_shared>>
      tpu.enqueue_indirect_dma source(%arg8 : memref<512xf32, #tpu.memory_space<vmem>>) target(%dma_start3A_48 : memref<102400xf32, #tpu.memory_space<vmem_shared>>) offsets(%dma_start3A_46 : memref<512xi32, #tpu.memory_space<vmem>>) semaphore(%arg10 : memref<!tpu.dma_semaphore, #tpu.memory_space<semaphore_mem>>) {add = true}
      %dma_start3A_49 = arith.constant 5 : i32
      %dma_start3A_50 = arith.constant 0 : i32
      %dma_start3A_51 = tpu.memref_slice %arg7[%dma_start3A_49, %dma_start3A_50] : memref<20x512xi32, #tpu.memory_space<vmem>> -> memref<1x512xi32, #tpu.memory_space<vmem>>
      %dma_start3A_52 = tpu.memref_squeeze %dma_start3A_51 : memref<1x512xi32, #tpu.memory_space<vmem>> -> memref<512xi32, #tpu.memory_space<vmem>>
      %dma_start3A_53 = arith.constant 0 : i32
      %dma_start3A_54 = tpu.memref_slice %arg6[%dma_start3A_53] : memref<102400xf32, #tpu.memory_space<vmem_shared>> -> memref<102400xf32, #tpu.memory_space<vmem_shared>>
      tpu.enqueue_indirect_dma source(%arg8 : memref<512xf32, #tpu.memory_space<vmem>>) target(%dma_start3A_54 : memref<102400xf32, #tpu.memory_space<vmem_shared>>) offsets(%dma_start3A_52 : memref<512xi32, #tpu.memory_space<vmem>>) semaphore(%arg10 : memref<!tpu.dma_semaphore, #tpu.memory_space<semaphore_mem>>) {add = true}
      %dma_start3A_55 = arith.constant 6 : i32
      %dma_start3A_56 = arith.constant 0 : i32
      %dma_start3A_57 = tpu.memref_slice %arg7[%dma_start3A_55, %dma_start3A_56] : memref<20x512xi32, #tpu.memory_space<vmem>> -> memref<1x512xi32, #tpu.memory_space<vmem>>
      %dma_start3A_58 = tpu.memref_squeeze %dma_start3A_57 : memref<1x512xi32, #tpu.memory_space<vmem>> -> memref<512xi32, #tpu.memory_space<vmem>>
      %dma_start3A_59 = arith.constant 0 : i32
      %dma_start3A_60 = tpu.memref_slice %arg6[%dma_start3A_59] : memref<102400xf32, #tpu.memory_space<vmem_shared>> -> memref<102400xf32, #tpu.memory_space<vmem_shared>>
      tpu.enqueue_indirect_dma source(%arg8 : memref<512xf32, #tpu.memory_space<vmem>>) target(%dma_start3A_60 : memref<102400xf32, #tpu.memory_space<vmem_shared>>) offsets(%dma_start3A_58 : memref<512xi32, #tpu.memory_space<vmem>>) semaphore(%arg10 : memref<!tpu.dma_semaphore, #tpu.memory_space<semaphore_mem>>) {add = true}
      %dma_start3A_61 = arith.constant 7 : i32
      %dma_start3A_62 = arith.constant 0 : i32
      %dma_start3A_63 = tpu.memref_slice %arg7[%dma_start3A_61, %dma_start3A_62] : memref<20x512xi32, #tpu.memory_space<vmem>> -> memref<1x512xi32, #tpu.memory_space<vmem>>
      %dma_start3A_64 = tpu.memref_squeeze %dma_start3A_63 : memref<1x512xi32, #tpu.memory_space<vmem>> -> memref<512xi32, #tpu.memory_space<vmem>>
      %dma_start3A_65 = arith.constant 0 : i32
      %dma_start3A_66 = tpu.memref_slice %arg6[%dma_start3A_65] : memref<102400xf32, #tpu.memory_space<vmem_shared>> -> memref<102400xf32, #tpu.memory_space<vmem_shared>>
      tpu.enqueue_indirect_dma source(%arg8 : memref<512xf32, #tpu.memory_space<vmem>>) target(%dma_start3A_66 : memref<102400xf32, #tpu.memory_space<vmem_shared>>) offsets(%dma_start3A_64 : memref<512xi32, #tpu.memory_space<vmem>>) semaphore(%arg10 : memref<!tpu.dma_semaphore, #tpu.memory_space<semaphore_mem>>) {add = true}
      %dma_start3A_67 = arith.constant 8 : i32
      %dma_start3A_68 = arith.constant 0 : i32
      %dma_start3A_69 = tpu.memref_slice %arg7[%dma_start3A_67, %dma_start3A_68] : memref<20x512xi32, #tpu.memory_space<vmem>> -> memref<1x512xi32, #tpu.memory_space<vmem>>
      %dma_start3A_70 = tpu.memref_squeeze %dma_start3A_69 : memref<1x512xi32, #tpu.memory_space<vmem>> -> memref<512xi32, #tpu.memory_space<vmem>>
      %dma_start3A_71 = arith.constant 0 : i32
      %dma_start3A_72 = tpu.memref_slice %arg6[%dma_start3A_71] : memref<102400xf32, #tpu.memory_space<vmem_shared>> -> memref<102400xf32, #tpu.memory_space<vmem_shared>>
      tpu.enqueue_indirect_dma source(%arg8 : memref<512xf32, #tpu.memory_space<vmem>>) target(%dma_start3A_72 : memref<102400xf32, #tpu.memory_space<vmem_shared>>) offsets(%dma_start3A_70 : memref<512xi32, #tpu.memory_space<vmem>>) semaphore(%arg10 : memref<!tpu.dma_semaphore, #tpu.memory_space<semaphore_mem>>) {add = true}
      %dma_start3A_73 = arith.constant 9 : i32
      %dma_start3A_74 = arith.constant 0 : i32
      %dma_start3A_75 = tpu.memref_slice %arg7[%dma_start3A_73, %dma_start3A_74] : memref<20x512xi32, #tpu.memory_space<vmem>> -> memref<1x512xi32, #tpu.memory_space<vmem>>
      %dma_start3A_76 = tpu.memref_squeeze %dma_start3A_75 : memref<1x512xi32, #tpu.memory_space<vmem>> -> memref<512xi32, #tpu.memory_space<vmem>>
      %dma_start3A_77 = arith.constant 0 : i32
      %dma_start3A_78 = tpu.memref_slice %arg6[%dma_start3A_77] : memref<102400xf32, #tpu.memory_space<vmem_shared>> -> memref<102400xf32, #tpu.memory_space<vmem_shared>>
      tpu.enqueue_indirect_dma source(%arg8 : memref<512xf32, #tpu.memory_space<vmem>>) target(%dma_start3A_78 : memref<102400xf32, #tpu.memory_space<vmem_shared>>) offsets(%dma_start3A_76 : memref<512xi32, #tpu.memory_space<vmem>>) semaphore(%arg10 : memref<!tpu.dma_semaphore, #tpu.memory_space<semaphore_mem>>) {add = true}
      %dma_start3A_79 = arith.constant 10 : i32
      %dma_start3A_80 = arith.constant 0 : i32
      %dma_start3A_81 = tpu.memref_slice %arg7[%dma_start3A_79, %dma_start3A_80] : memref<20x512xi32, #tpu.memory_space<vmem>> -> memref<1x512xi32, #tpu.memory_space<vmem>>
      %dma_start3A_82 = tpu.memref_squeeze %dma_start3A_81 : memref<1x512xi32, #tpu.memory_space<vmem>> -> memref<512xi32, #tpu.memory_space<vmem>>
      %dma_start3A_83 = arith.constant 0 : i32
      %dma_start3A_84 = tpu.memref_slice %arg6[%dma_start3A_83] : memref<102400xf32, #tpu.memory_space<vmem_shared>> -> memref<102400xf32, #tpu.memory_space<vmem_shared>>
      tpu.enqueue_indirect_dma source(%arg8 : memref<512xf32, #tpu.memory_space<vmem>>) target(%dma_start3A_84 : memref<102400xf32, #tpu.memory_space<vmem_shared>>) offsets(%dma_start3A_82 : memref<512xi32, #tpu.memory_space<vmem>>) semaphore(%arg10 : memref<!tpu.dma_semaphore, #tpu.memory_space<semaphore_mem>>) {add = true}
      %dma_start3A_85 = arith.constant 11 : i32
      %dma_start3A_86 = arith.constant 0 : i32
      %dma_start3A_87 = tpu.memref_slice %arg7[%dma_start3A_85, %dma_start3A_86] : memref<20x512xi32, #tpu.memory_space<vmem>> -> memref<1x512xi32, #tpu.memory_space<vmem>>
      %dma_start3A_88 = tpu.memref_squeeze %dma_start3A_87 : memref<1x512xi32, #tpu.memory_space<vmem>> -> memref<512xi32, #tpu.memory_space<vmem>>
      %dma_start3A_89 = arith.constant 0 : i32
      %dma_start3A_90 = tpu.memref_slice %arg6[%dma_start3A_89] : memref<102400xf32, #tpu.memory_space<vmem_shared>> -> memref<102400xf32, #tpu.memory_space<vmem_shared>>
      tpu.enqueue_indirect_dma source(%arg8 : memref<512xf32, #tpu.memory_space<vmem>>) target(%dma_start3A_90 : memref<102400xf32, #tpu.memory_space<vmem_shared>>) offsets(%dma_start3A_88 : memref<512xi32, #tpu.memory_space<vmem>>) semaphore(%arg10 : memref<!tpu.dma_semaphore, #tpu.memory_space<semaphore_mem>>) {add = true}
      %dma_start3A_91 = arith.constant 12 : i32
      %dma_start3A_92 = arith.constant 0 : i32
      %dma_start3A_93 = tpu.memref_slice %arg7[%dma_start3A_91, %dma_start3A_92] : memref<20x512xi32, #tpu.memory_space<vmem>> -> memref<1x512xi32, #tpu.memory_space<vmem>>
      %dma_start3A_94 = tpu.memref_squeeze %dma_start3A_93 : memref<1x512xi32, #tpu.memory_space<vmem>> -> memref<512xi32, #tpu.memory_space<vmem>>
      %dma_start3A_95 = arith.constant 0 : i32
      %dma_start3A_96 = tpu.memref_slice %arg6[%dma_start3A_95] : memref<102400xf32, #tpu.memory_space<vmem_shared>> -> memref<102400xf32, #tpu.memory_space<vmem_shared>>
      tpu.enqueue_indirect_dma source(%arg8 : memref<512xf32, #tpu.memory_space<vmem>>) target(%dma_start3A_96 : memref<102400xf32, #tpu.memory_space<vmem_shared>>) offsets(%dma_start3A_94 : memref<512xi32, #tpu.memory_space<vmem>>) semaphore(%arg10 : memref<!tpu.dma_semaphore, #tpu.memory_space<semaphore_mem>>) {add = true}
      %dma_start3A_97 = arith.constant 13 : i32
      %dma_start3A_98 = arith.constant 0 : i32
      %dma_start3A_99 = tpu.memref_slice %arg7[%dma_start3A_97, %dma_start3A_98] : memref<20x512xi32, #tpu.memory_space<vmem>> -> memref<1x512xi32, #tpu.memory_space<vmem>>
      %dma_start3A_100 = tpu.memref_squeeze %dma_start3A_99 : memref<1x512xi32, #tpu.memory_space<vmem>> -> memref<512xi32, #tpu.memory_space<vmem>>
      %dma_start3A_101 = arith.constant 0 : i32
      %dma_start3A_102 = tpu.memref_slice %arg6[%dma_start3A_101] : memref<102400xf32, #tpu.memory_space<vmem_shared>> -> memref<102400xf32, #tpu.memory_space<vmem_shared>>
      tpu.enqueue_indirect_dma source(%arg8 : memref<512xf32, #tpu.memory_space<vmem>>) target(%dma_start3A_102 : memref<102400xf32, #tpu.memory_space<vmem_shared>>) offsets(%dma_start3A_100 : memref<512xi32, #tpu.memory_space<vmem>>) semaphore(%arg10 : memref<!tpu.dma_semaphore, #tpu.memory_space<semaphore_mem>>) {add = true}
      %dma_start3A_103 = arith.constant 14 : i32
      %dma_start3A_104 = arith.constant 0 : i32
      %dma_start3A_105 = tpu.memref_slice %arg7[%dma_start3A_103, %dma_start3A_104] : memref<20x512xi32, #tpu.memory_space<vmem>> -> memref<1x512xi32, #tpu.memory_space<vmem>>
      %dma_start3A_106 = tpu.memref_squeeze %dma_start3A_105 : memref<1x512xi32, #tpu.memory_space<vmem>> -> memref<512xi32, #tpu.memory_space<vmem>>
      %dma_start3A_107 = arith.constant 0 : i32
      %dma_start3A_108 = tpu.memref_slice %arg6[%dma_start3A_107] : memref<102400xf32, #tpu.memory_space<vmem_shared>> -> memref<102400xf32, #tpu.memory_space<vmem_shared>>
      tpu.enqueue_indirect_dma source(%arg8 : memref<512xf32, #tpu.memory_space<vmem>>) target(%dma_start3A_108 : memref<102400xf32, #tpu.memory_space<vmem_shared>>) offsets(%dma_start3A_106 : memref<512xi32, #tpu.memory_space<vmem>>) semaphore(%arg10 : memref<!tpu.dma_semaphore, #tpu.memory_space<semaphore_mem>>) {add = true}
      %dma_start3A_109 = arith.constant 15 : i32
      %dma_start3A_110 = arith.constant 0 : i32
      %dma_start3A_111 = tpu.memref_slice %arg7[%dma_start3A_109, %dma_start3A_110] : memref<20x512xi32, #tpu.memory_space<vmem>> -> memref<1x512xi32, #tpu.memory_space<vmem>>
      %dma_start3A_112 = tpu.memref_squeeze %dma_start3A_111 : memref<1x512xi32, #tpu.memory_space<vmem>> -> memref<512xi32, #tpu.memory_space<vmem>>
      %dma_start3A_113 = arith.constant 0 : i32
      %dma_start3A_114 = tpu.memref_slice %arg6[%dma_start3A_113] : memref<102400xf32, #tpu.memory_space<vmem_shared>> -> memref<102400xf32, #tpu.memory_space<vmem_shared>>
      tpu.enqueue_indirect_dma source(%arg8 : memref<512xf32, #tpu.memory_space<vmem>>) target(%dma_start3A_114 : memref<102400xf32, #tpu.memory_space<vmem_shared>>) offsets(%dma_start3A_112 : memref<512xi32, #tpu.memory_space<vmem>>) semaphore(%arg10 : memref<!tpu.dma_semaphore, #tpu.memory_space<semaphore_mem>>) {add = true}
      %dma_start3A_115 = arith.constant 16 : i32
      %dma_start3A_116 = arith.constant 0 : i32
      %dma_start3A_117 = tpu.memref_slice %arg7[%dma_start3A_115, %dma_start3A_116] : memref<20x512xi32, #tpu.memory_space<vmem>> -> memref<1x512xi32, #tpu.memory_space<vmem>>
      %dma_start3A_118 = tpu.memref_squeeze %dma_start3A_117 : memref<1x512xi32, #tpu.memory_space<vmem>> -> memref<512xi32, #tpu.memory_space<vmem>>
      %dma_start3A_119 = arith.constant 0 : i32
      %dma_start3A_120 = tpu.memref_slice %arg6[%dma_start3A_119] : memref<102400xf32, #tpu.memory_space<vmem_shared>> -> memref<102400xf32, #tpu.memory_space<vmem_shared>>
      tpu.enqueue_indirect_dma source(%arg8 : memref<512xf32, #tpu.memory_space<vmem>>) target(%dma_start3A_120 : memref<102400xf32, #tpu.memory_space<vmem_shared>>) offsets(%dma_start3A_118 : memref<512xi32, #tpu.memory_space<vmem>>) semaphore(%arg10 : memref<!tpu.dma_semaphore, #tpu.memory_space<semaphore_mem>>) {add = true}
      %dma_start3A_121 = arith.constant 17 : i32
      %dma_start3A_122 = arith.constant 0 : i32
      %dma_start3A_123 = tpu.memref_slice %arg7[%dma_start3A_121, %dma_start3A_122] : memref<20x512xi32, #tpu.memory_space<vmem>> -> memref<1x512xi32, #tpu.memory_space<vmem>>
      %dma_start3A_124 = tpu.memref_squeeze %dma_start3A_123 : memref<1x512xi32, #tpu.memory_space<vmem>> -> memref<512xi32, #tpu.memory_space<vmem>>
      %dma_start3A_125 = arith.constant 0 : i32
      %dma_start3A_126 = tpu.memref_slice %arg6[%dma_start3A_125] : memref<102400xf32, #tpu.memory_space<vmem_shared>> -> memref<102400xf32, #tpu.memory_space<vmem_shared>>
      tpu.enqueue_indirect_dma source(%arg8 : memref<512xf32, #tpu.memory_space<vmem>>) target(%dma_start3A_126 : memref<102400xf32, #tpu.memory_space<vmem_shared>>) offsets(%dma_start3A_124 : memref<512xi32, #tpu.memory_space<vmem>>) semaphore(%arg10 : memref<!tpu.dma_semaphore, #tpu.memory_space<semaphore_mem>>) {add = true}
      %dma_start3A_127 = arith.constant 18 : i32
      %dma_start3A_128 = arith.constant 0 : i32
      %dma_start3A_129 = tpu.memref_slice %arg7[%dma_start3A_127, %dma_start3A_128] : memref<20x512xi32, #tpu.memory_space<vmem>> -> memref<1x512xi32, #tpu.memory_space<vmem>>
      %dma_start3A_130 = tpu.memref_squeeze %dma_start3A_129 : memref<1x512xi32, #tpu.memory_space<vmem>> -> memref<512xi32, #tpu.memory_space<vmem>>
      %dma_start3A_131 = arith.constant 0 : i32
      %dma_start3A_132 = tpu.memref_slice %arg6[%dma_start3A_131] : memref<102400xf32, #tpu.memory_space<vmem_shared>> -> memref<102400xf32, #tpu.memory_space<vmem_shared>>
      tpu.enqueue_indirect_dma source(%arg8 : memref<512xf32, #tpu.memory_space<vmem>>) target(%dma_start3A_132 : memref<102400xf32, #tpu.memory_space<vmem_shared>>) offsets(%dma_start3A_130 : memref<512xi32, #tpu.memory_space<vmem>>) semaphore(%arg10 : memref<!tpu.dma_semaphore, #tpu.memory_space<semaphore_mem>>) {add = true}
      %dma_start3A_133 = arith.constant 19 : i32
      %dma_start3A_134 = arith.constant 0 : i32
      %dma_start3A_135 = tpu.memref_slice %arg7[%dma_start3A_133, %dma_start3A_134] : memref<20x512xi32, #tpu.memory_space<vmem>> -> memref<1x512xi32, #tpu.memory_space<vmem>>
      %dma_start3A_136 = tpu.memref_squeeze %dma_start3A_135 : memref<1x512xi32, #tpu.memory_space<vmem>> -> memref<512xi32, #tpu.memory_space<vmem>>
      %dma_start3A_137 = arith.constant 0 : i32
      %dma_start3A_138 = tpu.memref_slice %arg6[%dma_start3A_137] : memref<102400xf32, #tpu.memory_space<vmem_shared>> -> memref<102400xf32, #tpu.memory_space<vmem_shared>>
      tpu.enqueue_indirect_dma source(%arg8 : memref<512xf32, #tpu.memory_space<vmem>>) target(%dma_start3A_138 : memref<102400xf32, #tpu.memory_space<vmem_shared>>) offsets(%dma_start3A_136 : memref<512xi32, #tpu.memory_space<vmem>>) semaphore(%arg10 : memref<!tpu.dma_semaphore, #tpu.memory_space<semaphore_mem>>) {add = true}
      %dma_wait3A = arith.constant 0 : i32
      %dma_wait3A_139 = arith.constant 0 : i32
      %dma_wait3A_140 = tpu.memref_slice %arg7[%dma_wait3A, %dma_wait3A_139] : memref<20x512xi32, #tpu.memory_space<vmem>> -> memref<1x512xi32, #tpu.memory_space<vmem>>
      %dma_wait3A_141 = tpu.memref_squeeze %dma_wait3A_140 : memref<1x512xi32, #tpu.memory_space<vmem>> -> memref<512xi32, #tpu.memory_space<vmem>>
      %dma_wait3A_142 = arith.constant 0 : i32
      %dma_wait3A_143 = tpu.memref_slice %arg6[%dma_wait3A_142] : memref<102400xf32, #tpu.memory_space<vmem_shared>> -> memref<102400xf32, #tpu.memory_space<vmem_shared>>
      tpu.wait_indirect_dma semaphore(%arg10 : memref<!tpu.dma_semaphore, #tpu.memory_space<semaphore_mem>>) src(%arg8 : memref<512xf32, #tpu.memory_space<vmem>>) dst(%dma_wait3A_143 : memref<102400xf32, #tpu.memory_space<vmem_shared>>)
      %dma_wait3A_144 = arith.constant 1 : i32
      %dma_wait3A_145 = arith.constant 0 : i32
      %dma_wait3A_146 = tpu.memref_slice %arg7[%dma_wait3A_144, %dma_wait3A_145] : memref<20x512xi32, #tpu.memory_space<vmem>> -> memref<1x512xi32, #tpu.memory_space<vmem>>
      %dma_wait3A_147 = tpu.memref_squeeze %dma_wait3A_146 : memref<1x512xi32, #tpu.memory_space<vmem>> -> memref<512xi32, #tpu.memory_space<vmem>>
      %dma_wait3A_148 = arith.constant 0 : i32
      %dma_wait3A_149 = tpu.memref_slice %arg6[%dma_wait3A_148] : memref<102400xf32, #tpu.memory_space<vmem_shared>> -> memref<102400xf32, #tpu.memory_space<vmem_shared>>
      tpu.wait_indirect_dma semaphore(%arg10 : memref<!tpu.dma_semaphore, #tpu.memory_space<semaphore_mem>>) src(%arg8 : memref<512xf32, #tpu.memory_space<vmem>>) dst(%dma_wait3A_149 : memref<102400xf32, #tpu.memory_space<vmem_shared>>)
      %dma_wait3A_150 = arith.constant 2 : i32
      %dma_wait3A_151 = arith.constant 0 : i32
      %dma_wait3A_152 = tpu.memref_slice %arg7[%dma_wait3A_150, %dma_wait3A_151] : memref<20x512xi32, #tpu.memory_space<vmem>> -> memref<1x512xi32, #tpu.memory_space<vmem>>
      %dma_wait3A_153 = tpu.memref_squeeze %dma_wait3A_152 : memref<1x512xi32, #tpu.memory_space<vmem>> -> memref<512xi32, #tpu.memory_space<vmem>>
      %dma_wait3A_154 = arith.constant 0 : i32
      %dma_wait3A_155 = tpu.memref_slice %arg6[%dma_wait3A_154] : memref<102400xf32, #tpu.memory_space<vmem_shared>> -> memref<102400xf32, #tpu.memory_space<vmem_shared>>
      tpu.wait_indirect_dma semaphore(%arg10 : memref<!tpu.dma_semaphore, #tpu.memory_space<semaphore_mem>>) src(%arg8 : memref<512xf32, #tpu.memory_space<vmem>>) dst(%dma_wait3A_155 : memref<102400xf32, #tpu.memory_space<vmem_shared>>)
      %dma_wait3A_156 = arith.constant 3 : i32
      %dma_wait3A_157 = arith.constant 0 : i32
      %dma_wait3A_158 = tpu.memref_slice %arg7[%dma_wait3A_156, %dma_wait3A_157] : memref<20x512xi32, #tpu.memory_space<vmem>> -> memref<1x512xi32, #tpu.memory_space<vmem>>
      %dma_wait3A_159 = tpu.memref_squeeze %dma_wait3A_158 : memref<1x512xi32, #tpu.memory_space<vmem>> -> memref<512xi32, #tpu.memory_space<vmem>>
      %dma_wait3A_160 = arith.constant 0 : i32
      %dma_wait3A_161 = tpu.memref_slice %arg6[%dma_wait3A_160] : memref<102400xf32, #tpu.memory_space<vmem_shared>> -> memref<102400xf32, #tpu.memory_space<vmem_shared>>
      tpu.wait_indirect_dma semaphore(%arg10 : memref<!tpu.dma_semaphore, #tpu.memory_space<semaphore_mem>>) src(%arg8 : memref<512xf32, #tpu.memory_space<vmem>>) dst(%dma_wait3A_161 : memref<102400xf32, #tpu.memory_space<vmem_shared>>)
      %dma_wait3A_162 = arith.constant 4 : i32
      %dma_wait3A_163 = arith.constant 0 : i32
      %dma_wait3A_164 = tpu.memref_slice %arg7[%dma_wait3A_162, %dma_wait3A_163] : memref<20x512xi32, #tpu.memory_space<vmem>> -> memref<1x512xi32, #tpu.memory_space<vmem>>
      %dma_wait3A_165 = tpu.memref_squeeze %dma_wait3A_164 : memref<1x512xi32, #tpu.memory_space<vmem>> -> memref<512xi32, #tpu.memory_space<vmem>>
      %dma_wait3A_166 = arith.constant 0 : i32
      %dma_wait3A_167 = tpu.memref_slice %arg6[%dma_wait3A_166] : memref<102400xf32, #tpu.memory_space<vmem_shared>> -> memref<102400xf32, #tpu.memory_space<vmem_shared>>
      tpu.wait_indirect_dma semaphore(%arg10 : memref<!tpu.dma_semaphore, #tpu.memory_space<semaphore_mem>>) src(%arg8 : memref<512xf32, #tpu.memory_space<vmem>>) dst(%dma_wait3A_167 : memref<102400xf32, #tpu.memory_space<vmem_shared>>)
      %dma_wait3A_168 = arith.constant 5 : i32
      %dma_wait3A_169 = arith.constant 0 : i32
      %dma_wait3A_170 = tpu.memref_slice %arg7[%dma_wait3A_168, %dma_wait3A_169] : memref<20x512xi32, #tpu.memory_space<vmem>> -> memref<1x512xi32, #tpu.memory_space<vmem>>
      %dma_wait3A_171 = tpu.memref_squeeze %dma_wait3A_170 : memref<1x512xi32, #tpu.memory_space<vmem>> -> memref<512xi32, #tpu.memory_space<vmem>>
      %dma_wait3A_172 = arith.constant 0 : i32
      %dma_wait3A_173 = tpu.memref_slice %arg6[%dma_wait3A_172] : memref<102400xf32, #tpu.memory_space<vmem_shared>> -> memref<102400xf32, #tpu.memory_space<vmem_shared>>
      tpu.wait_indirect_dma semaphore(%arg10 : memref<!tpu.dma_semaphore, #tpu.memory_space<semaphore_mem>>) src(%arg8 : memref<512xf32, #tpu.memory_space<vmem>>) dst(%dma_wait3A_173 : memref<102400xf32, #tpu.memory_space<vmem_shared>>)
      %dma_wait3A_174 = arith.constant 6 : i32
      %dma_wait3A_175 = arith.constant 0 : i32
      %dma_wait3A_176 = tpu.memref_slice %arg7[%dma_wait3A_174, %dma_wait3A_175] : memref<20x512xi32, #tpu.memory_space<vmem>> -> memref<1x512xi32, #tpu.memory_space<vmem>>
      %dma_wait3A_177 = tpu.memref_squeeze %dma_wait3A_176 : memref<1x512xi32, #tpu.memory_space<vmem>> -> memref<512xi32, #tpu.memory_space<vmem>>
      %dma_wait3A_178 = arith.constant 0 : i32
      %dma_wait3A_179 = tpu.memref_slice %arg6[%dma_wait3A_178] : memref<102400xf32, #tpu.memory_space<vmem_shared>> -> memref<102400xf32, #tpu.memory_space<vmem_shared>>
      tpu.wait_indirect_dma semaphore(%arg10 : memref<!tpu.dma_semaphore, #tpu.memory_space<semaphore_mem>>) src(%arg8 : memref<512xf32, #tpu.memory_space<vmem>>) dst(%dma_wait3A_179 : memref<102400xf32, #tpu.memory_space<vmem_shared>>)
      %dma_wait3A_180 = arith.constant 7 : i32
      %dma_wait3A_181 = arith.constant 0 : i32
      %dma_wait3A_182 = tpu.memref_slice %arg7[%dma_wait3A_180, %dma_wait3A_181] : memref<20x512xi32, #tpu.memory_space<vmem>> -> memref<1x512xi32, #tpu.memory_space<vmem>>
      %dma_wait3A_183 = tpu.memref_squeeze %dma_wait3A_182 : memref<1x512xi32, #tpu.memory_space<vmem>> -> memref<512xi32, #tpu.memory_space<vmem>>
      %dma_wait3A_184 = arith.constant 0 : i32
      %dma_wait3A_185 = tpu.memref_slice %arg6[%dma_wait3A_184] : memref<102400xf32, #tpu.memory_space<vmem_shared>> -> memref<102400xf32, #tpu.memory_space<vmem_shared>>
      tpu.wait_indirect_dma semaphore(%arg10 : memref<!tpu.dma_semaphore, #tpu.memory_space<semaphore_mem>>) src(%arg8 : memref<512xf32, #tpu.memory_space<vmem>>) dst(%dma_wait3A_185 : memref<102400xf32, #tpu.memory_space<vmem_shared>>)
      %dma_wait3A_186 = arith.constant 8 : i32
      %dma_wait3A_187 = arith.constant 0 : i32
      %dma_wait3A_188 = tpu.memref_slice %arg7[%dma_wait3A_186, %dma_wait3A_187] : memref<20x512xi32, #tpu.memory_space<vmem>> -> memref<1x512xi32, #tpu.memory_space<vmem>>
      %dma_wait3A_189 = tpu.memref_squeeze %dma_wait3A_188 : memref<1x512xi32, #tpu.memory_space<vmem>> -> memref<512xi32, #tpu.memory_space<vmem>>
      %dma_wait3A_190 = arith.constant 0 : i32
      %dma_wait3A_191 = tpu.memref_slice %arg6[%dma_wait3A_190] : memref<102400xf32, #tpu.memory_space<vmem_shared>> -> memref<102400xf32, #tpu.memory_space<vmem_shared>>
      tpu.wait_indirect_dma semaphore(%arg10 : memref<!tpu.dma_semaphore, #tpu.memory_space<semaphore_mem>>) src(%arg8 : memref<512xf32, #tpu.memory_space<vmem>>) dst(%dma_wait3A_191 : memref<102400xf32, #tpu.memory_space<vmem_shared>>)
      %dma_wait3A_192 = arith.constant 9 : i32
      %dma_wait3A_193 = arith.constant 0 : i32
      %dma_wait3A_194 = tpu.memref_slice %arg7[%dma_wait3A_192, %dma_wait3A_193] : memref<20x512xi32, #tpu.memory_space<vmem>> -> memref<1x512xi32, #tpu.memory_space<vmem>>
      %dma_wait3A_195 = tpu.memref_squeeze %dma_wait3A_194 : memref<1x512xi32, #tpu.memory_space<vmem>> -> memref<512xi32, #tpu.memory_space<vmem>>
      %dma_wait3A_196 = arith.constant 0 : i32
      %dma_wait3A_197 = tpu.memref_slice %arg6[%dma_wait3A_196] : memref<102400xf32, #tpu.memory_space<vmem_shared>> -> memref<102400xf32, #tpu.memory_space<vmem_shared>>
      tpu.wait_indirect_dma semaphore(%arg10 : memref<!tpu.dma_semaphore, #tpu.memory_space<semaphore_mem>>) src(%arg8 : memref<512xf32, #tpu.memory_space<vmem>>) dst(%dma_wait3A_197 : memref<102400xf32, #tpu.memory_space<vmem_shared>>)
      %dma_wait3A_198 = arith.constant 10 : i32
      %dma_wait3A_199 = arith.constant 0 : i32
      %dma_wait3A_200 = tpu.memref_slice %arg7[%dma_wait3A_198, %dma_wait3A_199] : memref<20x512xi32, #tpu.memory_space<vmem>> -> memref<1x512xi32, #tpu.memory_space<vmem>>
      %dma_wait3A_201 = tpu.memref_squeeze %dma_wait3A_200 : memref<1x512xi32, #tpu.memory_space<vmem>> -> memref<512xi32, #tpu.memory_space<vmem>>
      %dma_wait3A_202 = arith.constant 0 : i32
      %dma_wait3A_203 = tpu.memref_slice %arg6[%dma_wait3A_202] : memref<102400xf32, #tpu.memory_space<vmem_shared>> -> memref<102400xf32, #tpu.memory_space<vmem_shared>>
      tpu.wait_indirect_dma semaphore(%arg10 : memref<!tpu.dma_semaphore, #tpu.memory_space<semaphore_mem>>) src(%arg8 : memref<512xf32, #tpu.memory_space<vmem>>) dst(%dma_wait3A_203 : memref<102400xf32, #tpu.memory_space<vmem_shared>>)
      %dma_wait3A_204 = arith.constant 11 : i32
      %dma_wait3A_205 = arith.constant 0 : i32
      %dma_wait3A_206 = tpu.memref_slice %arg7[%dma_wait3A_204, %dma_wait3A_205] : memref<20x512xi32, #tpu.memory_space<vmem>> -> memref<1x512xi32, #tpu.memory_space<vmem>>
      %dma_wait3A_207 = tpu.memref_squeeze %dma_wait3A_206 : memref<1x512xi32, #tpu.memory_space<vmem>> -> memref<512xi32, #tpu.memory_space<vmem>>
      %dma_wait3A_208 = arith.constant 0 : i32
      %dma_wait3A_209 = tpu.memref_slice %arg6[%dma_wait3A_208] : memref<102400xf32, #tpu.memory_space<vmem_shared>> -> memref<102400xf32, #tpu.memory_space<vmem_shared>>
      tpu.wait_indirect_dma semaphore(%arg10 : memref<!tpu.dma_semaphore, #tpu.memory_space<semaphore_mem>>) src(%arg8 : memref<512xf32, #tpu.memory_space<vmem>>) dst(%dma_wait3A_209 : memref<102400xf32, #tpu.memory_space<vmem_shared>>)
      %dma_wait3A_210 = arith.constant 12 : i32
      %dma_wait3A_211 = arith.constant 0 : i32
      %dma_wait3A_212 = tpu.memref_slice %arg7[%dma_wait3A_210, %dma_wait3A_211] : memref<20x512xi32, #tpu.memory_space<vmem>> -> memref<1x512xi32, #tpu.memory_space<vmem>>
      %dma_wait3A_213 = tpu.memref_squeeze %dma_wait3A_212 : memref<1x512xi32, #tpu.memory_space<vmem>> -> memref<512xi32, #tpu.memory_space<vmem>>
      %dma_wait3A_214 = arith.constant 0 : i32
      %dma_wait3A_215 = tpu.memref_slice %arg6[%dma_wait3A_214] : memref<102400xf32, #tpu.memory_space<vmem_shared>> -> memref<102400xf32, #tpu.memory_space<vmem_shared>>
      tpu.wait_indirect_dma semaphore(%arg10 : memref<!tpu.dma_semaphore, #tpu.memory_space<semaphore_mem>>) src(%arg8 : memref<512xf32, #tpu.memory_space<vmem>>) dst(%dma_wait3A_215 : memref<102400xf32, #tpu.memory_space<vmem_shared>>)
      %dma_wait3A_216 = arith.constant 13 : i32
      %dma_wait3A_217 = arith.constant 0 : i32
      %dma_wait3A_218 = tpu.memref_slice %arg7[%dma_wait3A_216, %dma_wait3A_217] : memref<20x512xi32, #tpu.memory_space<vmem>> -> memref<1x512xi32, #tpu.memory_space<vmem>>
      %dma_wait3A_219 = tpu.memref_squeeze %dma_wait3A_218 : memref<1x512xi32, #tpu.memory_space<vmem>> -> memref<512xi32, #tpu.memory_space<vmem>>
      %dma_wait3A_220 = arith.constant 0 : i32
      %dma_wait3A_221 = tpu.memref_slice %arg6[%dma_wait3A_220] : memref<102400xf32, #tpu.memory_space<vmem_shared>> -> memref<102400xf32, #tpu.memory_space<vmem_shared>>
      tpu.wait_indirect_dma semaphore(%arg10 : memref<!tpu.dma_semaphore, #tpu.memory_space<semaphore_mem>>) src(%arg8 : memref<512xf32, #tpu.memory_space<vmem>>) dst(%dma_wait3A_221 : memref<102400xf32, #tpu.memory_space<vmem_shared>>)
      %dma_wait3A_222 = arith.constant 14 : i32
      %dma_wait3A_223 = arith.constant 0 : i32
      %dma_wait3A_224 = tpu.memref_slice %arg7[%dma_wait3A_222, %dma_wait3A_223] : memref<20x512xi32, #tpu.memory_space<vmem>> -> memref<1x512xi32, #tpu.memory_space<vmem>>
      %dma_wait3A_225 = tpu.memref_squeeze %dma_wait3A_224 : memref<1x512xi32, #tpu.memory_space<vmem>> -> memref<512xi32, #tpu.memory_space<vmem>>
      %dma_wait3A_226 = arith.constant 0 : i32
      %dma_wait3A_227 = tpu.memref_slice %arg6[%dma_wait3A_226] : memref<102400xf32, #tpu.memory_space<vmem_shared>> -> memref<102400xf32, #tpu.memory_space<vmem_shared>>
      tpu.wait_indirect_dma semaphore(%arg10 : memref<!tpu.dma_semaphore, #tpu.memory_space<semaphore_mem>>) src(%arg8 : memref<512xf32, #tpu.memory_space<vmem>>) dst(%dma_wait3A_227 : memref<102400xf32, #tpu.memory_space<vmem_shared>>)
      %dma_wait3A_228 = arith.constant 15 : i32
      %dma_wait3A_229 = arith.constant 0 : i32
      %dma_wait3A_230 = tpu.memref_slice %arg7[%dma_wait3A_228, %dma_wait3A_229] : memref<20x512xi32, #tpu.memory_space<vmem>> -> memref<1x512xi32, #tpu.memory_space<vmem>>
      %dma_wait3A_231 = tpu.memref_squeeze %dma_wait3A_230 : memref<1x512xi32, #tpu.memory_space<vmem>> -> memref<512xi32, #tpu.memory_space<vmem>>
      %dma_wait3A_232 = arith.constant 0 : i32
      %dma_wait3A_233 = tpu.memref_slice %arg6[%dma_wait3A_232] : memref<102400xf32, #tpu.memory_space<vmem_shared>> -> memref<102400xf32, #tpu.memory_space<vmem_shared>>
      tpu.wait_indirect_dma semaphore(%arg10 : memref<!tpu.dma_semaphore, #tpu.memory_space<semaphore_mem>>) src(%arg8 : memref<512xf32, #tpu.memory_space<vmem>>) dst(%dma_wait3A_233 : memref<102400xf32, #tpu.memory_space<vmem_shared>>)
      %dma_wait3A_234 = arith.constant 16 : i32
      %dma_wait3A_235 = arith.constant 0 : i32
      %dma_wait3A_236 = tpu.memref_slice %arg7[%dma_wait3A_234, %dma_wait3A_235] : memref<20x512xi32, #tpu.memory_space<vmem>> -> memref<1x512xi32, #tpu.memory_space<vmem>>
      %dma_wait3A_237 = tpu.memref_squeeze %dma_wait3A_236 : memref<1x512xi32, #tpu.memory_space<vmem>> -> memref<512xi32, #tpu.memory_space<vmem>>
      %dma_wait3A_238 = arith.constant 0 : i32
      %dma_wait3A_239 = tpu.memref_slice %arg6[%dma_wait3A_238] : memref<102400xf32, #tpu.memory_space<vmem_shared>> -> memref<102400xf32, #tpu.memory_space<vmem_shared>>
      tpu.wait_indirect_dma semaphore(%arg10 : memref<!tpu.dma_semaphore, #tpu.memory_space<semaphore_mem>>) src(%arg8 : memref<512xf32, #tpu.memory_space<vmem>>) dst(%dma_wait3A_239 : memref<102400xf32, #tpu.memory_space<vmem_shared>>)
      %dma_wait3A_240 = arith.constant 17 : i32
      %dma_wait3A_241 = arith.constant 0 : i32
      %dma_wait3A_242 = tpu.memref_slice %arg7[%dma_wait3A_240, %dma_wait3A_241] : memref<20x512xi32, #tpu.memory_space<vmem>> -> memref<1x512xi32, #tpu.memory_space<vmem>>
      %dma_wait3A_243 = tpu.memref_squeeze %dma_wait3A_242 : memref<1x512xi32, #tpu.memory_space<vmem>> -> memref<512xi32, #tpu.memory_space<vmem>>
      %dma_wait3A_244 = arith.constant 0 : i32
      %dma_wait3A_245 = tpu.memref_slice %arg6[%dma_wait3A_244] : memref<102400xf32, #tpu.memory_space<vmem_shared>> -> memref<102400xf32, #tpu.memory_space<vmem_shared>>
      tpu.wait_indirect_dma semaphore(%arg10 : memref<!tpu.dma_semaphore, #tpu.memory_space<semaphore_mem>>) src(%arg8 : memref<512xf32, #tpu.memory_space<vmem>>) dst(%dma_wait3A_245 : memref<102400xf32, #tpu.memory_space<vmem_shared>>)
      %dma_wait3A_246 = arith.constant 18 : i32
      %dma_wait3A_247 = arith.constant 0 : i32
      %dma_wait3A_248 = tpu.memref_slice %arg7[%dma_wait3A_246, %dma_wait3A_247] : memref<20x512xi32, #tpu.memory_space<vmem>> -> memref<1x512xi32, #tpu.memory_space<vmem>>
      %dma_wait3A_249 = tpu.memref_squeeze %dma_wait3A_248 : memref<1x512xi32, #tpu.memory_space<vmem>> -> memref<512xi32, #tpu.memory_space<vmem>>
      %dma_wait3A_250 = arith.constant 0 : i32
      %dma_wait3A_251 = tpu.memref_slice %arg6[%dma_wait3A_250] : memref<102400xf32, #tpu.memory_space<vmem_shared>> -> memref<102400xf32, #tpu.memory_space<vmem_shared>>
      tpu.wait_indirect_dma semaphore(%arg10 : memref<!tpu.dma_semaphore, #tpu.memory_space<semaphore_mem>>) src(%arg8 : memref<512xf32, #tpu.memory_space<vmem>>) dst(%dma_wait3A_251 : memref<102400xf32, #tpu.memory_space<vmem_shared>>)
      %dma_wait3A_252 = arith.constant 19 : i32
      %dma_wait3A_253 = arith.constant 0 : i32
      %dma_wait3A_254 = tpu.memref_slice %arg7[%dma_wait3A_252, %dma_wait3A_253] : memref<20x512xi32, #tpu.memory_space<vmem>> -> memref<1x512xi32, #tpu.memory_space<vmem>>
      %dma_wait3A_255 = tpu.memref_squeeze %dma_wait3A_254 : memref<1x512xi32, #tpu.memory_space<vmem>> -> memref<512xi32, #tpu.memory_space<vmem>>
      %dma_wait3A_256 = arith.constant 0 : i32
      %dma_wait3A_257 = tpu.memref_slice %arg6[%dma_wait3A_256] : memref<102400xf32, #tpu.memory_space<vmem_shared>> -> memref<102400xf32, #tpu.memory_space<vmem_shared>>
      tpu.wait_indirect_dma semaphore(%arg10 : memref<!tpu.dma_semaphore, #tpu.memory_space<semaphore_mem>>) src(%arg8 : memref<512xf32, #tpu.memory_space<vmem>>) dst(%dma_wait3A_257 : memref<102400xf32, #tpu.memory_space<vmem_shared>>)
    }
    %scan3A_9 = arith.constant 10 : i32
    %barrier3A_10 = arith.constant 0 : index
    tpu.barrier barrier_id(%barrier3A_10)
    "tpu.region"() ({
      %run_scoped3A = tpu.sem_alloc : memref<!tpu.dma_semaphore, #tpu.memory_space<semaphore_mem>>
      %dma_start3A = tpu.memref_slice %arg6[%mul3A_2] : memref<102400xf32, #tpu.memory_space<vmem_shared>> -> memref<6400xf32, #tpu.memory_space<vmem_shared>>
      %dma_start3A_16 = tpu.memref_slice %arg6[%mul3A_2] : memref<102400xf32, #tpu.memory_space<vmem_shared>> -> memref<6400xf32, #tpu.memory_space<vmem_shared>>
      tpu.enqueue_dma source(%dma_start3A_16 : memref<6400xf32, #tpu.memory_space<vmem_shared>>) target(%arg9 : memref<6400xf32, #tpu.memory_space<vmem>>) target_semaphore(%run_scoped3A : memref<!tpu.dma_semaphore, #tpu.memory_space<semaphore_mem>>)
      %dma_wait3A = tpu.memref_slice %arg6[%mul3A_2] : memref<102400xf32, #tpu.memory_space<vmem_shared>> -> memref<6400xf32, #tpu.memory_space<vmem_shared>>
      %dma_wait3A_17 = tpu.memref_slice %arg6[%mul3A_2] : memref<102400xf32, #tpu.memory_space<vmem_shared>> -> memref<6400xf32, #tpu.memory_space<vmem_shared>>
      tpu.wait_dma2 semaphore(%run_scoped3A : memref<!tpu.dma_semaphore, #tpu.memory_space<semaphore_mem>>) src(%dma_wait3A_17 : memref<6400xf32, #tpu.memory_space<vmem_shared>>) dst(%arg9 : memref<6400xf32, #tpu.memory_space<vmem>>)
      tpu.yield
    }) : () -> ()
    %mul3A_11 = arith.constant 102400 : i32
    %mul3A_12 = arith.muli %arg0, %mul3A_11 : i32
    %mul3A_13 = arith.constant 6400 : i32
    %mul3A_14 = arith.muli %arg1, %mul3A_13 : i32
    %add3A_15 = arith.addi %mul3A_12, %mul3A_14 : i32
    "tpu.region"() ({
      %run_scoped3A = tpu.sem_alloc : memref<!tpu.dma_semaphore, #tpu.memory_space<semaphore_mem>>
      %dma_start3A = tpu.memref_slice %arg5[%add3A_15] : memref<204800xf32, #tpu.memory_space<hbm>> -> memref<6400xf32, #tpu.memory_space<hbm>>
      %dma_start3A_16 = tpu.memref_slice %arg5[%add3A_15] : memref<204800xf32, #tpu.memory_space<hbm>> -> memref<6400xf32, #tpu.memory_space<hbm>>
      tpu.enqueue_dma source(%arg9 : memref<6400xf32, #tpu.memory_space<vmem>>) target(%dma_start3A_16 : memref<6400xf32, #tpu.memory_space<hbm>>) target_semaphore(%run_scoped3A : memref<!tpu.dma_semaphore, #tpu.memory_space<semaphore_mem>>)
      %dma_wait3A = tpu.memref_slice %arg5[%add3A_15] : memref<204800xf32, #tpu.memory_space<hbm>> -> memref<6400xf32, #tpu.memory_space<hbm>>
      %dma_wait3A_17 = tpu.memref_slice %arg5[%add3A_15] : memref<204800xf32, #tpu.memory_space<hbm>> -> memref<6400xf32, #tpu.memory_space<hbm>>
      tpu.wait_dma2 semaphore(%run_scoped3A : memref<!tpu.dma_semaphore, #tpu.memory_space<semaphore_mem>>) src(%arg9 : memref<6400xf32, #tpu.memory_space<vmem>>) dst(%dma_wait3A_17 : memref<6400xf32, #tpu.memory_space<hbm>>)
      tpu.yield
    }) : () -> ()
    return
  }
}

#map = affine_map<(d0, d1) -> (0, 0)>
#map1 = affine_map<(d0, d1) -> (0)>
module attributes {stable_mosaic.version = 14 : i64} {
  func.func @_scatter_kernel(%arg0: i32, %arg1: i32, %arg2: memref<6400x512xi32, #tpu.memory_space<hbm>>, %arg3: memref<6400x512xi32, #tpu.memory_space<hbm>>, %arg4: memref<102400xf32, #tpu.memory_space<hbm>>, %arg5: memref<102400xf32, #tpu.memory_space<hbm>>, %arg6: memref<6400xf32, #tpu.memory_space<hbm>>, %arg7: memref<204800xf32, #tpu.memory_space<hbm>>, %arg8: memref<204800xf32, #tpu.memory_space<hbm>>, %arg9: memref<102400xf32, #tpu.memory_space<vmem_shared>>, %arg10: memref<102400xf32, #tpu.memory_space<vmem_shared>>, %arg11: memref<102400xf32, #tpu.memory_space<vmem_shared>>, %arg12: memref<102400xf32, #tpu.memory_space<vmem_shared>>, %arg13: memref<20x512xi32, #tpu.memory_space<vmem>>, %arg14: memref<20x512xi32, #tpu.memory_space<vmem>>, %arg15: memref<20x512xf32, #tpu.memory_space<vmem>>, %arg16: memref<20x512xf32, #tpu.memory_space<vmem>>, %arg17: memref<6400xf32, #tpu.memory_space<vmem>>, %arg18: memref<!tpu.dma_semaphore, #tpu.memory_space<semaphore_mem>>, %arg19: memref<!tpu.dma_semaphore, #tpu.memory_space<semaphore_mem>>, %arg20: memref<!tpu.dma_semaphore, #tpu.memory_space<semaphore_mem>>, %arg21: memref<!tpu.dma_semaphore, #tpu.memory_space<semaphore_mem>>) attributes {dimension_semantics = [#tpu.dimension_semantics<core_parallel>, #tpu.dimension_semantics<subcore_parallel>], iteration_bounds = array<i64: 2, 16>, scalar_prefetch = 0 : i64, scratch_operands = 13 : i64, tpu.core_type = #tpu.core_type<sc_vector_subcore>, window_params = [{transform_indices = #map}, {transform_indices = #map}, {transform_indices = #map1}, {transform_indices = #map1}, {transform_indices = #map1}, {transform_indices = #map1}, {transform_indices = #map1}]} {
    %mul3A = arith.constant 16 : i32
    %mul3A_0 = arith.muli %arg0, %mul3A : i32
    %add3A = arith.addi %mul3A_0, %arg1 : i32
    %mul3A_1 = arith.constant 6400 : i32
    %mul3A_2 = arith.muli %arg1, %mul3A_1 : i32
    "tpu.region"() ({
      %run_scoped3A = tpu.sem_alloc : memref<!tpu.dma_semaphore, #tpu.memory_space<semaphore_mem>>
      tpu.enqueue_dma source(%arg6 : memref<6400xf32, #tpu.memory_space<hbm>>) target(%arg17 : memref<6400xf32, #tpu.memory_space<vmem>>) target_semaphore(%run_scoped3A : memref<!tpu.dma_semaphore, #tpu.memory_space<semaphore_mem>>)
      tpu.wait_dma2 semaphore(%run_scoped3A : memref<!tpu.dma_semaphore, #tpu.memory_space<semaphore_mem>>) src(%arg6 : memref<6400xf32, #tpu.memory_space<hbm>>) dst(%arg17 : memref<6400xf32, #tpu.memory_space<vmem>>)
      tpu.yield
    }) : () -> ()
    "tpu.region"() ({
      %run_scoped3A = tpu.sem_alloc : memref<!tpu.dma_semaphore, #tpu.memory_space<semaphore_mem>>
      %dma_start3A = tpu.memref_slice %arg11[%mul3A_2] : memref<102400xf32, #tpu.memory_space<vmem_shared>> -> memref<6400xf32, #tpu.memory_space<vmem_shared>>
      %dma_start3A_16 = tpu.memref_slice %arg11[%mul3A_2] : memref<102400xf32, #tpu.memory_space<vmem_shared>> -> memref<6400xf32, #tpu.memory_space<vmem_shared>>
      tpu.enqueue_dma source(%arg17 : memref<6400xf32, #tpu.memory_space<vmem>>) target(%dma_start3A_16 : memref<6400xf32, #tpu.memory_space<vmem_shared>>) target_semaphore(%run_scoped3A : memref<!tpu.dma_semaphore, #tpu.memory_space<semaphore_mem>>)
      %dma_wait3A = tpu.memref_slice %arg11[%mul3A_2] : memref<102400xf32, #tpu.memory_space<vmem_shared>> -> memref<6400xf32, #tpu.memory_space<vmem_shared>>
      %dma_wait3A_17 = tpu.memref_slice %arg11[%mul3A_2] : memref<102400xf32, #tpu.memory_space<vmem_shared>> -> memref<6400xf32, #tpu.memory_space<vmem_shared>>
      tpu.wait_dma2 semaphore(%run_scoped3A : memref<!tpu.dma_semaphore, #tpu.memory_space<semaphore_mem>>) src(%arg17 : memref<6400xf32, #tpu.memory_space<vmem>>) dst(%dma_wait3A_17 : memref<6400xf32, #tpu.memory_space<vmem_shared>>)
      tpu.yield
    }) : () -> ()
    "tpu.region"() ({
      %run_scoped3A = tpu.sem_alloc : memref<!tpu.dma_semaphore, #tpu.memory_space<semaphore_mem>>
      %dma_start3A = tpu.memref_slice %arg12[%mul3A_2] : memref<102400xf32, #tpu.memory_space<vmem_shared>> -> memref<6400xf32, #tpu.memory_space<vmem_shared>>
      %dma_start3A_16 = tpu.memref_slice %arg12[%mul3A_2] : memref<102400xf32, #tpu.memory_space<vmem_shared>> -> memref<6400xf32, #tpu.memory_space<vmem_shared>>
      tpu.enqueue_dma source(%arg17 : memref<6400xf32, #tpu.memory_space<vmem>>) target(%dma_start3A_16 : memref<6400xf32, #tpu.memory_space<vmem_shared>>) target_semaphore(%run_scoped3A : memref<!tpu.dma_semaphore, #tpu.memory_space<semaphore_mem>>)
      %dma_wait3A = tpu.memref_slice %arg12[%mul3A_2] : memref<102400xf32, #tpu.memory_space<vmem_shared>> -> memref<6400xf32, #tpu.memory_space<vmem_shared>>
      %dma_wait3A_17 = tpu.memref_slice %arg12[%mul3A_2] : memref<102400xf32, #tpu.memory_space<vmem_shared>> -> memref<6400xf32, #tpu.memory_space<vmem_shared>>
      tpu.wait_dma2 semaphore(%run_scoped3A : memref<!tpu.dma_semaphore, #tpu.memory_space<semaphore_mem>>) src(%arg17 : memref<6400xf32, #tpu.memory_space<vmem>>) dst(%dma_wait3A_17 : memref<6400xf32, #tpu.memory_space<vmem_shared>>)
      tpu.yield
    }) : () -> ()
    "tpu.region"() ({
      %run_scoped3A = tpu.sem_alloc : memref<!tpu.dma_semaphore, #tpu.memory_space<semaphore_mem>>
      %dma_start3A = tpu.memref_slice %arg4[%mul3A_2] : memref<102400xf32, #tpu.memory_space<hbm>> -> memref<6400xf32, #tpu.memory_space<hbm>>
      %dma_start3A_16 = tpu.memref_slice %arg4[%mul3A_2] : memref<102400xf32, #tpu.memory_space<hbm>> -> memref<6400xf32, #tpu.memory_space<hbm>>
      tpu.enqueue_dma source(%dma_start3A_16 : memref<6400xf32, #tpu.memory_space<hbm>>) target(%arg17 : memref<6400xf32, #tpu.memory_space<vmem>>) target_semaphore(%run_scoped3A : memref<!tpu.dma_semaphore, #tpu.memory_space<semaphore_mem>>)
      %dma_wait3A = tpu.memref_slice %arg4[%mul3A_2] : memref<102400xf32, #tpu.memory_space<hbm>> -> memref<6400xf32, #tpu.memory_space<hbm>>
      %dma_wait3A_17 = tpu.memref_slice %arg4[%mul3A_2] : memref<102400xf32, #tpu.memory_space<hbm>> -> memref<6400xf32, #tpu.memory_space<hbm>>
      tpu.wait_dma2 semaphore(%run_scoped3A : memref<!tpu.dma_semaphore, #tpu.memory_space<semaphore_mem>>) src(%dma_wait3A_17 : memref<6400xf32, #tpu.memory_space<hbm>>) dst(%arg17 : memref<6400xf32, #tpu.memory_space<vmem>>)
      tpu.yield
    }) : () -> ()
    "tpu.region"() ({
      %run_scoped3A = tpu.sem_alloc : memref<!tpu.dma_semaphore, #tpu.memory_space<semaphore_mem>>
      %dma_start3A = tpu.memref_slice %arg9[%mul3A_2] : memref<102400xf32, #tpu.memory_space<vmem_shared>> -> memref<6400xf32, #tpu.memory_space<vmem_shared>>
      %dma_start3A_16 = tpu.memref_slice %arg9[%mul3A_2] : memref<102400xf32, #tpu.memory_space<vmem_shared>> -> memref<6400xf32, #tpu.memory_space<vmem_shared>>
      tpu.enqueue_dma source(%arg17 : memref<6400xf32, #tpu.memory_space<vmem>>) target(%dma_start3A_16 : memref<6400xf32, #tpu.memory_space<vmem_shared>>) target_semaphore(%run_scoped3A : memref<!tpu.dma_semaphore, #tpu.memory_space<semaphore_mem>>)
      %dma_wait3A = tpu.memref_slice %arg9[%mul3A_2] : memref<102400xf32, #tpu.memory_space<vmem_shared>> -> memref<6400xf32, #tpu.memory_space<vmem_shared>>
      %dma_wait3A_17 = tpu.memref_slice %arg9[%mul3A_2] : memref<102400xf32, #tpu.memory_space<vmem_shared>> -> memref<6400xf32, #tpu.memory_space<vmem_shared>>
      tpu.wait_dma2 semaphore(%run_scoped3A : memref<!tpu.dma_semaphore, #tpu.memory_space<semaphore_mem>>) src(%arg17 : memref<6400xf32, #tpu.memory_space<vmem>>) dst(%dma_wait3A_17 : memref<6400xf32, #tpu.memory_space<vmem_shared>>)
      tpu.yield
    }) : () -> ()
    "tpu.region"() ({
      %run_scoped3A = tpu.sem_alloc : memref<!tpu.dma_semaphore, #tpu.memory_space<semaphore_mem>>
      %dma_start3A = tpu.memref_slice %arg5[%mul3A_2] : memref<102400xf32, #tpu.memory_space<hbm>> -> memref<6400xf32, #tpu.memory_space<hbm>>
      %dma_start3A_16 = tpu.memref_slice %arg5[%mul3A_2] : memref<102400xf32, #tpu.memory_space<hbm>> -> memref<6400xf32, #tpu.memory_space<hbm>>
      tpu.enqueue_dma source(%dma_start3A_16 : memref<6400xf32, #tpu.memory_space<hbm>>) target(%arg17 : memref<6400xf32, #tpu.memory_space<vmem>>) target_semaphore(%run_scoped3A : memref<!tpu.dma_semaphore, #tpu.memory_space<semaphore_mem>>)
      %dma_wait3A = tpu.memref_slice %arg5[%mul3A_2] : memref<102400xf32, #tpu.memory_space<hbm>> -> memref<6400xf32, #tpu.memory_space<hbm>>
      %dma_wait3A_17 = tpu.memref_slice %arg5[%mul3A_2] : memref<102400xf32, #tpu.memory_space<hbm>> -> memref<6400xf32, #tpu.memory_space<hbm>>
      tpu.wait_dma2 semaphore(%run_scoped3A : memref<!tpu.dma_semaphore, #tpu.memory_space<semaphore_mem>>) src(%dma_wait3A_17 : memref<6400xf32, #tpu.memory_space<hbm>>) dst(%arg17 : memref<6400xf32, #tpu.memory_space<vmem>>)
      tpu.yield
    }) : () -> ()
    "tpu.region"() ({
      %run_scoped3A = tpu.sem_alloc : memref<!tpu.dma_semaphore, #tpu.memory_space<semaphore_mem>>
      %dma_start3A = tpu.memref_slice %arg10[%mul3A_2] : memref<102400xf32, #tpu.memory_space<vmem_shared>> -> memref<6400xf32, #tpu.memory_space<vmem_shared>>
      %dma_start3A_16 = tpu.memref_slice %arg10[%mul3A_2] : memref<102400xf32, #tpu.memory_space<vmem_shared>> -> memref<6400xf32, #tpu.memory_space<vmem_shared>>
      tpu.enqueue_dma source(%arg17 : memref<6400xf32, #tpu.memory_space<vmem>>) target(%dma_start3A_16 : memref<6400xf32, #tpu.memory_space<vmem_shared>>) target_semaphore(%run_scoped3A : memref<!tpu.dma_semaphore, #tpu.memory_space<semaphore_mem>>)
      %dma_wait3A = tpu.memref_slice %arg10[%mul3A_2] : memref<102400xf32, #tpu.memory_space<vmem_shared>> -> memref<6400xf32, #tpu.memory_space<vmem_shared>>
      %dma_wait3A_17 = tpu.memref_slice %arg10[%mul3A_2] : memref<102400xf32, #tpu.memory_space<vmem_shared>> -> memref<6400xf32, #tpu.memory_space<vmem_shared>>
      tpu.wait_dma2 semaphore(%run_scoped3A : memref<!tpu.dma_semaphore, #tpu.memory_space<semaphore_mem>>) src(%arg17 : memref<6400xf32, #tpu.memory_space<vmem>>) dst(%dma_wait3A_17 : memref<6400xf32, #tpu.memory_space<vmem_shared>>)
      tpu.yield
    }) : () -> ()
    %barrier3A = arith.constant 0 : index
    tpu.barrier barrier_id(%barrier3A)
    %mul3A_3 = arith.constant 200 : i32
    %mul3A_4 = arith.muli %add3A, %mul3A_3 : i32
    %scan3A = arith.constant 0 : i32
    %scan3A_5 = arith.constant 0 : i32
    %scan3A_6 = arith.constant 10 : i32
    %scan3A_7 = arith.addi %scan3A_5, %scan3A_6 : i32
    %scan3A_8 = arith.constant 1 : i32
    scf.for %scan3A_16 = %scan3A_5 to %scan3A_7 step %scan3A_8  : i32 {
      %mul3A_17 = arith.constant 20 : i32
      %mul3A_18 = arith.muli %scan3A_16, %mul3A_17 : i32
      %add3A_19 = arith.addi %mul3A_4, %mul3A_18 : i32
      "tpu.region"() ({
        %run_scoped3A = tpu.sem_alloc : memref<!tpu.dma_semaphore, #tpu.memory_space<semaphore_mem>>
        %dma_start3A_1618 = arith.constant 0 : i32
        %dma_start3A_1619 = tpu.memref_slice %arg2[%add3A_19, %dma_start3A_1618] : memref<6400x512xi32, #tpu.memory_space<hbm>> -> memref<20x512xi32, #tpu.memory_space<hbm>>
        %dma_start3A_1620 = arith.constant 0 : i32
        %dma_start3A_1621 = tpu.memref_slice %arg2[%add3A_19, %dma_start3A_1620] : memref<6400x512xi32, #tpu.memory_space<hbm>> -> memref<20x512xi32, #tpu.memory_space<hbm>>
        tpu.enqueue_dma source(%dma_start3A_1621 : memref<20x512xi32, #tpu.memory_space<hbm>>) target(%arg13 : memref<20x512xi32, #tpu.memory_space<vmem>>) target_semaphore(%run_scoped3A : memref<!tpu.dma_semaphore, #tpu.memory_space<semaphore_mem>>)
        %dma_wait3A_1622 = arith.constant 0 : i32
        %dma_wait3A_1623 = tpu.memref_slice %arg2[%add3A_19, %dma_wait3A_1622] : memref<6400x512xi32, #tpu.memory_space<hbm>> -> memref<20x512xi32, #tpu.memory_space<hbm>>
        %dma_wait3A_1624 = arith.constant 0 : i32
        %dma_wait3A_1625 = tpu.memref_slice %arg2[%add3A_19, %dma_wait3A_1624] : memref<6400x512xi32, #tpu.memory_space<hbm>> -> memref<20x512xi32, #tpu.memory_space<hbm>>
        tpu.wait_dma2 semaphore(%run_scoped3A : memref<!tpu.dma_semaphore, #tpu.memory_space<semaphore_mem>>) src(%dma_wait3A_1625 : memref<20x512xi32, #tpu.memory_space<hbm>>) dst(%arg13 : memref<20x512xi32, #tpu.memory_space<vmem>>)
        tpu.yield
      }) : () -> ()
      "tpu.region"() ({
        %run_scoped3A = tpu.sem_alloc : memref<!tpu.dma_semaphore, #tpu.memory_space<semaphore_mem>>
        %dma_start3A_1618 = arith.constant 0 : i32
        %dma_start3A_1619 = tpu.memref_slice %arg3[%add3A_19, %dma_start3A_1618] : memref<6400x512xi32, #tpu.memory_space<hbm>> -> memref<20x512xi32, #tpu.memory_space<hbm>>
        %dma_start3A_1620 = arith.constant 0 : i32
        %dma_start3A_1621 = tpu.memref_slice %arg3[%add3A_19, %dma_start3A_1620] : memref<6400x512xi32, #tpu.memory_space<hbm>> -> memref<20x512xi32, #tpu.memory_space<hbm>>
        tpu.enqueue_dma source(%dma_start3A_1621 : memref<20x512xi32, #tpu.memory_space<hbm>>) target(%arg14 : memref<20x512xi32, #tpu.memory_space<vmem>>) target_semaphore(%run_scoped3A : memref<!tpu.dma_semaphore, #tpu.memory_space<semaphore_mem>>)
        %dma_wait3A_1622 = arith.constant 0 : i32
        %dma_wait3A_1623 = tpu.memref_slice %arg3[%add3A_19, %dma_wait3A_1622] : memref<6400x512xi32, #tpu.memory_space<hbm>> -> memref<20x512xi32, #tpu.memory_space<hbm>>
        %dma_wait3A_1624 = arith.constant 0 : i32
        %dma_wait3A_1625 = tpu.memref_slice %arg3[%add3A_19, %dma_wait3A_1624] : memref<6400x512xi32, #tpu.memory_space<hbm>> -> memref<20x512xi32, #tpu.memory_space<hbm>>
        tpu.wait_dma2 semaphore(%run_scoped3A : memref<!tpu.dma_semaphore, #tpu.memory_space<semaphore_mem>>) src(%dma_wait3A_1625 : memref<20x512xi32, #tpu.memory_space<hbm>>) dst(%arg14 : memref<20x512xi32, #tpu.memory_space<vmem>>)
        tpu.yield
      }) : () -> ()
      %dma_start3A = arith.constant 0 : i32
      %dma_start3A_20 = arith.constant 0 : i32
      %dma_start3A_21 = arith.constant 0 : i32
      %dma_start3A_22 = tpu.memref_slice %arg15[%dma_start3A_20, %dma_start3A_21] : memref<20x512xf32, #tpu.memory_space<vmem>> -> memref<1x512xf32, #tpu.memory_space<vmem>>
      %dma_start3A_23 = tpu.memref_squeeze %dma_start3A_22 : memref<1x512xf32, #tpu.memory_space<vmem>> -> memref<512xf32, #tpu.memory_space<vmem>>
      %dma_start3A_24 = arith.constant 0 : i32
      %dma_start3A_25 = tpu.memref_slice %arg13[%dma_start3A, %dma_start3A_24] : memref<20x512xi32, #tpu.memory_space<vmem>> -> memref<1x512xi32, #tpu.memory_space<vmem>>
      %dma_start3A_26 = tpu.memref_squeeze %dma_start3A_25 : memref<1x512xi32, #tpu.memory_space<vmem>> -> memref<512xi32, #tpu.memory_space<vmem>>
      %dma_start3A_27 = arith.constant 0 : i32
      %dma_start3A_28 = tpu.memref_slice %arg9[%dma_start3A_27] : memref<102400xf32, #tpu.memory_space<vmem_shared>> -> memref<102400xf32, #tpu.memory_space<vmem_shared>>
      tpu.enqueue_indirect_dma source(%dma_start3A_28 : memref<102400xf32, #tpu.memory_space<vmem_shared>>) target(%dma_start3A_23 : memref<512xf32, #tpu.memory_space<vmem>>) offsets(%dma_start3A_26 : memref<512xi32, #tpu.memory_space<vmem>>) semaphore(%arg18 : memref<!tpu.dma_semaphore, #tpu.memory_space<semaphore_mem>>)
      %dma_start3A_29 = arith.constant 0 : i32
      %dma_start3A_30 = arith.constant 0 : i32
      %dma_start3A_31 = arith.constant 0 : i32
      %dma_start3A_32 = tpu.memref_slice %arg16[%dma_start3A_30, %dma_start3A_31] : memref<20x512xf32, #tpu.memory_space<vmem>> -> memref<1x512xf32, #tpu.memory_space<vmem>>
      %dma_start3A_33 = tpu.memref_squeeze %dma_start3A_32 : memref<1x512xf32, #tpu.memory_space<vmem>> -> memref<512xf32, #tpu.memory_space<vmem>>
      %dma_start3A_34 = arith.constant 0 : i32
      %dma_start3A_35 = tpu.memref_slice %arg13[%dma_start3A_29, %dma_start3A_34] : memref<20x512xi32, #tpu.memory_space<vmem>> -> memref<1x512xi32, #tpu.memory_space<vmem>>
      %dma_start3A_36 = tpu.memref_squeeze %dma_start3A_35 : memref<1x512xi32, #tpu.memory_space<vmem>> -> memref<512xi32, #tpu.memory_space<vmem>>
      %dma_start3A_37 = arith.constant 0 : i32
      %dma_start3A_38 = tpu.memref_slice %arg10[%dma_start3A_37] : memref<102400xf32, #tpu.memory_space<vmem_shared>> -> memref<102400xf32, #tpu.memory_space<vmem_shared>>
      tpu.enqueue_indirect_dma source(%dma_start3A_38 : memref<102400xf32, #tpu.memory_space<vmem_shared>>) target(%dma_start3A_33 : memref<512xf32, #tpu.memory_space<vmem>>) offsets(%dma_start3A_36 : memref<512xi32, #tpu.memory_space<vmem>>) semaphore(%arg19 : memref<!tpu.dma_semaphore, #tpu.memory_space<semaphore_mem>>)
      %dma_start3A_39 = arith.constant 1 : i32
      %dma_start3A_40 = arith.constant 1 : i32
      %dma_start3A_41 = arith.constant 0 : i32
      %dma_start3A_42 = tpu.memref_slice %arg15[%dma_start3A_40, %dma_start3A_41] : memref<20x512xf32, #tpu.memory_space<vmem>> -> memref<1x512xf32, #tpu.memory_space<vmem>>
      %dma_start3A_43 = tpu.memref_squeeze %dma_start3A_42 : memref<1x512xf32, #tpu.memory_space<vmem>> -> memref<512xf32, #tpu.memory_space<vmem>>
      %dma_start3A_44 = arith.constant 0 : i32
      %dma_start3A_45 = tpu.memref_slice %arg13[%dma_start3A_39, %dma_start3A_44] : memref<20x512xi32, #tpu.memory_space<vmem>> -> memref<1x512xi32, #tpu.memory_space<vmem>>
      %dma_start3A_46 = tpu.memref_squeeze %dma_start3A_45 : memref<1x512xi32, #tpu.memory_space<vmem>> -> memref<512xi32, #tpu.memory_space<vmem>>
      %dma_start3A_47 = arith.constant 0 : i32
      %dma_start3A_48 = tpu.memref_slice %arg9[%dma_start3A_47] : memref<102400xf32, #tpu.memory_space<vmem_shared>> -> memref<102400xf32, #tpu.memory_space<vmem_shared>>
      tpu.enqueue_indirect_dma source(%dma_start3A_48 : memref<102400xf32, #tpu.memory_space<vmem_shared>>) target(%dma_start3A_43 : memref<512xf32, #tpu.memory_space<vmem>>) offsets(%dma_start3A_46 : memref<512xi32, #tpu.memory_space<vmem>>) semaphore(%arg18 : memref<!tpu.dma_semaphore, #tpu.memory_space<semaphore_mem>>)
      %dma_start3A_49 = arith.constant 1 : i32
      %dma_start3A_50 = arith.constant 1 : i32
      %dma_start3A_51 = arith.constant 0 : i32
      %dma_start3A_52 = tpu.memref_slice %arg16[%dma_start3A_50, %dma_start3A_51] : memref<20x512xf32, #tpu.memory_space<vmem>> -> memref<1x512xf32, #tpu.memory_space<vmem>>
      %dma_start3A_53 = tpu.memref_squeeze %dma_start3A_52 : memref<1x512xf32, #tpu.memory_space<vmem>> -> memref<512xf32, #tpu.memory_space<vmem>>
      %dma_start3A_54 = arith.constant 0 : i32
      %dma_start3A_55 = tpu.memref_slice %arg13[%dma_start3A_49, %dma_start3A_54] : memref<20x512xi32, #tpu.memory_space<vmem>> -> memref<1x512xi32, #tpu.memory_space<vmem>>
      %dma_start3A_56 = tpu.memref_squeeze %dma_start3A_55 : memref<1x512xi32, #tpu.memory_space<vmem>> -> memref<512xi32, #tpu.memory_space<vmem>>
      %dma_start3A_57 = arith.constant 0 : i32
      %dma_start3A_58 = tpu.memref_slice %arg10[%dma_start3A_57] : memref<102400xf32, #tpu.memory_space<vmem_shared>> -> memref<102400xf32, #tpu.memory_space<vmem_shared>>
      tpu.enqueue_indirect_dma source(%dma_start3A_58 : memref<102400xf32, #tpu.memory_space<vmem_shared>>) target(%dma_start3A_53 : memref<512xf32, #tpu.memory_space<vmem>>) offsets(%dma_start3A_56 : memref<512xi32, #tpu.memory_space<vmem>>) semaphore(%arg19 : memref<!tpu.dma_semaphore, #tpu.memory_space<semaphore_mem>>)
      %dma_start3A_59 = arith.constant 2 : i32
      %dma_start3A_60 = arith.constant 2 : i32
      %dma_start3A_61 = arith.constant 0 : i32
      %dma_start3A_62 = tpu.memref_slice %arg15[%dma_start3A_60, %dma_start3A_61] : memref<20x512xf32, #tpu.memory_space<vmem>> -> memref<1x512xf32, #tpu.memory_space<vmem>>
      %dma_start3A_63 = tpu.memref_squeeze %dma_start3A_62 : memref<1x512xf32, #tpu.memory_space<vmem>> -> memref<512xf32, #tpu.memory_space<vmem>>
      %dma_start3A_64 = arith.constant 0 : i32
      %dma_start3A_65 = tpu.memref_slice %arg13[%dma_start3A_59, %dma_start3A_64] : memref<20x512xi32, #tpu.memory_space<vmem>> -> memref<1x512xi32, #tpu.memory_space<vmem>>
      %dma_start3A_66 = tpu.memref_squeeze %dma_start3A_65 : memref<1x512xi32, #tpu.memory_space<vmem>> -> memref<512xi32, #tpu.memory_space<vmem>>
      %dma_start3A_67 = arith.constant 0 : i32
      %dma_start3A_68 = tpu.memref_slice %arg9[%dma_start3A_67] : memref<102400xf32, #tpu.memory_space<vmem_shared>> -> memref<102400xf32, #tpu.memory_space<vmem_shared>>
      tpu.enqueue_indirect_dma source(%dma_start3A_68 : memref<102400xf32, #tpu.memory_space<vmem_shared>>) target(%dma_start3A_63 : memref<512xf32, #tpu.memory_space<vmem>>) offsets(%dma_start3A_66 : memref<512xi32, #tpu.memory_space<vmem>>) semaphore(%arg18 : memref<!tpu.dma_semaphore, #tpu.memory_space<semaphore_mem>>)
      %dma_start3A_69 = arith.constant 2 : i32
      %dma_start3A_70 = arith.constant 2 : i32
      %dma_start3A_71 = arith.constant 0 : i32
      %dma_start3A_72 = tpu.memref_slice %arg16[%dma_start3A_70, %dma_start3A_71] : memref<20x512xf32, #tpu.memory_space<vmem>> -> memref<1x512xf32, #tpu.memory_space<vmem>>
      %dma_start3A_73 = tpu.memref_squeeze %dma_start3A_72 : memref<1x512xf32, #tpu.memory_space<vmem>> -> memref<512xf32, #tpu.memory_space<vmem>>
      %dma_start3A_74 = arith.constant 0 : i32
      %dma_start3A_75 = tpu.memref_slice %arg13[%dma_start3A_69, %dma_start3A_74] : memref<20x512xi32, #tpu.memory_space<vmem>> -> memref<1x512xi32, #tpu.memory_space<vmem>>
      %dma_start3A_76 = tpu.memref_squeeze %dma_start3A_75 : memref<1x512xi32, #tpu.memory_space<vmem>> -> memref<512xi32, #tpu.memory_space<vmem>>
      %dma_start3A_77 = arith.constant 0 : i32
      %dma_start3A_78 = tpu.memref_slice %arg10[%dma_start3A_77] : memref<102400xf32, #tpu.memory_space<vmem_shared>> -> memref<102400xf32, #tpu.memory_space<vmem_shared>>
      tpu.enqueue_indirect_dma source(%dma_start3A_78 : memref<102400xf32, #tpu.memory_space<vmem_shared>>) target(%dma_start3A_73 : memref<512xf32, #tpu.memory_space<vmem>>) offsets(%dma_start3A_76 : memref<512xi32, #tpu.memory_space<vmem>>) semaphore(%arg19 : memref<!tpu.dma_semaphore, #tpu.memory_space<semaphore_mem>>)
      %dma_start3A_79 = arith.constant 3 : i32
      %dma_start3A_80 = arith.constant 3 : i32
      %dma_start3A_81 = arith.constant 0 : i32
      %dma_start3A_82 = tpu.memref_slice %arg15[%dma_start3A_80, %dma_start3A_81] : memref<20x512xf32, #tpu.memory_space<vmem>> -> memref<1x512xf32, #tpu.memory_space<vmem>>
      %dma_start3A_83 = tpu.memref_squeeze %dma_start3A_82 : memref<1x512xf32, #tpu.memory_space<vmem>> -> memref<512xf32, #tpu.memory_space<vmem>>
      %dma_start3A_84 = arith.constant 0 : i32
      %dma_start3A_85 = tpu.memref_slice %arg13[%dma_start3A_79, %dma_start3A_84] : memref<20x512xi32, #tpu.memory_space<vmem>> -> memref<1x512xi32, #tpu.memory_space<vmem>>
      %dma_start3A_86 = tpu.memref_squeeze %dma_start3A_85 : memref<1x512xi32, #tpu.memory_space<vmem>> -> memref<512xi32, #tpu.memory_space<vmem>>
      %dma_start3A_87 = arith.constant 0 : i32
      %dma_start3A_88 = tpu.memref_slice %arg9[%dma_start3A_87] : memref<102400xf32, #tpu.memory_space<vmem_shared>> -> memref<102400xf32, #tpu.memory_space<vmem_shared>>
      tpu.enqueue_indirect_dma source(%dma_start3A_88 : memref<102400xf32, #tpu.memory_space<vmem_shared>>) target(%dma_start3A_83 : memref<512xf32, #tpu.memory_space<vmem>>) offsets(%dma_start3A_86 : memref<512xi32, #tpu.memory_space<vmem>>) semaphore(%arg18 : memref<!tpu.dma_semaphore, #tpu.memory_space<semaphore_mem>>)
      %dma_start3A_89 = arith.constant 3 : i32
      %dma_start3A_90 = arith.constant 3 : i32
      %dma_start3A_91 = arith.constant 0 : i32
      %dma_start3A_92 = tpu.memref_slice %arg16[%dma_start3A_90, %dma_start3A_91] : memref<20x512xf32, #tpu.memory_space<vmem>> -> memref<1x512xf32, #tpu.memory_space<vmem>>
      %dma_start3A_93 = tpu.memref_squeeze %dma_start3A_92 : memref<1x512xf32, #tpu.memory_space<vmem>> -> memref<512xf32, #tpu.memory_space<vmem>>
      %dma_start3A_94 = arith.constant 0 : i32
      %dma_start3A_95 = tpu.memref_slice %arg13[%dma_start3A_89, %dma_start3A_94] : memref<20x512xi32, #tpu.memory_space<vmem>> -> memref<1x512xi32, #tpu.memory_space<vmem>>
      %dma_start3A_96 = tpu.memref_squeeze %dma_start3A_95 : memref<1x512xi32, #tpu.memory_space<vmem>> -> memref<512xi32, #tpu.memory_space<vmem>>
      %dma_start3A_97 = arith.constant 0 : i32
      %dma_start3A_98 = tpu.memref_slice %arg10[%dma_start3A_97] : memref<102400xf32, #tpu.memory_space<vmem_shared>> -> memref<102400xf32, #tpu.memory_space<vmem_shared>>
      tpu.enqueue_indirect_dma source(%dma_start3A_98 : memref<102400xf32, #tpu.memory_space<vmem_shared>>) target(%dma_start3A_93 : memref<512xf32, #tpu.memory_space<vmem>>) offsets(%dma_start3A_96 : memref<512xi32, #tpu.memory_space<vmem>>) semaphore(%arg19 : memref<!tpu.dma_semaphore, #tpu.memory_space<semaphore_mem>>)
      %dma_start3A_99 = arith.constant 4 : i32
      %dma_start3A_100 = arith.constant 4 : i32
      %dma_start3A_101 = arith.constant 0 : i32
      %dma_start3A_102 = tpu.memref_slice %arg15[%dma_start3A_100, %dma_start3A_101] : memref<20x512xf32, #tpu.memory_space<vmem>> -> memref<1x512xf32, #tpu.memory_space<vmem>>
      %dma_start3A_103 = tpu.memref_squeeze %dma_start3A_102 : memref<1x512xf32, #tpu.memory_space<vmem>> -> memref<512xf32, #tpu.memory_space<vmem>>
      %dma_start3A_104 = arith.constant 0 : i32
      %dma_start3A_105 = tpu.memref_slice %arg13[%dma_start3A_99, %dma_start3A_104] : memref<20x512xi32, #tpu.memory_space<vmem>> -> memref<1x512xi32, #tpu.memory_space<vmem>>
      %dma_start3A_106 = tpu.memref_squeeze %dma_start3A_105 : memref<1x512xi32, #tpu.memory_space<vmem>> -> memref<512xi32, #tpu.memory_space<vmem>>
      %dma_start3A_107 = arith.constant 0 : i32
      %dma_start3A_108 = tpu.memref_slice %arg9[%dma_start3A_107] : memref<102400xf32, #tpu.memory_space<vmem_shared>> -> memref<102400xf32, #tpu.memory_space<vmem_shared>>
      tpu.enqueue_indirect_dma source(%dma_start3A_108 : memref<102400xf32, #tpu.memory_space<vmem_shared>>) target(%dma_start3A_103 : memref<512xf32, #tpu.memory_space<vmem>>) offsets(%dma_start3A_106 : memref<512xi32, #tpu.memory_space<vmem>>) semaphore(%arg18 : memref<!tpu.dma_semaphore, #tpu.memory_space<semaphore_mem>>)
      %dma_start3A_109 = arith.constant 4 : i32
      %dma_start3A_110 = arith.constant 4 : i32
      %dma_start3A_111 = arith.constant 0 : i32
      %dma_start3A_112 = tpu.memref_slice %arg16[%dma_start3A_110, %dma_start3A_111] : memref<20x512xf32, #tpu.memory_space<vmem>> -> memref<1x512xf32, #tpu.memory_space<vmem>>
      %dma_start3A_113 = tpu.memref_squeeze %dma_start3A_112 : memref<1x512xf32, #tpu.memory_space<vmem>> -> memref<512xf32, #tpu.memory_space<vmem>>
      %dma_start3A_114 = arith.constant 0 : i32
      %dma_start3A_115 = tpu.memref_slice %arg13[%dma_start3A_109, %dma_start3A_114] : memref<20x512xi32, #tpu.memory_space<vmem>> -> memref<1x512xi32, #tpu.memory_space<vmem>>
      %dma_start3A_116 = tpu.memref_squeeze %dma_start3A_115 : memref<1x512xi32, #tpu.memory_space<vmem>> -> memref<512xi32, #tpu.memory_space<vmem>>
      %dma_start3A_117 = arith.constant 0 : i32
      %dma_start3A_118 = tpu.memref_slice %arg10[%dma_start3A_117] : memref<102400xf32, #tpu.memory_space<vmem_shared>> -> memref<102400xf32, #tpu.memory_space<vmem_shared>>
      tpu.enqueue_indirect_dma source(%dma_start3A_118 : memref<102400xf32, #tpu.memory_space<vmem_shared>>) target(%dma_start3A_113 : memref<512xf32, #tpu.memory_space<vmem>>) offsets(%dma_start3A_116 : memref<512xi32, #tpu.memory_space<vmem>>) semaphore(%arg19 : memref<!tpu.dma_semaphore, #tpu.memory_space<semaphore_mem>>)
      %dma_start3A_119 = arith.constant 5 : i32
      %dma_start3A_120 = arith.constant 5 : i32
      %dma_start3A_121 = arith.constant 0 : i32
      %dma_start3A_122 = tpu.memref_slice %arg15[%dma_start3A_120, %dma_start3A_121] : memref<20x512xf32, #tpu.memory_space<vmem>> -> memref<1x512xf32, #tpu.memory_space<vmem>>
      %dma_start3A_123 = tpu.memref_squeeze %dma_start3A_122 : memref<1x512xf32, #tpu.memory_space<vmem>> -> memref<512xf32, #tpu.memory_space<vmem>>
      %dma_start3A_124 = arith.constant 0 : i32
      %dma_start3A_125 = tpu.memref_slice %arg13[%dma_start3A_119, %dma_start3A_124] : memref<20x512xi32, #tpu.memory_space<vmem>> -> memref<1x512xi32, #tpu.memory_space<vmem>>
      %dma_start3A_126 = tpu.memref_squeeze %dma_start3A_125 : memref<1x512xi32, #tpu.memory_space<vmem>> -> memref<512xi32, #tpu.memory_space<vmem>>
      %dma_start3A_127 = arith.constant 0 : i32
      %dma_start3A_128 = tpu.memref_slice %arg9[%dma_start3A_127] : memref<102400xf32, #tpu.memory_space<vmem_shared>> -> memref<102400xf32, #tpu.memory_space<vmem_shared>>
      tpu.enqueue_indirect_dma source(%dma_start3A_128 : memref<102400xf32, #tpu.memory_space<vmem_shared>>) target(%dma_start3A_123 : memref<512xf32, #tpu.memory_space<vmem>>) offsets(%dma_start3A_126 : memref<512xi32, #tpu.memory_space<vmem>>) semaphore(%arg18 : memref<!tpu.dma_semaphore, #tpu.memory_space<semaphore_mem>>)
      %dma_start3A_129 = arith.constant 5 : i32
      %dma_start3A_130 = arith.constant 5 : i32
      %dma_start3A_131 = arith.constant 0 : i32
      %dma_start3A_132 = tpu.memref_slice %arg16[%dma_start3A_130, %dma_start3A_131] : memref<20x512xf32, #tpu.memory_space<vmem>> -> memref<1x512xf32, #tpu.memory_space<vmem>>
      %dma_start3A_133 = tpu.memref_squeeze %dma_start3A_132 : memref<1x512xf32, #tpu.memory_space<vmem>> -> memref<512xf32, #tpu.memory_space<vmem>>
      %dma_start3A_134 = arith.constant 0 : i32
      %dma_start3A_135 = tpu.memref_slice %arg13[%dma_start3A_129, %dma_start3A_134] : memref<20x512xi32, #tpu.memory_space<vmem>> -> memref<1x512xi32, #tpu.memory_space<vmem>>
      %dma_start3A_136 = tpu.memref_squeeze %dma_start3A_135 : memref<1x512xi32, #tpu.memory_space<vmem>> -> memref<512xi32, #tpu.memory_space<vmem>>
      %dma_start3A_137 = arith.constant 0 : i32
      %dma_start3A_138 = tpu.memref_slice %arg10[%dma_start3A_137] : memref<102400xf32, #tpu.memory_space<vmem_shared>> -> memref<102400xf32, #tpu.memory_space<vmem_shared>>
      tpu.enqueue_indirect_dma source(%dma_start3A_138 : memref<102400xf32, #tpu.memory_space<vmem_shared>>) target(%dma_start3A_133 : memref<512xf32, #tpu.memory_space<vmem>>) offsets(%dma_start3A_136 : memref<512xi32, #tpu.memory_space<vmem>>) semaphore(%arg19 : memref<!tpu.dma_semaphore, #tpu.memory_space<semaphore_mem>>)
      %dma_start3A_139 = arith.constant 6 : i32
      %dma_start3A_140 = arith.constant 6 : i32
      %dma_start3A_141 = arith.constant 0 : i32
      %dma_start3A_142 = tpu.memref_slice %arg15[%dma_start3A_140, %dma_start3A_141] : memref<20x512xf32, #tpu.memory_space<vmem>> -> memref<1x512xf32, #tpu.memory_space<vmem>>
      %dma_start3A_143 = tpu.memref_squeeze %dma_start3A_142 : memref<1x512xf32, #tpu.memory_space<vmem>> -> memref<512xf32, #tpu.memory_space<vmem>>
      %dma_start3A_144 = arith.constant 0 : i32
      %dma_start3A_145 = tpu.memref_slice %arg13[%dma_start3A_139, %dma_start3A_144] : memref<20x512xi32, #tpu.memory_space<vmem>> -> memref<1x512xi32, #tpu.memory_space<vmem>>
      %dma_start3A_146 = tpu.memref_squeeze %dma_start3A_145 : memref<1x512xi32, #tpu.memory_space<vmem>> -> memref<512xi32, #tpu.memory_space<vmem>>
      %dma_start3A_147 = arith.constant 0 : i32
      %dma_start3A_148 = tpu.memref_slice %arg9[%dma_start3A_147] : memref<102400xf32, #tpu.memory_space<vmem_shared>> -> memref<102400xf32, #tpu.memory_space<vmem_shared>>
      tpu.enqueue_indirect_dma source(%dma_start3A_148 : memref<102400xf32, #tpu.memory_space<vmem_shared>>) target(%dma_start3A_143 : memref<512xf32, #tpu.memory_space<vmem>>) offsets(%dma_start3A_146 : memref<512xi32, #tpu.memory_space<vmem>>) semaphore(%arg18 : memref<!tpu.dma_semaphore, #tpu.memory_space<semaphore_mem>>)
      %dma_start3A_149 = arith.constant 6 : i32
      %dma_start3A_150 = arith.constant 6 : i32
      %dma_start3A_151 = arith.constant 0 : i32
      %dma_start3A_152 = tpu.memref_slice %arg16[%dma_start3A_150, %dma_start3A_151] : memref<20x512xf32, #tpu.memory_space<vmem>> -> memref<1x512xf32, #tpu.memory_space<vmem>>
      %dma_start3A_153 = tpu.memref_squeeze %dma_start3A_152 : memref<1x512xf32, #tpu.memory_space<vmem>> -> memref<512xf32, #tpu.memory_space<vmem>>
      %dma_start3A_154 = arith.constant 0 : i32
      %dma_start3A_155 = tpu.memref_slice %arg13[%dma_start3A_149, %dma_start3A_154] : memref<20x512xi32, #tpu.memory_space<vmem>> -> memref<1x512xi32, #tpu.memory_space<vmem>>
      %dma_start3A_156 = tpu.memref_squeeze %dma_start3A_155 : memref<1x512xi32, #tpu.memory_space<vmem>> -> memref<512xi32, #tpu.memory_space<vmem>>
      %dma_start3A_157 = arith.constant 0 : i32
      %dma_start3A_158 = tpu.memref_slice %arg10[%dma_start3A_157] : memref<102400xf32, #tpu.memory_space<vmem_shared>> -> memref<102400xf32, #tpu.memory_space<vmem_shared>>
      tpu.enqueue_indirect_dma source(%dma_start3A_158 : memref<102400xf32, #tpu.memory_space<vmem_shared>>) target(%dma_start3A_153 : memref<512xf32, #tpu.memory_space<vmem>>) offsets(%dma_start3A_156 : memref<512xi32, #tpu.memory_space<vmem>>) semaphore(%arg19 : memref<!tpu.dma_semaphore, #tpu.memory_space<semaphore_mem>>)
      %dma_start3A_159 = arith.constant 7 : i32
      %dma_start3A_160 = arith.constant 7 : i32
      %dma_start3A_161 = arith.constant 0 : i32
      %dma_start3A_162 = tpu.memref_slice %arg15[%dma_start3A_160, %dma_start3A_161] : memref<20x512xf32, #tpu.memory_space<vmem>> -> memref<1x512xf32, #tpu.memory_space<vmem>>
      %dma_start3A_163 = tpu.memref_squeeze %dma_start3A_162 : memref<1x512xf32, #tpu.memory_space<vmem>> -> memref<512xf32, #tpu.memory_space<vmem>>
      %dma_start3A_164 = arith.constant 0 : i32
      %dma_start3A_165 = tpu.memref_slice %arg13[%dma_start3A_159, %dma_start3A_164] : memref<20x512xi32, #tpu.memory_space<vmem>> -> memref<1x512xi32, #tpu.memory_space<vmem>>
      %dma_start3A_166 = tpu.memref_squeeze %dma_start3A_165 : memref<1x512xi32, #tpu.memory_space<vmem>> -> memref<512xi32, #tpu.memory_space<vmem>>
      %dma_start3A_167 = arith.constant 0 : i32
      %dma_start3A_168 = tpu.memref_slice %arg9[%dma_start3A_167] : memref<102400xf32, #tpu.memory_space<vmem_shared>> -> memref<102400xf32, #tpu.memory_space<vmem_shared>>
      tpu.enqueue_indirect_dma source(%dma_start3A_168 : memref<102400xf32, #tpu.memory_space<vmem_shared>>) target(%dma_start3A_163 : memref<512xf32, #tpu.memory_space<vmem>>) offsets(%dma_start3A_166 : memref<512xi32, #tpu.memory_space<vmem>>) semaphore(%arg18 : memref<!tpu.dma_semaphore, #tpu.memory_space<semaphore_mem>>)
      %dma_start3A_169 = arith.constant 7 : i32
      %dma_start3A_170 = arith.constant 7 : i32
      %dma_start3A_171 = arith.constant 0 : i32
      %dma_start3A_172 = tpu.memref_slice %arg16[%dma_start3A_170, %dma_start3A_171] : memref<20x512xf32, #tpu.memory_space<vmem>> -> memref<1x512xf32, #tpu.memory_space<vmem>>
      %dma_start3A_173 = tpu.memref_squeeze %dma_start3A_172 : memref<1x512xf32, #tpu.memory_space<vmem>> -> memref<512xf32, #tpu.memory_space<vmem>>
      %dma_start3A_174 = arith.constant 0 : i32
      %dma_start3A_175 = tpu.memref_slice %arg13[%dma_start3A_169, %dma_start3A_174] : memref<20x512xi32, #tpu.memory_space<vmem>> -> memref<1x512xi32, #tpu.memory_space<vmem>>
      %dma_start3A_176 = tpu.memref_squeeze %dma_start3A_175 : memref<1x512xi32, #tpu.memory_space<vmem>> -> memref<512xi32, #tpu.memory_space<vmem>>
      %dma_start3A_177 = arith.constant 0 : i32
      %dma_start3A_178 = tpu.memref_slice %arg10[%dma_start3A_177] : memref<102400xf32, #tpu.memory_space<vmem_shared>> -> memref<102400xf32, #tpu.memory_space<vmem_shared>>
      tpu.enqueue_indirect_dma source(%dma_start3A_178 : memref<102400xf32, #tpu.memory_space<vmem_shared>>) target(%dma_start3A_173 : memref<512xf32, #tpu.memory_space<vmem>>) offsets(%dma_start3A_176 : memref<512xi32, #tpu.memory_space<vmem>>) semaphore(%arg19 : memref<!tpu.dma_semaphore, #tpu.memory_space<semaphore_mem>>)
      %dma_start3A_179 = arith.constant 8 : i32
      %dma_start3A_180 = arith.constant 8 : i32
      %dma_start3A_181 = arith.constant 0 : i32
      %dma_start3A_182 = tpu.memref_slice %arg15[%dma_start3A_180, %dma_start3A_181] : memref<20x512xf32, #tpu.memory_space<vmem>> -> memref<1x512xf32, #tpu.memory_space<vmem>>
      %dma_start3A_183 = tpu.memref_squeeze %dma_start3A_182 : memref<1x512xf32, #tpu.memory_space<vmem>> -> memref<512xf32, #tpu.memory_space<vmem>>
      %dma_start3A_184 = arith.constant 0 : i32
      %dma_start3A_185 = tpu.memref_slice %arg13[%dma_start3A_179, %dma_start3A_184] : memref<20x512xi32, #tpu.memory_space<vmem>> -> memref<1x512xi32, #tpu.memory_space<vmem>>
      %dma_start3A_186 = tpu.memref_squeeze %dma_start3A_185 : memref<1x512xi32, #tpu.memory_space<vmem>> -> memref<512xi32, #tpu.memory_space<vmem>>
      %dma_start3A_187 = arith.constant 0 : i32
      %dma_start3A_188 = tpu.memref_slice %arg9[%dma_start3A_187] : memref<102400xf32, #tpu.memory_space<vmem_shared>> -> memref<102400xf32, #tpu.memory_space<vmem_shared>>
      tpu.enqueue_indirect_dma source(%dma_start3A_188 : memref<102400xf32, #tpu.memory_space<vmem_shared>>) target(%dma_start3A_183 : memref<512xf32, #tpu.memory_space<vmem>>) offsets(%dma_start3A_186 : memref<512xi32, #tpu.memory_space<vmem>>) semaphore(%arg18 : memref<!tpu.dma_semaphore, #tpu.memory_space<semaphore_mem>>)
      %dma_start3A_189 = arith.constant 8 : i32
      %dma_start3A_190 = arith.constant 8 : i32
      %dma_start3A_191 = arith.constant 0 : i32
      %dma_start3A_192 = tpu.memref_slice %arg16[%dma_start3A_190, %dma_start3A_191] : memref<20x512xf32, #tpu.memory_space<vmem>> -> memref<1x512xf32, #tpu.memory_space<vmem>>
      %dma_start3A_193 = tpu.memref_squeeze %dma_start3A_192 : memref<1x512xf32, #tpu.memory_space<vmem>> -> memref<512xf32, #tpu.memory_space<vmem>>
      %dma_start3A_194 = arith.constant 0 : i32
      %dma_start3A_195 = tpu.memref_slice %arg13[%dma_start3A_189, %dma_start3A_194] : memref<20x512xi32, #tpu.memory_space<vmem>> -> memref<1x512xi32, #tpu.memory_space<vmem>>
      %dma_start3A_196 = tpu.memref_squeeze %dma_start3A_195 : memref<1x512xi32, #tpu.memory_space<vmem>> -> memref<512xi32, #tpu.memory_space<vmem>>
      %dma_start3A_197 = arith.constant 0 : i32
      %dma_start3A_198 = tpu.memref_slice %arg10[%dma_start3A_197] : memref<102400xf32, #tpu.memory_space<vmem_shared>> -> memref<102400xf32, #tpu.memory_space<vmem_shared>>
      tpu.enqueue_indirect_dma source(%dma_start3A_198 : memref<102400xf32, #tpu.memory_space<vmem_shared>>) target(%dma_start3A_193 : memref<512xf32, #tpu.memory_space<vmem>>) offsets(%dma_start3A_196 : memref<512xi32, #tpu.memory_space<vmem>>) semaphore(%arg19 : memref<!tpu.dma_semaphore, #tpu.memory_space<semaphore_mem>>)
      %dma_start3A_199 = arith.constant 9 : i32
      %dma_start3A_200 = arith.constant 9 : i32
      %dma_start3A_201 = arith.constant 0 : i32
      %dma_start3A_202 = tpu.memref_slice %arg15[%dma_start3A_200, %dma_start3A_201] : memref<20x512xf32, #tpu.memory_space<vmem>> -> memref<1x512xf32, #tpu.memory_space<vmem>>
      %dma_start3A_203 = tpu.memref_squeeze %dma_start3A_202 : memref<1x512xf32, #tpu.memory_space<vmem>> -> memref<512xf32, #tpu.memory_space<vmem>>
      %dma_start3A_204 = arith.constant 0 : i32
      %dma_start3A_205 = tpu.memref_slice %arg13[%dma_start3A_199, %dma_start3A_204] : memref<20x512xi32, #tpu.memory_space<vmem>> -> memref<1x512xi32, #tpu.memory_space<vmem>>
      %dma_start3A_206 = tpu.memref_squeeze %dma_start3A_205 : memref<1x512xi32, #tpu.memory_space<vmem>> -> memref<512xi32, #tpu.memory_space<vmem>>
      %dma_start3A_207 = arith.constant 0 : i32
      %dma_start3A_208 = tpu.memref_slice %arg9[%dma_start3A_207] : memref<102400xf32, #tpu.memory_space<vmem_shared>> -> memref<102400xf32, #tpu.memory_space<vmem_shared>>
      tpu.enqueue_indirect_dma source(%dma_start3A_208 : memref<102400xf32, #tpu.memory_space<vmem_shared>>) target(%dma_start3A_203 : memref<512xf32, #tpu.memory_space<vmem>>) offsets(%dma_start3A_206 : memref<512xi32, #tpu.memory_space<vmem>>) semaphore(%arg18 : memref<!tpu.dma_semaphore, #tpu.memory_space<semaphore_mem>>)
      %dma_start3A_209 = arith.constant 9 : i32
      %dma_start3A_210 = arith.constant 9 : i32
      %dma_start3A_211 = arith.constant 0 : i32
      %dma_start3A_212 = tpu.memref_slice %arg16[%dma_start3A_210, %dma_start3A_211] : memref<20x512xf32, #tpu.memory_space<vmem>> -> memref<1x512xf32, #tpu.memory_space<vmem>>
      %dma_start3A_213 = tpu.memref_squeeze %dma_start3A_212 : memref<1x512xf32, #tpu.memory_space<vmem>> -> memref<512xf32, #tpu.memory_space<vmem>>
      %dma_start3A_214 = arith.constant 0 : i32
      %dma_start3A_215 = tpu.memref_slice %arg13[%dma_start3A_209, %dma_start3A_214] : memref<20x512xi32, #tpu.memory_space<vmem>> -> memref<1x512xi32, #tpu.memory_space<vmem>>
      %dma_start3A_216 = tpu.memref_squeeze %dma_start3A_215 : memref<1x512xi32, #tpu.memory_space<vmem>> -> memref<512xi32, #tpu.memory_space<vmem>>
      %dma_start3A_217 = arith.constant 0 : i32
      %dma_start3A_218 = tpu.memref_slice %arg10[%dma_start3A_217] : memref<102400xf32, #tpu.memory_space<vmem_shared>> -> memref<102400xf32, #tpu.memory_space<vmem_shared>>
      tpu.enqueue_indirect_dma source(%dma_start3A_218 : memref<102400xf32, #tpu.memory_space<vmem_shared>>) target(%dma_start3A_213 : memref<512xf32, #tpu.memory_space<vmem>>) offsets(%dma_start3A_216 : memref<512xi32, #tpu.memory_space<vmem>>) semaphore(%arg19 : memref<!tpu.dma_semaphore, #tpu.memory_space<semaphore_mem>>)
      %dma_start3A_219 = arith.constant 10 : i32
      %dma_start3A_220 = arith.constant 10 : i32
      %dma_start3A_221 = arith.constant 0 : i32
      %dma_start3A_222 = tpu.memref_slice %arg15[%dma_start3A_220, %dma_start3A_221] : memref<20x512xf32, #tpu.memory_space<vmem>> -> memref<1x512xf32, #tpu.memory_space<vmem>>
      %dma_start3A_223 = tpu.memref_squeeze %dma_start3A_222 : memref<1x512xf32, #tpu.memory_space<vmem>> -> memref<512xf32, #tpu.memory_space<vmem>>
      %dma_start3A_224 = arith.constant 0 : i32
      %dma_start3A_225 = tpu.memref_slice %arg13[%dma_start3A_219, %dma_start3A_224] : memref<20x512xi32, #tpu.memory_space<vmem>> -> memref<1x512xi32, #tpu.memory_space<vmem>>
      %dma_start3A_226 = tpu.memref_squeeze %dma_start3A_225 : memref<1x512xi32, #tpu.memory_space<vmem>> -> memref<512xi32, #tpu.memory_space<vmem>>
      %dma_start3A_227 = arith.constant 0 : i32
      %dma_start3A_228 = tpu.memref_slice %arg9[%dma_start3A_227] : memref<102400xf32, #tpu.memory_space<vmem_shared>> -> memref<102400xf32, #tpu.memory_space<vmem_shared>>
      tpu.enqueue_indirect_dma source(%dma_start3A_228 : memref<102400xf32, #tpu.memory_space<vmem_shared>>) target(%dma_start3A_223 : memref<512xf32, #tpu.memory_space<vmem>>) offsets(%dma_start3A_226 : memref<512xi32, #tpu.memory_space<vmem>>) semaphore(%arg18 : memref<!tpu.dma_semaphore, #tpu.memory_space<semaphore_mem>>)
      %dma_start3A_229 = arith.constant 10 : i32
      %dma_start3A_230 = arith.constant 10 : i32
      %dma_start3A_231 = arith.constant 0 : i32
      %dma_start3A_232 = tpu.memref_slice %arg16[%dma_start3A_230, %dma_start3A_231] : memref<20x512xf32, #tpu.memory_space<vmem>> -> memref<1x512xf32, #tpu.memory_space<vmem>>
      %dma_start3A_233 = tpu.memref_squeeze %dma_start3A_232 : memref<1x512xf32, #tpu.memory_space<vmem>> -> memref<512xf32, #tpu.memory_space<vmem>>
      %dma_start3A_234 = arith.constant 0 : i32
      %dma_start3A_235 = tpu.memref_slice %arg13[%dma_start3A_229, %dma_start3A_234] : memref<20x512xi32, #tpu.memory_space<vmem>> -> memref<1x512xi32, #tpu.memory_space<vmem>>
      %dma_start3A_236 = tpu.memref_squeeze %dma_start3A_235 : memref<1x512xi32, #tpu.memory_space<vmem>> -> memref<512xi32, #tpu.memory_space<vmem>>
      %dma_start3A_237 = arith.constant 0 : i32
      %dma_start3A_238 = tpu.memref_slice %arg10[%dma_start3A_237] : memref<102400xf32, #tpu.memory_space<vmem_shared>> -> memref<102400xf32, #tpu.memory_space<vmem_shared>>
      tpu.enqueue_indirect_dma source(%dma_start3A_238 : memref<102400xf32, #tpu.memory_space<vmem_shared>>) target(%dma_start3A_233 : memref<512xf32, #tpu.memory_space<vmem>>) offsets(%dma_start3A_236 : memref<512xi32, #tpu.memory_space<vmem>>) semaphore(%arg19 : memref<!tpu.dma_semaphore, #tpu.memory_space<semaphore_mem>>)
      %dma_start3A_239 = arith.constant 11 : i32
      %dma_start3A_240 = arith.constant 11 : i32
      %dma_start3A_241 = arith.constant 0 : i32
      %dma_start3A_242 = tpu.memref_slice %arg15[%dma_start3A_240, %dma_start3A_241] : memref<20x512xf32, #tpu.memory_space<vmem>> -> memref<1x512xf32, #tpu.memory_space<vmem>>
      %dma_start3A_243 = tpu.memref_squeeze %dma_start3A_242 : memref<1x512xf32, #tpu.memory_space<vmem>> -> memref<512xf32, #tpu.memory_space<vmem>>
      %dma_start3A_244 = arith.constant 0 : i32
      %dma_start3A_245 = tpu.memref_slice %arg13[%dma_start3A_239, %dma_start3A_244] : memref<20x512xi32, #tpu.memory_space<vmem>> -> memref<1x512xi32, #tpu.memory_space<vmem>>
      %dma_start3A_246 = tpu.memref_squeeze %dma_start3A_245 : memref<1x512xi32, #tpu.memory_space<vmem>> -> memref<512xi32, #tpu.memory_space<vmem>>
      %dma_start3A_247 = arith.constant 0 : i32
      %dma_start3A_248 = tpu.memref_slice %arg9[%dma_start3A_247] : memref<102400xf32, #tpu.memory_space<vmem_shared>> -> memref<102400xf32, #tpu.memory_space<vmem_shared>>
      tpu.enqueue_indirect_dma source(%dma_start3A_248 : memref<102400xf32, #tpu.memory_space<vmem_shared>>) target(%dma_start3A_243 : memref<512xf32, #tpu.memory_space<vmem>>) offsets(%dma_start3A_246 : memref<512xi32, #tpu.memory_space<vmem>>) semaphore(%arg18 : memref<!tpu.dma_semaphore, #tpu.memory_space<semaphore_mem>>)
      %dma_start3A_249 = arith.constant 11 : i32
      %dma_start3A_250 = arith.constant 11 : i32
      %dma_start3A_251 = arith.constant 0 : i32
      %dma_start3A_252 = tpu.memref_slice %arg16[%dma_start3A_250, %dma_start3A_251] : memref<20x512xf32, #tpu.memory_space<vmem>> -> memref<1x512xf32, #tpu.memory_space<vmem>>
      %dma_start3A_253 = tpu.memref_squeeze %dma_start3A_252 : memref<1x512xf32, #tpu.memory_space<vmem>> -> memref<512xf32, #tpu.memory_space<vmem>>
      %dma_start3A_254 = arith.constant 0 : i32
      %dma_start3A_255 = tpu.memref_slice %arg13[%dma_start3A_249, %dma_start3A_254] : memref<20x512xi32, #tpu.memory_space<vmem>> -> memref<1x512xi32, #tpu.memory_space<vmem>>
      %dma_start3A_256 = tpu.memref_squeeze %dma_start3A_255 : memref<1x512xi32, #tpu.memory_space<vmem>> -> memref<512xi32, #tpu.memory_space<vmem>>
      %dma_start3A_257 = arith.constant 0 : i32
      %dma_start3A_258 = tpu.memref_slice %arg10[%dma_start3A_257] : memref<102400xf32, #tpu.memory_space<vmem_shared>> -> memref<102400xf32, #tpu.memory_space<vmem_shared>>
      tpu.enqueue_indirect_dma source(%dma_start3A_258 : memref<102400xf32, #tpu.memory_space<vmem_shared>>) target(%dma_start3A_253 : memref<512xf32, #tpu.memory_space<vmem>>) offsets(%dma_start3A_256 : memref<512xi32, #tpu.memory_space<vmem>>) semaphore(%arg19 : memref<!tpu.dma_semaphore, #tpu.memory_space<semaphore_mem>>)
      %dma_start3A_259 = arith.constant 12 : i32
      %dma_start3A_260 = arith.constant 12 : i32
      %dma_start3A_261 = arith.constant 0 : i32
      %dma_start3A_262 = tpu.memref_slice %arg15[%dma_start3A_260, %dma_start3A_261] : memref<20x512xf32, #tpu.memory_space<vmem>> -> memref<1x512xf32, #tpu.memory_space<vmem>>
      %dma_start3A_263 = tpu.memref_squeeze %dma_start3A_262 : memref<1x512xf32, #tpu.memory_space<vmem>> -> memref<512xf32, #tpu.memory_space<vmem>>
      %dma_start3A_264 = arith.constant 0 : i32
      %dma_start3A_265 = tpu.memref_slice %arg13[%dma_start3A_259, %dma_start3A_264] : memref<20x512xi32, #tpu.memory_space<vmem>> -> memref<1x512xi32, #tpu.memory_space<vmem>>
      %dma_start3A_266 = tpu.memref_squeeze %dma_start3A_265 : memref<1x512xi32, #tpu.memory_space<vmem>> -> memref<512xi32, #tpu.memory_space<vmem>>
      %dma_start3A_267 = arith.constant 0 : i32
      %dma_start3A_268 = tpu.memref_slice %arg9[%dma_start3A_267] : memref<102400xf32, #tpu.memory_space<vmem_shared>> -> memref<102400xf32, #tpu.memory_space<vmem_shared>>
      tpu.enqueue_indirect_dma source(%dma_start3A_268 : memref<102400xf32, #tpu.memory_space<vmem_shared>>) target(%dma_start3A_263 : memref<512xf32, #tpu.memory_space<vmem>>) offsets(%dma_start3A_266 : memref<512xi32, #tpu.memory_space<vmem>>) semaphore(%arg18 : memref<!tpu.dma_semaphore, #tpu.memory_space<semaphore_mem>>)
      %dma_start3A_269 = arith.constant 12 : i32
      %dma_start3A_270 = arith.constant 12 : i32
      %dma_start3A_271 = arith.constant 0 : i32
      %dma_start3A_272 = tpu.memref_slice %arg16[%dma_start3A_270, %dma_start3A_271] : memref<20x512xf32, #tpu.memory_space<vmem>> -> memref<1x512xf32, #tpu.memory_space<vmem>>
      %dma_start3A_273 = tpu.memref_squeeze %dma_start3A_272 : memref<1x512xf32, #tpu.memory_space<vmem>> -> memref<512xf32, #tpu.memory_space<vmem>>
      %dma_start3A_274 = arith.constant 0 : i32
      %dma_start3A_275 = tpu.memref_slice %arg13[%dma_start3A_269, %dma_start3A_274] : memref<20x512xi32, #tpu.memory_space<vmem>> -> memref<1x512xi32, #tpu.memory_space<vmem>>
      %dma_start3A_276 = tpu.memref_squeeze %dma_start3A_275 : memref<1x512xi32, #tpu.memory_space<vmem>> -> memref<512xi32, #tpu.memory_space<vmem>>
      %dma_start3A_277 = arith.constant 0 : i32
      %dma_start3A_278 = tpu.memref_slice %arg10[%dma_start3A_277] : memref<102400xf32, #tpu.memory_space<vmem_shared>> -> memref<102400xf32, #tpu.memory_space<vmem_shared>>
      tpu.enqueue_indirect_dma source(%dma_start3A_278 : memref<102400xf32, #tpu.memory_space<vmem_shared>>) target(%dma_start3A_273 : memref<512xf32, #tpu.memory_space<vmem>>) offsets(%dma_start3A_276 : memref<512xi32, #tpu.memory_space<vmem>>) semaphore(%arg19 : memref<!tpu.dma_semaphore, #tpu.memory_space<semaphore_mem>>)
      %dma_start3A_279 = arith.constant 13 : i32
      %dma_start3A_280 = arith.constant 13 : i32
      %dma_start3A_281 = arith.constant 0 : i32
      %dma_start3A_282 = tpu.memref_slice %arg15[%dma_start3A_280, %dma_start3A_281] : memref<20x512xf32, #tpu.memory_space<vmem>> -> memref<1x512xf32, #tpu.memory_space<vmem>>
      %dma_start3A_283 = tpu.memref_squeeze %dma_start3A_282 : memref<1x512xf32, #tpu.memory_space<vmem>> -> memref<512xf32, #tpu.memory_space<vmem>>
      %dma_start3A_284 = arith.constant 0 : i32
      %dma_start3A_285 = tpu.memref_slice %arg13[%dma_start3A_279, %dma_start3A_284] : memref<20x512xi32, #tpu.memory_space<vmem>> -> memref<1x512xi32, #tpu.memory_space<vmem>>
      %dma_start3A_286 = tpu.memref_squeeze %dma_start3A_285 : memref<1x512xi32, #tpu.memory_space<vmem>> -> memref<512xi32, #tpu.memory_space<vmem>>
      %dma_start3A_287 = arith.constant 0 : i32
      %dma_start3A_288 = tpu.memref_slice %arg9[%dma_start3A_287] : memref<102400xf32, #tpu.memory_space<vmem_shared>> -> memref<102400xf32, #tpu.memory_space<vmem_shared>>
      tpu.enqueue_indirect_dma source(%dma_start3A_288 : memref<102400xf32, #tpu.memory_space<vmem_shared>>) target(%dma_start3A_283 : memref<512xf32, #tpu.memory_space<vmem>>) offsets(%dma_start3A_286 : memref<512xi32, #tpu.memory_space<vmem>>) semaphore(%arg18 : memref<!tpu.dma_semaphore, #tpu.memory_space<semaphore_mem>>)
      %dma_start3A_289 = arith.constant 13 : i32
      %dma_start3A_290 = arith.constant 13 : i32
      %dma_start3A_291 = arith.constant 0 : i32
      %dma_start3A_292 = tpu.memref_slice %arg16[%dma_start3A_290, %dma_start3A_291] : memref<20x512xf32, #tpu.memory_space<vmem>> -> memref<1x512xf32, #tpu.memory_space<vmem>>
      %dma_start3A_293 = tpu.memref_squeeze %dma_start3A_292 : memref<1x512xf32, #tpu.memory_space<vmem>> -> memref<512xf32, #tpu.memory_space<vmem>>
      %dma_start3A_294 = arith.constant 0 : i32
      %dma_start3A_295 = tpu.memref_slice %arg13[%dma_start3A_289, %dma_start3A_294] : memref<20x512xi32, #tpu.memory_space<vmem>> -> memref<1x512xi32, #tpu.memory_space<vmem>>
      %dma_start3A_296 = tpu.memref_squeeze %dma_start3A_295 : memref<1x512xi32, #tpu.memory_space<vmem>> -> memref<512xi32, #tpu.memory_space<vmem>>
      %dma_start3A_297 = arith.constant 0 : i32
      %dma_start3A_298 = tpu.memref_slice %arg10[%dma_start3A_297] : memref<102400xf32, #tpu.memory_space<vmem_shared>> -> memref<102400xf32, #tpu.memory_space<vmem_shared>>
      tpu.enqueue_indirect_dma source(%dma_start3A_298 : memref<102400xf32, #tpu.memory_space<vmem_shared>>) target(%dma_start3A_293 : memref<512xf32, #tpu.memory_space<vmem>>) offsets(%dma_start3A_296 : memref<512xi32, #tpu.memory_space<vmem>>) semaphore(%arg19 : memref<!tpu.dma_semaphore, #tpu.memory_space<semaphore_mem>>)
      %dma_start3A_299 = arith.constant 14 : i32
      %dma_start3A_300 = arith.constant 14 : i32
      %dma_start3A_301 = arith.constant 0 : i32
      %dma_start3A_302 = tpu.memref_slice %arg15[%dma_start3A_300, %dma_start3A_301] : memref<20x512xf32, #tpu.memory_space<vmem>> -> memref<1x512xf32, #tpu.memory_space<vmem>>
      %dma_start3A_303 = tpu.memref_squeeze %dma_start3A_302 : memref<1x512xf32, #tpu.memory_space<vmem>> -> memref<512xf32, #tpu.memory_space<vmem>>
      %dma_start3A_304 = arith.constant 0 : i32
      %dma_start3A_305 = tpu.memref_slice %arg13[%dma_start3A_299, %dma_start3A_304] : memref<20x512xi32, #tpu.memory_space<vmem>> -> memref<1x512xi32, #tpu.memory_space<vmem>>
      %dma_start3A_306 = tpu.memref_squeeze %dma_start3A_305 : memref<1x512xi32, #tpu.memory_space<vmem>> -> memref<512xi32, #tpu.memory_space<vmem>>
      %dma_start3A_307 = arith.constant 0 : i32
      %dma_start3A_308 = tpu.memref_slice %arg9[%dma_start3A_307] : memref<102400xf32, #tpu.memory_space<vmem_shared>> -> memref<102400xf32, #tpu.memory_space<vmem_shared>>
      tpu.enqueue_indirect_dma source(%dma_start3A_308 : memref<102400xf32, #tpu.memory_space<vmem_shared>>) target(%dma_start3A_303 : memref<512xf32, #tpu.memory_space<vmem>>) offsets(%dma_start3A_306 : memref<512xi32, #tpu.memory_space<vmem>>) semaphore(%arg18 : memref<!tpu.dma_semaphore, #tpu.memory_space<semaphore_mem>>)
      %dma_start3A_309 = arith.constant 14 : i32
      %dma_start3A_310 = arith.constant 14 : i32
      %dma_start3A_311 = arith.constant 0 : i32
      %dma_start3A_312 = tpu.memref_slice %arg16[%dma_start3A_310, %dma_start3A_311] : memref<20x512xf32, #tpu.memory_space<vmem>> -> memref<1x512xf32, #tpu.memory_space<vmem>>
      %dma_start3A_313 = tpu.memref_squeeze %dma_start3A_312 : memref<1x512xf32, #tpu.memory_space<vmem>> -> memref<512xf32, #tpu.memory_space<vmem>>
      %dma_start3A_314 = arith.constant 0 : i32
      %dma_start3A_315 = tpu.memref_slice %arg13[%dma_start3A_309, %dma_start3A_314] : memref<20x512xi32, #tpu.memory_space<vmem>> -> memref<1x512xi32, #tpu.memory_space<vmem>>
      %dma_start3A_316 = tpu.memref_squeeze %dma_start3A_315 : memref<1x512xi32, #tpu.memory_space<vmem>> -> memref<512xi32, #tpu.memory_space<vmem>>
      %dma_start3A_317 = arith.constant 0 : i32
      %dma_start3A_318 = tpu.memref_slice %arg10[%dma_start3A_317] : memref<102400xf32, #tpu.memory_space<vmem_shared>> -> memref<102400xf32, #tpu.memory_space<vmem_shared>>
      tpu.enqueue_indirect_dma source(%dma_start3A_318 : memref<102400xf32, #tpu.memory_space<vmem_shared>>) target(%dma_start3A_313 : memref<512xf32, #tpu.memory_space<vmem>>) offsets(%dma_start3A_316 : memref<512xi32, #tpu.memory_space<vmem>>) semaphore(%arg19 : memref<!tpu.dma_semaphore, #tpu.memory_space<semaphore_mem>>)
      %dma_start3A_319 = arith.constant 15 : i32
      %dma_start3A_320 = arith.constant 15 : i32
      %dma_start3A_321 = arith.constant 0 : i32
      %dma_start3A_322 = tpu.memref_slice %arg15[%dma_start3A_320, %dma_start3A_321] : memref<20x512xf32, #tpu.memory_space<vmem>> -> memref<1x512xf32, #tpu.memory_space<vmem>>
      %dma_start3A_323 = tpu.memref_squeeze %dma_start3A_322 : memref<1x512xf32, #tpu.memory_space<vmem>> -> memref<512xf32, #tpu.memory_space<vmem>>
      %dma_start3A_324 = arith.constant 0 : i32
      %dma_start3A_325 = tpu.memref_slice %arg13[%dma_start3A_319, %dma_start3A_324] : memref<20x512xi32, #tpu.memory_space<vmem>> -> memref<1x512xi32, #tpu.memory_space<vmem>>
      %dma_start3A_326 = tpu.memref_squeeze %dma_start3A_325 : memref<1x512xi32, #tpu.memory_space<vmem>> -> memref<512xi32, #tpu.memory_space<vmem>>
      %dma_start3A_327 = arith.constant 0 : i32
      %dma_start3A_328 = tpu.memref_slice %arg9[%dma_start3A_327] : memref<102400xf32, #tpu.memory_space<vmem_shared>> -> memref<102400xf32, #tpu.memory_space<vmem_shared>>
      tpu.enqueue_indirect_dma source(%dma_start3A_328 : memref<102400xf32, #tpu.memory_space<vmem_shared>>) target(%dma_start3A_323 : memref<512xf32, #tpu.memory_space<vmem>>) offsets(%dma_start3A_326 : memref<512xi32, #tpu.memory_space<vmem>>) semaphore(%arg18 : memref<!tpu.dma_semaphore, #tpu.memory_space<semaphore_mem>>)
      %dma_start3A_329 = arith.constant 15 : i32
      %dma_start3A_330 = arith.constant 15 : i32
      %dma_start3A_331 = arith.constant 0 : i32
      %dma_start3A_332 = tpu.memref_slice %arg16[%dma_start3A_330, %dma_start3A_331] : memref<20x512xf32, #tpu.memory_space<vmem>> -> memref<1x512xf32, #tpu.memory_space<vmem>>
      %dma_start3A_333 = tpu.memref_squeeze %dma_start3A_332 : memref<1x512xf32, #tpu.memory_space<vmem>> -> memref<512xf32, #tpu.memory_space<vmem>>
      %dma_start3A_334 = arith.constant 0 : i32
      %dma_start3A_335 = tpu.memref_slice %arg13[%dma_start3A_329, %dma_start3A_334] : memref<20x512xi32, #tpu.memory_space<vmem>> -> memref<1x512xi32, #tpu.memory_space<vmem>>
      %dma_start3A_336 = tpu.memref_squeeze %dma_start3A_335 : memref<1x512xi32, #tpu.memory_space<vmem>> -> memref<512xi32, #tpu.memory_space<vmem>>
      %dma_start3A_337 = arith.constant 0 : i32
      %dma_start3A_338 = tpu.memref_slice %arg10[%dma_start3A_337] : memref<102400xf32, #tpu.memory_space<vmem_shared>> -> memref<102400xf32, #tpu.memory_space<vmem_shared>>
      tpu.enqueue_indirect_dma source(%dma_start3A_338 : memref<102400xf32, #tpu.memory_space<vmem_shared>>) target(%dma_start3A_333 : memref<512xf32, #tpu.memory_space<vmem>>) offsets(%dma_start3A_336 : memref<512xi32, #tpu.memory_space<vmem>>) semaphore(%arg19 : memref<!tpu.dma_semaphore, #tpu.memory_space<semaphore_mem>>)
      %dma_start3A_339 = arith.constant 16 : i32
      %dma_start3A_340 = arith.constant 16 : i32
      %dma_start3A_341 = arith.constant 0 : i32
      %dma_start3A_342 = tpu.memref_slice %arg15[%dma_start3A_340, %dma_start3A_341] : memref<20x512xf32, #tpu.memory_space<vmem>> -> memref<1x512xf32, #tpu.memory_space<vmem>>
      %dma_start3A_343 = tpu.memref_squeeze %dma_start3A_342 : memref<1x512xf32, #tpu.memory_space<vmem>> -> memref<512xf32, #tpu.memory_space<vmem>>
      %dma_start3A_344 = arith.constant 0 : i32
      %dma_start3A_345 = tpu.memref_slice %arg13[%dma_start3A_339, %dma_start3A_344] : memref<20x512xi32, #tpu.memory_space<vmem>> -> memref<1x512xi32, #tpu.memory_space<vmem>>
      %dma_start3A_346 = tpu.memref_squeeze %dma_start3A_345 : memref<1x512xi32, #tpu.memory_space<vmem>> -> memref<512xi32, #tpu.memory_space<vmem>>
      %dma_start3A_347 = arith.constant 0 : i32
      %dma_start3A_348 = tpu.memref_slice %arg9[%dma_start3A_347] : memref<102400xf32, #tpu.memory_space<vmem_shared>> -> memref<102400xf32, #tpu.memory_space<vmem_shared>>
      tpu.enqueue_indirect_dma source(%dma_start3A_348 : memref<102400xf32, #tpu.memory_space<vmem_shared>>) target(%dma_start3A_343 : memref<512xf32, #tpu.memory_space<vmem>>) offsets(%dma_start3A_346 : memref<512xi32, #tpu.memory_space<vmem>>) semaphore(%arg18 : memref<!tpu.dma_semaphore, #tpu.memory_space<semaphore_mem>>)
      %dma_start3A_349 = arith.constant 16 : i32
      %dma_start3A_350 = arith.constant 16 : i32
      %dma_start3A_351 = arith.constant 0 : i32
      %dma_start3A_352 = tpu.memref_slice %arg16[%dma_start3A_350, %dma_start3A_351] : memref<20x512xf32, #tpu.memory_space<vmem>> -> memref<1x512xf32, #tpu.memory_space<vmem>>
      %dma_start3A_353 = tpu.memref_squeeze %dma_start3A_352 : memref<1x512xf32, #tpu.memory_space<vmem>> -> memref<512xf32, #tpu.memory_space<vmem>>
      %dma_start3A_354 = arith.constant 0 : i32
      %dma_start3A_355 = tpu.memref_slice %arg13[%dma_start3A_349, %dma_start3A_354] : memref<20x512xi32, #tpu.memory_space<vmem>> -> memref<1x512xi32, #tpu.memory_space<vmem>>
      %dma_start3A_356 = tpu.memref_squeeze %dma_start3A_355 : memref<1x512xi32, #tpu.memory_space<vmem>> -> memref<512xi32, #tpu.memory_space<vmem>>
      %dma_start3A_357 = arith.constant 0 : i32
      %dma_start3A_358 = tpu.memref_slice %arg10[%dma_start3A_357] : memref<102400xf32, #tpu.memory_space<vmem_shared>> -> memref<102400xf32, #tpu.memory_space<vmem_shared>>
      tpu.enqueue_indirect_dma source(%dma_start3A_358 : memref<102400xf32, #tpu.memory_space<vmem_shared>>) target(%dma_start3A_353 : memref<512xf32, #tpu.memory_space<vmem>>) offsets(%dma_start3A_356 : memref<512xi32, #tpu.memory_space<vmem>>) semaphore(%arg19 : memref<!tpu.dma_semaphore, #tpu.memory_space<semaphore_mem>>)
      %dma_start3A_359 = arith.constant 17 : i32
      %dma_start3A_360 = arith.constant 17 : i32
      %dma_start3A_361 = arith.constant 0 : i32
      %dma_start3A_362 = tpu.memref_slice %arg15[%dma_start3A_360, %dma_start3A_361] : memref<20x512xf32, #tpu.memory_space<vmem>> -> memref<1x512xf32, #tpu.memory_space<vmem>>
      %dma_start3A_363 = tpu.memref_squeeze %dma_start3A_362 : memref<1x512xf32, #tpu.memory_space<vmem>> -> memref<512xf32, #tpu.memory_space<vmem>>
      %dma_start3A_364 = arith.constant 0 : i32
      %dma_start3A_365 = tpu.memref_slice %arg13[%dma_start3A_359, %dma_start3A_364] : memref<20x512xi32, #tpu.memory_space<vmem>> -> memref<1x512xi32, #tpu.memory_space<vmem>>
      %dma_start3A_366 = tpu.memref_squeeze %dma_start3A_365 : memref<1x512xi32, #tpu.memory_space<vmem>> -> memref<512xi32, #tpu.memory_space<vmem>>
      %dma_start3A_367 = arith.constant 0 : i32
      %dma_start3A_368 = tpu.memref_slice %arg9[%dma_start3A_367] : memref<102400xf32, #tpu.memory_space<vmem_shared>> -> memref<102400xf32, #tpu.memory_space<vmem_shared>>
      tpu.enqueue_indirect_dma source(%dma_start3A_368 : memref<102400xf32, #tpu.memory_space<vmem_shared>>) target(%dma_start3A_363 : memref<512xf32, #tpu.memory_space<vmem>>) offsets(%dma_start3A_366 : memref<512xi32, #tpu.memory_space<vmem>>) semaphore(%arg18 : memref<!tpu.dma_semaphore, #tpu.memory_space<semaphore_mem>>)
      %dma_start3A_369 = arith.constant 17 : i32
      %dma_start3A_370 = arith.constant 17 : i32
      %dma_start3A_371 = arith.constant 0 : i32
      %dma_start3A_372 = tpu.memref_slice %arg16[%dma_start3A_370, %dma_start3A_371] : memref<20x512xf32, #tpu.memory_space<vmem>> -> memref<1x512xf32, #tpu.memory_space<vmem>>
      %dma_start3A_373 = tpu.memref_squeeze %dma_start3A_372 : memref<1x512xf32, #tpu.memory_space<vmem>> -> memref<512xf32, #tpu.memory_space<vmem>>
      %dma_start3A_374 = arith.constant 0 : i32
      %dma_start3A_375 = tpu.memref_slice %arg13[%dma_start3A_369, %dma_start3A_374] : memref<20x512xi32, #tpu.memory_space<vmem>> -> memref<1x512xi32, #tpu.memory_space<vmem>>
      %dma_start3A_376 = tpu.memref_squeeze %dma_start3A_375 : memref<1x512xi32, #tpu.memory_space<vmem>> -> memref<512xi32, #tpu.memory_space<vmem>>
      %dma_start3A_377 = arith.constant 0 : i32
      %dma_start3A_378 = tpu.memref_slice %arg10[%dma_start3A_377] : memref<102400xf32, #tpu.memory_space<vmem_shared>> -> memref<102400xf32, #tpu.memory_space<vmem_shared>>
      tpu.enqueue_indirect_dma source(%dma_start3A_378 : memref<102400xf32, #tpu.memory_space<vmem_shared>>) target(%dma_start3A_373 : memref<512xf32, #tpu.memory_space<vmem>>) offsets(%dma_start3A_376 : memref<512xi32, #tpu.memory_space<vmem>>) semaphore(%arg19 : memref<!tpu.dma_semaphore, #tpu.memory_space<semaphore_mem>>)
      %dma_start3A_379 = arith.constant 18 : i32
      %dma_start3A_380 = arith.constant 18 : i32
      %dma_start3A_381 = arith.constant 0 : i32
      %dma_start3A_382 = tpu.memref_slice %arg15[%dma_start3A_380, %dma_start3A_381] : memref<20x512xf32, #tpu.memory_space<vmem>> -> memref<1x512xf32, #tpu.memory_space<vmem>>
      %dma_start3A_383 = tpu.memref_squeeze %dma_start3A_382 : memref<1x512xf32, #tpu.memory_space<vmem>> -> memref<512xf32, #tpu.memory_space<vmem>>
      %dma_start3A_384 = arith.constant 0 : i32
      %dma_start3A_385 = tpu.memref_slice %arg13[%dma_start3A_379, %dma_start3A_384] : memref<20x512xi32, #tpu.memory_space<vmem>> -> memref<1x512xi32, #tpu.memory_space<vmem>>
      %dma_start3A_386 = tpu.memref_squeeze %dma_start3A_385 : memref<1x512xi32, #tpu.memory_space<vmem>> -> memref<512xi32, #tpu.memory_space<vmem>>
      %dma_start3A_387 = arith.constant 0 : i32
      %dma_start3A_388 = tpu.memref_slice %arg9[%dma_start3A_387] : memref<102400xf32, #tpu.memory_space<vmem_shared>> -> memref<102400xf32, #tpu.memory_space<vmem_shared>>
      tpu.enqueue_indirect_dma source(%dma_start3A_388 : memref<102400xf32, #tpu.memory_space<vmem_shared>>) target(%dma_start3A_383 : memref<512xf32, #tpu.memory_space<vmem>>) offsets(%dma_start3A_386 : memref<512xi32, #tpu.memory_space<vmem>>) semaphore(%arg18 : memref<!tpu.dma_semaphore, #tpu.memory_space<semaphore_mem>>)
      %dma_start3A_389 = arith.constant 18 : i32
      %dma_start3A_390 = arith.constant 18 : i32
      %dma_start3A_391 = arith.constant 0 : i32
      %dma_start3A_392 = tpu.memref_slice %arg16[%dma_start3A_390, %dma_start3A_391] : memref<20x512xf32, #tpu.memory_space<vmem>> -> memref<1x512xf32, #tpu.memory_space<vmem>>
      %dma_start3A_393 = tpu.memref_squeeze %dma_start3A_392 : memref<1x512xf32, #tpu.memory_space<vmem>> -> memref<512xf32, #tpu.memory_space<vmem>>
      %dma_start3A_394 = arith.constant 0 : i32
      %dma_start3A_395 = tpu.memref_slice %arg13[%dma_start3A_389, %dma_start3A_394] : memref<20x512xi32, #tpu.memory_space<vmem>> -> memref<1x512xi32, #tpu.memory_space<vmem>>
      %dma_start3A_396 = tpu.memref_squeeze %dma_start3A_395 : memref<1x512xi32, #tpu.memory_space<vmem>> -> memref<512xi32, #tpu.memory_space<vmem>>
      %dma_start3A_397 = arith.constant 0 : i32
      %dma_start3A_398 = tpu.memref_slice %arg10[%dma_start3A_397] : memref<102400xf32, #tpu.memory_space<vmem_shared>> -> memref<102400xf32, #tpu.memory_space<vmem_shared>>
      tpu.enqueue_indirect_dma source(%dma_start3A_398 : memref<102400xf32, #tpu.memory_space<vmem_shared>>) target(%dma_start3A_393 : memref<512xf32, #tpu.memory_space<vmem>>) offsets(%dma_start3A_396 : memref<512xi32, #tpu.memory_space<vmem>>) semaphore(%arg19 : memref<!tpu.dma_semaphore, #tpu.memory_space<semaphore_mem>>)
      %dma_start3A_399 = arith.constant 19 : i32
      %dma_start3A_400 = arith.constant 19 : i32
      %dma_start3A_401 = arith.constant 0 : i32
      %dma_start3A_402 = tpu.memref_slice %arg15[%dma_start3A_400, %dma_start3A_401] : memref<20x512xf32, #tpu.memory_space<vmem>> -> memref<1x512xf32, #tpu.memory_space<vmem>>
      %dma_start3A_403 = tpu.memref_squeeze %dma_start3A_402 : memref<1x512xf32, #tpu.memory_space<vmem>> -> memref<512xf32, #tpu.memory_space<vmem>>
      %dma_start3A_404 = arith.constant 0 : i32
      %dma_start3A_405 = tpu.memref_slice %arg13[%dma_start3A_399, %dma_start3A_404] : memref<20x512xi32, #tpu.memory_space<vmem>> -> memref<1x512xi32, #tpu.memory_space<vmem>>
      %dma_start3A_406 = tpu.memref_squeeze %dma_start3A_405 : memref<1x512xi32, #tpu.memory_space<vmem>> -> memref<512xi32, #tpu.memory_space<vmem>>
      %dma_start3A_407 = arith.constant 0 : i32
      %dma_start3A_408 = tpu.memref_slice %arg9[%dma_start3A_407] : memref<102400xf32, #tpu.memory_space<vmem_shared>> -> memref<102400xf32, #tpu.memory_space<vmem_shared>>
      tpu.enqueue_indirect_dma source(%dma_start3A_408 : memref<102400xf32, #tpu.memory_space<vmem_shared>>) target(%dma_start3A_403 : memref<512xf32, #tpu.memory_space<vmem>>) offsets(%dma_start3A_406 : memref<512xi32, #tpu.memory_space<vmem>>) semaphore(%arg18 : memref<!tpu.dma_semaphore, #tpu.memory_space<semaphore_mem>>)
      %dma_start3A_409 = arith.constant 19 : i32
      %dma_start3A_410 = arith.constant 19 : i32
      %dma_start3A_411 = arith.constant 0 : i32
      %dma_start3A_412 = tpu.memref_slice %arg16[%dma_start3A_410, %dma_start3A_411] : memref<20x512xf32, #tpu.memory_space<vmem>> -> memref<1x512xf32, #tpu.memory_space<vmem>>
      %dma_start3A_413 = tpu.memref_squeeze %dma_start3A_412 : memref<1x512xf32, #tpu.memory_space<vmem>> -> memref<512xf32, #tpu.memory_space<vmem>>
      %dma_start3A_414 = arith.constant 0 : i32
      %dma_start3A_415 = tpu.memref_slice %arg13[%dma_start3A_409, %dma_start3A_414] : memref<20x512xi32, #tpu.memory_space<vmem>> -> memref<1x512xi32, #tpu.memory_space<vmem>>
      %dma_start3A_416 = tpu.memref_squeeze %dma_start3A_415 : memref<1x512xi32, #tpu.memory_space<vmem>> -> memref<512xi32, #tpu.memory_space<vmem>>
      %dma_start3A_417 = arith.constant 0 : i32
      %dma_start3A_418 = tpu.memref_slice %arg10[%dma_start3A_417] : memref<102400xf32, #tpu.memory_space<vmem_shared>> -> memref<102400xf32, #tpu.memory_space<vmem_shared>>
      tpu.enqueue_indirect_dma source(%dma_start3A_418 : memref<102400xf32, #tpu.memory_space<vmem_shared>>) target(%dma_start3A_413 : memref<512xf32, #tpu.memory_space<vmem>>) offsets(%dma_start3A_416 : memref<512xi32, #tpu.memory_space<vmem>>) semaphore(%arg19 : memref<!tpu.dma_semaphore, #tpu.memory_space<semaphore_mem>>)
      %dma_wait3A = arith.constant 0 : i32
      %dma_wait3A_419 = arith.constant 0 : i32
      %dma_wait3A_420 = arith.constant 0 : i32
      %dma_wait3A_421 = tpu.memref_slice %arg15[%dma_wait3A_419, %dma_wait3A_420] : memref<20x512xf32, #tpu.memory_space<vmem>> -> memref<1x512xf32, #tpu.memory_space<vmem>>
      %dma_wait3A_422 = tpu.memref_squeeze %dma_wait3A_421 : memref<1x512xf32, #tpu.memory_space<vmem>> -> memref<512xf32, #tpu.memory_space<vmem>>
      %dma_wait3A_423 = arith.constant 0 : i32
      %dma_wait3A_424 = tpu.memref_slice %arg13[%dma_wait3A, %dma_wait3A_423] : memref<20x512xi32, #tpu.memory_space<vmem>> -> memref<1x512xi32, #tpu.memory_space<vmem>>
      %dma_wait3A_425 = tpu.memref_squeeze %dma_wait3A_424 : memref<1x512xi32, #tpu.memory_space<vmem>> -> memref<512xi32, #tpu.memory_space<vmem>>
      %dma_wait3A_426 = arith.constant 0 : i32
      %dma_wait3A_427 = tpu.memref_slice %arg9[%dma_wait3A_426] : memref<102400xf32, #tpu.memory_space<vmem_shared>> -> memref<102400xf32, #tpu.memory_space<vmem_shared>>
      tpu.wait_indirect_dma semaphore(%arg18 : memref<!tpu.dma_semaphore, #tpu.memory_space<semaphore_mem>>) src(%dma_wait3A_427 : memref<102400xf32, #tpu.memory_space<vmem_shared>>) dst(%dma_wait3A_422 : memref<512xf32, #tpu.memory_space<vmem>>)
      %dma_start3A_428 = arith.constant 0 : i32
      %dma_start3A_429 = arith.constant 0 : i32
      %dma_start3A_430 = arith.constant 0 : i32
      %dma_start3A_431 = tpu.memref_slice %arg15[%dma_start3A_428, %dma_start3A_430] : memref<20x512xf32, #tpu.memory_space<vmem>> -> memref<1x512xf32, #tpu.memory_space<vmem>>
      %dma_start3A_432 = tpu.memref_squeeze %dma_start3A_431 : memref<1x512xf32, #tpu.memory_space<vmem>> -> memref<512xf32, #tpu.memory_space<vmem>>
      %dma_start3A_433 = arith.constant 0 : i32
      %dma_start3A_434 = tpu.memref_slice %arg14[%dma_start3A_429, %dma_start3A_433] : memref<20x512xi32, #tpu.memory_space<vmem>> -> memref<1x512xi32, #tpu.memory_space<vmem>>
      %dma_start3A_435 = tpu.memref_squeeze %dma_start3A_434 : memref<1x512xi32, #tpu.memory_space<vmem>> -> memref<512xi32, #tpu.memory_space<vmem>>
      %dma_start3A_436 = arith.constant 0 : i32
      %dma_start3A_437 = tpu.memref_slice %arg11[%dma_start3A_436] : memref<102400xf32, #tpu.memory_space<vmem_shared>> -> memref<102400xf32, #tpu.memory_space<vmem_shared>>
      tpu.enqueue_indirect_dma source(%dma_start3A_432 : memref<512xf32, #tpu.memory_space<vmem>>) target(%dma_start3A_437 : memref<102400xf32, #tpu.memory_space<vmem_shared>>) offsets(%dma_start3A_435 : memref<512xi32, #tpu.memory_space<vmem>>) semaphore(%arg20 : memref<!tpu.dma_semaphore, #tpu.memory_space<semaphore_mem>>) {add = true}
      %dma_wait3A_438 = arith.constant 0 : i32
      %dma_wait3A_439 = arith.constant 0 : i32
      %dma_wait3A_440 = arith.constant 0 : i32
      %dma_wait3A_441 = tpu.memref_slice %arg16[%dma_wait3A_439, %dma_wait3A_440] : memref<20x512xf32, #tpu.memory_space<vmem>> -> memref<1x512xf32, #tpu.memory_space<vmem>>
      %dma_wait3A_442 = tpu.memref_squeeze %dma_wait3A_441 : memref<1x512xf32, #tpu.memory_space<vmem>> -> memref<512xf32, #tpu.memory_space<vmem>>
      %dma_wait3A_443 = arith.constant 0 : i32
      %dma_wait3A_444 = tpu.memref_slice %arg13[%dma_wait3A_438, %dma_wait3A_443] : memref<20x512xi32, #tpu.memory_space<vmem>> -> memref<1x512xi32, #tpu.memory_space<vmem>>
      %dma_wait3A_445 = tpu.memref_squeeze %dma_wait3A_444 : memref<1x512xi32, #tpu.memory_space<vmem>> -> memref<512xi32, #tpu.memory_space<vmem>>
      %dma_wait3A_446 = arith.constant 0 : i32
      %dma_wait3A_447 = tpu.memref_slice %arg10[%dma_wait3A_446] : memref<102400xf32, #tpu.memory_space<vmem_shared>> -> memref<102400xf32, #tpu.memory_space<vmem_shared>>
      tpu.wait_indirect_dma semaphore(%arg19 : memref<!tpu.dma_semaphore, #tpu.memory_space<semaphore_mem>>) src(%dma_wait3A_447 : memref<102400xf32, #tpu.memory_space<vmem_shared>>) dst(%dma_wait3A_442 : memref<512xf32, #tpu.memory_space<vmem>>)
      %dma_start3A_448 = arith.constant 0 : i32
      %dma_start3A_449 = arith.constant 0 : i32
      %dma_start3A_450 = arith.constant 0 : i32
      %dma_start3A_451 = tpu.memref_slice %arg16[%dma_start3A_448, %dma_start3A_450] : memref<20x512xf32, #tpu.memory_space<vmem>> -> memref<1x512xf32, #tpu.memory_space<vmem>>
      %dma_start3A_452 = tpu.memref_squeeze %dma_start3A_451 : memref<1x512xf32, #tpu.memory_space<vmem>> -> memref<512xf32, #tpu.memory_space<vmem>>
      %dma_start3A_453 = arith.constant 0 : i32
      %dma_start3A_454 = tpu.memref_slice %arg14[%dma_start3A_449, %dma_start3A_453] : memref<20x512xi32, #tpu.memory_space<vmem>> -> memref<1x512xi32, #tpu.memory_space<vmem>>
      %dma_start3A_455 = tpu.memref_squeeze %dma_start3A_454 : memref<1x512xi32, #tpu.memory_space<vmem>> -> memref<512xi32, #tpu.memory_space<vmem>>
      %dma_start3A_456 = arith.constant 0 : i32
      %dma_start3A_457 = tpu.memref_slice %arg12[%dma_start3A_456] : memref<102400xf32, #tpu.memory_space<vmem_shared>> -> memref<102400xf32, #tpu.memory_space<vmem_shared>>
      tpu.enqueue_indirect_dma source(%dma_start3A_452 : memref<512xf32, #tpu.memory_space<vmem>>) target(%dma_start3A_457 : memref<102400xf32, #tpu.memory_space<vmem_shared>>) offsets(%dma_start3A_455 : memref<512xi32, #tpu.memory_space<vmem>>) semaphore(%arg21 : memref<!tpu.dma_semaphore, #tpu.memory_space<semaphore_mem>>) {add = true}
      %dma_wait3A_458 = arith.constant 1 : i32
      %dma_wait3A_459 = arith.constant 1 : i32
      %dma_wait3A_460 = arith.constant 0 : i32
      %dma_wait3A_461 = tpu.memref_slice %arg15[%dma_wait3A_459, %dma_wait3A_460] : memref<20x512xf32, #tpu.memory_space<vmem>> -> memref<1x512xf32, #tpu.memory_space<vmem>>
      %dma_wait3A_462 = tpu.memref_squeeze %dma_wait3A_461 : memref<1x512xf32, #tpu.memory_space<vmem>> -> memref<512xf32, #tpu.memory_space<vmem>>
      %dma_wait3A_463 = arith.constant 0 : i32
      %dma_wait3A_464 = tpu.memref_slice %arg13[%dma_wait3A_458, %dma_wait3A_463] : memref<20x512xi32, #tpu.memory_space<vmem>> -> memref<1x512xi32, #tpu.memory_space<vmem>>
      %dma_wait3A_465 = tpu.memref_squeeze %dma_wait3A_464 : memref<1x512xi32, #tpu.memory_space<vmem>> -> memref<512xi32, #tpu.memory_space<vmem>>
      %dma_wait3A_466 = arith.constant 0 : i32
      %dma_wait3A_467 = tpu.memref_slice %arg9[%dma_wait3A_466] : memref<102400xf32, #tpu.memory_space<vmem_shared>> -> memref<102400xf32, #tpu.memory_space<vmem_shared>>
      tpu.wait_indirect_dma semaphore(%arg18 : memref<!tpu.dma_semaphore, #tpu.memory_space<semaphore_mem>>) src(%dma_wait3A_467 : memref<102400xf32, #tpu.memory_space<vmem_shared>>) dst(%dma_wait3A_462 : memref<512xf32, #tpu.memory_space<vmem>>)
      %dma_start3A_468 = arith.constant 1 : i32
      %dma_start3A_469 = arith.constant 1 : i32
      %dma_start3A_470 = arith.constant 0 : i32
      %dma_start3A_471 = tpu.memref_slice %arg15[%dma_start3A_468, %dma_start3A_470] : memref<20x512xf32, #tpu.memory_space<vmem>> -> memref<1x512xf32, #tpu.memory_space<vmem>>
      %dma_start3A_472 = tpu.memref_squeeze %dma_start3A_471 : memref<1x512xf32, #tpu.memory_space<vmem>> -> memref<512xf32, #tpu.memory_space<vmem>>
      %dma_start3A_473 = arith.constant 0 : i32
      %dma_start3A_474 = tpu.memref_slice %arg14[%dma_start3A_469, %dma_start3A_473] : memref<20x512xi32, #tpu.memory_space<vmem>> -> memref<1x512xi32, #tpu.memory_space<vmem>>
      %dma_start3A_475 = tpu.memref_squeeze %dma_start3A_474 : memref<1x512xi32, #tpu.memory_space<vmem>> -> memref<512xi32, #tpu.memory_space<vmem>>
      %dma_start3A_476 = arith.constant 0 : i32
      %dma_start3A_477 = tpu.memref_slice %arg11[%dma_start3A_476] : memref<102400xf32, #tpu.memory_space<vmem_shared>> -> memref<102400xf32, #tpu.memory_space<vmem_shared>>
      tpu.enqueue_indirect_dma source(%dma_start3A_472 : memref<512xf32, #tpu.memory_space<vmem>>) target(%dma_start3A_477 : memref<102400xf32, #tpu.memory_space<vmem_shared>>) offsets(%dma_start3A_475 : memref<512xi32, #tpu.memory_space<vmem>>) semaphore(%arg20 : memref<!tpu.dma_semaphore, #tpu.memory_space<semaphore_mem>>) {add = true}
      %dma_wait3A_478 = arith.constant 1 : i32
      %dma_wait3A_479 = arith.constant 1 : i32
      %dma_wait3A_480 = arith.constant 0 : i32
      %dma_wait3A_481 = tpu.memref_slice %arg16[%dma_wait3A_479, %dma_wait3A_480] : memref<20x512xf32, #tpu.memory_space<vmem>> -> memref<1x512xf32, #tpu.memory_space<vmem>>
      %dma_wait3A_482 = tpu.memref_squeeze %dma_wait3A_481 : memref<1x512xf32, #tpu.memory_space<vmem>> -> memref<512xf32, #tpu.memory_space<vmem>>
      %dma_wait3A_483 = arith.constant 0 : i32
      %dma_wait3A_484 = tpu.memref_slice %arg13[%dma_wait3A_478, %dma_wait3A_483] : memref<20x512xi32, #tpu.memory_space<vmem>> -> memref<1x512xi32, #tpu.memory_space<vmem>>
      %dma_wait3A_485 = tpu.memref_squeeze %dma_wait3A_484 : memref<1x512xi32, #tpu.memory_space<vmem>> -> memref<512xi32, #tpu.memory_space<vmem>>
      %dma_wait3A_486 = arith.constant 0 : i32
      %dma_wait3A_487 = tpu.memref_slice %arg10[%dma_wait3A_486] : memref<102400xf32, #tpu.memory_space<vmem_shared>> -> memref<102400xf32, #tpu.memory_space<vmem_shared>>
      tpu.wait_indirect_dma semaphore(%arg19 : memref<!tpu.dma_semaphore, #tpu.memory_space<semaphore_mem>>) src(%dma_wait3A_487 : memref<102400xf32, #tpu.memory_space<vmem_shared>>) dst(%dma_wait3A_482 : memref<512xf32, #tpu.memory_space<vmem>>)
      %dma_start3A_488 = arith.constant 1 : i32
      %dma_start3A_489 = arith.constant 1 : i32
      %dma_start3A_490 = arith.constant 0 : i32
      %dma_start3A_491 = tpu.memref_slice %arg16[%dma_start3A_488, %dma_start3A_490] : memref<20x512xf32, #tpu.memory_space<vmem>> -> memref<1x512xf32, #tpu.memory_space<vmem>>
      %dma_start3A_492 = tpu.memref_squeeze %dma_start3A_491 : memref<1x512xf32, #tpu.memory_space<vmem>> -> memref<512xf32, #tpu.memory_space<vmem>>
      %dma_start3A_493 = arith.constant 0 : i32
      %dma_start3A_494 = tpu.memref_slice %arg14[%dma_start3A_489, %dma_start3A_493] : memref<20x512xi32, #tpu.memory_space<vmem>> -> memref<1x512xi32, #tpu.memory_space<vmem>>
      %dma_start3A_495 = tpu.memref_squeeze %dma_start3A_494 : memref<1x512xi32, #tpu.memory_space<vmem>> -> memref<512xi32, #tpu.memory_space<vmem>>
      %dma_start3A_496 = arith.constant 0 : i32
      %dma_start3A_497 = tpu.memref_slice %arg12[%dma_start3A_496] : memref<102400xf32, #tpu.memory_space<vmem_shared>> -> memref<102400xf32, #tpu.memory_space<vmem_shared>>
      tpu.enqueue_indirect_dma source(%dma_start3A_492 : memref<512xf32, #tpu.memory_space<vmem>>) target(%dma_start3A_497 : memref<102400xf32, #tpu.memory_space<vmem_shared>>) offsets(%dma_start3A_495 : memref<512xi32, #tpu.memory_space<vmem>>) semaphore(%arg21 : memref<!tpu.dma_semaphore, #tpu.memory_space<semaphore_mem>>) {add = true}
      %dma_wait3A_498 = arith.constant 2 : i32
      %dma_wait3A_499 = arith.constant 2 : i32
      %dma_wait3A_500 = arith.constant 0 : i32
      %dma_wait3A_501 = tpu.memref_slice %arg15[%dma_wait3A_499, %dma_wait3A_500] : memref<20x512xf32, #tpu.memory_space<vmem>> -> memref<1x512xf32, #tpu.memory_space<vmem>>
      %dma_wait3A_502 = tpu.memref_squeeze %dma_wait3A_501 : memref<1x512xf32, #tpu.memory_space<vmem>> -> memref<512xf32, #tpu.memory_space<vmem>>
      %dma_wait3A_503 = arith.constant 0 : i32
      %dma_wait3A_504 = tpu.memref_slice %arg13[%dma_wait3A_498, %dma_wait3A_503] : memref<20x512xi32, #tpu.memory_space<vmem>> -> memref<1x512xi32, #tpu.memory_space<vmem>>
      %dma_wait3A_505 = tpu.memref_squeeze %dma_wait3A_504 : memref<1x512xi32, #tpu.memory_space<vmem>> -> memref<512xi32, #tpu.memory_space<vmem>>
      %dma_wait3A_506 = arith.constant 0 : i32
      %dma_wait3A_507 = tpu.memref_slice %arg9[%dma_wait3A_506] : memref<102400xf32, #tpu.memory_space<vmem_shared>> -> memref<102400xf32, #tpu.memory_space<vmem_shared>>
      tpu.wait_indirect_dma semaphore(%arg18 : memref<!tpu.dma_semaphore, #tpu.memory_space<semaphore_mem>>) src(%dma_wait3A_507 : memref<102400xf32, #tpu.memory_space<vmem_shared>>) dst(%dma_wait3A_502 : memref<512xf32, #tpu.memory_space<vmem>>)
      %dma_start3A_508 = arith.constant 2 : i32
      %dma_start3A_509 = arith.constant 2 : i32
      %dma_start3A_510 = arith.constant 0 : i32
      %dma_start3A_511 = tpu.memref_slice %arg15[%dma_start3A_508, %dma_start3A_510] : memref<20x512xf32, #tpu.memory_space<vmem>> -> memref<1x512xf32, #tpu.memory_space<vmem>>
      %dma_start3A_512 = tpu.memref_squeeze %dma_start3A_511 : memref<1x512xf32, #tpu.memory_space<vmem>> -> memref<512xf32, #tpu.memory_space<vmem>>
      %dma_start3A_513 = arith.constant 0 : i32
      %dma_start3A_514 = tpu.memref_slice %arg14[%dma_start3A_509, %dma_start3A_513] : memref<20x512xi32, #tpu.memory_space<vmem>> -> memref<1x512xi32, #tpu.memory_space<vmem>>
      %dma_start3A_515 = tpu.memref_squeeze %dma_start3A_514 : memref<1x512xi32, #tpu.memory_space<vmem>> -> memref<512xi32, #tpu.memory_space<vmem>>
      %dma_start3A_516 = arith.constant 0 : i32
      %dma_start3A_517 = tpu.memref_slice %arg11[%dma_start3A_516] : memref<102400xf32, #tpu.memory_space<vmem_shared>> -> memref<102400xf32, #tpu.memory_space<vmem_shared>>
      tpu.enqueue_indirect_dma source(%dma_start3A_512 : memref<512xf32, #tpu.memory_space<vmem>>) target(%dma_start3A_517 : memref<102400xf32, #tpu.memory_space<vmem_shared>>) offsets(%dma_start3A_515 : memref<512xi32, #tpu.memory_space<vmem>>) semaphore(%arg20 : memref<!tpu.dma_semaphore, #tpu.memory_space<semaphore_mem>>) {add = true}
      %dma_wait3A_518 = arith.constant 2 : i32
      %dma_wait3A_519 = arith.constant 2 : i32
      %dma_wait3A_520 = arith.constant 0 : i32
      %dma_wait3A_521 = tpu.memref_slice %arg16[%dma_wait3A_519, %dma_wait3A_520] : memref<20x512xf32, #tpu.memory_space<vmem>> -> memref<1x512xf32, #tpu.memory_space<vmem>>
      %dma_wait3A_522 = tpu.memref_squeeze %dma_wait3A_521 : memref<1x512xf32, #tpu.memory_space<vmem>> -> memref<512xf32, #tpu.memory_space<vmem>>
      %dma_wait3A_523 = arith.constant 0 : i32
      %dma_wait3A_524 = tpu.memref_slice %arg13[%dma_wait3A_518, %dma_wait3A_523] : memref<20x512xi32, #tpu.memory_space<vmem>> -> memref<1x512xi32, #tpu.memory_space<vmem>>
      %dma_wait3A_525 = tpu.memref_squeeze %dma_wait3A_524 : memref<1x512xi32, #tpu.memory_space<vmem>> -> memref<512xi32, #tpu.memory_space<vmem>>
      %dma_wait3A_526 = arith.constant 0 : i32
      %dma_wait3A_527 = tpu.memref_slice %arg10[%dma_wait3A_526] : memref<102400xf32, #tpu.memory_space<vmem_shared>> -> memref<102400xf32, #tpu.memory_space<vmem_shared>>
      tpu.wait_indirect_dma semaphore(%arg19 : memref<!tpu.dma_semaphore, #tpu.memory_space<semaphore_mem>>) src(%dma_wait3A_527 : memref<102400xf32, #tpu.memory_space<vmem_shared>>) dst(%dma_wait3A_522 : memref<512xf32, #tpu.memory_space<vmem>>)
      %dma_start3A_528 = arith.constant 2 : i32
      %dma_start3A_529 = arith.constant 2 : i32
      %dma_start3A_530 = arith.constant 0 : i32
      %dma_start3A_531 = tpu.memref_slice %arg16[%dma_start3A_528, %dma_start3A_530] : memref<20x512xf32, #tpu.memory_space<vmem>> -> memref<1x512xf32, #tpu.memory_space<vmem>>
      %dma_start3A_532 = tpu.memref_squeeze %dma_start3A_531 : memref<1x512xf32, #tpu.memory_space<vmem>> -> memref<512xf32, #tpu.memory_space<vmem>>
      %dma_start3A_533 = arith.constant 0 : i32
      %dma_start3A_534 = tpu.memref_slice %arg14[%dma_start3A_529, %dma_start3A_533] : memref<20x512xi32, #tpu.memory_space<vmem>> -> memref<1x512xi32, #tpu.memory_space<vmem>>
      %dma_start3A_535 = tpu.memref_squeeze %dma_start3A_534 : memref<1x512xi32, #tpu.memory_space<vmem>> -> memref<512xi32, #tpu.memory_space<vmem>>
      %dma_start3A_536 = arith.constant 0 : i32
      %dma_start3A_537 = tpu.memref_slice %arg12[%dma_start3A_536] : memref<102400xf32, #tpu.memory_space<vmem_shared>> -> memref<102400xf32, #tpu.memory_space<vmem_shared>>
      tpu.enqueue_indirect_dma source(%dma_start3A_532 : memref<512xf32, #tpu.memory_space<vmem>>) target(%dma_start3A_537 : memref<102400xf32, #tpu.memory_space<vmem_shared>>) offsets(%dma_start3A_535 : memref<512xi32, #tpu.memory_space<vmem>>) semaphore(%arg21 : memref<!tpu.dma_semaphore, #tpu.memory_space<semaphore_mem>>) {add = true}
      %dma_wait3A_538 = arith.constant 3 : i32
      %dma_wait3A_539 = arith.constant 3 : i32
      %dma_wait3A_540 = arith.constant 0 : i32
      %dma_wait3A_541 = tpu.memref_slice %arg15[%dma_wait3A_539, %dma_wait3A_540] : memref<20x512xf32, #tpu.memory_space<vmem>> -> memref<1x512xf32, #tpu.memory_space<vmem>>
      %dma_wait3A_542 = tpu.memref_squeeze %dma_wait3A_541 : memref<1x512xf32, #tpu.memory_space<vmem>> -> memref<512xf32, #tpu.memory_space<vmem>>
      %dma_wait3A_543 = arith.constant 0 : i32
      %dma_wait3A_544 = tpu.memref_slice %arg13[%dma_wait3A_538, %dma_wait3A_543] : memref<20x512xi32, #tpu.memory_space<vmem>> -> memref<1x512xi32, #tpu.memory_space<vmem>>
      %dma_wait3A_545 = tpu.memref_squeeze %dma_wait3A_544 : memref<1x512xi32, #tpu.memory_space<vmem>> -> memref<512xi32, #tpu.memory_space<vmem>>
      %dma_wait3A_546 = arith.constant 0 : i32
      %dma_wait3A_547 = tpu.memref_slice %arg9[%dma_wait3A_546] : memref<102400xf32, #tpu.memory_space<vmem_shared>> -> memref<102400xf32, #tpu.memory_space<vmem_shared>>
      tpu.wait_indirect_dma semaphore(%arg18 : memref<!tpu.dma_semaphore, #tpu.memory_space<semaphore_mem>>) src(%dma_wait3A_547 : memref<102400xf32, #tpu.memory_space<vmem_shared>>) dst(%dma_wait3A_542 : memref<512xf32, #tpu.memory_space<vmem>>)
      %dma_start3A_548 = arith.constant 3 : i32
      %dma_start3A_549 = arith.constant 3 : i32
      %dma_start3A_550 = arith.constant 0 : i32
      %dma_start3A_551 = tpu.memref_slice %arg15[%dma_start3A_548, %dma_start3A_550] : memref<20x512xf32, #tpu.memory_space<vmem>> -> memref<1x512xf32, #tpu.memory_space<vmem>>
      %dma_start3A_552 = tpu.memref_squeeze %dma_start3A_551 : memref<1x512xf32, #tpu.memory_space<vmem>> -> memref<512xf32, #tpu.memory_space<vmem>>
      %dma_start3A_553 = arith.constant 0 : i32
      %dma_start3A_554 = tpu.memref_slice %arg14[%dma_start3A_549, %dma_start3A_553] : memref<20x512xi32, #tpu.memory_space<vmem>> -> memref<1x512xi32, #tpu.memory_space<vmem>>
      %dma_start3A_555 = tpu.memref_squeeze %dma_start3A_554 : memref<1x512xi32, #tpu.memory_space<vmem>> -> memref<512xi32, #tpu.memory_space<vmem>>
      %dma_start3A_556 = arith.constant 0 : i32
      %dma_start3A_557 = tpu.memref_slice %arg11[%dma_start3A_556] : memref<102400xf32, #tpu.memory_space<vmem_shared>> -> memref<102400xf32, #tpu.memory_space<vmem_shared>>
      tpu.enqueue_indirect_dma source(%dma_start3A_552 : memref<512xf32, #tpu.memory_space<vmem>>) target(%dma_start3A_557 : memref<102400xf32, #tpu.memory_space<vmem_shared>>) offsets(%dma_start3A_555 : memref<512xi32, #tpu.memory_space<vmem>>) semaphore(%arg20 : memref<!tpu.dma_semaphore, #tpu.memory_space<semaphore_mem>>) {add = true}
      %dma_wait3A_558 = arith.constant 3 : i32
      %dma_wait3A_559 = arith.constant 3 : i32
      %dma_wait3A_560 = arith.constant 0 : i32
      %dma_wait3A_561 = tpu.memref_slice %arg16[%dma_wait3A_559, %dma_wait3A_560] : memref<20x512xf32, #tpu.memory_space<vmem>> -> memref<1x512xf32, #tpu.memory_space<vmem>>
      %dma_wait3A_562 = tpu.memref_squeeze %dma_wait3A_561 : memref<1x512xf32, #tpu.memory_space<vmem>> -> memref<512xf32, #tpu.memory_space<vmem>>
      %dma_wait3A_563 = arith.constant 0 : i32
      %dma_wait3A_564 = tpu.memref_slice %arg13[%dma_wait3A_558, %dma_wait3A_563] : memref<20x512xi32, #tpu.memory_space<vmem>> -> memref<1x512xi32, #tpu.memory_space<vmem>>
      %dma_wait3A_565 = tpu.memref_squeeze %dma_wait3A_564 : memref<1x512xi32, #tpu.memory_space<vmem>> -> memref<512xi32, #tpu.memory_space<vmem>>
      %dma_wait3A_566 = arith.constant 0 : i32
      %dma_wait3A_567 = tpu.memref_slice %arg10[%dma_wait3A_566] : memref<102400xf32, #tpu.memory_space<vmem_shared>> -> memref<102400xf32, #tpu.memory_space<vmem_shared>>
      tpu.wait_indirect_dma semaphore(%arg19 : memref<!tpu.dma_semaphore, #tpu.memory_space<semaphore_mem>>) src(%dma_wait3A_567 : memref<102400xf32, #tpu.memory_space<vmem_shared>>) dst(%dma_wait3A_562 : memref<512xf32, #tpu.memory_space<vmem>>)
      %dma_start3A_568 = arith.constant 3 : i32
      %dma_start3A_569 = arith.constant 3 : i32
      %dma_start3A_570 = arith.constant 0 : i32
      %dma_start3A_571 = tpu.memref_slice %arg16[%dma_start3A_568, %dma_start3A_570] : memref<20x512xf32, #tpu.memory_space<vmem>> -> memref<1x512xf32, #tpu.memory_space<vmem>>
      %dma_start3A_572 = tpu.memref_squeeze %dma_start3A_571 : memref<1x512xf32, #tpu.memory_space<vmem>> -> memref<512xf32, #tpu.memory_space<vmem>>
      %dma_start3A_573 = arith.constant 0 : i32
      %dma_start3A_574 = tpu.memref_slice %arg14[%dma_start3A_569, %dma_start3A_573] : memref<20x512xi32, #tpu.memory_space<vmem>> -> memref<1x512xi32, #tpu.memory_space<vmem>>
      %dma_start3A_575 = tpu.memref_squeeze %dma_start3A_574 : memref<1x512xi32, #tpu.memory_space<vmem>> -> memref<512xi32, #tpu.memory_space<vmem>>
      %dma_start3A_576 = arith.constant 0 : i32
      %dma_start3A_577 = tpu.memref_slice %arg12[%dma_start3A_576] : memref<102400xf32, #tpu.memory_space<vmem_shared>> -> memref<102400xf32, #tpu.memory_space<vmem_shared>>
      tpu.enqueue_indirect_dma source(%dma_start3A_572 : memref<512xf32, #tpu.memory_space<vmem>>) target(%dma_start3A_577 : memref<102400xf32, #tpu.memory_space<vmem_shared>>) offsets(%dma_start3A_575 : memref<512xi32, #tpu.memory_space<vmem>>) semaphore(%arg21 : memref<!tpu.dma_semaphore, #tpu.memory_space<semaphore_mem>>) {add = true}
      %dma_wait3A_578 = arith.constant 4 : i32
      %dma_wait3A_579 = arith.constant 4 : i32
      %dma_wait3A_580 = arith.constant 0 : i32
      %dma_wait3A_581 = tpu.memref_slice %arg15[%dma_wait3A_579, %dma_wait3A_580] : memref<20x512xf32, #tpu.memory_space<vmem>> -> memref<1x512xf32, #tpu.memory_space<vmem>>
      %dma_wait3A_582 = tpu.memref_squeeze %dma_wait3A_581 : memref<1x512xf32, #tpu.memory_space<vmem>> -> memref<512xf32, #tpu.memory_space<vmem>>
      %dma_wait3A_583 = arith.constant 0 : i32
      %dma_wait3A_584 = tpu.memref_slice %arg13[%dma_wait3A_578, %dma_wait3A_583] : memref<20x512xi32, #tpu.memory_space<vmem>> -> memref<1x512xi32, #tpu.memory_space<vmem>>
      %dma_wait3A_585 = tpu.memref_squeeze %dma_wait3A_584 : memref<1x512xi32, #tpu.memory_space<vmem>> -> memref<512xi32, #tpu.memory_space<vmem>>
      %dma_wait3A_586 = arith.constant 0 : i32
      %dma_wait3A_587 = tpu.memref_slice %arg9[%dma_wait3A_586] : memref<102400xf32, #tpu.memory_space<vmem_shared>> -> memref<102400xf32, #tpu.memory_space<vmem_shared>>
      tpu.wait_indirect_dma semaphore(%arg18 : memref<!tpu.dma_semaphore, #tpu.memory_space<semaphore_mem>>) src(%dma_wait3A_587 : memref<102400xf32, #tpu.memory_space<vmem_shared>>) dst(%dma_wait3A_582 : memref<512xf32, #tpu.memory_space<vmem>>)
      %dma_start3A_588 = arith.constant 4 : i32
      %dma_start3A_589 = arith.constant 4 : i32
      %dma_start3A_590 = arith.constant 0 : i32
      %dma_start3A_591 = tpu.memref_slice %arg15[%dma_start3A_588, %dma_start3A_590] : memref<20x512xf32, #tpu.memory_space<vmem>> -> memref<1x512xf32, #tpu.memory_space<vmem>>
      %dma_start3A_592 = tpu.memref_squeeze %dma_start3A_591 : memref<1x512xf32, #tpu.memory_space<vmem>> -> memref<512xf32, #tpu.memory_space<vmem>>
      %dma_start3A_593 = arith.constant 0 : i32
      %dma_start3A_594 = tpu.memref_slice %arg14[%dma_start3A_589, %dma_start3A_593] : memref<20x512xi32, #tpu.memory_space<vmem>> -> memref<1x512xi32, #tpu.memory_space<vmem>>
      %dma_start3A_595 = tpu.memref_squeeze %dma_start3A_594 : memref<1x512xi32, #tpu.memory_space<vmem>> -> memref<512xi32, #tpu.memory_space<vmem>>
      %dma_start3A_596 = arith.constant 0 : i32
      %dma_start3A_597 = tpu.memref_slice %arg11[%dma_start3A_596] : memref<102400xf32, #tpu.memory_space<vmem_shared>> -> memref<102400xf32, #tpu.memory_space<vmem_shared>>
      tpu.enqueue_indirect_dma source(%dma_start3A_592 : memref<512xf32, #tpu.memory_space<vmem>>) target(%dma_start3A_597 : memref<102400xf32, #tpu.memory_space<vmem_shared>>) offsets(%dma_start3A_595 : memref<512xi32, #tpu.memory_space<vmem>>) semaphore(%arg20 : memref<!tpu.dma_semaphore, #tpu.memory_space<semaphore_mem>>) {add = true}
      %dma_wait3A_598 = arith.constant 4 : i32
      %dma_wait3A_599 = arith.constant 4 : i32
      %dma_wait3A_600 = arith.constant 0 : i32
      %dma_wait3A_601 = tpu.memref_slice %arg16[%dma_wait3A_599, %dma_wait3A_600] : memref<20x512xf32, #tpu.memory_space<vmem>> -> memref<1x512xf32, #tpu.memory_space<vmem>>
      %dma_wait3A_602 = tpu.memref_squeeze %dma_wait3A_601 : memref<1x512xf32, #tpu.memory_space<vmem>> -> memref<512xf32, #tpu.memory_space<vmem>>
      %dma_wait3A_603 = arith.constant 0 : i32
      %dma_wait3A_604 = tpu.memref_slice %arg13[%dma_wait3A_598, %dma_wait3A_603] : memref<20x512xi32, #tpu.memory_space<vmem>> -> memref<1x512xi32, #tpu.memory_space<vmem>>
      %dma_wait3A_605 = tpu.memref_squeeze %dma_wait3A_604 : memref<1x512xi32, #tpu.memory_space<vmem>> -> memref<512xi32, #tpu.memory_space<vmem>>
      %dma_wait3A_606 = arith.constant 0 : i32
      %dma_wait3A_607 = tpu.memref_slice %arg10[%dma_wait3A_606] : memref<102400xf32, #tpu.memory_space<vmem_shared>> -> memref<102400xf32, #tpu.memory_space<vmem_shared>>
      tpu.wait_indirect_dma semaphore(%arg19 : memref<!tpu.dma_semaphore, #tpu.memory_space<semaphore_mem>>) src(%dma_wait3A_607 : memref<102400xf32, #tpu.memory_space<vmem_shared>>) dst(%dma_wait3A_602 : memref<512xf32, #tpu.memory_space<vmem>>)
      %dma_start3A_608 = arith.constant 4 : i32
      %dma_start3A_609 = arith.constant 4 : i32
      %dma_start3A_610 = arith.constant 0 : i32
      %dma_start3A_611 = tpu.memref_slice %arg16[%dma_start3A_608, %dma_start3A_610] : memref<20x512xf32, #tpu.memory_space<vmem>> -> memref<1x512xf32, #tpu.memory_space<vmem>>
      %dma_start3A_612 = tpu.memref_squeeze %dma_start3A_611 : memref<1x512xf32, #tpu.memory_space<vmem>> -> memref<512xf32, #tpu.memory_space<vmem>>
      %dma_start3A_613 = arith.constant 0 : i32
      %dma_start3A_614 = tpu.memref_slice %arg14[%dma_start3A_609, %dma_start3A_613] : memref<20x512xi32, #tpu.memory_space<vmem>> -> memref<1x512xi32, #tpu.memory_space<vmem>>
      %dma_start3A_615 = tpu.memref_squeeze %dma_start3A_614 : memref<1x512xi32, #tpu.memory_space<vmem>> -> memref<512xi32, #tpu.memory_space<vmem>>
      %dma_start3A_616 = arith.constant 0 : i32
      %dma_start3A_617 = tpu.memref_slice %arg12[%dma_start3A_616] : memref<102400xf32, #tpu.memory_space<vmem_shared>> -> memref<102400xf32, #tpu.memory_space<vmem_shared>>
      tpu.enqueue_indirect_dma source(%dma_start3A_612 : memref<512xf32, #tpu.memory_space<vmem>>) target(%dma_start3A_617 : memref<102400xf32, #tpu.memory_space<vmem_shared>>) offsets(%dma_start3A_615 : memref<512xi32, #tpu.memory_space<vmem>>) semaphore(%arg21 : memref<!tpu.dma_semaphore, #tpu.memory_space<semaphore_mem>>) {add = true}
      %dma_wait3A_618 = arith.constant 5 : i32
      %dma_wait3A_619 = arith.constant 5 : i32
      %dma_wait3A_620 = arith.constant 0 : i32
      %dma_wait3A_621 = tpu.memref_slice %arg15[%dma_wait3A_619, %dma_wait3A_620] : memref<20x512xf32, #tpu.memory_space<vmem>> -> memref<1x512xf32, #tpu.memory_space<vmem>>
      %dma_wait3A_622 = tpu.memref_squeeze %dma_wait3A_621 : memref<1x512xf32, #tpu.memory_space<vmem>> -> memref<512xf32, #tpu.memory_space<vmem>>
      %dma_wait3A_623 = arith.constant 0 : i32
      %dma_wait3A_624 = tpu.memref_slice %arg13[%dma_wait3A_618, %dma_wait3A_623] : memref<20x512xi32, #tpu.memory_space<vmem>> -> memref<1x512xi32, #tpu.memory_space<vmem>>
      %dma_wait3A_625 = tpu.memref_squeeze %dma_wait3A_624 : memref<1x512xi32, #tpu.memory_space<vmem>> -> memref<512xi32, #tpu.memory_space<vmem>>
      %dma_wait3A_626 = arith.constant 0 : i32
      %dma_wait3A_627 = tpu.memref_slice %arg9[%dma_wait3A_626] : memref<102400xf32, #tpu.memory_space<vmem_shared>> -> memref<102400xf32, #tpu.memory_space<vmem_shared>>
      tpu.wait_indirect_dma semaphore(%arg18 : memref<!tpu.dma_semaphore, #tpu.memory_space<semaphore_mem>>) src(%dma_wait3A_627 : memref<102400xf32, #tpu.memory_space<vmem_shared>>) dst(%dma_wait3A_622 : memref<512xf32, #tpu.memory_space<vmem>>)
      %dma_start3A_628 = arith.constant 5 : i32
      %dma_start3A_629 = arith.constant 5 : i32
      %dma_start3A_630 = arith.constant 0 : i32
      %dma_start3A_631 = tpu.memref_slice %arg15[%dma_start3A_628, %dma_start3A_630] : memref<20x512xf32, #tpu.memory_space<vmem>> -> memref<1x512xf32, #tpu.memory_space<vmem>>
      %dma_start3A_632 = tpu.memref_squeeze %dma_start3A_631 : memref<1x512xf32, #tpu.memory_space<vmem>> -> memref<512xf32, #tpu.memory_space<vmem>>
      %dma_start3A_633 = arith.constant 0 : i32
      %dma_start3A_634 = tpu.memref_slice %arg14[%dma_start3A_629, %dma_start3A_633] : memref<20x512xi32, #tpu.memory_space<vmem>> -> memref<1x512xi32, #tpu.memory_space<vmem>>
      %dma_start3A_635 = tpu.memref_squeeze %dma_start3A_634 : memref<1x512xi32, #tpu.memory_space<vmem>> -> memref<512xi32, #tpu.memory_space<vmem>>
      %dma_start3A_636 = arith.constant 0 : i32
      %dma_start3A_637 = tpu.memref_slice %arg11[%dma_start3A_636] : memref<102400xf32, #tpu.memory_space<vmem_shared>> -> memref<102400xf32, #tpu.memory_space<vmem_shared>>
      tpu.enqueue_indirect_dma source(%dma_start3A_632 : memref<512xf32, #tpu.memory_space<vmem>>) target(%dma_start3A_637 : memref<102400xf32, #tpu.memory_space<vmem_shared>>) offsets(%dma_start3A_635 : memref<512xi32, #tpu.memory_space<vmem>>) semaphore(%arg20 : memref<!tpu.dma_semaphore, #tpu.memory_space<semaphore_mem>>) {add = true}
      %dma_wait3A_638 = arith.constant 5 : i32
      %dma_wait3A_639 = arith.constant 5 : i32
      %dma_wait3A_640 = arith.constant 0 : i32
      %dma_wait3A_641 = tpu.memref_slice %arg16[%dma_wait3A_639, %dma_wait3A_640] : memref<20x512xf32, #tpu.memory_space<vmem>> -> memref<1x512xf32, #tpu.memory_space<vmem>>
      %dma_wait3A_642 = tpu.memref_squeeze %dma_wait3A_641 : memref<1x512xf32, #tpu.memory_space<vmem>> -> memref<512xf32, #tpu.memory_space<vmem>>
      %dma_wait3A_643 = arith.constant 0 : i32
      %dma_wait3A_644 = tpu.memref_slice %arg13[%dma_wait3A_638, %dma_wait3A_643] : memref<20x512xi32, #tpu.memory_space<vmem>> -> memref<1x512xi32, #tpu.memory_space<vmem>>
      %dma_wait3A_645 = tpu.memref_squeeze %dma_wait3A_644 : memref<1x512xi32, #tpu.memory_space<vmem>> -> memref<512xi32, #tpu.memory_space<vmem>>
      %dma_wait3A_646 = arith.constant 0 : i32
      %dma_wait3A_647 = tpu.memref_slice %arg10[%dma_wait3A_646] : memref<102400xf32, #tpu.memory_space<vmem_shared>> -> memref<102400xf32, #tpu.memory_space<vmem_shared>>
      tpu.wait_indirect_dma semaphore(%arg19 : memref<!tpu.dma_semaphore, #tpu.memory_space<semaphore_mem>>) src(%dma_wait3A_647 : memref<102400xf32, #tpu.memory_space<vmem_shared>>) dst(%dma_wait3A_642 : memref<512xf32, #tpu.memory_space<vmem>>)
      %dma_start3A_648 = arith.constant 5 : i32
      %dma_start3A_649 = arith.constant 5 : i32
      %dma_start3A_650 = arith.constant 0 : i32
      %dma_start3A_651 = tpu.memref_slice %arg16[%dma_start3A_648, %dma_start3A_650] : memref<20x512xf32, #tpu.memory_space<vmem>> -> memref<1x512xf32, #tpu.memory_space<vmem>>
      %dma_start3A_652 = tpu.memref_squeeze %dma_start3A_651 : memref<1x512xf32, #tpu.memory_space<vmem>> -> memref<512xf32, #tpu.memory_space<vmem>>
      %dma_start3A_653 = arith.constant 0 : i32
      %dma_start3A_654 = tpu.memref_slice %arg14[%dma_start3A_649, %dma_start3A_653] : memref<20x512xi32, #tpu.memory_space<vmem>> -> memref<1x512xi32, #tpu.memory_space<vmem>>
      %dma_start3A_655 = tpu.memref_squeeze %dma_start3A_654 : memref<1x512xi32, #tpu.memory_space<vmem>> -> memref<512xi32, #tpu.memory_space<vmem>>
      %dma_start3A_656 = arith.constant 0 : i32
      %dma_start3A_657 = tpu.memref_slice %arg12[%dma_start3A_656] : memref<102400xf32, #tpu.memory_space<vmem_shared>> -> memref<102400xf32, #tpu.memory_space<vmem_shared>>
      tpu.enqueue_indirect_dma source(%dma_start3A_652 : memref<512xf32, #tpu.memory_space<vmem>>) target(%dma_start3A_657 : memref<102400xf32, #tpu.memory_space<vmem_shared>>) offsets(%dma_start3A_655 : memref<512xi32, #tpu.memory_space<vmem>>) semaphore(%arg21 : memref<!tpu.dma_semaphore, #tpu.memory_space<semaphore_mem>>) {add = true}
      %dma_wait3A_658 = arith.constant 6 : i32
      %dma_wait3A_659 = arith.constant 6 : i32
      %dma_wait3A_660 = arith.constant 0 : i32
      %dma_wait3A_661 = tpu.memref_slice %arg15[%dma_wait3A_659, %dma_wait3A_660] : memref<20x512xf32, #tpu.memory_space<vmem>> -> memref<1x512xf32, #tpu.memory_space<vmem>>
      %dma_wait3A_662 = tpu.memref_squeeze %dma_wait3A_661 : memref<1x512xf32, #tpu.memory_space<vmem>> -> memref<512xf32, #tpu.memory_space<vmem>>
      %dma_wait3A_663 = arith.constant 0 : i32
      %dma_wait3A_664 = tpu.memref_slice %arg13[%dma_wait3A_658, %dma_wait3A_663] : memref<20x512xi32, #tpu.memory_space<vmem>> -> memref<1x512xi32, #tpu.memory_space<vmem>>
      %dma_wait3A_665 = tpu.memref_squeeze %dma_wait3A_664 : memref<1x512xi32, #tpu.memory_space<vmem>> -> memref<512xi32, #tpu.memory_space<vmem>>
      %dma_wait3A_666 = arith.constant 0 : i32
      %dma_wait3A_667 = tpu.memref_slice %arg9[%dma_wait3A_666] : memref<102400xf32, #tpu.memory_space<vmem_shared>> -> memref<102400xf32, #tpu.memory_space<vmem_shared>>
      tpu.wait_indirect_dma semaphore(%arg18 : memref<!tpu.dma_semaphore, #tpu.memory_space<semaphore_mem>>) src(%dma_wait3A_667 : memref<102400xf32, #tpu.memory_space<vmem_shared>>) dst(%dma_wait3A_662 : memref<512xf32, #tpu.memory_space<vmem>>)
      %dma_start3A_668 = arith.constant 6 : i32
      %dma_start3A_669 = arith.constant 6 : i32
      %dma_start3A_670 = arith.constant 0 : i32
      %dma_start3A_671 = tpu.memref_slice %arg15[%dma_start3A_668, %dma_start3A_670] : memref<20x512xf32, #tpu.memory_space<vmem>> -> memref<1x512xf32, #tpu.memory_space<vmem>>
      %dma_start3A_672 = tpu.memref_squeeze %dma_start3A_671 : memref<1x512xf32, #tpu.memory_space<vmem>> -> memref<512xf32, #tpu.memory_space<vmem>>
      %dma_start3A_673 = arith.constant 0 : i32
      %dma_start3A_674 = tpu.memref_slice %arg14[%dma_start3A_669, %dma_start3A_673] : memref<20x512xi32, #tpu.memory_space<vmem>> -> memref<1x512xi32, #tpu.memory_space<vmem>>
      %dma_start3A_675 = tpu.memref_squeeze %dma_start3A_674 : memref<1x512xi32, #tpu.memory_space<vmem>> -> memref<512xi32, #tpu.memory_space<vmem>>
      %dma_start3A_676 = arith.constant 0 : i32
      %dma_start3A_677 = tpu.memref_slice %arg11[%dma_start3A_676] : memref<102400xf32, #tpu.memory_space<vmem_shared>> -> memref<102400xf32, #tpu.memory_space<vmem_shared>>
      tpu.enqueue_indirect_dma source(%dma_start3A_672 : memref<512xf32, #tpu.memory_space<vmem>>) target(%dma_start3A_677 : memref<102400xf32, #tpu.memory_space<vmem_shared>>) offsets(%dma_start3A_675 : memref<512xi32, #tpu.memory_space<vmem>>) semaphore(%arg20 : memref<!tpu.dma_semaphore, #tpu.memory_space<semaphore_mem>>) {add = true}
      %dma_wait3A_678 = arith.constant 6 : i32
      %dma_wait3A_679 = arith.constant 6 : i32
      %dma_wait3A_680 = arith.constant 0 : i32
      %dma_wait3A_681 = tpu.memref_slice %arg16[%dma_wait3A_679, %dma_wait3A_680] : memref<20x512xf32, #tpu.memory_space<vmem>> -> memref<1x512xf32, #tpu.memory_space<vmem>>
      %dma_wait3A_682 = tpu.memref_squeeze %dma_wait3A_681 : memref<1x512xf32, #tpu.memory_space<vmem>> -> memref<512xf32, #tpu.memory_space<vmem>>
      %dma_wait3A_683 = arith.constant 0 : i32
      %dma_wait3A_684 = tpu.memref_slice %arg13[%dma_wait3A_678, %dma_wait3A_683] : memref<20x512xi32, #tpu.memory_space<vmem>> -> memref<1x512xi32, #tpu.memory_space<vmem>>
      %dma_wait3A_685 = tpu.memref_squeeze %dma_wait3A_684 : memref<1x512xi32, #tpu.memory_space<vmem>> -> memref<512xi32, #tpu.memory_space<vmem>>
      %dma_wait3A_686 = arith.constant 0 : i32
      %dma_wait3A_687 = tpu.memref_slice %arg10[%dma_wait3A_686] : memref<102400xf32, #tpu.memory_space<vmem_shared>> -> memref<102400xf32, #tpu.memory_space<vmem_shared>>
      tpu.wait_indirect_dma semaphore(%arg19 : memref<!tpu.dma_semaphore, #tpu.memory_space<semaphore_mem>>) src(%dma_wait3A_687 : memref<102400xf32, #tpu.memory_space<vmem_shared>>) dst(%dma_wait3A_682 : memref<512xf32, #tpu.memory_space<vmem>>)
      %dma_start3A_688 = arith.constant 6 : i32
      %dma_start3A_689 = arith.constant 6 : i32
      %dma_start3A_690 = arith.constant 0 : i32
      %dma_start3A_691 = tpu.memref_slice %arg16[%dma_start3A_688, %dma_start3A_690] : memref<20x512xf32, #tpu.memory_space<vmem>> -> memref<1x512xf32, #tpu.memory_space<vmem>>
      %dma_start3A_692 = tpu.memref_squeeze %dma_start3A_691 : memref<1x512xf32, #tpu.memory_space<vmem>> -> memref<512xf32, #tpu.memory_space<vmem>>
      %dma_start3A_693 = arith.constant 0 : i32
      %dma_start3A_694 = tpu.memref_slice %arg14[%dma_start3A_689, %dma_start3A_693] : memref<20x512xi32, #tpu.memory_space<vmem>> -> memref<1x512xi32, #tpu.memory_space<vmem>>
      %dma_start3A_695 = tpu.memref_squeeze %dma_start3A_694 : memref<1x512xi32, #tpu.memory_space<vmem>> -> memref<512xi32, #tpu.memory_space<vmem>>
      %dma_start3A_696 = arith.constant 0 : i32
      %dma_start3A_697 = tpu.memref_slice %arg12[%dma_start3A_696] : memref<102400xf32, #tpu.memory_space<vmem_shared>> -> memref<102400xf32, #tpu.memory_space<vmem_shared>>
      tpu.enqueue_indirect_dma source(%dma_start3A_692 : memref<512xf32, #tpu.memory_space<vmem>>) target(%dma_start3A_697 : memref<102400xf32, #tpu.memory_space<vmem_shared>>) offsets(%dma_start3A_695 : memref<512xi32, #tpu.memory_space<vmem>>) semaphore(%arg21 : memref<!tpu.dma_semaphore, #tpu.memory_space<semaphore_mem>>) {add = true}
      %dma_wait3A_698 = arith.constant 7 : i32
      %dma_wait3A_699 = arith.constant 7 : i32
      %dma_wait3A_700 = arith.constant 0 : i32
      %dma_wait3A_701 = tpu.memref_slice %arg15[%dma_wait3A_699, %dma_wait3A_700] : memref<20x512xf32, #tpu.memory_space<vmem>> -> memref<1x512xf32, #tpu.memory_space<vmem>>
      %dma_wait3A_702 = tpu.memref_squeeze %dma_wait3A_701 : memref<1x512xf32, #tpu.memory_space<vmem>> -> memref<512xf32, #tpu.memory_space<vmem>>
      %dma_wait3A_703 = arith.constant 0 : i32
      %dma_wait3A_704 = tpu.memref_slice %arg13[%dma_wait3A_698, %dma_wait3A_703] : memref<20x512xi32, #tpu.memory_space<vmem>> -> memref<1x512xi32, #tpu.memory_space<vmem>>
      %dma_wait3A_705 = tpu.memref_squeeze %dma_wait3A_704 : memref<1x512xi32, #tpu.memory_space<vmem>> -> memref<512xi32, #tpu.memory_space<vmem>>
      %dma_wait3A_706 = arith.constant 0 : i32
      %dma_wait3A_707 = tpu.memref_slice %arg9[%dma_wait3A_706] : memref<102400xf32, #tpu.memory_space<vmem_shared>> -> memref<102400xf32, #tpu.memory_space<vmem_shared>>
      tpu.wait_indirect_dma semaphore(%arg18 : memref<!tpu.dma_semaphore, #tpu.memory_space<semaphore_mem>>) src(%dma_wait3A_707 : memref<102400xf32, #tpu.memory_space<vmem_shared>>) dst(%dma_wait3A_702 : memref<512xf32, #tpu.memory_space<vmem>>)
      %dma_start3A_708 = arith.constant 7 : i32
      %dma_start3A_709 = arith.constant 7 : i32
      %dma_start3A_710 = arith.constant 0 : i32
      %dma_start3A_711 = tpu.memref_slice %arg15[%dma_start3A_708, %dma_start3A_710] : memref<20x512xf32, #tpu.memory_space<vmem>> -> memref<1x512xf32, #tpu.memory_space<vmem>>
      %dma_start3A_712 = tpu.memref_squeeze %dma_start3A_711 : memref<1x512xf32, #tpu.memory_space<vmem>> -> memref<512xf32, #tpu.memory_space<vmem>>
      %dma_start3A_713 = arith.constant 0 : i32
      %dma_start3A_714 = tpu.memref_slice %arg14[%dma_start3A_709, %dma_start3A_713] : memref<20x512xi32, #tpu.memory_space<vmem>> -> memref<1x512xi32, #tpu.memory_space<vmem>>
      %dma_start3A_715 = tpu.memref_squeeze %dma_start3A_714 : memref<1x512xi32, #tpu.memory_space<vmem>> -> memref<512xi32, #tpu.memory_space<vmem>>
      %dma_start3A_716 = arith.constant 0 : i32
      %dma_start3A_717 = tpu.memref_slice %arg11[%dma_start3A_716] : memref<102400xf32, #tpu.memory_space<vmem_shared>> -> memref<102400xf32, #tpu.memory_space<vmem_shared>>
      tpu.enqueue_indirect_dma source(%dma_start3A_712 : memref<512xf32, #tpu.memory_space<vmem>>) target(%dma_start3A_717 : memref<102400xf32, #tpu.memory_space<vmem_shared>>) offsets(%dma_start3A_715 : memref<512xi32, #tpu.memory_space<vmem>>) semaphore(%arg20 : memref<!tpu.dma_semaphore, #tpu.memory_space<semaphore_mem>>) {add = true}
      %dma_wait3A_718 = arith.constant 7 : i32
      %dma_wait3A_719 = arith.constant 7 : i32
      %dma_wait3A_720 = arith.constant 0 : i32
      %dma_wait3A_721 = tpu.memref_slice %arg16[%dma_wait3A_719, %dma_wait3A_720] : memref<20x512xf32, #tpu.memory_space<vmem>> -> memref<1x512xf32, #tpu.memory_space<vmem>>
      %dma_wait3A_722 = tpu.memref_squeeze %dma_wait3A_721 : memref<1x512xf32, #tpu.memory_space<vmem>> -> memref<512xf32, #tpu.memory_space<vmem>>
      %dma_wait3A_723 = arith.constant 0 : i32
      %dma_wait3A_724 = tpu.memref_slice %arg13[%dma_wait3A_718, %dma_wait3A_723] : memref<20x512xi32, #tpu.memory_space<vmem>> -> memref<1x512xi32, #tpu.memory_space<vmem>>
      %dma_wait3A_725 = tpu.memref_squeeze %dma_wait3A_724 : memref<1x512xi32, #tpu.memory_space<vmem>> -> memref<512xi32, #tpu.memory_space<vmem>>
      %dma_wait3A_726 = arith.constant 0 : i32
      %dma_wait3A_727 = tpu.memref_slice %arg10[%dma_wait3A_726] : memref<102400xf32, #tpu.memory_space<vmem_shared>> -> memref<102400xf32, #tpu.memory_space<vmem_shared>>
      tpu.wait_indirect_dma semaphore(%arg19 : memref<!tpu.dma_semaphore, #tpu.memory_space<semaphore_mem>>) src(%dma_wait3A_727 : memref<102400xf32, #tpu.memory_space<vmem_shared>>) dst(%dma_wait3A_722 : memref<512xf32, #tpu.memory_space<vmem>>)
      %dma_start3A_728 = arith.constant 7 : i32
      %dma_start3A_729 = arith.constant 7 : i32
      %dma_start3A_730 = arith.constant 0 : i32
      %dma_start3A_731 = tpu.memref_slice %arg16[%dma_start3A_728, %dma_start3A_730] : memref<20x512xf32, #tpu.memory_space<vmem>> -> memref<1x512xf32, #tpu.memory_space<vmem>>
      %dma_start3A_732 = tpu.memref_squeeze %dma_start3A_731 : memref<1x512xf32, #tpu.memory_space<vmem>> -> memref<512xf32, #tpu.memory_space<vmem>>
      %dma_start3A_733 = arith.constant 0 : i32
      %dma_start3A_734 = tpu.memref_slice %arg14[%dma_start3A_729, %dma_start3A_733] : memref<20x512xi32, #tpu.memory_space<vmem>> -> memref<1x512xi32, #tpu.memory_space<vmem>>
      %dma_start3A_735 = tpu.memref_squeeze %dma_start3A_734 : memref<1x512xi32, #tpu.memory_space<vmem>> -> memref<512xi32, #tpu.memory_space<vmem>>
      %dma_start3A_736 = arith.constant 0 : i32
      %dma_start3A_737 = tpu.memref_slice %arg12[%dma_start3A_736] : memref<102400xf32, #tpu.memory_space<vmem_shared>> -> memref<102400xf32, #tpu.memory_space<vmem_shared>>
      tpu.enqueue_indirect_dma source(%dma_start3A_732 : memref<512xf32, #tpu.memory_space<vmem>>) target(%dma_start3A_737 : memref<102400xf32, #tpu.memory_space<vmem_shared>>) offsets(%dma_start3A_735 : memref<512xi32, #tpu.memory_space<vmem>>) semaphore(%arg21 : memref<!tpu.dma_semaphore, #tpu.memory_space<semaphore_mem>>) {add = true}
      %dma_wait3A_738 = arith.constant 8 : i32
      %dma_wait3A_739 = arith.constant 8 : i32
      %dma_wait3A_740 = arith.constant 0 : i32
      %dma_wait3A_741 = tpu.memref_slice %arg15[%dma_wait3A_739, %dma_wait3A_740] : memref<20x512xf32, #tpu.memory_space<vmem>> -> memref<1x512xf32, #tpu.memory_space<vmem>>
      %dma_wait3A_742 = tpu.memref_squeeze %dma_wait3A_741 : memref<1x512xf32, #tpu.memory_space<vmem>> -> memref<512xf32, #tpu.memory_space<vmem>>
      %dma_wait3A_743 = arith.constant 0 : i32
      %dma_wait3A_744 = tpu.memref_slice %arg13[%dma_wait3A_738, %dma_wait3A_743] : memref<20x512xi32, #tpu.memory_space<vmem>> -> memref<1x512xi32, #tpu.memory_space<vmem>>
      %dma_wait3A_745 = tpu.memref_squeeze %dma_wait3A_744 : memref<1x512xi32, #tpu.memory_space<vmem>> -> memref<512xi32, #tpu.memory_space<vmem>>
      %dma_wait3A_746 = arith.constant 0 : i32
      %dma_wait3A_747 = tpu.memref_slice %arg9[%dma_wait3A_746] : memref<102400xf32, #tpu.memory_space<vmem_shared>> -> memref<102400xf32, #tpu.memory_space<vmem_shared>>
      tpu.wait_indirect_dma semaphore(%arg18 : memref<!tpu.dma_semaphore, #tpu.memory_space<semaphore_mem>>) src(%dma_wait3A_747 : memref<102400xf32, #tpu.memory_space<vmem_shared>>) dst(%dma_wait3A_742 : memref<512xf32, #tpu.memory_space<vmem>>)
      %dma_start3A_748 = arith.constant 8 : i32
      %dma_start3A_749 = arith.constant 8 : i32
      %dma_start3A_750 = arith.constant 0 : i32
      %dma_start3A_751 = tpu.memref_slice %arg15[%dma_start3A_748, %dma_start3A_750] : memref<20x512xf32, #tpu.memory_space<vmem>> -> memref<1x512xf32, #tpu.memory_space<vmem>>
      %dma_start3A_752 = tpu.memref_squeeze %dma_start3A_751 : memref<1x512xf32, #tpu.memory_space<vmem>> -> memref<512xf32, #tpu.memory_space<vmem>>
      %dma_start3A_753 = arith.constant 0 : i32
      %dma_start3A_754 = tpu.memref_slice %arg14[%dma_start3A_749, %dma_start3A_753] : memref<20x512xi32, #tpu.memory_space<vmem>> -> memref<1x512xi32, #tpu.memory_space<vmem>>
      %dma_start3A_755 = tpu.memref_squeeze %dma_start3A_754 : memref<1x512xi32, #tpu.memory_space<vmem>> -> memref<512xi32, #tpu.memory_space<vmem>>
      %dma_start3A_756 = arith.constant 0 : i32
      %dma_start3A_757 = tpu.memref_slice %arg11[%dma_start3A_756] : memref<102400xf32, #tpu.memory_space<vmem_shared>> -> memref<102400xf32, #tpu.memory_space<vmem_shared>>
      tpu.enqueue_indirect_dma source(%dma_start3A_752 : memref<512xf32, #tpu.memory_space<vmem>>) target(%dma_start3A_757 : memref<102400xf32, #tpu.memory_space<vmem_shared>>) offsets(%dma_start3A_755 : memref<512xi32, #tpu.memory_space<vmem>>) semaphore(%arg20 : memref<!tpu.dma_semaphore, #tpu.memory_space<semaphore_mem>>) {add = true}
      %dma_wait3A_758 = arith.constant 8 : i32
      %dma_wait3A_759 = arith.constant 8 : i32
      %dma_wait3A_760 = arith.constant 0 : i32
      %dma_wait3A_761 = tpu.memref_slice %arg16[%dma_wait3A_759, %dma_wait3A_760] : memref<20x512xf32, #tpu.memory_space<vmem>> -> memref<1x512xf32, #tpu.memory_space<vmem>>
      %dma_wait3A_762 = tpu.memref_squeeze %dma_wait3A_761 : memref<1x512xf32, #tpu.memory_space<vmem>> -> memref<512xf32, #tpu.memory_space<vmem>>
      %dma_wait3A_763 = arith.constant 0 : i32
      %dma_wait3A_764 = tpu.memref_slice %arg13[%dma_wait3A_758, %dma_wait3A_763] : memref<20x512xi32, #tpu.memory_space<vmem>> -> memref<1x512xi32, #tpu.memory_space<vmem>>
      %dma_wait3A_765 = tpu.memref_squeeze %dma_wait3A_764 : memref<1x512xi32, #tpu.memory_space<vmem>> -> memref<512xi32, #tpu.memory_space<vmem>>
      %dma_wait3A_766 = arith.constant 0 : i32
      %dma_wait3A_767 = tpu.memref_slice %arg10[%dma_wait3A_766] : memref<102400xf32, #tpu.memory_space<vmem_shared>> -> memref<102400xf32, #tpu.memory_space<vmem_shared>>
      tpu.wait_indirect_dma semaphore(%arg19 : memref<!tpu.dma_semaphore, #tpu.memory_space<semaphore_mem>>) src(%dma_wait3A_767 : memref<102400xf32, #tpu.memory_space<vmem_shared>>) dst(%dma_wait3A_762 : memref<512xf32, #tpu.memory_space<vmem>>)
      %dma_start3A_768 = arith.constant 8 : i32
      %dma_start3A_769 = arith.constant 8 : i32
      %dma_start3A_770 = arith.constant 0 : i32
      %dma_start3A_771 = tpu.memref_slice %arg16[%dma_start3A_768, %dma_start3A_770] : memref<20x512xf32, #tpu.memory_space<vmem>> -> memref<1x512xf32, #tpu.memory_space<vmem>>
      %dma_start3A_772 = tpu.memref_squeeze %dma_start3A_771 : memref<1x512xf32, #tpu.memory_space<vmem>> -> memref<512xf32, #tpu.memory_space<vmem>>
      %dma_start3A_773 = arith.constant 0 : i32
      %dma_start3A_774 = tpu.memref_slice %arg14[%dma_start3A_769, %dma_start3A_773] : memref<20x512xi32, #tpu.memory_space<vmem>> -> memref<1x512xi32, #tpu.memory_space<vmem>>
      %dma_start3A_775 = tpu.memref_squeeze %dma_start3A_774 : memref<1x512xi32, #tpu.memory_space<vmem>> -> memref<512xi32, #tpu.memory_space<vmem>>
      %dma_start3A_776 = arith.constant 0 : i32
      %dma_start3A_777 = tpu.memref_slice %arg12[%dma_start3A_776] : memref<102400xf32, #tpu.memory_space<vmem_shared>> -> memref<102400xf32, #tpu.memory_space<vmem_shared>>
      tpu.enqueue_indirect_dma source(%dma_start3A_772 : memref<512xf32, #tpu.memory_space<vmem>>) target(%dma_start3A_777 : memref<102400xf32, #tpu.memory_space<vmem_shared>>) offsets(%dma_start3A_775 : memref<512xi32, #tpu.memory_space<vmem>>) semaphore(%arg21 : memref<!tpu.dma_semaphore, #tpu.memory_space<semaphore_mem>>) {add = true}
      %dma_wait3A_778 = arith.constant 9 : i32
      %dma_wait3A_779 = arith.constant 9 : i32
      %dma_wait3A_780 = arith.constant 0 : i32
      %dma_wait3A_781 = tpu.memref_slice %arg15[%dma_wait3A_779, %dma_wait3A_780] : memref<20x512xf32, #tpu.memory_space<vmem>> -> memref<1x512xf32, #tpu.memory_space<vmem>>
      %dma_wait3A_782 = tpu.memref_squeeze %dma_wait3A_781 : memref<1x512xf32, #tpu.memory_space<vmem>> -> memref<512xf32, #tpu.memory_space<vmem>>
      %dma_wait3A_783 = arith.constant 0 : i32
      %dma_wait3A_784 = tpu.memref_slice %arg13[%dma_wait3A_778, %dma_wait3A_783] : memref<20x512xi32, #tpu.memory_space<vmem>> -> memref<1x512xi32, #tpu.memory_space<vmem>>
      %dma_wait3A_785 = tpu.memref_squeeze %dma_wait3A_784 : memref<1x512xi32, #tpu.memory_space<vmem>> -> memref<512xi32, #tpu.memory_space<vmem>>
      %dma_wait3A_786 = arith.constant 0 : i32
      %dma_wait3A_787 = tpu.memref_slice %arg9[%dma_wait3A_786] : memref<102400xf32, #tpu.memory_space<vmem_shared>> -> memref<102400xf32, #tpu.memory_space<vmem_shared>>
      tpu.wait_indirect_dma semaphore(%arg18 : memref<!tpu.dma_semaphore, #tpu.memory_space<semaphore_mem>>) src(%dma_wait3A_787 : memref<102400xf32, #tpu.memory_space<vmem_shared>>) dst(%dma_wait3A_782 : memref<512xf32, #tpu.memory_space<vmem>>)
      %dma_start3A_788 = arith.constant 9 : i32
      %dma_start3A_789 = arith.constant 9 : i32
      %dma_start3A_790 = arith.constant 0 : i32
      %dma_start3A_791 = tpu.memref_slice %arg15[%dma_start3A_788, %dma_start3A_790] : memref<20x512xf32, #tpu.memory_space<vmem>> -> memref<1x512xf32, #tpu.memory_space<vmem>>
      %dma_start3A_792 = tpu.memref_squeeze %dma_start3A_791 : memref<1x512xf32, #tpu.memory_space<vmem>> -> memref<512xf32, #tpu.memory_space<vmem>>
      %dma_start3A_793 = arith.constant 0 : i32
      %dma_start3A_794 = tpu.memref_slice %arg14[%dma_start3A_789, %dma_start3A_793] : memref<20x512xi32, #tpu.memory_space<vmem>> -> memref<1x512xi32, #tpu.memory_space<vmem>>
      %dma_start3A_795 = tpu.memref_squeeze %dma_start3A_794 : memref<1x512xi32, #tpu.memory_space<vmem>> -> memref<512xi32, #tpu.memory_space<vmem>>
      %dma_start3A_796 = arith.constant 0 : i32
      %dma_start3A_797 = tpu.memref_slice %arg11[%dma_start3A_796] : memref<102400xf32, #tpu.memory_space<vmem_shared>> -> memref<102400xf32, #tpu.memory_space<vmem_shared>>
      tpu.enqueue_indirect_dma source(%dma_start3A_792 : memref<512xf32, #tpu.memory_space<vmem>>) target(%dma_start3A_797 : memref<102400xf32, #tpu.memory_space<vmem_shared>>) offsets(%dma_start3A_795 : memref<512xi32, #tpu.memory_space<vmem>>) semaphore(%arg20 : memref<!tpu.dma_semaphore, #tpu.memory_space<semaphore_mem>>) {add = true}
      %dma_wait3A_798 = arith.constant 9 : i32
      %dma_wait3A_799 = arith.constant 9 : i32
      %dma_wait3A_800 = arith.constant 0 : i32
      %dma_wait3A_801 = tpu.memref_slice %arg16[%dma_wait3A_799, %dma_wait3A_800] : memref<20x512xf32, #tpu.memory_space<vmem>> -> memref<1x512xf32, #tpu.memory_space<vmem>>
      %dma_wait3A_802 = tpu.memref_squeeze %dma_wait3A_801 : memref<1x512xf32, #tpu.memory_space<vmem>> -> memref<512xf32, #tpu.memory_space<vmem>>
      %dma_wait3A_803 = arith.constant 0 : i32
      %dma_wait3A_804 = tpu.memref_slice %arg13[%dma_wait3A_798, %dma_wait3A_803] : memref<20x512xi32, #tpu.memory_space<vmem>> -> memref<1x512xi32, #tpu.memory_space<vmem>>
      %dma_wait3A_805 = tpu.memref_squeeze %dma_wait3A_804 : memref<1x512xi32, #tpu.memory_space<vmem>> -> memref<512xi32, #tpu.memory_space<vmem>>
      %dma_wait3A_806 = arith.constant 0 : i32
      %dma_wait3A_807 = tpu.memref_slice %arg10[%dma_wait3A_806] : memref<102400xf32, #tpu.memory_space<vmem_shared>> -> memref<102400xf32, #tpu.memory_space<vmem_shared>>
      tpu.wait_indirect_dma semaphore(%arg19 : memref<!tpu.dma_semaphore, #tpu.memory_space<semaphore_mem>>) src(%dma_wait3A_807 : memref<102400xf32, #tpu.memory_space<vmem_shared>>) dst(%dma_wait3A_802 : memref<512xf32, #tpu.memory_space<vmem>>)
      %dma_start3A_808 = arith.constant 9 : i32
      %dma_start3A_809 = arith.constant 9 : i32
      %dma_start3A_810 = arith.constant 0 : i32
      %dma_start3A_811 = tpu.memref_slice %arg16[%dma_start3A_808, %dma_start3A_810] : memref<20x512xf32, #tpu.memory_space<vmem>> -> memref<1x512xf32, #tpu.memory_space<vmem>>
      %dma_start3A_812 = tpu.memref_squeeze %dma_start3A_811 : memref<1x512xf32, #tpu.memory_space<vmem>> -> memref<512xf32, #tpu.memory_space<vmem>>
      %dma_start3A_813 = arith.constant 0 : i32
      %dma_start3A_814 = tpu.memref_slice %arg14[%dma_start3A_809, %dma_start3A_813] : memref<20x512xi32, #tpu.memory_space<vmem>> -> memref<1x512xi32, #tpu.memory_space<vmem>>
      %dma_start3A_815 = tpu.memref_squeeze %dma_start3A_814 : memref<1x512xi32, #tpu.memory_space<vmem>> -> memref<512xi32, #tpu.memory_space<vmem>>
      %dma_start3A_816 = arith.constant 0 : i32
      %dma_start3A_817 = tpu.memref_slice %arg12[%dma_start3A_816] : memref<102400xf32, #tpu.memory_space<vmem_shared>> -> memref<102400xf32, #tpu.memory_space<vmem_shared>>
      tpu.enqueue_indirect_dma source(%dma_start3A_812 : memref<512xf32, #tpu.memory_space<vmem>>) target(%dma_start3A_817 : memref<102400xf32, #tpu.memory_space<vmem_shared>>) offsets(%dma_start3A_815 : memref<512xi32, #tpu.memory_space<vmem>>) semaphore(%arg21 : memref<!tpu.dma_semaphore, #tpu.memory_space<semaphore_mem>>) {add = true}
      %dma_wait3A_818 = arith.constant 10 : i32
      %dma_wait3A_819 = arith.constant 10 : i32
      %dma_wait3A_820 = arith.constant 0 : i32
      %dma_wait3A_821 = tpu.memref_slice %arg15[%dma_wait3A_819, %dma_wait3A_820] : memref<20x512xf32, #tpu.memory_space<vmem>> -> memref<1x512xf32, #tpu.memory_space<vmem>>
      %dma_wait3A_822 = tpu.memref_squeeze %dma_wait3A_821 : memref<1x512xf32, #tpu.memory_space<vmem>> -> memref<512xf32, #tpu.memory_space<vmem>>
      %dma_wait3A_823 = arith.constant 0 : i32
      %dma_wait3A_824 = tpu.memref_slice %arg13[%dma_wait3A_818, %dma_wait3A_823] : memref<20x512xi32, #tpu.memory_space<vmem>> -> memref<1x512xi32, #tpu.memory_space<vmem>>
      %dma_wait3A_825 = tpu.memref_squeeze %dma_wait3A_824 : memref<1x512xi32, #tpu.memory_space<vmem>> -> memref<512xi32, #tpu.memory_space<vmem>>
      %dma_wait3A_826 = arith.constant 0 : i32
      %dma_wait3A_827 = tpu.memref_slice %arg9[%dma_wait3A_826] : memref<102400xf32, #tpu.memory_space<vmem_shared>> -> memref<102400xf32, #tpu.memory_space<vmem_shared>>
      tpu.wait_indirect_dma semaphore(%arg18 : memref<!tpu.dma_semaphore, #tpu.memory_space<semaphore_mem>>) src(%dma_wait3A_827 : memref<102400xf32, #tpu.memory_space<vmem_shared>>) dst(%dma_wait3A_822 : memref<512xf32, #tpu.memory_space<vmem>>)
      %dma_start3A_828 = arith.constant 10 : i32
      %dma_start3A_829 = arith.constant 10 : i32
      %dma_start3A_830 = arith.constant 0 : i32
      %dma_start3A_831 = tpu.memref_slice %arg15[%dma_start3A_828, %dma_start3A_830] : memref<20x512xf32, #tpu.memory_space<vmem>> -> memref<1x512xf32, #tpu.memory_space<vmem>>
      %dma_start3A_832 = tpu.memref_squeeze %dma_start3A_831 : memref<1x512xf32, #tpu.memory_space<vmem>> -> memref<512xf32, #tpu.memory_space<vmem>>
      %dma_start3A_833 = arith.constant 0 : i32
      %dma_start3A_834 = tpu.memref_slice %arg14[%dma_start3A_829, %dma_start3A_833] : memref<20x512xi32, #tpu.memory_space<vmem>> -> memref<1x512xi32, #tpu.memory_space<vmem>>
      %dma_start3A_835 = tpu.memref_squeeze %dma_start3A_834 : memref<1x512xi32, #tpu.memory_space<vmem>> -> memref<512xi32, #tpu.memory_space<vmem>>
      %dma_start3A_836 = arith.constant 0 : i32
      %dma_start3A_837 = tpu.memref_slice %arg11[%dma_start3A_836] : memref<102400xf32, #tpu.memory_space<vmem_shared>> -> memref<102400xf32, #tpu.memory_space<vmem_shared>>
      tpu.enqueue_indirect_dma source(%dma_start3A_832 : memref<512xf32, #tpu.memory_space<vmem>>) target(%dma_start3A_837 : memref<102400xf32, #tpu.memory_space<vmem_shared>>) offsets(%dma_start3A_835 : memref<512xi32, #tpu.memory_space<vmem>>) semaphore(%arg20 : memref<!tpu.dma_semaphore, #tpu.memory_space<semaphore_mem>>) {add = true}
      %dma_wait3A_838 = arith.constant 10 : i32
      %dma_wait3A_839 = arith.constant 10 : i32
      %dma_wait3A_840 = arith.constant 0 : i32
      %dma_wait3A_841 = tpu.memref_slice %arg16[%dma_wait3A_839, %dma_wait3A_840] : memref<20x512xf32, #tpu.memory_space<vmem>> -> memref<1x512xf32, #tpu.memory_space<vmem>>
      %dma_wait3A_842 = tpu.memref_squeeze %dma_wait3A_841 : memref<1x512xf32, #tpu.memory_space<vmem>> -> memref<512xf32, #tpu.memory_space<vmem>>
      %dma_wait3A_843 = arith.constant 0 : i32
      %dma_wait3A_844 = tpu.memref_slice %arg13[%dma_wait3A_838, %dma_wait3A_843] : memref<20x512xi32, #tpu.memory_space<vmem>> -> memref<1x512xi32, #tpu.memory_space<vmem>>
      %dma_wait3A_845 = tpu.memref_squeeze %dma_wait3A_844 : memref<1x512xi32, #tpu.memory_space<vmem>> -> memref<512xi32, #tpu.memory_space<vmem>>
      %dma_wait3A_846 = arith.constant 0 : i32
      %dma_wait3A_847 = tpu.memref_slice %arg10[%dma_wait3A_846] : memref<102400xf32, #tpu.memory_space<vmem_shared>> -> memref<102400xf32, #tpu.memory_space<vmem_shared>>
      tpu.wait_indirect_dma semaphore(%arg19 : memref<!tpu.dma_semaphore, #tpu.memory_space<semaphore_mem>>) src(%dma_wait3A_847 : memref<102400xf32, #tpu.memory_space<vmem_shared>>) dst(%dma_wait3A_842 : memref<512xf32, #tpu.memory_space<vmem>>)
      %dma_start3A_848 = arith.constant 10 : i32
      %dma_start3A_849 = arith.constant 10 : i32
      %dma_start3A_850 = arith.constant 0 : i32
      %dma_start3A_851 = tpu.memref_slice %arg16[%dma_start3A_848, %dma_start3A_850] : memref<20x512xf32, #tpu.memory_space<vmem>> -> memref<1x512xf32, #tpu.memory_space<vmem>>
      %dma_start3A_852 = tpu.memref_squeeze %dma_start3A_851 : memref<1x512xf32, #tpu.memory_space<vmem>> -> memref<512xf32, #tpu.memory_space<vmem>>
      %dma_start3A_853 = arith.constant 0 : i32
      %dma_start3A_854 = tpu.memref_slice %arg14[%dma_start3A_849, %dma_start3A_853] : memref<20x512xi32, #tpu.memory_space<vmem>> -> memref<1x512xi32, #tpu.memory_space<vmem>>
      %dma_start3A_855 = tpu.memref_squeeze %dma_start3A_854 : memref<1x512xi32, #tpu.memory_space<vmem>> -> memref<512xi32, #tpu.memory_space<vmem>>
      %dma_start3A_856 = arith.constant 0 : i32
      %dma_start3A_857 = tpu.memref_slice %arg12[%dma_start3A_856] : memref<102400xf32, #tpu.memory_space<vmem_shared>> -> memref<102400xf32, #tpu.memory_space<vmem_shared>>
      tpu.enqueue_indirect_dma source(%dma_start3A_852 : memref<512xf32, #tpu.memory_space<vmem>>) target(%dma_start3A_857 : memref<102400xf32, #tpu.memory_space<vmem_shared>>) offsets(%dma_start3A_855 : memref<512xi32, #tpu.memory_space<vmem>>) semaphore(%arg21 : memref<!tpu.dma_semaphore, #tpu.memory_space<semaphore_mem>>) {add = true}
      %dma_wait3A_858 = arith.constant 11 : i32
      %dma_wait3A_859 = arith.constant 11 : i32
      %dma_wait3A_860 = arith.constant 0 : i32
      %dma_wait3A_861 = tpu.memref_slice %arg15[%dma_wait3A_859, %dma_wait3A_860] : memref<20x512xf32, #tpu.memory_space<vmem>> -> memref<1x512xf32, #tpu.memory_space<vmem>>
      %dma_wait3A_862 = tpu.memref_squeeze %dma_wait3A_861 : memref<1x512xf32, #tpu.memory_space<vmem>> -> memref<512xf32, #tpu.memory_space<vmem>>
      %dma_wait3A_863 = arith.constant 0 : i32
      %dma_wait3A_864 = tpu.memref_slice %arg13[%dma_wait3A_858, %dma_wait3A_863] : memref<20x512xi32, #tpu.memory_space<vmem>> -> memref<1x512xi32, #tpu.memory_space<vmem>>
      %dma_wait3A_865 = tpu.memref_squeeze %dma_wait3A_864 : memref<1x512xi32, #tpu.memory_space<vmem>> -> memref<512xi32, #tpu.memory_space<vmem>>
      %dma_wait3A_866 = arith.constant 0 : i32
      %dma_wait3A_867 = tpu.memref_slice %arg9[%dma_wait3A_866] : memref<102400xf32, #tpu.memory_space<vmem_shared>> -> memref<102400xf32, #tpu.memory_space<vmem_shared>>
      tpu.wait_indirect_dma semaphore(%arg18 : memref<!tpu.dma_semaphore, #tpu.memory_space<semaphore_mem>>) src(%dma_wait3A_867 : memref<102400xf32, #tpu.memory_space<vmem_shared>>) dst(%dma_wait3A_862 : memref<512xf32, #tpu.memory_space<vmem>>)
      %dma_start3A_868 = arith.constant 11 : i32
      %dma_start3A_869 = arith.constant 11 : i32
      %dma_start3A_870 = arith.constant 0 : i32
      %dma_start3A_871 = tpu.memref_slice %arg15[%dma_start3A_868, %dma_start3A_870] : memref<20x512xf32, #tpu.memory_space<vmem>> -> memref<1x512xf32, #tpu.memory_space<vmem>>
      %dma_start3A_872 = tpu.memref_squeeze %dma_start3A_871 : memref<1x512xf32, #tpu.memory_space<vmem>> -> memref<512xf32, #tpu.memory_space<vmem>>
      %dma_start3A_873 = arith.constant 0 : i32
      %dma_start3A_874 = tpu.memref_slice %arg14[%dma_start3A_869, %dma_start3A_873] : memref<20x512xi32, #tpu.memory_space<vmem>> -> memref<1x512xi32, #tpu.memory_space<vmem>>
      %dma_start3A_875 = tpu.memref_squeeze %dma_start3A_874 : memref<1x512xi32, #tpu.memory_space<vmem>> -> memref<512xi32, #tpu.memory_space<vmem>>
      %dma_start3A_876 = arith.constant 0 : i32
      %dma_start3A_877 = tpu.memref_slice %arg11[%dma_start3A_876] : memref<102400xf32, #tpu.memory_space<vmem_shared>> -> memref<102400xf32, #tpu.memory_space<vmem_shared>>
      tpu.enqueue_indirect_dma source(%dma_start3A_872 : memref<512xf32, #tpu.memory_space<vmem>>) target(%dma_start3A_877 : memref<102400xf32, #tpu.memory_space<vmem_shared>>) offsets(%dma_start3A_875 : memref<512xi32, #tpu.memory_space<vmem>>) semaphore(%arg20 : memref<!tpu.dma_semaphore, #tpu.memory_space<semaphore_mem>>) {add = true}
      %dma_wait3A_878 = arith.constant 11 : i32
      %dma_wait3A_879 = arith.constant 11 : i32
      %dma_wait3A_880 = arith.constant 0 : i32
      %dma_wait3A_881 = tpu.memref_slice %arg16[%dma_wait3A_879, %dma_wait3A_880] : memref<20x512xf32, #tpu.memory_space<vmem>> -> memref<1x512xf32, #tpu.memory_space<vmem>>
      %dma_wait3A_882 = tpu.memref_squeeze %dma_wait3A_881 : memref<1x512xf32, #tpu.memory_space<vmem>> -> memref<512xf32, #tpu.memory_space<vmem>>
      %dma_wait3A_883 = arith.constant 0 : i32
      %dma_wait3A_884 = tpu.memref_slice %arg13[%dma_wait3A_878, %dma_wait3A_883] : memref<20x512xi32, #tpu.memory_space<vmem>> -> memref<1x512xi32, #tpu.memory_space<vmem>>
      %dma_wait3A_885 = tpu.memref_squeeze %dma_wait3A_884 : memref<1x512xi32, #tpu.memory_space<vmem>> -> memref<512xi32, #tpu.memory_space<vmem>>
      %dma_wait3A_886 = arith.constant 0 : i32
      %dma_wait3A_887 = tpu.memref_slice %arg10[%dma_wait3A_886] : memref<102400xf32, #tpu.memory_space<vmem_shared>> -> memref<102400xf32, #tpu.memory_space<vmem_shared>>
      tpu.wait_indirect_dma semaphore(%arg19 : memref<!tpu.dma_semaphore, #tpu.memory_space<semaphore_mem>>) src(%dma_wait3A_887 : memref<102400xf32, #tpu.memory_space<vmem_shared>>) dst(%dma_wait3A_882 : memref<512xf32, #tpu.memory_space<vmem>>)
      %dma_start3A_888 = arith.constant 11 : i32
      %dma_start3A_889 = arith.constant 11 : i32
      %dma_start3A_890 = arith.constant 0 : i32
      %dma_start3A_891 = tpu.memref_slice %arg16[%dma_start3A_888, %dma_start3A_890] : memref<20x512xf32, #tpu.memory_space<vmem>> -> memref<1x512xf32, #tpu.memory_space<vmem>>
      %dma_start3A_892 = tpu.memref_squeeze %dma_start3A_891 : memref<1x512xf32, #tpu.memory_space<vmem>> -> memref<512xf32, #tpu.memory_space<vmem>>
      %dma_start3A_893 = arith.constant 0 : i32
      %dma_start3A_894 = tpu.memref_slice %arg14[%dma_start3A_889, %dma_start3A_893] : memref<20x512xi32, #tpu.memory_space<vmem>> -> memref<1x512xi32, #tpu.memory_space<vmem>>
      %dma_start3A_895 = tpu.memref_squeeze %dma_start3A_894 : memref<1x512xi32, #tpu.memory_space<vmem>> -> memref<512xi32, #tpu.memory_space<vmem>>
      %dma_start3A_896 = arith.constant 0 : i32
      %dma_start3A_897 = tpu.memref_slice %arg12[%dma_start3A_896] : memref<102400xf32, #tpu.memory_space<vmem_shared>> -> memref<102400xf32, #tpu.memory_space<vmem_shared>>
      tpu.enqueue_indirect_dma source(%dma_start3A_892 : memref<512xf32, #tpu.memory_space<vmem>>) target(%dma_start3A_897 : memref<102400xf32, #tpu.memory_space<vmem_shared>>) offsets(%dma_start3A_895 : memref<512xi32, #tpu.memory_space<vmem>>) semaphore(%arg21 : memref<!tpu.dma_semaphore, #tpu.memory_space<semaphore_mem>>) {add = true}
      %dma_wait3A_898 = arith.constant 12 : i32
      %dma_wait3A_899 = arith.constant 12 : i32
      %dma_wait3A_900 = arith.constant 0 : i32
      %dma_wait3A_901 = tpu.memref_slice %arg15[%dma_wait3A_899, %dma_wait3A_900] : memref<20x512xf32, #tpu.memory_space<vmem>> -> memref<1x512xf32, #tpu.memory_space<vmem>>
      %dma_wait3A_902 = tpu.memref_squeeze %dma_wait3A_901 : memref<1x512xf32, #tpu.memory_space<vmem>> -> memref<512xf32, #tpu.memory_space<vmem>>
      %dma_wait3A_903 = arith.constant 0 : i32
      %dma_wait3A_904 = tpu.memref_slice %arg13[%dma_wait3A_898, %dma_wait3A_903] : memref<20x512xi32, #tpu.memory_space<vmem>> -> memref<1x512xi32, #tpu.memory_space<vmem>>
      %dma_wait3A_905 = tpu.memref_squeeze %dma_wait3A_904 : memref<1x512xi32, #tpu.memory_space<vmem>> -> memref<512xi32, #tpu.memory_space<vmem>>
      %dma_wait3A_906 = arith.constant 0 : i32
      %dma_wait3A_907 = tpu.memref_slice %arg9[%dma_wait3A_906] : memref<102400xf32, #tpu.memory_space<vmem_shared>> -> memref<102400xf32, #tpu.memory_space<vmem_shared>>
      tpu.wait_indirect_dma semaphore(%arg18 : memref<!tpu.dma_semaphore, #tpu.memory_space<semaphore_mem>>) src(%dma_wait3A_907 : memref<102400xf32, #tpu.memory_space<vmem_shared>>) dst(%dma_wait3A_902 : memref<512xf32, #tpu.memory_space<vmem>>)
      %dma_start3A_908 = arith.constant 12 : i32
      %dma_start3A_909 = arith.constant 12 : i32
      %dma_start3A_910 = arith.constant 0 : i32
      %dma_start3A_911 = tpu.memref_slice %arg15[%dma_start3A_908, %dma_start3A_910] : memref<20x512xf32, #tpu.memory_space<vmem>> -> memref<1x512xf32, #tpu.memory_space<vmem>>
      %dma_start3A_912 = tpu.memref_squeeze %dma_start3A_911 : memref<1x512xf32, #tpu.memory_space<vmem>> -> memref<512xf32, #tpu.memory_space<vmem>>
      %dma_start3A_913 = arith.constant 0 : i32
      %dma_start3A_914 = tpu.memref_slice %arg14[%dma_start3A_909, %dma_start3A_913] : memref<20x512xi32, #tpu.memory_space<vmem>> -> memref<1x512xi32, #tpu.memory_space<vmem>>
      %dma_start3A_915 = tpu.memref_squeeze %dma_start3A_914 : memref<1x512xi32, #tpu.memory_space<vmem>> -> memref<512xi32, #tpu.memory_space<vmem>>
      %dma_start3A_916 = arith.constant 0 : i32
      %dma_start3A_917 = tpu.memref_slice %arg11[%dma_start3A_916] : memref<102400xf32, #tpu.memory_space<vmem_shared>> -> memref<102400xf32, #tpu.memory_space<vmem_shared>>
      tpu.enqueue_indirect_dma source(%dma_start3A_912 : memref<512xf32, #tpu.memory_space<vmem>>) target(%dma_start3A_917 : memref<102400xf32, #tpu.memory_space<vmem_shared>>) offsets(%dma_start3A_915 : memref<512xi32, #tpu.memory_space<vmem>>) semaphore(%arg20 : memref<!tpu.dma_semaphore, #tpu.memory_space<semaphore_mem>>) {add = true}
      %dma_wait3A_918 = arith.constant 12 : i32
      %dma_wait3A_919 = arith.constant 12 : i32
      %dma_wait3A_920 = arith.constant 0 : i32
      %dma_wait3A_921 = tpu.memref_slice %arg16[%dma_wait3A_919, %dma_wait3A_920] : memref<20x512xf32, #tpu.memory_space<vmem>> -> memref<1x512xf32, #tpu.memory_space<vmem>>
      %dma_wait3A_922 = tpu.memref_squeeze %dma_wait3A_921 : memref<1x512xf32, #tpu.memory_space<vmem>> -> memref<512xf32, #tpu.memory_space<vmem>>
      %dma_wait3A_923 = arith.constant 0 : i32
      %dma_wait3A_924 = tpu.memref_slice %arg13[%dma_wait3A_918, %dma_wait3A_923] : memref<20x512xi32, #tpu.memory_space<vmem>> -> memref<1x512xi32, #tpu.memory_space<vmem>>
      %dma_wait3A_925 = tpu.memref_squeeze %dma_wait3A_924 : memref<1x512xi32, #tpu.memory_space<vmem>> -> memref<512xi32, #tpu.memory_space<vmem>>
      %dma_wait3A_926 = arith.constant 0 : i32
      %dma_wait3A_927 = tpu.memref_slice %arg10[%dma_wait3A_926] : memref<102400xf32, #tpu.memory_space<vmem_shared>> -> memref<102400xf32, #tpu.memory_space<vmem_shared>>
      tpu.wait_indirect_dma semaphore(%arg19 : memref<!tpu.dma_semaphore, #tpu.memory_space<semaphore_mem>>) src(%dma_wait3A_927 : memref<102400xf32, #tpu.memory_space<vmem_shared>>) dst(%dma_wait3A_922 : memref<512xf32, #tpu.memory_space<vmem>>)
      %dma_start3A_928 = arith.constant 12 : i32
      %dma_start3A_929 = arith.constant 12 : i32
      %dma_start3A_930 = arith.constant 0 : i32
      %dma_start3A_931 = tpu.memref_slice %arg16[%dma_start3A_928, %dma_start3A_930] : memref<20x512xf32, #tpu.memory_space<vmem>> -> memref<1x512xf32, #tpu.memory_space<vmem>>
      %dma_start3A_932 = tpu.memref_squeeze %dma_start3A_931 : memref<1x512xf32, #tpu.memory_space<vmem>> -> memref<512xf32, #tpu.memory_space<vmem>>
      %dma_start3A_933 = arith.constant 0 : i32
      %dma_start3A_934 = tpu.memref_slice %arg14[%dma_start3A_929, %dma_start3A_933] : memref<20x512xi32, #tpu.memory_space<vmem>> -> memref<1x512xi32, #tpu.memory_space<vmem>>
      %dma_start3A_935 = tpu.memref_squeeze %dma_start3A_934 : memref<1x512xi32, #tpu.memory_space<vmem>> -> memref<512xi32, #tpu.memory_space<vmem>>
      %dma_start3A_936 = arith.constant 0 : i32
      %dma_start3A_937 = tpu.memref_slice %arg12[%dma_start3A_936] : memref<102400xf32, #tpu.memory_space<vmem_shared>> -> memref<102400xf32, #tpu.memory_space<vmem_shared>>
      tpu.enqueue_indirect_dma source(%dma_start3A_932 : memref<512xf32, #tpu.memory_space<vmem>>) target(%dma_start3A_937 : memref<102400xf32, #tpu.memory_space<vmem_shared>>) offsets(%dma_start3A_935 : memref<512xi32, #tpu.memory_space<vmem>>) semaphore(%arg21 : memref<!tpu.dma_semaphore, #tpu.memory_space<semaphore_mem>>) {add = true}
      %dma_wait3A_938 = arith.constant 13 : i32
      %dma_wait3A_939 = arith.constant 13 : i32
      %dma_wait3A_940 = arith.constant 0 : i32
      %dma_wait3A_941 = tpu.memref_slice %arg15[%dma_wait3A_939, %dma_wait3A_940] : memref<20x512xf32, #tpu.memory_space<vmem>> -> memref<1x512xf32, #tpu.memory_space<vmem>>
      %dma_wait3A_942 = tpu.memref_squeeze %dma_wait3A_941 : memref<1x512xf32, #tpu.memory_space<vmem>> -> memref<512xf32, #tpu.memory_space<vmem>>
      %dma_wait3A_943 = arith.constant 0 : i32
      %dma_wait3A_944 = tpu.memref_slice %arg13[%dma_wait3A_938, %dma_wait3A_943] : memref<20x512xi32, #tpu.memory_space<vmem>> -> memref<1x512xi32, #tpu.memory_space<vmem>>
      %dma_wait3A_945 = tpu.memref_squeeze %dma_wait3A_944 : memref<1x512xi32, #tpu.memory_space<vmem>> -> memref<512xi32, #tpu.memory_space<vmem>>
      %dma_wait3A_946 = arith.constant 0 : i32
      %dma_wait3A_947 = tpu.memref_slice %arg9[%dma_wait3A_946] : memref<102400xf32, #tpu.memory_space<vmem_shared>> -> memref<102400xf32, #tpu.memory_space<vmem_shared>>
      tpu.wait_indirect_dma semaphore(%arg18 : memref<!tpu.dma_semaphore, #tpu.memory_space<semaphore_mem>>) src(%dma_wait3A_947 : memref<102400xf32, #tpu.memory_space<vmem_shared>>) dst(%dma_wait3A_942 : memref<512xf32, #tpu.memory_space<vmem>>)
      %dma_start3A_948 = arith.constant 13 : i32
      %dma_start3A_949 = arith.constant 13 : i32
      %dma_start3A_950 = arith.constant 0 : i32
      %dma_start3A_951 = tpu.memref_slice %arg15[%dma_start3A_948, %dma_start3A_950] : memref<20x512xf32, #tpu.memory_space<vmem>> -> memref<1x512xf32, #tpu.memory_space<vmem>>
      %dma_start3A_952 = tpu.memref_squeeze %dma_start3A_951 : memref<1x512xf32, #tpu.memory_space<vmem>> -> memref<512xf32, #tpu.memory_space<vmem>>
      %dma_start3A_953 = arith.constant 0 : i32
      %dma_start3A_954 = tpu.memref_slice %arg14[%dma_start3A_949, %dma_start3A_953] : memref<20x512xi32, #tpu.memory_space<vmem>> -> memref<1x512xi32, #tpu.memory_space<vmem>>
      %dma_start3A_955 = tpu.memref_squeeze %dma_start3A_954 : memref<1x512xi32, #tpu.memory_space<vmem>> -> memref<512xi32, #tpu.memory_space<vmem>>
      %dma_start3A_956 = arith.constant 0 : i32
      %dma_start3A_957 = tpu.memref_slice %arg11[%dma_start3A_956] : memref<102400xf32, #tpu.memory_space<vmem_shared>> -> memref<102400xf32, #tpu.memory_space<vmem_shared>>
      tpu.enqueue_indirect_dma source(%dma_start3A_952 : memref<512xf32, #tpu.memory_space<vmem>>) target(%dma_start3A_957 : memref<102400xf32, #tpu.memory_space<vmem_shared>>) offsets(%dma_start3A_955 : memref<512xi32, #tpu.memory_space<vmem>>) semaphore(%arg20 : memref<!tpu.dma_semaphore, #tpu.memory_space<semaphore_mem>>) {add = true}
      %dma_wait3A_958 = arith.constant 13 : i32
      %dma_wait3A_959 = arith.constant 13 : i32
      %dma_wait3A_960 = arith.constant 0 : i32
      %dma_wait3A_961 = tpu.memref_slice %arg16[%dma_wait3A_959, %dma_wait3A_960] : memref<20x512xf32, #tpu.memory_space<vmem>> -> memref<1x512xf32, #tpu.memory_space<vmem>>
      %dma_wait3A_962 = tpu.memref_squeeze %dma_wait3A_961 : memref<1x512xf32, #tpu.memory_space<vmem>> -> memref<512xf32, #tpu.memory_space<vmem>>
      %dma_wait3A_963 = arith.constant 0 : i32
      %dma_wait3A_964 = tpu.memref_slice %arg13[%dma_wait3A_958, %dma_wait3A_963] : memref<20x512xi32, #tpu.memory_space<vmem>> -> memref<1x512xi32, #tpu.memory_space<vmem>>
      %dma_wait3A_965 = tpu.memref_squeeze %dma_wait3A_964 : memref<1x512xi32, #tpu.memory_space<vmem>> -> memref<512xi32, #tpu.memory_space<vmem>>
      %dma_wait3A_966 = arith.constant 0 : i32
      %dma_wait3A_967 = tpu.memref_slice %arg10[%dma_wait3A_966] : memref<102400xf32, #tpu.memory_space<vmem_shared>> -> memref<102400xf32, #tpu.memory_space<vmem_shared>>
      tpu.wait_indirect_dma semaphore(%arg19 : memref<!tpu.dma_semaphore, #tpu.memory_space<semaphore_mem>>) src(%dma_wait3A_967 : memref<102400xf32, #tpu.memory_space<vmem_shared>>) dst(%dma_wait3A_962 : memref<512xf32, #tpu.memory_space<vmem>>)
      %dma_start3A_968 = arith.constant 13 : i32
      %dma_start3A_969 = arith.constant 13 : i32
      %dma_start3A_970 = arith.constant 0 : i32
      %dma_start3A_971 = tpu.memref_slice %arg16[%dma_start3A_968, %dma_start3A_970] : memref<20x512xf32, #tpu.memory_space<vmem>> -> memref<1x512xf32, #tpu.memory_space<vmem>>
      %dma_start3A_972 = tpu.memref_squeeze %dma_start3A_971 : memref<1x512xf32, #tpu.memory_space<vmem>> -> memref<512xf32, #tpu.memory_space<vmem>>
      %dma_start3A_973 = arith.constant 0 : i32
      %dma_start3A_974 = tpu.memref_slice %arg14[%dma_start3A_969, %dma_start3A_973] : memref<20x512xi32, #tpu.memory_space<vmem>> -> memref<1x512xi32, #tpu.memory_space<vmem>>
      %dma_start3A_975 = tpu.memref_squeeze %dma_start3A_974 : memref<1x512xi32, #tpu.memory_space<vmem>> -> memref<512xi32, #tpu.memory_space<vmem>>
      %dma_start3A_976 = arith.constant 0 : i32
      %dma_start3A_977 = tpu.memref_slice %arg12[%dma_start3A_976] : memref<102400xf32, #tpu.memory_space<vmem_shared>> -> memref<102400xf32, #tpu.memory_space<vmem_shared>>
      tpu.enqueue_indirect_dma source(%dma_start3A_972 : memref<512xf32, #tpu.memory_space<vmem>>) target(%dma_start3A_977 : memref<102400xf32, #tpu.memory_space<vmem_shared>>) offsets(%dma_start3A_975 : memref<512xi32, #tpu.memory_space<vmem>>) semaphore(%arg21 : memref<!tpu.dma_semaphore, #tpu.memory_space<semaphore_mem>>) {add = true}
      %dma_wait3A_978 = arith.constant 14 : i32
      %dma_wait3A_979 = arith.constant 14 : i32
      %dma_wait3A_980 = arith.constant 0 : i32
      %dma_wait3A_981 = tpu.memref_slice %arg15[%dma_wait3A_979, %dma_wait3A_980] : memref<20x512xf32, #tpu.memory_space<vmem>> -> memref<1x512xf32, #tpu.memory_space<vmem>>
      %dma_wait3A_982 = tpu.memref_squeeze %dma_wait3A_981 : memref<1x512xf32, #tpu.memory_space<vmem>> -> memref<512xf32, #tpu.memory_space<vmem>>
      %dma_wait3A_983 = arith.constant 0 : i32
      %dma_wait3A_984 = tpu.memref_slice %arg13[%dma_wait3A_978, %dma_wait3A_983] : memref<20x512xi32, #tpu.memory_space<vmem>> -> memref<1x512xi32, #tpu.memory_space<vmem>>
      %dma_wait3A_985 = tpu.memref_squeeze %dma_wait3A_984 : memref<1x512xi32, #tpu.memory_space<vmem>> -> memref<512xi32, #tpu.memory_space<vmem>>
      %dma_wait3A_986 = arith.constant 0 : i32
      %dma_wait3A_987 = tpu.memref_slice %arg9[%dma_wait3A_986] : memref<102400xf32, #tpu.memory_space<vmem_shared>> -> memref<102400xf32, #tpu.memory_space<vmem_shared>>
      tpu.wait_indirect_dma semaphore(%arg18 : memref<!tpu.dma_semaphore, #tpu.memory_space<semaphore_mem>>) src(%dma_wait3A_987 : memref<102400xf32, #tpu.memory_space<vmem_shared>>) dst(%dma_wait3A_982 : memref<512xf32, #tpu.memory_space<vmem>>)
      %dma_start3A_988 = arith.constant 14 : i32
      %dma_start3A_989 = arith.constant 14 : i32
      %dma_start3A_990 = arith.constant 0 : i32
      %dma_start3A_991 = tpu.memref_slice %arg15[%dma_start3A_988, %dma_start3A_990] : memref<20x512xf32, #tpu.memory_space<vmem>> -> memref<1x512xf32, #tpu.memory_space<vmem>>
      %dma_start3A_992 = tpu.memref_squeeze %dma_start3A_991 : memref<1x512xf32, #tpu.memory_space<vmem>> -> memref<512xf32, #tpu.memory_space<vmem>>
      %dma_start3A_993 = arith.constant 0 : i32
      %dma_start3A_994 = tpu.memref_slice %arg14[%dma_start3A_989, %dma_start3A_993] : memref<20x512xi32, #tpu.memory_space<vmem>> -> memref<1x512xi32, #tpu.memory_space<vmem>>
      %dma_start3A_995 = tpu.memref_squeeze %dma_start3A_994 : memref<1x512xi32, #tpu.memory_space<vmem>> -> memref<512xi32, #tpu.memory_space<vmem>>
      %dma_start3A_996 = arith.constant 0 : i32
      %dma_start3A_997 = tpu.memref_slice %arg11[%dma_start3A_996] : memref<102400xf32, #tpu.memory_space<vmem_shared>> -> memref<102400xf32, #tpu.memory_space<vmem_shared>>
      tpu.enqueue_indirect_dma source(%dma_start3A_992 : memref<512xf32, #tpu.memory_space<vmem>>) target(%dma_start3A_997 : memref<102400xf32, #tpu.memory_space<vmem_shared>>) offsets(%dma_start3A_995 : memref<512xi32, #tpu.memory_space<vmem>>) semaphore(%arg20 : memref<!tpu.dma_semaphore, #tpu.memory_space<semaphore_mem>>) {add = true}
      %dma_wait3A_998 = arith.constant 14 : i32
      %dma_wait3A_999 = arith.constant 14 : i32
      %dma_wait3A_1000 = arith.constant 0 : i32
      %dma_wait3A_1001 = tpu.memref_slice %arg16[%dma_wait3A_999, %dma_wait3A_1000] : memref<20x512xf32, #tpu.memory_space<vmem>> -> memref<1x512xf32, #tpu.memory_space<vmem>>
      %dma_wait3A_1002 = tpu.memref_squeeze %dma_wait3A_1001 : memref<1x512xf32, #tpu.memory_space<vmem>> -> memref<512xf32, #tpu.memory_space<vmem>>
      %dma_wait3A_1003 = arith.constant 0 : i32
      %dma_wait3A_1004 = tpu.memref_slice %arg13[%dma_wait3A_998, %dma_wait3A_1003] : memref<20x512xi32, #tpu.memory_space<vmem>> -> memref<1x512xi32, #tpu.memory_space<vmem>>
      %dma_wait3A_1005 = tpu.memref_squeeze %dma_wait3A_1004 : memref<1x512xi32, #tpu.memory_space<vmem>> -> memref<512xi32, #tpu.memory_space<vmem>>
      %dma_wait3A_1006 = arith.constant 0 : i32
      %dma_wait3A_1007 = tpu.memref_slice %arg10[%dma_wait3A_1006] : memref<102400xf32, #tpu.memory_space<vmem_shared>> -> memref<102400xf32, #tpu.memory_space<vmem_shared>>
      tpu.wait_indirect_dma semaphore(%arg19 : memref<!tpu.dma_semaphore, #tpu.memory_space<semaphore_mem>>) src(%dma_wait3A_1007 : memref<102400xf32, #tpu.memory_space<vmem_shared>>) dst(%dma_wait3A_1002 : memref<512xf32, #tpu.memory_space<vmem>>)
      %dma_start3A_1008 = arith.constant 14 : i32
      %dma_start3A_1009 = arith.constant 14 : i32
      %dma_start3A_1010 = arith.constant 0 : i32
      %dma_start3A_1011 = tpu.memref_slice %arg16[%dma_start3A_1008, %dma_start3A_1010] : memref<20x512xf32, #tpu.memory_space<vmem>> -> memref<1x512xf32, #tpu.memory_space<vmem>>
      %dma_start3A_1012 = tpu.memref_squeeze %dma_start3A_1011 : memref<1x512xf32, #tpu.memory_space<vmem>> -> memref<512xf32, #tpu.memory_space<vmem>>
      %dma_start3A_1013 = arith.constant 0 : i32
      %dma_start3A_1014 = tpu.memref_slice %arg14[%dma_start3A_1009, %dma_start3A_1013] : memref<20x512xi32, #tpu.memory_space<vmem>> -> memref<1x512xi32, #tpu.memory_space<vmem>>
      %dma_start3A_1015 = tpu.memref_squeeze %dma_start3A_1014 : memref<1x512xi32, #tpu.memory_space<vmem>> -> memref<512xi32, #tpu.memory_space<vmem>>
      %dma_start3A_1016 = arith.constant 0 : i32
      %dma_start3A_1017 = tpu.memref_slice %arg12[%dma_start3A_1016] : memref<102400xf32, #tpu.memory_space<vmem_shared>> -> memref<102400xf32, #tpu.memory_space<vmem_shared>>
      tpu.enqueue_indirect_dma source(%dma_start3A_1012 : memref<512xf32, #tpu.memory_space<vmem>>) target(%dma_start3A_1017 : memref<102400xf32, #tpu.memory_space<vmem_shared>>) offsets(%dma_start3A_1015 : memref<512xi32, #tpu.memory_space<vmem>>) semaphore(%arg21 : memref<!tpu.dma_semaphore, #tpu.memory_space<semaphore_mem>>) {add = true}
      %dma_wait3A_1018 = arith.constant 15 : i32
      %dma_wait3A_1019 = arith.constant 15 : i32
      %dma_wait3A_1020 = arith.constant 0 : i32
      %dma_wait3A_1021 = tpu.memref_slice %arg15[%dma_wait3A_1019, %dma_wait3A_1020] : memref<20x512xf32, #tpu.memory_space<vmem>> -> memref<1x512xf32, #tpu.memory_space<vmem>>
      %dma_wait3A_1022 = tpu.memref_squeeze %dma_wait3A_1021 : memref<1x512xf32, #tpu.memory_space<vmem>> -> memref<512xf32, #tpu.memory_space<vmem>>
      %dma_wait3A_1023 = arith.constant 0 : i32
      %dma_wait3A_1024 = tpu.memref_slice %arg13[%dma_wait3A_1018, %dma_wait3A_1023] : memref<20x512xi32, #tpu.memory_space<vmem>> -> memref<1x512xi32, #tpu.memory_space<vmem>>
      %dma_wait3A_1025 = tpu.memref_squeeze %dma_wait3A_1024 : memref<1x512xi32, #tpu.memory_space<vmem>> -> memref<512xi32, #tpu.memory_space<vmem>>
      %dma_wait3A_1026 = arith.constant 0 : i32
      %dma_wait3A_1027 = tpu.memref_slice %arg9[%dma_wait3A_1026] : memref<102400xf32, #tpu.memory_space<vmem_shared>> -> memref<102400xf32, #tpu.memory_space<vmem_shared>>
      tpu.wait_indirect_dma semaphore(%arg18 : memref<!tpu.dma_semaphore, #tpu.memory_space<semaphore_mem>>) src(%dma_wait3A_1027 : memref<102400xf32, #tpu.memory_space<vmem_shared>>) dst(%dma_wait3A_1022 : memref<512xf32, #tpu.memory_space<vmem>>)
      %dma_start3A_1028 = arith.constant 15 : i32
      %dma_start3A_1029 = arith.constant 15 : i32
      %dma_start3A_1030 = arith.constant 0 : i32
      %dma_start3A_1031 = tpu.memref_slice %arg15[%dma_start3A_1028, %dma_start3A_1030] : memref<20x512xf32, #tpu.memory_space<vmem>> -> memref<1x512xf32, #tpu.memory_space<vmem>>
      %dma_start3A_1032 = tpu.memref_squeeze %dma_start3A_1031 : memref<1x512xf32, #tpu.memory_space<vmem>> -> memref<512xf32, #tpu.memory_space<vmem>>
      %dma_start3A_1033 = arith.constant 0 : i32
      %dma_start3A_1034 = tpu.memref_slice %arg14[%dma_start3A_1029, %dma_start3A_1033] : memref<20x512xi32, #tpu.memory_space<vmem>> -> memref<1x512xi32, #tpu.memory_space<vmem>>
      %dma_start3A_1035 = tpu.memref_squeeze %dma_start3A_1034 : memref<1x512xi32, #tpu.memory_space<vmem>> -> memref<512xi32, #tpu.memory_space<vmem>>
      %dma_start3A_1036 = arith.constant 0 : i32
      %dma_start3A_1037 = tpu.memref_slice %arg11[%dma_start3A_1036] : memref<102400xf32, #tpu.memory_space<vmem_shared>> -> memref<102400xf32, #tpu.memory_space<vmem_shared>>
      tpu.enqueue_indirect_dma source(%dma_start3A_1032 : memref<512xf32, #tpu.memory_space<vmem>>) target(%dma_start3A_1037 : memref<102400xf32, #tpu.memory_space<vmem_shared>>) offsets(%dma_start3A_1035 : memref<512xi32, #tpu.memory_space<vmem>>) semaphore(%arg20 : memref<!tpu.dma_semaphore, #tpu.memory_space<semaphore_mem>>) {add = true}
      %dma_wait3A_1038 = arith.constant 15 : i32
      %dma_wait3A_1039 = arith.constant 15 : i32
      %dma_wait3A_1040 = arith.constant 0 : i32
      %dma_wait3A_1041 = tpu.memref_slice %arg16[%dma_wait3A_1039, %dma_wait3A_1040] : memref<20x512xf32, #tpu.memory_space<vmem>> -> memref<1x512xf32, #tpu.memory_space<vmem>>
      %dma_wait3A_1042 = tpu.memref_squeeze %dma_wait3A_1041 : memref<1x512xf32, #tpu.memory_space<vmem>> -> memref<512xf32, #tpu.memory_space<vmem>>
      %dma_wait3A_1043 = arith.constant 0 : i32
      %dma_wait3A_1044 = tpu.memref_slice %arg13[%dma_wait3A_1038, %dma_wait3A_1043] : memref<20x512xi32, #tpu.memory_space<vmem>> -> memref<1x512xi32, #tpu.memory_space<vmem>>
      %dma_wait3A_1045 = tpu.memref_squeeze %dma_wait3A_1044 : memref<1x512xi32, #tpu.memory_space<vmem>> -> memref<512xi32, #tpu.memory_space<vmem>>
      %dma_wait3A_1046 = arith.constant 0 : i32
      %dma_wait3A_1047 = tpu.memref_slice %arg10[%dma_wait3A_1046] : memref<102400xf32, #tpu.memory_space<vmem_shared>> -> memref<102400xf32, #tpu.memory_space<vmem_shared>>
      tpu.wait_indirect_dma semaphore(%arg19 : memref<!tpu.dma_semaphore, #tpu.memory_space<semaphore_mem>>) src(%dma_wait3A_1047 : memref<102400xf32, #tpu.memory_space<vmem_shared>>) dst(%dma_wait3A_1042 : memref<512xf32, #tpu.memory_space<vmem>>)
      %dma_start3A_1048 = arith.constant 15 : i32
      %dma_start3A_1049 = arith.constant 15 : i32
      %dma_start3A_1050 = arith.constant 0 : i32
      %dma_start3A_1051 = tpu.memref_slice %arg16[%dma_start3A_1048, %dma_start3A_1050] : memref<20x512xf32, #tpu.memory_space<vmem>> -> memref<1x512xf32, #tpu.memory_space<vmem>>
      %dma_start3A_1052 = tpu.memref_squeeze %dma_start3A_1051 : memref<1x512xf32, #tpu.memory_space<vmem>> -> memref<512xf32, #tpu.memory_space<vmem>>
      %dma_start3A_1053 = arith.constant 0 : i32
      %dma_start3A_1054 = tpu.memref_slice %arg14[%dma_start3A_1049, %dma_start3A_1053] : memref<20x512xi32, #tpu.memory_space<vmem>> -> memref<1x512xi32, #tpu.memory_space<vmem>>
      %dma_start3A_1055 = tpu.memref_squeeze %dma_start3A_1054 : memref<1x512xi32, #tpu.memory_space<vmem>> -> memref<512xi32, #tpu.memory_space<vmem>>
      %dma_start3A_1056 = arith.constant 0 : i32
      %dma_start3A_1057 = tpu.memref_slice %arg12[%dma_start3A_1056] : memref<102400xf32, #tpu.memory_space<vmem_shared>> -> memref<102400xf32, #tpu.memory_space<vmem_shared>>
      tpu.enqueue_indirect_dma source(%dma_start3A_1052 : memref<512xf32, #tpu.memory_space<vmem>>) target(%dma_start3A_1057 : memref<102400xf32, #tpu.memory_space<vmem_shared>>) offsets(%dma_start3A_1055 : memref<512xi32, #tpu.memory_space<vmem>>) semaphore(%arg21 : memref<!tpu.dma_semaphore, #tpu.memory_space<semaphore_mem>>) {add = true}
      %dma_wait3A_1058 = arith.constant 16 : i32
      %dma_wait3A_1059 = arith.constant 16 : i32
      %dma_wait3A_1060 = arith.constant 0 : i32
      %dma_wait3A_1061 = tpu.memref_slice %arg15[%dma_wait3A_1059, %dma_wait3A_1060] : memref<20x512xf32, #tpu.memory_space<vmem>> -> memref<1x512xf32, #tpu.memory_space<vmem>>
      %dma_wait3A_1062 = tpu.memref_squeeze %dma_wait3A_1061 : memref<1x512xf32, #tpu.memory_space<vmem>> -> memref<512xf32, #tpu.memory_space<vmem>>
      %dma_wait3A_1063 = arith.constant 0 : i32
      %dma_wait3A_1064 = tpu.memref_slice %arg13[%dma_wait3A_1058, %dma_wait3A_1063] : memref<20x512xi32, #tpu.memory_space<vmem>> -> memref<1x512xi32, #tpu.memory_space<vmem>>
      %dma_wait3A_1065 = tpu.memref_squeeze %dma_wait3A_1064 : memref<1x512xi32, #tpu.memory_space<vmem>> -> memref<512xi32, #tpu.memory_space<vmem>>
      %dma_wait3A_1066 = arith.constant 0 : i32
      %dma_wait3A_1067 = tpu.memref_slice %arg9[%dma_wait3A_1066] : memref<102400xf32, #tpu.memory_space<vmem_shared>> -> memref<102400xf32, #tpu.memory_space<vmem_shared>>
      tpu.wait_indirect_dma semaphore(%arg18 : memref<!tpu.dma_semaphore, #tpu.memory_space<semaphore_mem>>) src(%dma_wait3A_1067 : memref<102400xf32, #tpu.memory_space<vmem_shared>>) dst(%dma_wait3A_1062 : memref<512xf32, #tpu.memory_space<vmem>>)
      %dma_start3A_1068 = arith.constant 16 : i32
      %dma_start3A_1069 = arith.constant 16 : i32
      %dma_start3A_1070 = arith.constant 0 : i32
      %dma_start3A_1071 = tpu.memref_slice %arg15[%dma_start3A_1068, %dma_start3A_1070] : memref<20x512xf32, #tpu.memory_space<vmem>> -> memref<1x512xf32, #tpu.memory_space<vmem>>
      %dma_start3A_1072 = tpu.memref_squeeze %dma_start3A_1071 : memref<1x512xf32, #tpu.memory_space<vmem>> -> memref<512xf32, #tpu.memory_space<vmem>>
      %dma_start3A_1073 = arith.constant 0 : i32
      %dma_start3A_1074 = tpu.memref_slice %arg14[%dma_start3A_1069, %dma_start3A_1073] : memref<20x512xi32, #tpu.memory_space<vmem>> -> memref<1x512xi32, #tpu.memory_space<vmem>>
      %dma_start3A_1075 = tpu.memref_squeeze %dma_start3A_1074 : memref<1x512xi32, #tpu.memory_space<vmem>> -> memref<512xi32, #tpu.memory_space<vmem>>
      %dma_start3A_1076 = arith.constant 0 : i32
      %dma_start3A_1077 = tpu.memref_slice %arg11[%dma_start3A_1076] : memref<102400xf32, #tpu.memory_space<vmem_shared>> -> memref<102400xf32, #tpu.memory_space<vmem_shared>>
      tpu.enqueue_indirect_dma source(%dma_start3A_1072 : memref<512xf32, #tpu.memory_space<vmem>>) target(%dma_start3A_1077 : memref<102400xf32, #tpu.memory_space<vmem_shared>>) offsets(%dma_start3A_1075 : memref<512xi32, #tpu.memory_space<vmem>>) semaphore(%arg20 : memref<!tpu.dma_semaphore, #tpu.memory_space<semaphore_mem>>) {add = true}
      %dma_wait3A_1078 = arith.constant 16 : i32
      %dma_wait3A_1079 = arith.constant 16 : i32
      %dma_wait3A_1080 = arith.constant 0 : i32
      %dma_wait3A_1081 = tpu.memref_slice %arg16[%dma_wait3A_1079, %dma_wait3A_1080] : memref<20x512xf32, #tpu.memory_space<vmem>> -> memref<1x512xf32, #tpu.memory_space<vmem>>
      %dma_wait3A_1082 = tpu.memref_squeeze %dma_wait3A_1081 : memref<1x512xf32, #tpu.memory_space<vmem>> -> memref<512xf32, #tpu.memory_space<vmem>>
      %dma_wait3A_1083 = arith.constant 0 : i32
      %dma_wait3A_1084 = tpu.memref_slice %arg13[%dma_wait3A_1078, %dma_wait3A_1083] : memref<20x512xi32, #tpu.memory_space<vmem>> -> memref<1x512xi32, #tpu.memory_space<vmem>>
      %dma_wait3A_1085 = tpu.memref_squeeze %dma_wait3A_1084 : memref<1x512xi32, #tpu.memory_space<vmem>> -> memref<512xi32, #tpu.memory_space<vmem>>
      %dma_wait3A_1086 = arith.constant 0 : i32
      %dma_wait3A_1087 = tpu.memref_slice %arg10[%dma_wait3A_1086] : memref<102400xf32, #tpu.memory_space<vmem_shared>> -> memref<102400xf32, #tpu.memory_space<vmem_shared>>
      tpu.wait_indirect_dma semaphore(%arg19 : memref<!tpu.dma_semaphore, #tpu.memory_space<semaphore_mem>>) src(%dma_wait3A_1087 : memref<102400xf32, #tpu.memory_space<vmem_shared>>) dst(%dma_wait3A_1082 : memref<512xf32, #tpu.memory_space<vmem>>)
      %dma_start3A_1088 = arith.constant 16 : i32
      %dma_start3A_1089 = arith.constant 16 : i32
      %dma_start3A_1090 = arith.constant 0 : i32
      %dma_start3A_1091 = tpu.memref_slice %arg16[%dma_start3A_1088, %dma_start3A_1090] : memref<20x512xf32, #tpu.memory_space<vmem>> -> memref<1x512xf32, #tpu.memory_space<vmem>>
      %dma_start3A_1092 = tpu.memref_squeeze %dma_start3A_1091 : memref<1x512xf32, #tpu.memory_space<vmem>> -> memref<512xf32, #tpu.memory_space<vmem>>
      %dma_start3A_1093 = arith.constant 0 : i32
      %dma_start3A_1094 = tpu.memref_slice %arg14[%dma_start3A_1089, %dma_start3A_1093] : memref<20x512xi32, #tpu.memory_space<vmem>> -> memref<1x512xi32, #tpu.memory_space<vmem>>
      %dma_start3A_1095 = tpu.memref_squeeze %dma_start3A_1094 : memref<1x512xi32, #tpu.memory_space<vmem>> -> memref<512xi32, #tpu.memory_space<vmem>>
      %dma_start3A_1096 = arith.constant 0 : i32
      %dma_start3A_1097 = tpu.memref_slice %arg12[%dma_start3A_1096] : memref<102400xf32, #tpu.memory_space<vmem_shared>> -> memref<102400xf32, #tpu.memory_space<vmem_shared>>
      tpu.enqueue_indirect_dma source(%dma_start3A_1092 : memref<512xf32, #tpu.memory_space<vmem>>) target(%dma_start3A_1097 : memref<102400xf32, #tpu.memory_space<vmem_shared>>) offsets(%dma_start3A_1095 : memref<512xi32, #tpu.memory_space<vmem>>) semaphore(%arg21 : memref<!tpu.dma_semaphore, #tpu.memory_space<semaphore_mem>>) {add = true}
      %dma_wait3A_1098 = arith.constant 17 : i32
      %dma_wait3A_1099 = arith.constant 17 : i32
      %dma_wait3A_1100 = arith.constant 0 : i32
      %dma_wait3A_1101 = tpu.memref_slice %arg15[%dma_wait3A_1099, %dma_wait3A_1100] : memref<20x512xf32, #tpu.memory_space<vmem>> -> memref<1x512xf32, #tpu.memory_space<vmem>>
      %dma_wait3A_1102 = tpu.memref_squeeze %dma_wait3A_1101 : memref<1x512xf32, #tpu.memory_space<vmem>> -> memref<512xf32, #tpu.memory_space<vmem>>
      %dma_wait3A_1103 = arith.constant 0 : i32
      %dma_wait3A_1104 = tpu.memref_slice %arg13[%dma_wait3A_1098, %dma_wait3A_1103] : memref<20x512xi32, #tpu.memory_space<vmem>> -> memref<1x512xi32, #tpu.memory_space<vmem>>
      %dma_wait3A_1105 = tpu.memref_squeeze %dma_wait3A_1104 : memref<1x512xi32, #tpu.memory_space<vmem>> -> memref<512xi32, #tpu.memory_space<vmem>>
      %dma_wait3A_1106 = arith.constant 0 : i32
      %dma_wait3A_1107 = tpu.memref_slice %arg9[%dma_wait3A_1106] : memref<102400xf32, #tpu.memory_space<vmem_shared>> -> memref<102400xf32, #tpu.memory_space<vmem_shared>>
      tpu.wait_indirect_dma semaphore(%arg18 : memref<!tpu.dma_semaphore, #tpu.memory_space<semaphore_mem>>) src(%dma_wait3A_1107 : memref<102400xf32, #tpu.memory_space<vmem_shared>>) dst(%dma_wait3A_1102 : memref<512xf32, #tpu.memory_space<vmem>>)
      %dma_start3A_1108 = arith.constant 17 : i32
      %dma_start3A_1109 = arith.constant 17 : i32
      %dma_start3A_1110 = arith.constant 0 : i32
      %dma_start3A_1111 = tpu.memref_slice %arg15[%dma_start3A_1108, %dma_start3A_1110] : memref<20x512xf32, #tpu.memory_space<vmem>> -> memref<1x512xf32, #tpu.memory_space<vmem>>
      %dma_start3A_1112 = tpu.memref_squeeze %dma_start3A_1111 : memref<1x512xf32, #tpu.memory_space<vmem>> -> memref<512xf32, #tpu.memory_space<vmem>>
      %dma_start3A_1113 = arith.constant 0 : i32
      %dma_start3A_1114 = tpu.memref_slice %arg14[%dma_start3A_1109, %dma_start3A_1113] : memref<20x512xi32, #tpu.memory_space<vmem>> -> memref<1x512xi32, #tpu.memory_space<vmem>>
      %dma_start3A_1115 = tpu.memref_squeeze %dma_start3A_1114 : memref<1x512xi32, #tpu.memory_space<vmem>> -> memref<512xi32, #tpu.memory_space<vmem>>
      %dma_start3A_1116 = arith.constant 0 : i32
      %dma_start3A_1117 = tpu.memref_slice %arg11[%dma_start3A_1116] : memref<102400xf32, #tpu.memory_space<vmem_shared>> -> memref<102400xf32, #tpu.memory_space<vmem_shared>>
      tpu.enqueue_indirect_dma source(%dma_start3A_1112 : memref<512xf32, #tpu.memory_space<vmem>>) target(%dma_start3A_1117 : memref<102400xf32, #tpu.memory_space<vmem_shared>>) offsets(%dma_start3A_1115 : memref<512xi32, #tpu.memory_space<vmem>>) semaphore(%arg20 : memref<!tpu.dma_semaphore, #tpu.memory_space<semaphore_mem>>) {add = true}
      %dma_wait3A_1118 = arith.constant 17 : i32
      %dma_wait3A_1119 = arith.constant 17 : i32
      %dma_wait3A_1120 = arith.constant 0 : i32
      %dma_wait3A_1121 = tpu.memref_slice %arg16[%dma_wait3A_1119, %dma_wait3A_1120] : memref<20x512xf32, #tpu.memory_space<vmem>> -> memref<1x512xf32, #tpu.memory_space<vmem>>
      %dma_wait3A_1122 = tpu.memref_squeeze %dma_wait3A_1121 : memref<1x512xf32, #tpu.memory_space<vmem>> -> memref<512xf32, #tpu.memory_space<vmem>>
      %dma_wait3A_1123 = arith.constant 0 : i32
      %dma_wait3A_1124 = tpu.memref_slice %arg13[%dma_wait3A_1118, %dma_wait3A_1123] : memref<20x512xi32, #tpu.memory_space<vmem>> -> memref<1x512xi32, #tpu.memory_space<vmem>>
      %dma_wait3A_1125 = tpu.memref_squeeze %dma_wait3A_1124 : memref<1x512xi32, #tpu.memory_space<vmem>> -> memref<512xi32, #tpu.memory_space<vmem>>
      %dma_wait3A_1126 = arith.constant 0 : i32
      %dma_wait3A_1127 = tpu.memref_slice %arg10[%dma_wait3A_1126] : memref<102400xf32, #tpu.memory_space<vmem_shared>> -> memref<102400xf32, #tpu.memory_space<vmem_shared>>
      tpu.wait_indirect_dma semaphore(%arg19 : memref<!tpu.dma_semaphore, #tpu.memory_space<semaphore_mem>>) src(%dma_wait3A_1127 : memref<102400xf32, #tpu.memory_space<vmem_shared>>) dst(%dma_wait3A_1122 : memref<512xf32, #tpu.memory_space<vmem>>)
      %dma_start3A_1128 = arith.constant 17 : i32
      %dma_start3A_1129 = arith.constant 17 : i32
      %dma_start3A_1130 = arith.constant 0 : i32
      %dma_start3A_1131 = tpu.memref_slice %arg16[%dma_start3A_1128, %dma_start3A_1130] : memref<20x512xf32, #tpu.memory_space<vmem>> -> memref<1x512xf32, #tpu.memory_space<vmem>>
      %dma_start3A_1132 = tpu.memref_squeeze %dma_start3A_1131 : memref<1x512xf32, #tpu.memory_space<vmem>> -> memref<512xf32, #tpu.memory_space<vmem>>
      %dma_start3A_1133 = arith.constant 0 : i32
      %dma_start3A_1134 = tpu.memref_slice %arg14[%dma_start3A_1129, %dma_start3A_1133] : memref<20x512xi32, #tpu.memory_space<vmem>> -> memref<1x512xi32, #tpu.memory_space<vmem>>
      %dma_start3A_1135 = tpu.memref_squeeze %dma_start3A_1134 : memref<1x512xi32, #tpu.memory_space<vmem>> -> memref<512xi32, #tpu.memory_space<vmem>>
      %dma_start3A_1136 = arith.constant 0 : i32
      %dma_start3A_1137 = tpu.memref_slice %arg12[%dma_start3A_1136] : memref<102400xf32, #tpu.memory_space<vmem_shared>> -> memref<102400xf32, #tpu.memory_space<vmem_shared>>
      tpu.enqueue_indirect_dma source(%dma_start3A_1132 : memref<512xf32, #tpu.memory_space<vmem>>) target(%dma_start3A_1137 : memref<102400xf32, #tpu.memory_space<vmem_shared>>) offsets(%dma_start3A_1135 : memref<512xi32, #tpu.memory_space<vmem>>) semaphore(%arg21 : memref<!tpu.dma_semaphore, #tpu.memory_space<semaphore_mem>>) {add = true}
      %dma_wait3A_1138 = arith.constant 18 : i32
      %dma_wait3A_1139 = arith.constant 18 : i32
      %dma_wait3A_1140 = arith.constant 0 : i32
      %dma_wait3A_1141 = tpu.memref_slice %arg15[%dma_wait3A_1139, %dma_wait3A_1140] : memref<20x512xf32, #tpu.memory_space<vmem>> -> memref<1x512xf32, #tpu.memory_space<vmem>>
      %dma_wait3A_1142 = tpu.memref_squeeze %dma_wait3A_1141 : memref<1x512xf32, #tpu.memory_space<vmem>> -> memref<512xf32, #tpu.memory_space<vmem>>
      %dma_wait3A_1143 = arith.constant 0 : i32
      %dma_wait3A_1144 = tpu.memref_slice %arg13[%dma_wait3A_1138, %dma_wait3A_1143] : memref<20x512xi32, #tpu.memory_space<vmem>> -> memref<1x512xi32, #tpu.memory_space<vmem>>
      %dma_wait3A_1145 = tpu.memref_squeeze %dma_wait3A_1144 : memref<1x512xi32, #tpu.memory_space<vmem>> -> memref<512xi32, #tpu.memory_space<vmem>>
      %dma_wait3A_1146 = arith.constant 0 : i32
      %dma_wait3A_1147 = tpu.memref_slice %arg9[%dma_wait3A_1146] : memref<102400xf32, #tpu.memory_space<vmem_shared>> -> memref<102400xf32, #tpu.memory_space<vmem_shared>>
      tpu.wait_indirect_dma semaphore(%arg18 : memref<!tpu.dma_semaphore, #tpu.memory_space<semaphore_mem>>) src(%dma_wait3A_1147 : memref<102400xf32, #tpu.memory_space<vmem_shared>>) dst(%dma_wait3A_1142 : memref<512xf32, #tpu.memory_space<vmem>>)
      %dma_start3A_1148 = arith.constant 18 : i32
      %dma_start3A_1149 = arith.constant 18 : i32
      %dma_start3A_1150 = arith.constant 0 : i32
      %dma_start3A_1151 = tpu.memref_slice %arg15[%dma_start3A_1148, %dma_start3A_1150] : memref<20x512xf32, #tpu.memory_space<vmem>> -> memref<1x512xf32, #tpu.memory_space<vmem>>
      %dma_start3A_1152 = tpu.memref_squeeze %dma_start3A_1151 : memref<1x512xf32, #tpu.memory_space<vmem>> -> memref<512xf32, #tpu.memory_space<vmem>>
      %dma_start3A_1153 = arith.constant 0 : i32
      %dma_start3A_1154 = tpu.memref_slice %arg14[%dma_start3A_1149, %dma_start3A_1153] : memref<20x512xi32, #tpu.memory_space<vmem>> -> memref<1x512xi32, #tpu.memory_space<vmem>>
      %dma_start3A_1155 = tpu.memref_squeeze %dma_start3A_1154 : memref<1x512xi32, #tpu.memory_space<vmem>> -> memref<512xi32, #tpu.memory_space<vmem>>
      %dma_start3A_1156 = arith.constant 0 : i32
      %dma_start3A_1157 = tpu.memref_slice %arg11[%dma_start3A_1156] : memref<102400xf32, #tpu.memory_space<vmem_shared>> -> memref<102400xf32, #tpu.memory_space<vmem_shared>>
      tpu.enqueue_indirect_dma source(%dma_start3A_1152 : memref<512xf32, #tpu.memory_space<vmem>>) target(%dma_start3A_1157 : memref<102400xf32, #tpu.memory_space<vmem_shared>>) offsets(%dma_start3A_1155 : memref<512xi32, #tpu.memory_space<vmem>>) semaphore(%arg20 : memref<!tpu.dma_semaphore, #tpu.memory_space<semaphore_mem>>) {add = true}
      %dma_wait3A_1158 = arith.constant 18 : i32
      %dma_wait3A_1159 = arith.constant 18 : i32
      %dma_wait3A_1160 = arith.constant 0 : i32
      %dma_wait3A_1161 = tpu.memref_slice %arg16[%dma_wait3A_1159, %dma_wait3A_1160] : memref<20x512xf32, #tpu.memory_space<vmem>> -> memref<1x512xf32, #tpu.memory_space<vmem>>
      %dma_wait3A_1162 = tpu.memref_squeeze %dma_wait3A_1161 : memref<1x512xf32, #tpu.memory_space<vmem>> -> memref<512xf32, #tpu.memory_space<vmem>>
      %dma_wait3A_1163 = arith.constant 0 : i32
      %dma_wait3A_1164 = tpu.memref_slice %arg13[%dma_wait3A_1158, %dma_wait3A_1163] : memref<20x512xi32, #tpu.memory_space<vmem>> -> memref<1x512xi32, #tpu.memory_space<vmem>>
      %dma_wait3A_1165 = tpu.memref_squeeze %dma_wait3A_1164 : memref<1x512xi32, #tpu.memory_space<vmem>> -> memref<512xi32, #tpu.memory_space<vmem>>
      %dma_wait3A_1166 = arith.constant 0 : i32
      %dma_wait3A_1167 = tpu.memref_slice %arg10[%dma_wait3A_1166] : memref<102400xf32, #tpu.memory_space<vmem_shared>> -> memref<102400xf32, #tpu.memory_space<vmem_shared>>
      tpu.wait_indirect_dma semaphore(%arg19 : memref<!tpu.dma_semaphore, #tpu.memory_space<semaphore_mem>>) src(%dma_wait3A_1167 : memref<102400xf32, #tpu.memory_space<vmem_shared>>) dst(%dma_wait3A_1162 : memref<512xf32, #tpu.memory_space<vmem>>)
      %dma_start3A_1168 = arith.constant 18 : i32
      %dma_start3A_1169 = arith.constant 18 : i32
      %dma_start3A_1170 = arith.constant 0 : i32
      %dma_start3A_1171 = tpu.memref_slice %arg16[%dma_start3A_1168, %dma_start3A_1170] : memref<20x512xf32, #tpu.memory_space<vmem>> -> memref<1x512xf32, #tpu.memory_space<vmem>>
      %dma_start3A_1172 = tpu.memref_squeeze %dma_start3A_1171 : memref<1x512xf32, #tpu.memory_space<vmem>> -> memref<512xf32, #tpu.memory_space<vmem>>
      %dma_start3A_1173 = arith.constant 0 : i32
      %dma_start3A_1174 = tpu.memref_slice %arg14[%dma_start3A_1169, %dma_start3A_1173] : memref<20x512xi32, #tpu.memory_space<vmem>> -> memref<1x512xi32, #tpu.memory_space<vmem>>
      %dma_start3A_1175 = tpu.memref_squeeze %dma_start3A_1174 : memref<1x512xi32, #tpu.memory_space<vmem>> -> memref<512xi32, #tpu.memory_space<vmem>>
      %dma_start3A_1176 = arith.constant 0 : i32
      %dma_start3A_1177 = tpu.memref_slice %arg12[%dma_start3A_1176] : memref<102400xf32, #tpu.memory_space<vmem_shared>> -> memref<102400xf32, #tpu.memory_space<vmem_shared>>
      tpu.enqueue_indirect_dma source(%dma_start3A_1172 : memref<512xf32, #tpu.memory_space<vmem>>) target(%dma_start3A_1177 : memref<102400xf32, #tpu.memory_space<vmem_shared>>) offsets(%dma_start3A_1175 : memref<512xi32, #tpu.memory_space<vmem>>) semaphore(%arg21 : memref<!tpu.dma_semaphore, #tpu.memory_space<semaphore_mem>>) {add = true}
      %dma_wait3A_1178 = arith.constant 19 : i32
      %dma_wait3A_1179 = arith.constant 19 : i32
      %dma_wait3A_1180 = arith.constant 0 : i32
      %dma_wait3A_1181 = tpu.memref_slice %arg15[%dma_wait3A_1179, %dma_wait3A_1180] : memref<20x512xf32, #tpu.memory_space<vmem>> -> memref<1x512xf32, #tpu.memory_space<vmem>>
      %dma_wait3A_1182 = tpu.memref_squeeze %dma_wait3A_1181 : memref<1x512xf32, #tpu.memory_space<vmem>> -> memref<512xf32, #tpu.memory_space<vmem>>
      %dma_wait3A_1183 = arith.constant 0 : i32
      %dma_wait3A_1184 = tpu.memref_slice %arg13[%dma_wait3A_1178, %dma_wait3A_1183] : memref<20x512xi32, #tpu.memory_space<vmem>> -> memref<1x512xi32, #tpu.memory_space<vmem>>
      %dma_wait3A_1185 = tpu.memref_squeeze %dma_wait3A_1184 : memref<1x512xi32, #tpu.memory_space<vmem>> -> memref<512xi32, #tpu.memory_space<vmem>>
      %dma_wait3A_1186 = arith.constant 0 : i32
      %dma_wait3A_1187 = tpu.memref_slice %arg9[%dma_wait3A_1186] : memref<102400xf32, #tpu.memory_space<vmem_shared>> -> memref<102400xf32, #tpu.memory_space<vmem_shared>>
      tpu.wait_indirect_dma semaphore(%arg18 : memref<!tpu.dma_semaphore, #tpu.memory_space<semaphore_mem>>) src(%dma_wait3A_1187 : memref<102400xf32, #tpu.memory_space<vmem_shared>>) dst(%dma_wait3A_1182 : memref<512xf32, #tpu.memory_space<vmem>>)
      %dma_start3A_1188 = arith.constant 19 : i32
      %dma_start3A_1189 = arith.constant 19 : i32
      %dma_start3A_1190 = arith.constant 0 : i32
      %dma_start3A_1191 = tpu.memref_slice %arg15[%dma_start3A_1188, %dma_start3A_1190] : memref<20x512xf32, #tpu.memory_space<vmem>> -> memref<1x512xf32, #tpu.memory_space<vmem>>
      %dma_start3A_1192 = tpu.memref_squeeze %dma_start3A_1191 : memref<1x512xf32, #tpu.memory_space<vmem>> -> memref<512xf32, #tpu.memory_space<vmem>>
      %dma_start3A_1193 = arith.constant 0 : i32
      %dma_start3A_1194 = tpu.memref_slice %arg14[%dma_start3A_1189, %dma_start3A_1193] : memref<20x512xi32, #tpu.memory_space<vmem>> -> memref<1x512xi32, #tpu.memory_space<vmem>>
      %dma_start3A_1195 = tpu.memref_squeeze %dma_start3A_1194 : memref<1x512xi32, #tpu.memory_space<vmem>> -> memref<512xi32, #tpu.memory_space<vmem>>
      %dma_start3A_1196 = arith.constant 0 : i32
      %dma_start3A_1197 = tpu.memref_slice %arg11[%dma_start3A_1196] : memref<102400xf32, #tpu.memory_space<vmem_shared>> -> memref<102400xf32, #tpu.memory_space<vmem_shared>>
      tpu.enqueue_indirect_dma source(%dma_start3A_1192 : memref<512xf32, #tpu.memory_space<vmem>>) target(%dma_start3A_1197 : memref<102400xf32, #tpu.memory_space<vmem_shared>>) offsets(%dma_start3A_1195 : memref<512xi32, #tpu.memory_space<vmem>>) semaphore(%arg20 : memref<!tpu.dma_semaphore, #tpu.memory_space<semaphore_mem>>) {add = true}
      %dma_wait3A_1198 = arith.constant 19 : i32
      %dma_wait3A_1199 = arith.constant 19 : i32
      %dma_wait3A_1200 = arith.constant 0 : i32
      %dma_wait3A_1201 = tpu.memref_slice %arg16[%dma_wait3A_1199, %dma_wait3A_1200] : memref<20x512xf32, #tpu.memory_space<vmem>> -> memref<1x512xf32, #tpu.memory_space<vmem>>
      %dma_wait3A_1202 = tpu.memref_squeeze %dma_wait3A_1201 : memref<1x512xf32, #tpu.memory_space<vmem>> -> memref<512xf32, #tpu.memory_space<vmem>>
      %dma_wait3A_1203 = arith.constant 0 : i32
      %dma_wait3A_1204 = tpu.memref_slice %arg13[%dma_wait3A_1198, %dma_wait3A_1203] : memref<20x512xi32, #tpu.memory_space<vmem>> -> memref<1x512xi32, #tpu.memory_space<vmem>>
      %dma_wait3A_1205 = tpu.memref_squeeze %dma_wait3A_1204 : memref<1x512xi32, #tpu.memory_space<vmem>> -> memref<512xi32, #tpu.memory_space<vmem>>
      %dma_wait3A_1206 = arith.constant 0 : i32
      %dma_wait3A_1207 = tpu.memref_slice %arg10[%dma_wait3A_1206] : memref<102400xf32, #tpu.memory_space<vmem_shared>> -> memref<102400xf32, #tpu.memory_space<vmem_shared>>
      tpu.wait_indirect_dma semaphore(%arg19 : memref<!tpu.dma_semaphore, #tpu.memory_space<semaphore_mem>>) src(%dma_wait3A_1207 : memref<102400xf32, #tpu.memory_space<vmem_shared>>) dst(%dma_wait3A_1202 : memref<512xf32, #tpu.memory_space<vmem>>)
      %dma_start3A_1208 = arith.constant 19 : i32
      %dma_start3A_1209 = arith.constant 19 : i32
      %dma_start3A_1210 = arith.constant 0 : i32
      %dma_start3A_1211 = tpu.memref_slice %arg16[%dma_start3A_1208, %dma_start3A_1210] : memref<20x512xf32, #tpu.memory_space<vmem>> -> memref<1x512xf32, #tpu.memory_space<vmem>>
      %dma_start3A_1212 = tpu.memref_squeeze %dma_start3A_1211 : memref<1x512xf32, #tpu.memory_space<vmem>> -> memref<512xf32, #tpu.memory_space<vmem>>
      %dma_start3A_1213 = arith.constant 0 : i32
      %dma_start3A_1214 = tpu.memref_slice %arg14[%dma_start3A_1209, %dma_start3A_1213] : memref<20x512xi32, #tpu.memory_space<vmem>> -> memref<1x512xi32, #tpu.memory_space<vmem>>
      %dma_start3A_1215 = tpu.memref_squeeze %dma_start3A_1214 : memref<1x512xi32, #tpu.memory_space<vmem>> -> memref<512xi32, #tpu.memory_space<vmem>>
      %dma_start3A_1216 = arith.constant 0 : i32
      %dma_start3A_1217 = tpu.memref_slice %arg12[%dma_start3A_1216] : memref<102400xf32, #tpu.memory_space<vmem_shared>> -> memref<102400xf32, #tpu.memory_space<vmem_shared>>
      tpu.enqueue_indirect_dma source(%dma_start3A_1212 : memref<512xf32, #tpu.memory_space<vmem>>) target(%dma_start3A_1217 : memref<102400xf32, #tpu.memory_space<vmem_shared>>) offsets(%dma_start3A_1215 : memref<512xi32, #tpu.memory_space<vmem>>) semaphore(%arg21 : memref<!tpu.dma_semaphore, #tpu.memory_space<semaphore_mem>>) {add = true}
      %dma_wait3A_1218 = arith.constant 0 : i32
      %dma_wait3A_1219 = arith.constant 0 : i32
      %dma_wait3A_1220 = arith.constant 0 : i32
      %dma_wait3A_1221 = tpu.memref_slice %arg15[%dma_wait3A_1218, %dma_wait3A_1220] : memref<20x512xf32, #tpu.memory_space<vmem>> -> memref<1x512xf32, #tpu.memory_space<vmem>>
      %dma_wait3A_1222 = tpu.memref_squeeze %dma_wait3A_1221 : memref<1x512xf32, #tpu.memory_space<vmem>> -> memref<512xf32, #tpu.memory_space<vmem>>
      %dma_wait3A_1223 = arith.constant 0 : i32
      %dma_wait3A_1224 = tpu.memref_slice %arg14[%dma_wait3A_1219, %dma_wait3A_1223] : memref<20x512xi32, #tpu.memory_space<vmem>> -> memref<1x512xi32, #tpu.memory_space<vmem>>
      %dma_wait3A_1225 = tpu.memref_squeeze %dma_wait3A_1224 : memref<1x512xi32, #tpu.memory_space<vmem>> -> memref<512xi32, #tpu.memory_space<vmem>>
      %dma_wait3A_1226 = arith.constant 0 : i32
      %dma_wait3A_1227 = tpu.memref_slice %arg11[%dma_wait3A_1226] : memref<102400xf32, #tpu.memory_space<vmem_shared>> -> memref<102400xf32, #tpu.memory_space<vmem_shared>>
      tpu.wait_indirect_dma semaphore(%arg20 : memref<!tpu.dma_semaphore, #tpu.memory_space<semaphore_mem>>) src(%dma_wait3A_1222 : memref<512xf32, #tpu.memory_space<vmem>>) dst(%dma_wait3A_1227 : memref<102400xf32, #tpu.memory_space<vmem_shared>>)
      %dma_wait3A_1228 = arith.constant 0 : i32
      %dma_wait3A_1229 = arith.constant 0 : i32
      %dma_wait3A_1230 = arith.constant 0 : i32
      %dma_wait3A_1231 = tpu.memref_slice %arg16[%dma_wait3A_1228, %dma_wait3A_1230] : memref<20x512xf32, #tpu.memory_space<vmem>> -> memref<1x512xf32, #tpu.memory_space<vmem>>
      %dma_wait3A_1232 = tpu.memref_squeeze %dma_wait3A_1231 : memref<1x512xf32, #tpu.memory_space<vmem>> -> memref<512xf32, #tpu.memory_space<vmem>>
      %dma_wait3A_1233 = arith.constant 0 : i32
      %dma_wait3A_1234 = tpu.memref_slice %arg14[%dma_wait3A_1229, %dma_wait3A_1233] : memref<20x512xi32, #tpu.memory_space<vmem>> -> memref<1x512xi32, #tpu.memory_space<vmem>>
      %dma_wait3A_1235 = tpu.memref_squeeze %dma_wait3A_1234 : memref<1x512xi32, #tpu.memory_space<vmem>> -> memref<512xi32, #tpu.memory_space<vmem>>
      %dma_wait3A_1236 = arith.constant 0 : i32
      %dma_wait3A_1237 = tpu.memref_slice %arg12[%dma_wait3A_1236] : memref<102400xf32, #tpu.memory_space<vmem_shared>> -> memref<102400xf32, #tpu.memory_space<vmem_shared>>
      tpu.wait_indirect_dma semaphore(%arg21 : memref<!tpu.dma_semaphore, #tpu.memory_space<semaphore_mem>>) src(%dma_wait3A_1232 : memref<512xf32, #tpu.memory_space<vmem>>) dst(%dma_wait3A_1237 : memref<102400xf32, #tpu.memory_space<vmem_shared>>)
      %dma_wait3A_1238 = arith.constant 1 : i32
      %dma_wait3A_1239 = arith.constant 1 : i32
      %dma_wait3A_1240 = arith.constant 0 : i32
      %dma_wait3A_1241 = tpu.memref_slice %arg15[%dma_wait3A_1238, %dma_wait3A_1240] : memref<20x512xf32, #tpu.memory_space<vmem>> -> memref<1x512xf32, #tpu.memory_space<vmem>>
      %dma_wait3A_1242 = tpu.memref_squeeze %dma_wait3A_1241 : memref<1x512xf32, #tpu.memory_space<vmem>> -> memref<512xf32, #tpu.memory_space<vmem>>
      %dma_wait3A_1243 = arith.constant 0 : i32
      %dma_wait3A_1244 = tpu.memref_slice %arg14[%dma_wait3A_1239, %dma_wait3A_1243] : memref<20x512xi32, #tpu.memory_space<vmem>> -> memref<1x512xi32, #tpu.memory_space<vmem>>
      %dma_wait3A_1245 = tpu.memref_squeeze %dma_wait3A_1244 : memref<1x512xi32, #tpu.memory_space<vmem>> -> memref<512xi32, #tpu.memory_space<vmem>>
      %dma_wait3A_1246 = arith.constant 0 : i32
      %dma_wait3A_1247 = tpu.memref_slice %arg11[%dma_wait3A_1246] : memref<102400xf32, #tpu.memory_space<vmem_shared>> -> memref<102400xf32, #tpu.memory_space<vmem_shared>>
      tpu.wait_indirect_dma semaphore(%arg20 : memref<!tpu.dma_semaphore, #tpu.memory_space<semaphore_mem>>) src(%dma_wait3A_1242 : memref<512xf32, #tpu.memory_space<vmem>>) dst(%dma_wait3A_1247 : memref<102400xf32, #tpu.memory_space<vmem_shared>>)
      %dma_wait3A_1248 = arith.constant 1 : i32
      %dma_wait3A_1249 = arith.constant 1 : i32
      %dma_wait3A_1250 = arith.constant 0 : i32
      %dma_wait3A_1251 = tpu.memref_slice %arg16[%dma_wait3A_1248, %dma_wait3A_1250] : memref<20x512xf32, #tpu.memory_space<vmem>> -> memref<1x512xf32, #tpu.memory_space<vmem>>
      %dma_wait3A_1252 = tpu.memref_squeeze %dma_wait3A_1251 : memref<1x512xf32, #tpu.memory_space<vmem>> -> memref<512xf32, #tpu.memory_space<vmem>>
      %dma_wait3A_1253 = arith.constant 0 : i32
      %dma_wait3A_1254 = tpu.memref_slice %arg14[%dma_wait3A_1249, %dma_wait3A_1253] : memref<20x512xi32, #tpu.memory_space<vmem>> -> memref<1x512xi32, #tpu.memory_space<vmem>>
      %dma_wait3A_1255 = tpu.memref_squeeze %dma_wait3A_1254 : memref<1x512xi32, #tpu.memory_space<vmem>> -> memref<512xi32, #tpu.memory_space<vmem>>
      %dma_wait3A_1256 = arith.constant 0 : i32
      %dma_wait3A_1257 = tpu.memref_slice %arg12[%dma_wait3A_1256] : memref<102400xf32, #tpu.memory_space<vmem_shared>> -> memref<102400xf32, #tpu.memory_space<vmem_shared>>
      tpu.wait_indirect_dma semaphore(%arg21 : memref<!tpu.dma_semaphore, #tpu.memory_space<semaphore_mem>>) src(%dma_wait3A_1252 : memref<512xf32, #tpu.memory_space<vmem>>) dst(%dma_wait3A_1257 : memref<102400xf32, #tpu.memory_space<vmem_shared>>)
      %dma_wait3A_1258 = arith.constant 2 : i32
      %dma_wait3A_1259 = arith.constant 2 : i32
      %dma_wait3A_1260 = arith.constant 0 : i32
      %dma_wait3A_1261 = tpu.memref_slice %arg15[%dma_wait3A_1258, %dma_wait3A_1260] : memref<20x512xf32, #tpu.memory_space<vmem>> -> memref<1x512xf32, #tpu.memory_space<vmem>>
      %dma_wait3A_1262 = tpu.memref_squeeze %dma_wait3A_1261 : memref<1x512xf32, #tpu.memory_space<vmem>> -> memref<512xf32, #tpu.memory_space<vmem>>
      %dma_wait3A_1263 = arith.constant 0 : i32
      %dma_wait3A_1264 = tpu.memref_slice %arg14[%dma_wait3A_1259, %dma_wait3A_1263] : memref<20x512xi32, #tpu.memory_space<vmem>> -> memref<1x512xi32, #tpu.memory_space<vmem>>
      %dma_wait3A_1265 = tpu.memref_squeeze %dma_wait3A_1264 : memref<1x512xi32, #tpu.memory_space<vmem>> -> memref<512xi32, #tpu.memory_space<vmem>>
      %dma_wait3A_1266 = arith.constant 0 : i32
      %dma_wait3A_1267 = tpu.memref_slice %arg11[%dma_wait3A_1266] : memref<102400xf32, #tpu.memory_space<vmem_shared>> -> memref<102400xf32, #tpu.memory_space<vmem_shared>>
      tpu.wait_indirect_dma semaphore(%arg20 : memref<!tpu.dma_semaphore, #tpu.memory_space<semaphore_mem>>) src(%dma_wait3A_1262 : memref<512xf32, #tpu.memory_space<vmem>>) dst(%dma_wait3A_1267 : memref<102400xf32, #tpu.memory_space<vmem_shared>>)
      %dma_wait3A_1268 = arith.constant 2 : i32
      %dma_wait3A_1269 = arith.constant 2 : i32
      %dma_wait3A_1270 = arith.constant 0 : i32
      %dma_wait3A_1271 = tpu.memref_slice %arg16[%dma_wait3A_1268, %dma_wait3A_1270] : memref<20x512xf32, #tpu.memory_space<vmem>> -> memref<1x512xf32, #tpu.memory_space<vmem>>
      %dma_wait3A_1272 = tpu.memref_squeeze %dma_wait3A_1271 : memref<1x512xf32, #tpu.memory_space<vmem>> -> memref<512xf32, #tpu.memory_space<vmem>>
      %dma_wait3A_1273 = arith.constant 0 : i32
      %dma_wait3A_1274 = tpu.memref_slice %arg14[%dma_wait3A_1269, %dma_wait3A_1273] : memref<20x512xi32, #tpu.memory_space<vmem>> -> memref<1x512xi32, #tpu.memory_space<vmem>>
      %dma_wait3A_1275 = tpu.memref_squeeze %dma_wait3A_1274 : memref<1x512xi32, #tpu.memory_space<vmem>> -> memref<512xi32, #tpu.memory_space<vmem>>
      %dma_wait3A_1276 = arith.constant 0 : i32
      %dma_wait3A_1277 = tpu.memref_slice %arg12[%dma_wait3A_1276] : memref<102400xf32, #tpu.memory_space<vmem_shared>> -> memref<102400xf32, #tpu.memory_space<vmem_shared>>
      tpu.wait_indirect_dma semaphore(%arg21 : memref<!tpu.dma_semaphore, #tpu.memory_space<semaphore_mem>>) src(%dma_wait3A_1272 : memref<512xf32, #tpu.memory_space<vmem>>) dst(%dma_wait3A_1277 : memref<102400xf32, #tpu.memory_space<vmem_shared>>)
      %dma_wait3A_1278 = arith.constant 3 : i32
      %dma_wait3A_1279 = arith.constant 3 : i32
      %dma_wait3A_1280 = arith.constant 0 : i32
      %dma_wait3A_1281 = tpu.memref_slice %arg15[%dma_wait3A_1278, %dma_wait3A_1280] : memref<20x512xf32, #tpu.memory_space<vmem>> -> memref<1x512xf32, #tpu.memory_space<vmem>>
      %dma_wait3A_1282 = tpu.memref_squeeze %dma_wait3A_1281 : memref<1x512xf32, #tpu.memory_space<vmem>> -> memref<512xf32, #tpu.memory_space<vmem>>
      %dma_wait3A_1283 = arith.constant 0 : i32
      %dma_wait3A_1284 = tpu.memref_slice %arg14[%dma_wait3A_1279, %dma_wait3A_1283] : memref<20x512xi32, #tpu.memory_space<vmem>> -> memref<1x512xi32, #tpu.memory_space<vmem>>
      %dma_wait3A_1285 = tpu.memref_squeeze %dma_wait3A_1284 : memref<1x512xi32, #tpu.memory_space<vmem>> -> memref<512xi32, #tpu.memory_space<vmem>>
      %dma_wait3A_1286 = arith.constant 0 : i32
      %dma_wait3A_1287 = tpu.memref_slice %arg11[%dma_wait3A_1286] : memref<102400xf32, #tpu.memory_space<vmem_shared>> -> memref<102400xf32, #tpu.memory_space<vmem_shared>>
      tpu.wait_indirect_dma semaphore(%arg20 : memref<!tpu.dma_semaphore, #tpu.memory_space<semaphore_mem>>) src(%dma_wait3A_1282 : memref<512xf32, #tpu.memory_space<vmem>>) dst(%dma_wait3A_1287 : memref<102400xf32, #tpu.memory_space<vmem_shared>>)
      %dma_wait3A_1288 = arith.constant 3 : i32
      %dma_wait3A_1289 = arith.constant 3 : i32
      %dma_wait3A_1290 = arith.constant 0 : i32
      %dma_wait3A_1291 = tpu.memref_slice %arg16[%dma_wait3A_1288, %dma_wait3A_1290] : memref<20x512xf32, #tpu.memory_space<vmem>> -> memref<1x512xf32, #tpu.memory_space<vmem>>
      %dma_wait3A_1292 = tpu.memref_squeeze %dma_wait3A_1291 : memref<1x512xf32, #tpu.memory_space<vmem>> -> memref<512xf32, #tpu.memory_space<vmem>>
      %dma_wait3A_1293 = arith.constant 0 : i32
      %dma_wait3A_1294 = tpu.memref_slice %arg14[%dma_wait3A_1289, %dma_wait3A_1293] : memref<20x512xi32, #tpu.memory_space<vmem>> -> memref<1x512xi32, #tpu.memory_space<vmem>>
      %dma_wait3A_1295 = tpu.memref_squeeze %dma_wait3A_1294 : memref<1x512xi32, #tpu.memory_space<vmem>> -> memref<512xi32, #tpu.memory_space<vmem>>
      %dma_wait3A_1296 = arith.constant 0 : i32
      %dma_wait3A_1297 = tpu.memref_slice %arg12[%dma_wait3A_1296] : memref<102400xf32, #tpu.memory_space<vmem_shared>> -> memref<102400xf32, #tpu.memory_space<vmem_shared>>
      tpu.wait_indirect_dma semaphore(%arg21 : memref<!tpu.dma_semaphore, #tpu.memory_space<semaphore_mem>>) src(%dma_wait3A_1292 : memref<512xf32, #tpu.memory_space<vmem>>) dst(%dma_wait3A_1297 : memref<102400xf32, #tpu.memory_space<vmem_shared>>)
      %dma_wait3A_1298 = arith.constant 4 : i32
      %dma_wait3A_1299 = arith.constant 4 : i32
      %dma_wait3A_1300 = arith.constant 0 : i32
      %dma_wait3A_1301 = tpu.memref_slice %arg15[%dma_wait3A_1298, %dma_wait3A_1300] : memref<20x512xf32, #tpu.memory_space<vmem>> -> memref<1x512xf32, #tpu.memory_space<vmem>>
      %dma_wait3A_1302 = tpu.memref_squeeze %dma_wait3A_1301 : memref<1x512xf32, #tpu.memory_space<vmem>> -> memref<512xf32, #tpu.memory_space<vmem>>
      %dma_wait3A_1303 = arith.constant 0 : i32
      %dma_wait3A_1304 = tpu.memref_slice %arg14[%dma_wait3A_1299, %dma_wait3A_1303] : memref<20x512xi32, #tpu.memory_space<vmem>> -> memref<1x512xi32, #tpu.memory_space<vmem>>
      %dma_wait3A_1305 = tpu.memref_squeeze %dma_wait3A_1304 : memref<1x512xi32, #tpu.memory_space<vmem>> -> memref<512xi32, #tpu.memory_space<vmem>>
      %dma_wait3A_1306 = arith.constant 0 : i32
      %dma_wait3A_1307 = tpu.memref_slice %arg11[%dma_wait3A_1306] : memref<102400xf32, #tpu.memory_space<vmem_shared>> -> memref<102400xf32, #tpu.memory_space<vmem_shared>>
      tpu.wait_indirect_dma semaphore(%arg20 : memref<!tpu.dma_semaphore, #tpu.memory_space<semaphore_mem>>) src(%dma_wait3A_1302 : memref<512xf32, #tpu.memory_space<vmem>>) dst(%dma_wait3A_1307 : memref<102400xf32, #tpu.memory_space<vmem_shared>>)
      %dma_wait3A_1308 = arith.constant 4 : i32
      %dma_wait3A_1309 = arith.constant 4 : i32
      %dma_wait3A_1310 = arith.constant 0 : i32
      %dma_wait3A_1311 = tpu.memref_slice %arg16[%dma_wait3A_1308, %dma_wait3A_1310] : memref<20x512xf32, #tpu.memory_space<vmem>> -> memref<1x512xf32, #tpu.memory_space<vmem>>
      %dma_wait3A_1312 = tpu.memref_squeeze %dma_wait3A_1311 : memref<1x512xf32, #tpu.memory_space<vmem>> -> memref<512xf32, #tpu.memory_space<vmem>>
      %dma_wait3A_1313 = arith.constant 0 : i32
      %dma_wait3A_1314 = tpu.memref_slice %arg14[%dma_wait3A_1309, %dma_wait3A_1313] : memref<20x512xi32, #tpu.memory_space<vmem>> -> memref<1x512xi32, #tpu.memory_space<vmem>>
      %dma_wait3A_1315 = tpu.memref_squeeze %dma_wait3A_1314 : memref<1x512xi32, #tpu.memory_space<vmem>> -> memref<512xi32, #tpu.memory_space<vmem>>
      %dma_wait3A_1316 = arith.constant 0 : i32
      %dma_wait3A_1317 = tpu.memref_slice %arg12[%dma_wait3A_1316] : memref<102400xf32, #tpu.memory_space<vmem_shared>> -> memref<102400xf32, #tpu.memory_space<vmem_shared>>
      tpu.wait_indirect_dma semaphore(%arg21 : memref<!tpu.dma_semaphore, #tpu.memory_space<semaphore_mem>>) src(%dma_wait3A_1312 : memref<512xf32, #tpu.memory_space<vmem>>) dst(%dma_wait3A_1317 : memref<102400xf32, #tpu.memory_space<vmem_shared>>)
      %dma_wait3A_1318 = arith.constant 5 : i32
      %dma_wait3A_1319 = arith.constant 5 : i32
      %dma_wait3A_1320 = arith.constant 0 : i32
      %dma_wait3A_1321 = tpu.memref_slice %arg15[%dma_wait3A_1318, %dma_wait3A_1320] : memref<20x512xf32, #tpu.memory_space<vmem>> -> memref<1x512xf32, #tpu.memory_space<vmem>>
      %dma_wait3A_1322 = tpu.memref_squeeze %dma_wait3A_1321 : memref<1x512xf32, #tpu.memory_space<vmem>> -> memref<512xf32, #tpu.memory_space<vmem>>
      %dma_wait3A_1323 = arith.constant 0 : i32
      %dma_wait3A_1324 = tpu.memref_slice %arg14[%dma_wait3A_1319, %dma_wait3A_1323] : memref<20x512xi32, #tpu.memory_space<vmem>> -> memref<1x512xi32, #tpu.memory_space<vmem>>
      %dma_wait3A_1325 = tpu.memref_squeeze %dma_wait3A_1324 : memref<1x512xi32, #tpu.memory_space<vmem>> -> memref<512xi32, #tpu.memory_space<vmem>>
      %dma_wait3A_1326 = arith.constant 0 : i32
      %dma_wait3A_1327 = tpu.memref_slice %arg11[%dma_wait3A_1326] : memref<102400xf32, #tpu.memory_space<vmem_shared>> -> memref<102400xf32, #tpu.memory_space<vmem_shared>>
      tpu.wait_indirect_dma semaphore(%arg20 : memref<!tpu.dma_semaphore, #tpu.memory_space<semaphore_mem>>) src(%dma_wait3A_1322 : memref<512xf32, #tpu.memory_space<vmem>>) dst(%dma_wait3A_1327 : memref<102400xf32, #tpu.memory_space<vmem_shared>>)
      %dma_wait3A_1328 = arith.constant 5 : i32
      %dma_wait3A_1329 = arith.constant 5 : i32
      %dma_wait3A_1330 = arith.constant 0 : i32
      %dma_wait3A_1331 = tpu.memref_slice %arg16[%dma_wait3A_1328, %dma_wait3A_1330] : memref<20x512xf32, #tpu.memory_space<vmem>> -> memref<1x512xf32, #tpu.memory_space<vmem>>
      %dma_wait3A_1332 = tpu.memref_squeeze %dma_wait3A_1331 : memref<1x512xf32, #tpu.memory_space<vmem>> -> memref<512xf32, #tpu.memory_space<vmem>>
      %dma_wait3A_1333 = arith.constant 0 : i32
      %dma_wait3A_1334 = tpu.memref_slice %arg14[%dma_wait3A_1329, %dma_wait3A_1333] : memref<20x512xi32, #tpu.memory_space<vmem>> -> memref<1x512xi32, #tpu.memory_space<vmem>>
      %dma_wait3A_1335 = tpu.memref_squeeze %dma_wait3A_1334 : memref<1x512xi32, #tpu.memory_space<vmem>> -> memref<512xi32, #tpu.memory_space<vmem>>
      %dma_wait3A_1336 = arith.constant 0 : i32
      %dma_wait3A_1337 = tpu.memref_slice %arg12[%dma_wait3A_1336] : memref<102400xf32, #tpu.memory_space<vmem_shared>> -> memref<102400xf32, #tpu.memory_space<vmem_shared>>
      tpu.wait_indirect_dma semaphore(%arg21 : memref<!tpu.dma_semaphore, #tpu.memory_space<semaphore_mem>>) src(%dma_wait3A_1332 : memref<512xf32, #tpu.memory_space<vmem>>) dst(%dma_wait3A_1337 : memref<102400xf32, #tpu.memory_space<vmem_shared>>)
      %dma_wait3A_1338 = arith.constant 6 : i32
      %dma_wait3A_1339 = arith.constant 6 : i32
      %dma_wait3A_1340 = arith.constant 0 : i32
      %dma_wait3A_1341 = tpu.memref_slice %arg15[%dma_wait3A_1338, %dma_wait3A_1340] : memref<20x512xf32, #tpu.memory_space<vmem>> -> memref<1x512xf32, #tpu.memory_space<vmem>>
      %dma_wait3A_1342 = tpu.memref_squeeze %dma_wait3A_1341 : memref<1x512xf32, #tpu.memory_space<vmem>> -> memref<512xf32, #tpu.memory_space<vmem>>
      %dma_wait3A_1343 = arith.constant 0 : i32
      %dma_wait3A_1344 = tpu.memref_slice %arg14[%dma_wait3A_1339, %dma_wait3A_1343] : memref<20x512xi32, #tpu.memory_space<vmem>> -> memref<1x512xi32, #tpu.memory_space<vmem>>
      %dma_wait3A_1345 = tpu.memref_squeeze %dma_wait3A_1344 : memref<1x512xi32, #tpu.memory_space<vmem>> -> memref<512xi32, #tpu.memory_space<vmem>>
      %dma_wait3A_1346 = arith.constant 0 : i32
      %dma_wait3A_1347 = tpu.memref_slice %arg11[%dma_wait3A_1346] : memref<102400xf32, #tpu.memory_space<vmem_shared>> -> memref<102400xf32, #tpu.memory_space<vmem_shared>>
      tpu.wait_indirect_dma semaphore(%arg20 : memref<!tpu.dma_semaphore, #tpu.memory_space<semaphore_mem>>) src(%dma_wait3A_1342 : memref<512xf32, #tpu.memory_space<vmem>>) dst(%dma_wait3A_1347 : memref<102400xf32, #tpu.memory_space<vmem_shared>>)
      %dma_wait3A_1348 = arith.constant 6 : i32
      %dma_wait3A_1349 = arith.constant 6 : i32
      %dma_wait3A_1350 = arith.constant 0 : i32
      %dma_wait3A_1351 = tpu.memref_slice %arg16[%dma_wait3A_1348, %dma_wait3A_1350] : memref<20x512xf32, #tpu.memory_space<vmem>> -> memref<1x512xf32, #tpu.memory_space<vmem>>
      %dma_wait3A_1352 = tpu.memref_squeeze %dma_wait3A_1351 : memref<1x512xf32, #tpu.memory_space<vmem>> -> memref<512xf32, #tpu.memory_space<vmem>>
      %dma_wait3A_1353 = arith.constant 0 : i32
      %dma_wait3A_1354 = tpu.memref_slice %arg14[%dma_wait3A_1349, %dma_wait3A_1353] : memref<20x512xi32, #tpu.memory_space<vmem>> -> memref<1x512xi32, #tpu.memory_space<vmem>>
      %dma_wait3A_1355 = tpu.memref_squeeze %dma_wait3A_1354 : memref<1x512xi32, #tpu.memory_space<vmem>> -> memref<512xi32, #tpu.memory_space<vmem>>
      %dma_wait3A_1356 = arith.constant 0 : i32
      %dma_wait3A_1357 = tpu.memref_slice %arg12[%dma_wait3A_1356] : memref<102400xf32, #tpu.memory_space<vmem_shared>> -> memref<102400xf32, #tpu.memory_space<vmem_shared>>
      tpu.wait_indirect_dma semaphore(%arg21 : memref<!tpu.dma_semaphore, #tpu.memory_space<semaphore_mem>>) src(%dma_wait3A_1352 : memref<512xf32, #tpu.memory_space<vmem>>) dst(%dma_wait3A_1357 : memref<102400xf32, #tpu.memory_space<vmem_shared>>)
      %dma_wait3A_1358 = arith.constant 7 : i32
      %dma_wait3A_1359 = arith.constant 7 : i32
      %dma_wait3A_1360 = arith.constant 0 : i32
      %dma_wait3A_1361 = tpu.memref_slice %arg15[%dma_wait3A_1358, %dma_wait3A_1360] : memref<20x512xf32, #tpu.memory_space<vmem>> -> memref<1x512xf32, #tpu.memory_space<vmem>>
      %dma_wait3A_1362 = tpu.memref_squeeze %dma_wait3A_1361 : memref<1x512xf32, #tpu.memory_space<vmem>> -> memref<512xf32, #tpu.memory_space<vmem>>
      %dma_wait3A_1363 = arith.constant 0 : i32
      %dma_wait3A_1364 = tpu.memref_slice %arg14[%dma_wait3A_1359, %dma_wait3A_1363] : memref<20x512xi32, #tpu.memory_space<vmem>> -> memref<1x512xi32, #tpu.memory_space<vmem>>
      %dma_wait3A_1365 = tpu.memref_squeeze %dma_wait3A_1364 : memref<1x512xi32, #tpu.memory_space<vmem>> -> memref<512xi32, #tpu.memory_space<vmem>>
      %dma_wait3A_1366 = arith.constant 0 : i32
      %dma_wait3A_1367 = tpu.memref_slice %arg11[%dma_wait3A_1366] : memref<102400xf32, #tpu.memory_space<vmem_shared>> -> memref<102400xf32, #tpu.memory_space<vmem_shared>>
      tpu.wait_indirect_dma semaphore(%arg20 : memref<!tpu.dma_semaphore, #tpu.memory_space<semaphore_mem>>) src(%dma_wait3A_1362 : memref<512xf32, #tpu.memory_space<vmem>>) dst(%dma_wait3A_1367 : memref<102400xf32, #tpu.memory_space<vmem_shared>>)
      %dma_wait3A_1368 = arith.constant 7 : i32
      %dma_wait3A_1369 = arith.constant 7 : i32
      %dma_wait3A_1370 = arith.constant 0 : i32
      %dma_wait3A_1371 = tpu.memref_slice %arg16[%dma_wait3A_1368, %dma_wait3A_1370] : memref<20x512xf32, #tpu.memory_space<vmem>> -> memref<1x512xf32, #tpu.memory_space<vmem>>
      %dma_wait3A_1372 = tpu.memref_squeeze %dma_wait3A_1371 : memref<1x512xf32, #tpu.memory_space<vmem>> -> memref<512xf32, #tpu.memory_space<vmem>>
      %dma_wait3A_1373 = arith.constant 0 : i32
      %dma_wait3A_1374 = tpu.memref_slice %arg14[%dma_wait3A_1369, %dma_wait3A_1373] : memref<20x512xi32, #tpu.memory_space<vmem>> -> memref<1x512xi32, #tpu.memory_space<vmem>>
      %dma_wait3A_1375 = tpu.memref_squeeze %dma_wait3A_1374 : memref<1x512xi32, #tpu.memory_space<vmem>> -> memref<512xi32, #tpu.memory_space<vmem>>
      %dma_wait3A_1376 = arith.constant 0 : i32
      %dma_wait3A_1377 = tpu.memref_slice %arg12[%dma_wait3A_1376] : memref<102400xf32, #tpu.memory_space<vmem_shared>> -> memref<102400xf32, #tpu.memory_space<vmem_shared>>
      tpu.wait_indirect_dma semaphore(%arg21 : memref<!tpu.dma_semaphore, #tpu.memory_space<semaphore_mem>>) src(%dma_wait3A_1372 : memref<512xf32, #tpu.memory_space<vmem>>) dst(%dma_wait3A_1377 : memref<102400xf32, #tpu.memory_space<vmem_shared>>)
      %dma_wait3A_1378 = arith.constant 8 : i32
      %dma_wait3A_1379 = arith.constant 8 : i32
      %dma_wait3A_1380 = arith.constant 0 : i32
      %dma_wait3A_1381 = tpu.memref_slice %arg15[%dma_wait3A_1378, %dma_wait3A_1380] : memref<20x512xf32, #tpu.memory_space<vmem>> -> memref<1x512xf32, #tpu.memory_space<vmem>>
      %dma_wait3A_1382 = tpu.memref_squeeze %dma_wait3A_1381 : memref<1x512xf32, #tpu.memory_space<vmem>> -> memref<512xf32, #tpu.memory_space<vmem>>
      %dma_wait3A_1383 = arith.constant 0 : i32
      %dma_wait3A_1384 = tpu.memref_slice %arg14[%dma_wait3A_1379, %dma_wait3A_1383] : memref<20x512xi32, #tpu.memory_space<vmem>> -> memref<1x512xi32, #tpu.memory_space<vmem>>
      %dma_wait3A_1385 = tpu.memref_squeeze %dma_wait3A_1384 : memref<1x512xi32, #tpu.memory_space<vmem>> -> memref<512xi32, #tpu.memory_space<vmem>>
      %dma_wait3A_1386 = arith.constant 0 : i32
      %dma_wait3A_1387 = tpu.memref_slice %arg11[%dma_wait3A_1386] : memref<102400xf32, #tpu.memory_space<vmem_shared>> -> memref<102400xf32, #tpu.memory_space<vmem_shared>>
      tpu.wait_indirect_dma semaphore(%arg20 : memref<!tpu.dma_semaphore, #tpu.memory_space<semaphore_mem>>) src(%dma_wait3A_1382 : memref<512xf32, #tpu.memory_space<vmem>>) dst(%dma_wait3A_1387 : memref<102400xf32, #tpu.memory_space<vmem_shared>>)
      %dma_wait3A_1388 = arith.constant 8 : i32
      %dma_wait3A_1389 = arith.constant 8 : i32
      %dma_wait3A_1390 = arith.constant 0 : i32
      %dma_wait3A_1391 = tpu.memref_slice %arg16[%dma_wait3A_1388, %dma_wait3A_1390] : memref<20x512xf32, #tpu.memory_space<vmem>> -> memref<1x512xf32, #tpu.memory_space<vmem>>
      %dma_wait3A_1392 = tpu.memref_squeeze %dma_wait3A_1391 : memref<1x512xf32, #tpu.memory_space<vmem>> -> memref<512xf32, #tpu.memory_space<vmem>>
      %dma_wait3A_1393 = arith.constant 0 : i32
      %dma_wait3A_1394 = tpu.memref_slice %arg14[%dma_wait3A_1389, %dma_wait3A_1393] : memref<20x512xi32, #tpu.memory_space<vmem>> -> memref<1x512xi32, #tpu.memory_space<vmem>>
      %dma_wait3A_1395 = tpu.memref_squeeze %dma_wait3A_1394 : memref<1x512xi32, #tpu.memory_space<vmem>> -> memref<512xi32, #tpu.memory_space<vmem>>
      %dma_wait3A_1396 = arith.constant 0 : i32
      %dma_wait3A_1397 = tpu.memref_slice %arg12[%dma_wait3A_1396] : memref<102400xf32, #tpu.memory_space<vmem_shared>> -> memref<102400xf32, #tpu.memory_space<vmem_shared>>
      tpu.wait_indirect_dma semaphore(%arg21 : memref<!tpu.dma_semaphore, #tpu.memory_space<semaphore_mem>>) src(%dma_wait3A_1392 : memref<512xf32, #tpu.memory_space<vmem>>) dst(%dma_wait3A_1397 : memref<102400xf32, #tpu.memory_space<vmem_shared>>)
      %dma_wait3A_1398 = arith.constant 9 : i32
      %dma_wait3A_1399 = arith.constant 9 : i32
      %dma_wait3A_1400 = arith.constant 0 : i32
      %dma_wait3A_1401 = tpu.memref_slice %arg15[%dma_wait3A_1398, %dma_wait3A_1400] : memref<20x512xf32, #tpu.memory_space<vmem>> -> memref<1x512xf32, #tpu.memory_space<vmem>>
      %dma_wait3A_1402 = tpu.memref_squeeze %dma_wait3A_1401 : memref<1x512xf32, #tpu.memory_space<vmem>> -> memref<512xf32, #tpu.memory_space<vmem>>
      %dma_wait3A_1403 = arith.constant 0 : i32
      %dma_wait3A_1404 = tpu.memref_slice %arg14[%dma_wait3A_1399, %dma_wait3A_1403] : memref<20x512xi32, #tpu.memory_space<vmem>> -> memref<1x512xi32, #tpu.memory_space<vmem>>
      %dma_wait3A_1405 = tpu.memref_squeeze %dma_wait3A_1404 : memref<1x512xi32, #tpu.memory_space<vmem>> -> memref<512xi32, #tpu.memory_space<vmem>>
      %dma_wait3A_1406 = arith.constant 0 : i32
      %dma_wait3A_1407 = tpu.memref_slice %arg11[%dma_wait3A_1406] : memref<102400xf32, #tpu.memory_space<vmem_shared>> -> memref<102400xf32, #tpu.memory_space<vmem_shared>>
      tpu.wait_indirect_dma semaphore(%arg20 : memref<!tpu.dma_semaphore, #tpu.memory_space<semaphore_mem>>) src(%dma_wait3A_1402 : memref<512xf32, #tpu.memory_space<vmem>>) dst(%dma_wait3A_1407 : memref<102400xf32, #tpu.memory_space<vmem_shared>>)
      %dma_wait3A_1408 = arith.constant 9 : i32
      %dma_wait3A_1409 = arith.constant 9 : i32
      %dma_wait3A_1410 = arith.constant 0 : i32
      %dma_wait3A_1411 = tpu.memref_slice %arg16[%dma_wait3A_1408, %dma_wait3A_1410] : memref<20x512xf32, #tpu.memory_space<vmem>> -> memref<1x512xf32, #tpu.memory_space<vmem>>
      %dma_wait3A_1412 = tpu.memref_squeeze %dma_wait3A_1411 : memref<1x512xf32, #tpu.memory_space<vmem>> -> memref<512xf32, #tpu.memory_space<vmem>>
      %dma_wait3A_1413 = arith.constant 0 : i32
      %dma_wait3A_1414 = tpu.memref_slice %arg14[%dma_wait3A_1409, %dma_wait3A_1413] : memref<20x512xi32, #tpu.memory_space<vmem>> -> memref<1x512xi32, #tpu.memory_space<vmem>>
      %dma_wait3A_1415 = tpu.memref_squeeze %dma_wait3A_1414 : memref<1x512xi32, #tpu.memory_space<vmem>> -> memref<512xi32, #tpu.memory_space<vmem>>
      %dma_wait3A_1416 = arith.constant 0 : i32
      %dma_wait3A_1417 = tpu.memref_slice %arg12[%dma_wait3A_1416] : memref<102400xf32, #tpu.memory_space<vmem_shared>> -> memref<102400xf32, #tpu.memory_space<vmem_shared>>
      tpu.wait_indirect_dma semaphore(%arg21 : memref<!tpu.dma_semaphore, #tpu.memory_space<semaphore_mem>>) src(%dma_wait3A_1412 : memref<512xf32, #tpu.memory_space<vmem>>) dst(%dma_wait3A_1417 : memref<102400xf32, #tpu.memory_space<vmem_shared>>)
      %dma_wait3A_1418 = arith.constant 10 : i32
      %dma_wait3A_1419 = arith.constant 10 : i32
      %dma_wait3A_1420 = arith.constant 0 : i32
      %dma_wait3A_1421 = tpu.memref_slice %arg15[%dma_wait3A_1418, %dma_wait3A_1420] : memref<20x512xf32, #tpu.memory_space<vmem>> -> memref<1x512xf32, #tpu.memory_space<vmem>>
      %dma_wait3A_1422 = tpu.memref_squeeze %dma_wait3A_1421 : memref<1x512xf32, #tpu.memory_space<vmem>> -> memref<512xf32, #tpu.memory_space<vmem>>
      %dma_wait3A_1423 = arith.constant 0 : i32
      %dma_wait3A_1424 = tpu.memref_slice %arg14[%dma_wait3A_1419, %dma_wait3A_1423] : memref<20x512xi32, #tpu.memory_space<vmem>> -> memref<1x512xi32, #tpu.memory_space<vmem>>
      %dma_wait3A_1425 = tpu.memref_squeeze %dma_wait3A_1424 : memref<1x512xi32, #tpu.memory_space<vmem>> -> memref<512xi32, #tpu.memory_space<vmem>>
      %dma_wait3A_1426 = arith.constant 0 : i32
      %dma_wait3A_1427 = tpu.memref_slice %arg11[%dma_wait3A_1426] : memref<102400xf32, #tpu.memory_space<vmem_shared>> -> memref<102400xf32, #tpu.memory_space<vmem_shared>>
      tpu.wait_indirect_dma semaphore(%arg20 : memref<!tpu.dma_semaphore, #tpu.memory_space<semaphore_mem>>) src(%dma_wait3A_1422 : memref<512xf32, #tpu.memory_space<vmem>>) dst(%dma_wait3A_1427 : memref<102400xf32, #tpu.memory_space<vmem_shared>>)
      %dma_wait3A_1428 = arith.constant 10 : i32
      %dma_wait3A_1429 = arith.constant 10 : i32
      %dma_wait3A_1430 = arith.constant 0 : i32
      %dma_wait3A_1431 = tpu.memref_slice %arg16[%dma_wait3A_1428, %dma_wait3A_1430] : memref<20x512xf32, #tpu.memory_space<vmem>> -> memref<1x512xf32, #tpu.memory_space<vmem>>
      %dma_wait3A_1432 = tpu.memref_squeeze %dma_wait3A_1431 : memref<1x512xf32, #tpu.memory_space<vmem>> -> memref<512xf32, #tpu.memory_space<vmem>>
      %dma_wait3A_1433 = arith.constant 0 : i32
      %dma_wait3A_1434 = tpu.memref_slice %arg14[%dma_wait3A_1429, %dma_wait3A_1433] : memref<20x512xi32, #tpu.memory_space<vmem>> -> memref<1x512xi32, #tpu.memory_space<vmem>>
      %dma_wait3A_1435 = tpu.memref_squeeze %dma_wait3A_1434 : memref<1x512xi32, #tpu.memory_space<vmem>> -> memref<512xi32, #tpu.memory_space<vmem>>
      %dma_wait3A_1436 = arith.constant 0 : i32
      %dma_wait3A_1437 = tpu.memref_slice %arg12[%dma_wait3A_1436] : memref<102400xf32, #tpu.memory_space<vmem_shared>> -> memref<102400xf32, #tpu.memory_space<vmem_shared>>
      tpu.wait_indirect_dma semaphore(%arg21 : memref<!tpu.dma_semaphore, #tpu.memory_space<semaphore_mem>>) src(%dma_wait3A_1432 : memref<512xf32, #tpu.memory_space<vmem>>) dst(%dma_wait3A_1437 : memref<102400xf32, #tpu.memory_space<vmem_shared>>)
      %dma_wait3A_1438 = arith.constant 11 : i32
      %dma_wait3A_1439 = arith.constant 11 : i32
      %dma_wait3A_1440 = arith.constant 0 : i32
      %dma_wait3A_1441 = tpu.memref_slice %arg15[%dma_wait3A_1438, %dma_wait3A_1440] : memref<20x512xf32, #tpu.memory_space<vmem>> -> memref<1x512xf32, #tpu.memory_space<vmem>>
      %dma_wait3A_1442 = tpu.memref_squeeze %dma_wait3A_1441 : memref<1x512xf32, #tpu.memory_space<vmem>> -> memref<512xf32, #tpu.memory_space<vmem>>
      %dma_wait3A_1443 = arith.constant 0 : i32
      %dma_wait3A_1444 = tpu.memref_slice %arg14[%dma_wait3A_1439, %dma_wait3A_1443] : memref<20x512xi32, #tpu.memory_space<vmem>> -> memref<1x512xi32, #tpu.memory_space<vmem>>
      %dma_wait3A_1445 = tpu.memref_squeeze %dma_wait3A_1444 : memref<1x512xi32, #tpu.memory_space<vmem>> -> memref<512xi32, #tpu.memory_space<vmem>>
      %dma_wait3A_1446 = arith.constant 0 : i32
      %dma_wait3A_1447 = tpu.memref_slice %arg11[%dma_wait3A_1446] : memref<102400xf32, #tpu.memory_space<vmem_shared>> -> memref<102400xf32, #tpu.memory_space<vmem_shared>>
      tpu.wait_indirect_dma semaphore(%arg20 : memref<!tpu.dma_semaphore, #tpu.memory_space<semaphore_mem>>) src(%dma_wait3A_1442 : memref<512xf32, #tpu.memory_space<vmem>>) dst(%dma_wait3A_1447 : memref<102400xf32, #tpu.memory_space<vmem_shared>>)
      %dma_wait3A_1448 = arith.constant 11 : i32
      %dma_wait3A_1449 = arith.constant 11 : i32
      %dma_wait3A_1450 = arith.constant 0 : i32
      %dma_wait3A_1451 = tpu.memref_slice %arg16[%dma_wait3A_1448, %dma_wait3A_1450] : memref<20x512xf32, #tpu.memory_space<vmem>> -> memref<1x512xf32, #tpu.memory_space<vmem>>
      %dma_wait3A_1452 = tpu.memref_squeeze %dma_wait3A_1451 : memref<1x512xf32, #tpu.memory_space<vmem>> -> memref<512xf32, #tpu.memory_space<vmem>>
      %dma_wait3A_1453 = arith.constant 0 : i32
      %dma_wait3A_1454 = tpu.memref_slice %arg14[%dma_wait3A_1449, %dma_wait3A_1453] : memref<20x512xi32, #tpu.memory_space<vmem>> -> memref<1x512xi32, #tpu.memory_space<vmem>>
      %dma_wait3A_1455 = tpu.memref_squeeze %dma_wait3A_1454 : memref<1x512xi32, #tpu.memory_space<vmem>> -> memref<512xi32, #tpu.memory_space<vmem>>
      %dma_wait3A_1456 = arith.constant 0 : i32
      %dma_wait3A_1457 = tpu.memref_slice %arg12[%dma_wait3A_1456] : memref<102400xf32, #tpu.memory_space<vmem_shared>> -> memref<102400xf32, #tpu.memory_space<vmem_shared>>
      tpu.wait_indirect_dma semaphore(%arg21 : memref<!tpu.dma_semaphore, #tpu.memory_space<semaphore_mem>>) src(%dma_wait3A_1452 : memref<512xf32, #tpu.memory_space<vmem>>) dst(%dma_wait3A_1457 : memref<102400xf32, #tpu.memory_space<vmem_shared>>)
      %dma_wait3A_1458 = arith.constant 12 : i32
      %dma_wait3A_1459 = arith.constant 12 : i32
      %dma_wait3A_1460 = arith.constant 0 : i32
      %dma_wait3A_1461 = tpu.memref_slice %arg15[%dma_wait3A_1458, %dma_wait3A_1460] : memref<20x512xf32, #tpu.memory_space<vmem>> -> memref<1x512xf32, #tpu.memory_space<vmem>>
      %dma_wait3A_1462 = tpu.memref_squeeze %dma_wait3A_1461 : memref<1x512xf32, #tpu.memory_space<vmem>> -> memref<512xf32, #tpu.memory_space<vmem>>
      %dma_wait3A_1463 = arith.constant 0 : i32
      %dma_wait3A_1464 = tpu.memref_slice %arg14[%dma_wait3A_1459, %dma_wait3A_1463] : memref<20x512xi32, #tpu.memory_space<vmem>> -> memref<1x512xi32, #tpu.memory_space<vmem>>
      %dma_wait3A_1465 = tpu.memref_squeeze %dma_wait3A_1464 : memref<1x512xi32, #tpu.memory_space<vmem>> -> memref<512xi32, #tpu.memory_space<vmem>>
      %dma_wait3A_1466 = arith.constant 0 : i32
      %dma_wait3A_1467 = tpu.memref_slice %arg11[%dma_wait3A_1466] : memref<102400xf32, #tpu.memory_space<vmem_shared>> -> memref<102400xf32, #tpu.memory_space<vmem_shared>>
      tpu.wait_indirect_dma semaphore(%arg20 : memref<!tpu.dma_semaphore, #tpu.memory_space<semaphore_mem>>) src(%dma_wait3A_1462 : memref<512xf32, #tpu.memory_space<vmem>>) dst(%dma_wait3A_1467 : memref<102400xf32, #tpu.memory_space<vmem_shared>>)
      %dma_wait3A_1468 = arith.constant 12 : i32
      %dma_wait3A_1469 = arith.constant 12 : i32
      %dma_wait3A_1470 = arith.constant 0 : i32
      %dma_wait3A_1471 = tpu.memref_slice %arg16[%dma_wait3A_1468, %dma_wait3A_1470] : memref<20x512xf32, #tpu.memory_space<vmem>> -> memref<1x512xf32, #tpu.memory_space<vmem>>
      %dma_wait3A_1472 = tpu.memref_squeeze %dma_wait3A_1471 : memref<1x512xf32, #tpu.memory_space<vmem>> -> memref<512xf32, #tpu.memory_space<vmem>>
      %dma_wait3A_1473 = arith.constant 0 : i32
      %dma_wait3A_1474 = tpu.memref_slice %arg14[%dma_wait3A_1469, %dma_wait3A_1473] : memref<20x512xi32, #tpu.memory_space<vmem>> -> memref<1x512xi32, #tpu.memory_space<vmem>>
      %dma_wait3A_1475 = tpu.memref_squeeze %dma_wait3A_1474 : memref<1x512xi32, #tpu.memory_space<vmem>> -> memref<512xi32, #tpu.memory_space<vmem>>
      %dma_wait3A_1476 = arith.constant 0 : i32
      %dma_wait3A_1477 = tpu.memref_slice %arg12[%dma_wait3A_1476] : memref<102400xf32, #tpu.memory_space<vmem_shared>> -> memref<102400xf32, #tpu.memory_space<vmem_shared>>
      tpu.wait_indirect_dma semaphore(%arg21 : memref<!tpu.dma_semaphore, #tpu.memory_space<semaphore_mem>>) src(%dma_wait3A_1472 : memref<512xf32, #tpu.memory_space<vmem>>) dst(%dma_wait3A_1477 : memref<102400xf32, #tpu.memory_space<vmem_shared>>)
      %dma_wait3A_1478 = arith.constant 13 : i32
      %dma_wait3A_1479 = arith.constant 13 : i32
      %dma_wait3A_1480 = arith.constant 0 : i32
      %dma_wait3A_1481 = tpu.memref_slice %arg15[%dma_wait3A_1478, %dma_wait3A_1480] : memref<20x512xf32, #tpu.memory_space<vmem>> -> memref<1x512xf32, #tpu.memory_space<vmem>>
      %dma_wait3A_1482 = tpu.memref_squeeze %dma_wait3A_1481 : memref<1x512xf32, #tpu.memory_space<vmem>> -> memref<512xf32, #tpu.memory_space<vmem>>
      %dma_wait3A_1483 = arith.constant 0 : i32
      %dma_wait3A_1484 = tpu.memref_slice %arg14[%dma_wait3A_1479, %dma_wait3A_1483] : memref<20x512xi32, #tpu.memory_space<vmem>> -> memref<1x512xi32, #tpu.memory_space<vmem>>
      %dma_wait3A_1485 = tpu.memref_squeeze %dma_wait3A_1484 : memref<1x512xi32, #tpu.memory_space<vmem>> -> memref<512xi32, #tpu.memory_space<vmem>>
      %dma_wait3A_1486 = arith.constant 0 : i32
      %dma_wait3A_1487 = tpu.memref_slice %arg11[%dma_wait3A_1486] : memref<102400xf32, #tpu.memory_space<vmem_shared>> -> memref<102400xf32, #tpu.memory_space<vmem_shared>>
      tpu.wait_indirect_dma semaphore(%arg20 : memref<!tpu.dma_semaphore, #tpu.memory_space<semaphore_mem>>) src(%dma_wait3A_1482 : memref<512xf32, #tpu.memory_space<vmem>>) dst(%dma_wait3A_1487 : memref<102400xf32, #tpu.memory_space<vmem_shared>>)
      %dma_wait3A_1488 = arith.constant 13 : i32
      %dma_wait3A_1489 = arith.constant 13 : i32
      %dma_wait3A_1490 = arith.constant 0 : i32
      %dma_wait3A_1491 = tpu.memref_slice %arg16[%dma_wait3A_1488, %dma_wait3A_1490] : memref<20x512xf32, #tpu.memory_space<vmem>> -> memref<1x512xf32, #tpu.memory_space<vmem>>
      %dma_wait3A_1492 = tpu.memref_squeeze %dma_wait3A_1491 : memref<1x512xf32, #tpu.memory_space<vmem>> -> memref<512xf32, #tpu.memory_space<vmem>>
      %dma_wait3A_1493 = arith.constant 0 : i32
      %dma_wait3A_1494 = tpu.memref_slice %arg14[%dma_wait3A_1489, %dma_wait3A_1493] : memref<20x512xi32, #tpu.memory_space<vmem>> -> memref<1x512xi32, #tpu.memory_space<vmem>>
      %dma_wait3A_1495 = tpu.memref_squeeze %dma_wait3A_1494 : memref<1x512xi32, #tpu.memory_space<vmem>> -> memref<512xi32, #tpu.memory_space<vmem>>
      %dma_wait3A_1496 = arith.constant 0 : i32
      %dma_wait3A_1497 = tpu.memref_slice %arg12[%dma_wait3A_1496] : memref<102400xf32, #tpu.memory_space<vmem_shared>> -> memref<102400xf32, #tpu.memory_space<vmem_shared>>
      tpu.wait_indirect_dma semaphore(%arg21 : memref<!tpu.dma_semaphore, #tpu.memory_space<semaphore_mem>>) src(%dma_wait3A_1492 : memref<512xf32, #tpu.memory_space<vmem>>) dst(%dma_wait3A_1497 : memref<102400xf32, #tpu.memory_space<vmem_shared>>)
      %dma_wait3A_1498 = arith.constant 14 : i32
      %dma_wait3A_1499 = arith.constant 14 : i32
      %dma_wait3A_1500 = arith.constant 0 : i32
      %dma_wait3A_1501 = tpu.memref_slice %arg15[%dma_wait3A_1498, %dma_wait3A_1500] : memref<20x512xf32, #tpu.memory_space<vmem>> -> memref<1x512xf32, #tpu.memory_space<vmem>>
      %dma_wait3A_1502 = tpu.memref_squeeze %dma_wait3A_1501 : memref<1x512xf32, #tpu.memory_space<vmem>> -> memref<512xf32, #tpu.memory_space<vmem>>
      %dma_wait3A_1503 = arith.constant 0 : i32
      %dma_wait3A_1504 = tpu.memref_slice %arg14[%dma_wait3A_1499, %dma_wait3A_1503] : memref<20x512xi32, #tpu.memory_space<vmem>> -> memref<1x512xi32, #tpu.memory_space<vmem>>
      %dma_wait3A_1505 = tpu.memref_squeeze %dma_wait3A_1504 : memref<1x512xi32, #tpu.memory_space<vmem>> -> memref<512xi32, #tpu.memory_space<vmem>>
      %dma_wait3A_1506 = arith.constant 0 : i32
      %dma_wait3A_1507 = tpu.memref_slice %arg11[%dma_wait3A_1506] : memref<102400xf32, #tpu.memory_space<vmem_shared>> -> memref<102400xf32, #tpu.memory_space<vmem_shared>>
      tpu.wait_indirect_dma semaphore(%arg20 : memref<!tpu.dma_semaphore, #tpu.memory_space<semaphore_mem>>) src(%dma_wait3A_1502 : memref<512xf32, #tpu.memory_space<vmem>>) dst(%dma_wait3A_1507 : memref<102400xf32, #tpu.memory_space<vmem_shared>>)
      %dma_wait3A_1508 = arith.constant 14 : i32
      %dma_wait3A_1509 = arith.constant 14 : i32
      %dma_wait3A_1510 = arith.constant 0 : i32
      %dma_wait3A_1511 = tpu.memref_slice %arg16[%dma_wait3A_1508, %dma_wait3A_1510] : memref<20x512xf32, #tpu.memory_space<vmem>> -> memref<1x512xf32, #tpu.memory_space<vmem>>
      %dma_wait3A_1512 = tpu.memref_squeeze %dma_wait3A_1511 : memref<1x512xf32, #tpu.memory_space<vmem>> -> memref<512xf32, #tpu.memory_space<vmem>>
      %dma_wait3A_1513 = arith.constant 0 : i32
      %dma_wait3A_1514 = tpu.memref_slice %arg14[%dma_wait3A_1509, %dma_wait3A_1513] : memref<20x512xi32, #tpu.memory_space<vmem>> -> memref<1x512xi32, #tpu.memory_space<vmem>>
      %dma_wait3A_1515 = tpu.memref_squeeze %dma_wait3A_1514 : memref<1x512xi32, #tpu.memory_space<vmem>> -> memref<512xi32, #tpu.memory_space<vmem>>
      %dma_wait3A_1516 = arith.constant 0 : i32
      %dma_wait3A_1517 = tpu.memref_slice %arg12[%dma_wait3A_1516] : memref<102400xf32, #tpu.memory_space<vmem_shared>> -> memref<102400xf32, #tpu.memory_space<vmem_shared>>
      tpu.wait_indirect_dma semaphore(%arg21 : memref<!tpu.dma_semaphore, #tpu.memory_space<semaphore_mem>>) src(%dma_wait3A_1512 : memref<512xf32, #tpu.memory_space<vmem>>) dst(%dma_wait3A_1517 : memref<102400xf32, #tpu.memory_space<vmem_shared>>)
      %dma_wait3A_1518 = arith.constant 15 : i32
      %dma_wait3A_1519 = arith.constant 15 : i32
      %dma_wait3A_1520 = arith.constant 0 : i32
      %dma_wait3A_1521 = tpu.memref_slice %arg15[%dma_wait3A_1518, %dma_wait3A_1520] : memref<20x512xf32, #tpu.memory_space<vmem>> -> memref<1x512xf32, #tpu.memory_space<vmem>>
      %dma_wait3A_1522 = tpu.memref_squeeze %dma_wait3A_1521 : memref<1x512xf32, #tpu.memory_space<vmem>> -> memref<512xf32, #tpu.memory_space<vmem>>
      %dma_wait3A_1523 = arith.constant 0 : i32
      %dma_wait3A_1524 = tpu.memref_slice %arg14[%dma_wait3A_1519, %dma_wait3A_1523] : memref<20x512xi32, #tpu.memory_space<vmem>> -> memref<1x512xi32, #tpu.memory_space<vmem>>
      %dma_wait3A_1525 = tpu.memref_squeeze %dma_wait3A_1524 : memref<1x512xi32, #tpu.memory_space<vmem>> -> memref<512xi32, #tpu.memory_space<vmem>>
      %dma_wait3A_1526 = arith.constant 0 : i32
      %dma_wait3A_1527 = tpu.memref_slice %arg11[%dma_wait3A_1526] : memref<102400xf32, #tpu.memory_space<vmem_shared>> -> memref<102400xf32, #tpu.memory_space<vmem_shared>>
      tpu.wait_indirect_dma semaphore(%arg20 : memref<!tpu.dma_semaphore, #tpu.memory_space<semaphore_mem>>) src(%dma_wait3A_1522 : memref<512xf32, #tpu.memory_space<vmem>>) dst(%dma_wait3A_1527 : memref<102400xf32, #tpu.memory_space<vmem_shared>>)
      %dma_wait3A_1528 = arith.constant 15 : i32
      %dma_wait3A_1529 = arith.constant 15 : i32
      %dma_wait3A_1530 = arith.constant 0 : i32
      %dma_wait3A_1531 = tpu.memref_slice %arg16[%dma_wait3A_1528, %dma_wait3A_1530] : memref<20x512xf32, #tpu.memory_space<vmem>> -> memref<1x512xf32, #tpu.memory_space<vmem>>
      %dma_wait3A_1532 = tpu.memref_squeeze %dma_wait3A_1531 : memref<1x512xf32, #tpu.memory_space<vmem>> -> memref<512xf32, #tpu.memory_space<vmem>>
      %dma_wait3A_1533 = arith.constant 0 : i32
      %dma_wait3A_1534 = tpu.memref_slice %arg14[%dma_wait3A_1529, %dma_wait3A_1533] : memref<20x512xi32, #tpu.memory_space<vmem>> -> memref<1x512xi32, #tpu.memory_space<vmem>>
      %dma_wait3A_1535 = tpu.memref_squeeze %dma_wait3A_1534 : memref<1x512xi32, #tpu.memory_space<vmem>> -> memref<512xi32, #tpu.memory_space<vmem>>
      %dma_wait3A_1536 = arith.constant 0 : i32
      %dma_wait3A_1537 = tpu.memref_slice %arg12[%dma_wait3A_1536] : memref<102400xf32, #tpu.memory_space<vmem_shared>> -> memref<102400xf32, #tpu.memory_space<vmem_shared>>
      tpu.wait_indirect_dma semaphore(%arg21 : memref<!tpu.dma_semaphore, #tpu.memory_space<semaphore_mem>>) src(%dma_wait3A_1532 : memref<512xf32, #tpu.memory_space<vmem>>) dst(%dma_wait3A_1537 : memref<102400xf32, #tpu.memory_space<vmem_shared>>)
      %dma_wait3A_1538 = arith.constant 16 : i32
      %dma_wait3A_1539 = arith.constant 16 : i32
      %dma_wait3A_1540 = arith.constant 0 : i32
      %dma_wait3A_1541 = tpu.memref_slice %arg15[%dma_wait3A_1538, %dma_wait3A_1540] : memref<20x512xf32, #tpu.memory_space<vmem>> -> memref<1x512xf32, #tpu.memory_space<vmem>>
      %dma_wait3A_1542 = tpu.memref_squeeze %dma_wait3A_1541 : memref<1x512xf32, #tpu.memory_space<vmem>> -> memref<512xf32, #tpu.memory_space<vmem>>
      %dma_wait3A_1543 = arith.constant 0 : i32
      %dma_wait3A_1544 = tpu.memref_slice %arg14[%dma_wait3A_1539, %dma_wait3A_1543] : memref<20x512xi32, #tpu.memory_space<vmem>> -> memref<1x512xi32, #tpu.memory_space<vmem>>
      %dma_wait3A_1545 = tpu.memref_squeeze %dma_wait3A_1544 : memref<1x512xi32, #tpu.memory_space<vmem>> -> memref<512xi32, #tpu.memory_space<vmem>>
      %dma_wait3A_1546 = arith.constant 0 : i32
      %dma_wait3A_1547 = tpu.memref_slice %arg11[%dma_wait3A_1546] : memref<102400xf32, #tpu.memory_space<vmem_shared>> -> memref<102400xf32, #tpu.memory_space<vmem_shared>>
      tpu.wait_indirect_dma semaphore(%arg20 : memref<!tpu.dma_semaphore, #tpu.memory_space<semaphore_mem>>) src(%dma_wait3A_1542 : memref<512xf32, #tpu.memory_space<vmem>>) dst(%dma_wait3A_1547 : memref<102400xf32, #tpu.memory_space<vmem_shared>>)
      %dma_wait3A_1548 = arith.constant 16 : i32
      %dma_wait3A_1549 = arith.constant 16 : i32
      %dma_wait3A_1550 = arith.constant 0 : i32
      %dma_wait3A_1551 = tpu.memref_slice %arg16[%dma_wait3A_1548, %dma_wait3A_1550] : memref<20x512xf32, #tpu.memory_space<vmem>> -> memref<1x512xf32, #tpu.memory_space<vmem>>
      %dma_wait3A_1552 = tpu.memref_squeeze %dma_wait3A_1551 : memref<1x512xf32, #tpu.memory_space<vmem>> -> memref<512xf32, #tpu.memory_space<vmem>>
      %dma_wait3A_1553 = arith.constant 0 : i32
      %dma_wait3A_1554 = tpu.memref_slice %arg14[%dma_wait3A_1549, %dma_wait3A_1553] : memref<20x512xi32, #tpu.memory_space<vmem>> -> memref<1x512xi32, #tpu.memory_space<vmem>>
      %dma_wait3A_1555 = tpu.memref_squeeze %dma_wait3A_1554 : memref<1x512xi32, #tpu.memory_space<vmem>> -> memref<512xi32, #tpu.memory_space<vmem>>
      %dma_wait3A_1556 = arith.constant 0 : i32
      %dma_wait3A_1557 = tpu.memref_slice %arg12[%dma_wait3A_1556] : memref<102400xf32, #tpu.memory_space<vmem_shared>> -> memref<102400xf32, #tpu.memory_space<vmem_shared>>
      tpu.wait_indirect_dma semaphore(%arg21 : memref<!tpu.dma_semaphore, #tpu.memory_space<semaphore_mem>>) src(%dma_wait3A_1552 : memref<512xf32, #tpu.memory_space<vmem>>) dst(%dma_wait3A_1557 : memref<102400xf32, #tpu.memory_space<vmem_shared>>)
      %dma_wait3A_1558 = arith.constant 17 : i32
      %dma_wait3A_1559 = arith.constant 17 : i32
      %dma_wait3A_1560 = arith.constant 0 : i32
      %dma_wait3A_1561 = tpu.memref_slice %arg15[%dma_wait3A_1558, %dma_wait3A_1560] : memref<20x512xf32, #tpu.memory_space<vmem>> -> memref<1x512xf32, #tpu.memory_space<vmem>>
      %dma_wait3A_1562 = tpu.memref_squeeze %dma_wait3A_1561 : memref<1x512xf32, #tpu.memory_space<vmem>> -> memref<512xf32, #tpu.memory_space<vmem>>
      %dma_wait3A_1563 = arith.constant 0 : i32
      %dma_wait3A_1564 = tpu.memref_slice %arg14[%dma_wait3A_1559, %dma_wait3A_1563] : memref<20x512xi32, #tpu.memory_space<vmem>> -> memref<1x512xi32, #tpu.memory_space<vmem>>
      %dma_wait3A_1565 = tpu.memref_squeeze %dma_wait3A_1564 : memref<1x512xi32, #tpu.memory_space<vmem>> -> memref<512xi32, #tpu.memory_space<vmem>>
      %dma_wait3A_1566 = arith.constant 0 : i32
      %dma_wait3A_1567 = tpu.memref_slice %arg11[%dma_wait3A_1566] : memref<102400xf32, #tpu.memory_space<vmem_shared>> -> memref<102400xf32, #tpu.memory_space<vmem_shared>>
      tpu.wait_indirect_dma semaphore(%arg20 : memref<!tpu.dma_semaphore, #tpu.memory_space<semaphore_mem>>) src(%dma_wait3A_1562 : memref<512xf32, #tpu.memory_space<vmem>>) dst(%dma_wait3A_1567 : memref<102400xf32, #tpu.memory_space<vmem_shared>>)
      %dma_wait3A_1568 = arith.constant 17 : i32
      %dma_wait3A_1569 = arith.constant 17 : i32
      %dma_wait3A_1570 = arith.constant 0 : i32
      %dma_wait3A_1571 = tpu.memref_slice %arg16[%dma_wait3A_1568, %dma_wait3A_1570] : memref<20x512xf32, #tpu.memory_space<vmem>> -> memref<1x512xf32, #tpu.memory_space<vmem>>
      %dma_wait3A_1572 = tpu.memref_squeeze %dma_wait3A_1571 : memref<1x512xf32, #tpu.memory_space<vmem>> -> memref<512xf32, #tpu.memory_space<vmem>>
      %dma_wait3A_1573 = arith.constant 0 : i32
      %dma_wait3A_1574 = tpu.memref_slice %arg14[%dma_wait3A_1569, %dma_wait3A_1573] : memref<20x512xi32, #tpu.memory_space<vmem>> -> memref<1x512xi32, #tpu.memory_space<vmem>>
      %dma_wait3A_1575 = tpu.memref_squeeze %dma_wait3A_1574 : memref<1x512xi32, #tpu.memory_space<vmem>> -> memref<512xi32, #tpu.memory_space<vmem>>
      %dma_wait3A_1576 = arith.constant 0 : i32
      %dma_wait3A_1577 = tpu.memref_slice %arg12[%dma_wait3A_1576] : memref<102400xf32, #tpu.memory_space<vmem_shared>> -> memref<102400xf32, #tpu.memory_space<vmem_shared>>
      tpu.wait_indirect_dma semaphore(%arg21 : memref<!tpu.dma_semaphore, #tpu.memory_space<semaphore_mem>>) src(%dma_wait3A_1572 : memref<512xf32, #tpu.memory_space<vmem>>) dst(%dma_wait3A_1577 : memref<102400xf32, #tpu.memory_space<vmem_shared>>)
      %dma_wait3A_1578 = arith.constant 18 : i32
      %dma_wait3A_1579 = arith.constant 18 : i32
      %dma_wait3A_1580 = arith.constant 0 : i32
      %dma_wait3A_1581 = tpu.memref_slice %arg15[%dma_wait3A_1578, %dma_wait3A_1580] : memref<20x512xf32, #tpu.memory_space<vmem>> -> memref<1x512xf32, #tpu.memory_space<vmem>>
      %dma_wait3A_1582 = tpu.memref_squeeze %dma_wait3A_1581 : memref<1x512xf32, #tpu.memory_space<vmem>> -> memref<512xf32, #tpu.memory_space<vmem>>
      %dma_wait3A_1583 = arith.constant 0 : i32
      %dma_wait3A_1584 = tpu.memref_slice %arg14[%dma_wait3A_1579, %dma_wait3A_1583] : memref<20x512xi32, #tpu.memory_space<vmem>> -> memref<1x512xi32, #tpu.memory_space<vmem>>
      %dma_wait3A_1585 = tpu.memref_squeeze %dma_wait3A_1584 : memref<1x512xi32, #tpu.memory_space<vmem>> -> memref<512xi32, #tpu.memory_space<vmem>>
      %dma_wait3A_1586 = arith.constant 0 : i32
      %dma_wait3A_1587 = tpu.memref_slice %arg11[%dma_wait3A_1586] : memref<102400xf32, #tpu.memory_space<vmem_shared>> -> memref<102400xf32, #tpu.memory_space<vmem_shared>>
      tpu.wait_indirect_dma semaphore(%arg20 : memref<!tpu.dma_semaphore, #tpu.memory_space<semaphore_mem>>) src(%dma_wait3A_1582 : memref<512xf32, #tpu.memory_space<vmem>>) dst(%dma_wait3A_1587 : memref<102400xf32, #tpu.memory_space<vmem_shared>>)
      %dma_wait3A_1588 = arith.constant 18 : i32
      %dma_wait3A_1589 = arith.constant 18 : i32
      %dma_wait3A_1590 = arith.constant 0 : i32
      %dma_wait3A_1591 = tpu.memref_slice %arg16[%dma_wait3A_1588, %dma_wait3A_1590] : memref<20x512xf32, #tpu.memory_space<vmem>> -> memref<1x512xf32, #tpu.memory_space<vmem>>
      %dma_wait3A_1592 = tpu.memref_squeeze %dma_wait3A_1591 : memref<1x512xf32, #tpu.memory_space<vmem>> -> memref<512xf32, #tpu.memory_space<vmem>>
      %dma_wait3A_1593 = arith.constant 0 : i32
      %dma_wait3A_1594 = tpu.memref_slice %arg14[%dma_wait3A_1589, %dma_wait3A_1593] : memref<20x512xi32, #tpu.memory_space<vmem>> -> memref<1x512xi32, #tpu.memory_space<vmem>>
      %dma_wait3A_1595 = tpu.memref_squeeze %dma_wait3A_1594 : memref<1x512xi32, #tpu.memory_space<vmem>> -> memref<512xi32, #tpu.memory_space<vmem>>
      %dma_wait3A_1596 = arith.constant 0 : i32
      %dma_wait3A_1597 = tpu.memref_slice %arg12[%dma_wait3A_1596] : memref<102400xf32, #tpu.memory_space<vmem_shared>> -> memref<102400xf32, #tpu.memory_space<vmem_shared>>
      tpu.wait_indirect_dma semaphore(%arg21 : memref<!tpu.dma_semaphore, #tpu.memory_space<semaphore_mem>>) src(%dma_wait3A_1592 : memref<512xf32, #tpu.memory_space<vmem>>) dst(%dma_wait3A_1597 : memref<102400xf32, #tpu.memory_space<vmem_shared>>)
      %dma_wait3A_1598 = arith.constant 19 : i32
      %dma_wait3A_1599 = arith.constant 19 : i32
      %dma_wait3A_1600 = arith.constant 0 : i32
      %dma_wait3A_1601 = tpu.memref_slice %arg15[%dma_wait3A_1598, %dma_wait3A_1600] : memref<20x512xf32, #tpu.memory_space<vmem>> -> memref<1x512xf32, #tpu.memory_space<vmem>>
      %dma_wait3A_1602 = tpu.memref_squeeze %dma_wait3A_1601 : memref<1x512xf32, #tpu.memory_space<vmem>> -> memref<512xf32, #tpu.memory_space<vmem>>
      %dma_wait3A_1603 = arith.constant 0 : i32
      %dma_wait3A_1604 = tpu.memref_slice %arg14[%dma_wait3A_1599, %dma_wait3A_1603] : memref<20x512xi32, #tpu.memory_space<vmem>> -> memref<1x512xi32, #tpu.memory_space<vmem>>
      %dma_wait3A_1605 = tpu.memref_squeeze %dma_wait3A_1604 : memref<1x512xi32, #tpu.memory_space<vmem>> -> memref<512xi32, #tpu.memory_space<vmem>>
      %dma_wait3A_1606 = arith.constant 0 : i32
      %dma_wait3A_1607 = tpu.memref_slice %arg11[%dma_wait3A_1606] : memref<102400xf32, #tpu.memory_space<vmem_shared>> -> memref<102400xf32, #tpu.memory_space<vmem_shared>>
      tpu.wait_indirect_dma semaphore(%arg20 : memref<!tpu.dma_semaphore, #tpu.memory_space<semaphore_mem>>) src(%dma_wait3A_1602 : memref<512xf32, #tpu.memory_space<vmem>>) dst(%dma_wait3A_1607 : memref<102400xf32, #tpu.memory_space<vmem_shared>>)
      %dma_wait3A_1608 = arith.constant 19 : i32
      %dma_wait3A_1609 = arith.constant 19 : i32
      %dma_wait3A_1610 = arith.constant 0 : i32
      %dma_wait3A_1611 = tpu.memref_slice %arg16[%dma_wait3A_1608, %dma_wait3A_1610] : memref<20x512xf32, #tpu.memory_space<vmem>> -> memref<1x512xf32, #tpu.memory_space<vmem>>
      %dma_wait3A_1612 = tpu.memref_squeeze %dma_wait3A_1611 : memref<1x512xf32, #tpu.memory_space<vmem>> -> memref<512xf32, #tpu.memory_space<vmem>>
      %dma_wait3A_1613 = arith.constant 0 : i32
      %dma_wait3A_1614 = tpu.memref_slice %arg14[%dma_wait3A_1609, %dma_wait3A_1613] : memref<20x512xi32, #tpu.memory_space<vmem>> -> memref<1x512xi32, #tpu.memory_space<vmem>>
      %dma_wait3A_1615 = tpu.memref_squeeze %dma_wait3A_1614 : memref<1x512xi32, #tpu.memory_space<vmem>> -> memref<512xi32, #tpu.memory_space<vmem>>
      %dma_wait3A_1616 = arith.constant 0 : i32
      %dma_wait3A_1617 = tpu.memref_slice %arg12[%dma_wait3A_1616] : memref<102400xf32, #tpu.memory_space<vmem_shared>> -> memref<102400xf32, #tpu.memory_space<vmem_shared>>
      tpu.wait_indirect_dma semaphore(%arg21 : memref<!tpu.dma_semaphore, #tpu.memory_space<semaphore_mem>>) src(%dma_wait3A_1612 : memref<512xf32, #tpu.memory_space<vmem>>) dst(%dma_wait3A_1617 : memref<102400xf32, #tpu.memory_space<vmem_shared>>)
    }
    %scan3A_9 = arith.constant 10 : i32
    %barrier3A_10 = arith.constant 0 : index
    tpu.barrier barrier_id(%barrier3A_10)
    %mul3A_11 = arith.constant 102400 : i32
    %mul3A_12 = arith.muli %arg0, %mul3A_11 : i32
    %mul3A_13 = arith.constant 6400 : i32
    %mul3A_14 = arith.muli %arg1, %mul3A_13 : i32
    %add3A_15 = arith.addi %mul3A_12, %mul3A_14 : i32
    "tpu.region"() ({
      %run_scoped3A = tpu.sem_alloc : memref<!tpu.dma_semaphore, #tpu.memory_space<semaphore_mem>>
      %dma_start3A = tpu.memref_slice %arg11[%mul3A_2] : memref<102400xf32, #tpu.memory_space<vmem_shared>> -> memref<6400xf32, #tpu.memory_space<vmem_shared>>
      %dma_start3A_16 = tpu.memref_slice %arg11[%mul3A_2] : memref<102400xf32, #tpu.memory_space<vmem_shared>> -> memref<6400xf32, #tpu.memory_space<vmem_shared>>
      tpu.enqueue_dma source(%dma_start3A_16 : memref<6400xf32, #tpu.memory_space<vmem_shared>>) target(%arg17 : memref<6400xf32, #tpu.memory_space<vmem>>) target_semaphore(%run_scoped3A : memref<!tpu.dma_semaphore, #tpu.memory_space<semaphore_mem>>)
      %dma_wait3A = tpu.memref_slice %arg11[%mul3A_2] : memref<102400xf32, #tpu.memory_space<vmem_shared>> -> memref<6400xf32, #tpu.memory_space<vmem_shared>>
      %dma_wait3A_17 = tpu.memref_slice %arg11[%mul3A_2] : memref<102400xf32, #tpu.memory_space<vmem_shared>> -> memref<6400xf32, #tpu.memory_space<vmem_shared>>
      tpu.wait_dma2 semaphore(%run_scoped3A : memref<!tpu.dma_semaphore, #tpu.memory_space<semaphore_mem>>) src(%dma_wait3A_17 : memref<6400xf32, #tpu.memory_space<vmem_shared>>) dst(%arg17 : memref<6400xf32, #tpu.memory_space<vmem>>)
      tpu.yield
    }) : () -> ()
    "tpu.region"() ({
      %run_scoped3A = tpu.sem_alloc : memref<!tpu.dma_semaphore, #tpu.memory_space<semaphore_mem>>
      %dma_start3A = tpu.memref_slice %arg7[%add3A_15] : memref<204800xf32, #tpu.memory_space<hbm>> -> memref<6400xf32, #tpu.memory_space<hbm>>
      %dma_start3A_16 = tpu.memref_slice %arg7[%add3A_15] : memref<204800xf32, #tpu.memory_space<hbm>> -> memref<6400xf32, #tpu.memory_space<hbm>>
      tpu.enqueue_dma source(%arg17 : memref<6400xf32, #tpu.memory_space<vmem>>) target(%dma_start3A_16 : memref<6400xf32, #tpu.memory_space<hbm>>) target_semaphore(%run_scoped3A : memref<!tpu.dma_semaphore, #tpu.memory_space<semaphore_mem>>)
      %dma_wait3A = tpu.memref_slice %arg7[%add3A_15] : memref<204800xf32, #tpu.memory_space<hbm>> -> memref<6400xf32, #tpu.memory_space<hbm>>
      %dma_wait3A_17 = tpu.memref_slice %arg7[%add3A_15] : memref<204800xf32, #tpu.memory_space<hbm>> -> memref<6400xf32, #tpu.memory_space<hbm>>
      tpu.wait_dma2 semaphore(%run_scoped3A : memref<!tpu.dma_semaphore, #tpu.memory_space<semaphore_mem>>) src(%arg17 : memref<6400xf32, #tpu.memory_space<vmem>>) dst(%dma_wait3A_17 : memref<6400xf32, #tpu.memory_space<hbm>>)
      tpu.yield
    }) : () -> ()
    "tpu.region"() ({
      %run_scoped3A = tpu.sem_alloc : memref<!tpu.dma_semaphore, #tpu.memory_space<semaphore_mem>>
      %dma_start3A = tpu.memref_slice %arg12[%mul3A_2] : memref<102400xf32, #tpu.memory_space<vmem_shared>> -> memref<6400xf32, #tpu.memory_space<vmem_shared>>
      %dma_start3A_16 = tpu.memref_slice %arg12[%mul3A_2] : memref<102400xf32, #tpu.memory_space<vmem_shared>> -> memref<6400xf32, #tpu.memory_space<vmem_shared>>
      tpu.enqueue_dma source(%dma_start3A_16 : memref<6400xf32, #tpu.memory_space<vmem_shared>>) target(%arg17 : memref<6400xf32, #tpu.memory_space<vmem>>) target_semaphore(%run_scoped3A : memref<!tpu.dma_semaphore, #tpu.memory_space<semaphore_mem>>)
      %dma_wait3A = tpu.memref_slice %arg12[%mul3A_2] : memref<102400xf32, #tpu.memory_space<vmem_shared>> -> memref<6400xf32, #tpu.memory_space<vmem_shared>>
      %dma_wait3A_17 = tpu.memref_slice %arg12[%mul3A_2] : memref<102400xf32, #tpu.memory_space<vmem_shared>> -> memref<6400xf32, #tpu.memory_space<vmem_shared>>
      tpu.wait_dma2 semaphore(%run_scoped3A : memref<!tpu.dma_semaphore, #tpu.memory_space<semaphore_mem>>) src(%dma_wait3A_17 : memref<6400xf32, #tpu.memory_space<vmem_shared>>) dst(%arg17 : memref<6400xf32, #tpu.memory_space<vmem>>)
      tpu.yield
    }) : () -> ()
    "tpu.region"() ({
      %run_scoped3A = tpu.sem_alloc : memref<!tpu.dma_semaphore, #tpu.memory_space<semaphore_mem>>
      %dma_start3A = tpu.memref_slice %arg8[%add3A_15] : memref<204800xf32, #tpu.memory_space<hbm>> -> memref<6400xf32, #tpu.memory_space<hbm>>
      %dma_start3A_16 = tpu.memref_slice %arg8[%add3A_15] : memref<204800xf32, #tpu.memory_space<hbm>> -> memref<6400xf32, #tpu.memory_space<hbm>>
      tpu.enqueue_dma source(%arg17 : memref<6400xf32, #tpu.memory_space<vmem>>) target(%dma_start3A_16 : memref<6400xf32, #tpu.memory_space<hbm>>) target_semaphore(%run_scoped3A : memref<!tpu.dma_semaphore, #tpu.memory_space<semaphore_mem>>)
      %dma_wait3A = tpu.memref_slice %arg8[%add3A_15] : memref<204800xf32, #tpu.memory_space<hbm>> -> memref<6400xf32, #tpu.memory_space<hbm>>
      %dma_wait3A_17 = tpu.memref_slice %arg8[%add3A_15] : memref<204800xf32, #tpu.memory_space<hbm>> -> memref<6400xf32, #tpu.memory_space<hbm>>
      tpu.wait_dma2 semaphore(%run_scoped3A : memref<!tpu.dma_semaphore, #tpu.memory_space<semaphore_mem>>) src(%arg17 : memref<6400xf32, #tpu.memory_space<vmem>>) dst(%dma_wait3A_17 : memref<6400xf32, #tpu.memory_space<hbm>>)
      tpu.yield
    }) : () -> ()
    return
  }
}

module attributes {stable_mosaic.version = 14 : i64} {
  func.func @_y_body(%arg0: memref<800x128xf32, #tpu.memory_space<vmem>>, %arg1: memref<800x128xf32, #tpu.memory_space<vmem>>, %arg2: memref<800x128xf32, #tpu.memory_space<vmem>>, %arg3: memref<800x128xf32, #tpu.memory_space<vmem>>, %arg4: memref<800x128xf32, #tpu.memory_space<vmem>>, %arg5: memref<800x128xf32, #tpu.memory_space<vmem>>) attributes {dimension_semantics = [], scalar_prefetch = 0 : i64, scratch_operands = 0 : i64, tpu.core_type = #tpu.core_type<tc>} {
    %get3A = arith.constant 0 : index
    %get3A_0 = arith.constant 0 : index
    %get3A_1 = vector.load %arg0[%get3A, %get3A_0] : memref<800x128xf32, #tpu.memory_space<vmem>>, vector<800x128xf32>
    %get3A_2 = arith.constant 0 : index
    %get3A_3 = arith.constant 0 : index
    %get3A_4 = vector.load %arg1[%get3A_2, %get3A_3] : memref<800x128xf32, #tpu.memory_space<vmem>>, vector<800x128xf32>
    %add3A = arith.addf %get3A_1, %get3A_4 : vector<800x128xf32>
    %add3A_5 = arith.constant 1.000000e+00 : f32
    %add3A_6 = vector.broadcast %add3A_5 : f32 to vector<800x128xf32>
    %add3A_7 = arith.addf %add3A, %add3A_6 : vector<800x128xf32>
    %rsqrt3A = math.rsqrt %add3A_7 : vector<800x128xf32>
    %get3A_8 = arith.constant 0 : index
    %get3A_9 = arith.constant 0 : index
    %get3A_10 = vector.load %arg2[%get3A_8, %get3A_9] : memref<800x128xf32, #tpu.memory_space<vmem>>, vector<800x128xf32>
    %mul3A = arith.mulf %rsqrt3A, %get3A_10 : vector<800x128xf32>
    %swap3A = arith.constant 0 : index
    %swap3A_11 = arith.constant 0 : index
    %swap3A_12 = vector.load %arg4[%swap3A, %swap3A_11] : memref<800x128xf32, #tpu.memory_space<vmem>>, vector<800x128xf32>
    tpu.vector_store %arg4[%swap3A, %swap3A_11], %mul3A {strides = array<i32>} : memref<800x128xf32, #tpu.memory_space<vmem>>, vector<800x128xf32>,
    %get3A_13 = arith.constant 0 : index
    %get3A_14 = arith.constant 0 : index
    %get3A_15 = vector.load %arg3[%get3A_13, %get3A_14] : memref<800x128xf32, #tpu.memory_space<vmem>>, vector<800x128xf32>
    %mul3A_16 = arith.mulf %rsqrt3A, %get3A_15 : vector<800x128xf32>
    %swap3A_17 = arith.constant 0 : index
    %swap3A_18 = arith.constant 0 : index
    %swap3A_19 = vector.load %arg5[%swap3A_17, %swap3A_18] : memref<800x128xf32, #tpu.memory_space<vmem>>, vector<800x128xf32>
    tpu.vector_store %arg5[%swap3A_17, %swap3A_18], %mul3A_16 {strides = array<i32>} : memref<800x128xf32, #tpu.memory_space<vmem>>, vector<800x128xf32>,
    return
  }
}

module attributes {stable_mosaic.version = 14 : i64} {
  func.func @_tail_kernel(%arg0: i32, %arg1: memref<2x3360x2xf32, #tpu.memory_space<vmem>>, %arg2: memref<2x3360x2xf32, #tpu.memory_space<vmem>>, %arg3: memref<3360x2xf32, #tpu.memory_space<vmem>>, %arg4: memref<2x32xf32, #tpu.memory_space<vmem>>, %arg5: memref<1x32xf32, #tpu.memory_space<vmem>>, %arg6: memref<28x32x256xf32, #tpu.memory_space<vmem>>, %arg7: memref<1x256xf32, #tpu.memory_space<vmem>>, %arg8: memref<256x2xf32, #tpu.memory_space<vmem>>, %arg9: memref<1x2xf32, #tpu.memory_space<vmem>>, %arg10: memref<120x1xf32, #tpu.memory_space<vmem>>, %arg11: memref<120x1xf32, #tpu.memory_space<vmem>>) attributes {dimension_semantics = [#tpu.dimension_semantics<arbitrary>], iteration_bounds = array<i64: 30>, scalar_prefetch = 0 : i64, scratch_operands = 0 : i64, tpu.core_type = #tpu.core_type<tc>, window_params = [{transform_indices = @transform_0, window_bounds = array<i64: 2, 3360, 2>}, {transform_indices = @transform_1, window_bounds = array<i64: 2, 3360, 2>}, {transform_indices = @transform_2, window_bounds = array<i64: 3360, 2>}, {pipeline_mode = #tpu.pipeline_mode<synchronous>, transform_indices = @transform_3, window_bounds = array<i64: 2, 32>}, {pipeline_mode = #tpu.pipeline_mode<synchronous>, transform_indices = @transform_4, window_bounds = array<i64: 1, 32>}, {pipeline_mode = #tpu.pipeline_mode<synchronous>, transform_indices = @transform_5, window_bounds = array<i64: 28, 32, 256>}, {pipeline_mode = #tpu.pipeline_mode<synchronous>, transform_indices = @transform_6, window_bounds = array<i64: 1, 256>}, {pipeline_mode = #tpu.pipeline_mode<synchronous>, transform_indices = @transform_7, window_bounds = array<i64: 256, 2>}, {pipeline_mode = #tpu.pipeline_mode<synchronous>, transform_indices = @transform_8, window_bounds = array<i64: 1, 2>}, {transform_indices = @transform_9, window_bounds = array<i64: 120, 1>}, {transform_indices = @transform_10, window_bounds = array<i64: 120, 1>}]} {
    %get3A = arith.constant 0 : index
    %get3A_0 = arith.constant 0 : index
    %get3A_1 = arith.constant 0 : index
    %get3A_2 = vector.load %arg2[%get3A, %get3A_0, %get3A_1] : memref<2x3360x2xf32, #tpu.memory_space<vmem>>, vector<1x3360x2xf32>
    %get3A_3 = vector.shape_cast %get3A_2 : vector<1x3360x2xf32> to vector<3360x2xf32>
    %get3A_4 = arith.constant 1 : index
    %get3A_5 = arith.constant 0 : index
    %get3A_6 = arith.constant 0 : index
    %get3A_7 = vector.load %arg2[%get3A_4, %get3A_5, %get3A_6] : memref<2x3360x2xf32, #tpu.memory_space<vmem>>, vector<1x3360x2xf32>
    %get3A_8 = vector.shape_cast %get3A_7 : vector<1x3360x2xf32> to vector<3360x2xf32>
    %add3A = arith.addf %get3A_3, %get3A_8 : vector<3360x2xf32>
    %add3A_9 = arith.constant 1.000000e+00 : f32
    %add3A_10 = vector.broadcast %add3A_9 : f32 to vector<3360x2xf32>
    %add3A_11 = arith.addf %add3A, %add3A_10 : vector<3360x2xf32>
    %rsqrt3A = math.rsqrt %add3A_11 : vector<3360x2xf32>
    %get3A_12 = arith.constant 0 : index
    %get3A_13 = arith.constant 0 : index
    %get3A_14 = arith.constant 0 : index
    %get3A_15 = vector.load %arg1[%get3A_12, %get3A_13, %get3A_14] : memref<2x3360x2xf32, #tpu.memory_space<vmem>>, vector<1x3360x2xf32>
    %get3A_16 = vector.shape_cast %get3A_15 : vector<1x3360x2xf32> to vector<3360x2xf32>
    %get3A_17 = arith.constant 1 : index
    %get3A_18 = arith.constant 0 : index
    %get3A_19 = arith.constant 0 : index
    %get3A_20 = vector.load %arg1[%get3A_17, %get3A_18, %get3A_19] : memref<2x3360x2xf32, #tpu.memory_space<vmem>>, vector<1x3360x2xf32>
    %get3A_21 = vector.shape_cast %get3A_20 : vector<1x3360x2xf32> to vector<3360x2xf32>
    %add3A_22 = arith.addf %get3A_16, %get3A_21 : vector<3360x2xf32>
    %mul3A = arith.mulf %rsqrt3A, %add3A_22 : vector<3360x2xf32>
    %mul3A_23 = arith.mulf %rsqrt3A, %rsqrt3A : vector<3360x2xf32>
    %get3A_24 = arith.constant 0 : index
    %get3A_25 = arith.constant 0 : index
    %get3A_26 = vector.load %arg3[%get3A_24, %get3A_25] : memref<3360x2xf32, #tpu.memory_space<vmem>>, vector<3360x2xf32>
    %mul3A_27 = arith.mulf %mul3A_23, %get3A_26 : vector<3360x2xf32>
    %add3A_28 = arith.addf %mul3A, %mul3A_27 : vector<3360x2xf32>
    %get3A_29 = arith.constant 0 : index
    %get3A_30 = arith.constant 0 : index
    %get3A_31 = vector.load %arg4[%get3A_29, %get3A_30] : memref<2x32xf32, #tpu.memory_space<vmem>>, vector<2x32xf32>
    %dot_general3A = arith.constant dense<0.000000e+00> : vector<3360x32xf32>
    %dot_general3A_32 = tpu.matmul %add3A_28, %get3A_31, %dot_general3A {dimension_numbers = #tpu.dot_dimension_numbers<[1], [0], [0], [1], [0, 0, 1, 1], [], []>, transpose_lhs_hint = false} : vector<3360x2xf32>, vector<2x32xf32>, vector<3360x32xf32> -> vector<3360x32xf32>
    %get3A_33 = arith.constant 0 : index
    %get3A_34 = arith.constant 0 : index
    %get3A_35 = vector.load %arg5[%get3A_33, %get3A_34] : memref<1x32xf32, #tpu.memory_space<vmem>>, vector<1x32xf32>
    %get3A_36 = vector.shape_cast %get3A_35 : vector<1x32xf32> to vector<32xf32>
    %broadcast_in_dim3A = vector.shape_cast %get3A_36 : vector<32xf32> to vector<1x32xf32>
    %add3A_37 = vector.broadcast %broadcast_in_dim3A : vector<1x32xf32> to vector<3360x32xf32>
    %add3A_38 = arith.addf %dot_general3A_32, %add3A_37 : vector<3360x32xf32>
    %max3A = arith.constant 0.000000e+00 : f32
    %max3A_39 = vector.broadcast %max3A : f32 to vector<3360x32xf32>
    %max3A_40 = arith.maximumf %add3A_38, %max3A_39 : vector<3360x32xf32>
    %reshape3A = vector.shape_cast %max3A_40 : vector<3360x32xf32> to vector<120x28x32xf32>
    %get3A_41 = arith.constant 0 : index
    %get3A_42 = arith.constant 0 : index
    %get3A_43 = vector.load %arg7[%get3A_41, %get3A_42] : memref<1x256xf32, #tpu.memory_space<vmem>>, vector<1x256xf32>
    %get3A_44 = vector.shape_cast %get3A_43 : vector<1x256xf32> to vector<256xf32>
    %broadcast_in_dim3A_45 = vector.shape_cast %get3A_44 : vector<256xf32> to vector<1x256xf32>
    %broadcast_in_dim3A_46 = vector.broadcast %broadcast_in_dim3A_45 : vector<1x256xf32> to vector<120x256xf32>
    %slice3A = vector.extract_strided_slice %reshape3A {offsets = [0, 0, 0], sizes = [120, 1, 32], strides = [1, 1, 1]} : vector<120x28x32xf32> to vector<120x1x32xf32>
    %squeeze3A = vector.shape_cast %slice3A : vector<120x1x32xf32> to vector<120x32xf32>
    %get3A_47 = arith.constant 0 : index
    %get3A_48 = arith.constant 0 : index
    %get3A_49 = arith.constant 0 : index
    %get3A_50 = vector.load %arg6[%get3A_47, %get3A_48, %get3A_49] : memref<28x32x256xf32, #tpu.memory_space<vmem>>, vector<1x32x256xf32>
    %get3A_51 = vector.shape_cast %get3A_50 : vector<1x32x256xf32> to vector<32x256xf32>
    %dot_general3A_52 = arith.constant dense<0.000000e+00> : vector<120x256xf32>
    %dot_general3A_53 = tpu.matmul %squeeze3A, %get3A_51, %dot_general3A_52 {dimension_numbers = #tpu.dot_dimension_numbers<[1], [0], [0], [1], [0, 0, 1, 1], [], []>, transpose_lhs_hint = false} : vector<120x32xf32>, vector<32x256xf32>, vector<120x256xf32> -> vector<120x256xf32>
    %add3A_54 = arith.addf %broadcast_in_dim3A_46, %dot_general3A_53 : vector<120x256xf32>
    %slice3A_55 = vector.extract_strided_slice %reshape3A {offsets = [0, 1, 0], sizes = [120, 1, 32], strides = [1, 1, 1]} : vector<120x28x32xf32> to vector<120x1x32xf32>
    %squeeze3A_56 = vector.shape_cast %slice3A_55 : vector<120x1x32xf32> to vector<120x32xf32>
    %get3A_57 = arith.constant 1 : index
    %get3A_58 = arith.constant 0 : index
    %get3A_59 = arith.constant 0 : index
    %get3A_60 = vector.load %arg6[%get3A_57, %get3A_58, %get3A_59] : memref<28x32x256xf32, #tpu.memory_space<vmem>>, vector<1x32x256xf32>
    %get3A_61 = vector.shape_cast %get3A_60 : vector<1x32x256xf32> to vector<32x256xf32>
    %dot_general3A_62 = arith.constant dense<0.000000e+00> : vector<120x256xf32>
    %dot_general3A_63 = tpu.matmul %squeeze3A_56, %get3A_61, %dot_general3A_62 {dimension_numbers = #tpu.dot_dimension_numbers<[1], [0], [0], [1], [0, 0, 1, 1], [], []>, transpose_lhs_hint = false} : vector<120x32xf32>, vector<32x256xf32>, vector<120x256xf32> -> vector<120x256xf32>
    %add3A_64 = arith.addf %add3A_54, %dot_general3A_63 : vector<120x256xf32>
    %slice3A_65 = vector.extract_strided_slice %reshape3A {offsets = [0, 2, 0], sizes = [120, 1, 32], strides = [1, 1, 1]} : vector<120x28x32xf32> to vector<120x1x32xf32>
    %squeeze3A_66 = vector.shape_cast %slice3A_65 : vector<120x1x32xf32> to vector<120x32xf32>
    %get3A_67 = arith.constant 2 : index
    %get3A_68 = arith.constant 0 : index
    %get3A_69 = arith.constant 0 : index
    %get3A_70 = vector.load %arg6[%get3A_67, %get3A_68, %get3A_69] : memref<28x32x256xf32, #tpu.memory_space<vmem>>, vector<1x32x256xf32>
    %get3A_71 = vector.shape_cast %get3A_70 : vector<1x32x256xf32> to vector<32x256xf32>
    %dot_general3A_72 = arith.constant dense<0.000000e+00> : vector<120x256xf32>
    %dot_general3A_73 = tpu.matmul %squeeze3A_66, %get3A_71, %dot_general3A_72 {dimension_numbers = #tpu.dot_dimension_numbers<[1], [0], [0], [1], [0, 0, 1, 1], [], []>, transpose_lhs_hint = false} : vector<120x32xf32>, vector<32x256xf32>, vector<120x256xf32> -> vector<120x256xf32>
    %add3A_74 = arith.addf %add3A_64, %dot_general3A_73 : vector<120x256xf32>
    %slice3A_75 = vector.extract_strided_slice %reshape3A {offsets = [0, 3, 0], sizes = [120, 1, 32], strides = [1, 1, 1]} : vector<120x28x32xf32> to vector<120x1x32xf32>
    %squeeze3A_76 = vector.shape_cast %slice3A_75 : vector<120x1x32xf32> to vector<120x32xf32>
    %get3A_77 = arith.constant 3 : index
    %get3A_78 = arith.constant 0 : index
    %get3A_79 = arith.constant 0 : index
    %get3A_80 = vector.load %arg6[%get3A_77, %get3A_78, %get3A_79] : memref<28x32x256xf32, #tpu.memory_space<vmem>>, vector<1x32x256xf32>
    %get3A_81 = vector.shape_cast %get3A_80 : vector<1x32x256xf32> to vector<32x256xf32>
    %dot_general3A_82 = arith.constant dense<0.000000e+00> : vector<120x256xf32>
    %dot_general3A_83 = tpu.matmul %squeeze3A_76, %get3A_81, %dot_general3A_82 {dimension_numbers = #tpu.dot_dimension_numbers<[1], [0], [0], [1], [0, 0, 1, 1], [], []>, transpose_lhs_hint = false} : vector<120x32xf32>, vector<32x256xf32>, vector<120x256xf32> -> vector<120x256xf32>
    %add3A_84 = arith.addf %add3A_74, %dot_general3A_83 : vector<120x256xf32>
    %slice3A_85 = vector.extract_strided_slice %reshape3A {offsets = [0, 4, 0], sizes = [120, 1, 32], strides = [1, 1, 1]} : vector<120x28x32xf32> to vector<120x1x32xf32>
    %squeeze3A_86 = vector.shape_cast %slice3A_85 : vector<120x1x32xf32> to vector<120x32xf32>
    %get3A_87 = arith.constant 4 : index
    %get3A_88 = arith.constant 0 : index
    %get3A_89 = arith.constant 0 : index
    %get3A_90 = vector.load %arg6[%get3A_87, %get3A_88, %get3A_89] : memref<28x32x256xf32, #tpu.memory_space<vmem>>, vector<1x32x256xf32>
    %get3A_91 = vector.shape_cast %get3A_90 : vector<1x32x256xf32> to vector<32x256xf32>
    %dot_general3A_92 = arith.constant dense<0.000000e+00> : vector<120x256xf32>
    %dot_general3A_93 = tpu.matmul %squeeze3A_86, %get3A_91, %dot_general3A_92 {dimension_numbers = #tpu.dot_dimension_numbers<[1], [0], [0], [1], [0, 0, 1, 1], [], []>, transpose_lhs_hint = false} : vector<120x32xf32>, vector<32x256xf32>, vector<120x256xf32> -> vector<120x256xf32>
    %add3A_94 = arith.addf %add3A_84, %dot_general3A_93 : vector<120x256xf32>
    %slice3A_95 = vector.extract_strided_slice %reshape3A {offsets = [0, 5, 0], sizes = [120, 1, 32], strides = [1, 1, 1]} : vector<120x28x32xf32> to vector<120x1x32xf32>
    %squeeze3A_96 = vector.shape_cast %slice3A_95 : vector<120x1x32xf32> to vector<120x32xf32>
    %get3A_97 = arith.constant 5 : index
    %get3A_98 = arith.constant 0 : index
    %get3A_99 = arith.constant 0 : index
    %get3A_100 = vector.load %arg6[%get3A_97, %get3A_98, %get3A_99] : memref<28x32x256xf32, #tpu.memory_space<vmem>>, vector<1x32x256xf32>
    %get3A_101 = vector.shape_cast %get3A_100 : vector<1x32x256xf32> to vector<32x256xf32>
    %dot_general3A_102 = arith.constant dense<0.000000e+00> : vector<120x256xf32>
    %dot_general3A_103 = tpu.matmul %squeeze3A_96, %get3A_101, %dot_general3A_102 {dimension_numbers = #tpu.dot_dimension_numbers<[1], [0], [0], [1], [0, 0, 1, 1], [], []>, transpose_lhs_hint = false} : vector<120x32xf32>, vector<32x256xf32>, vector<120x256xf32> -> vector<120x256xf32>
    %add3A_104 = arith.addf %add3A_94, %dot_general3A_103 : vector<120x256xf32>
    %slice3A_105 = vector.extract_strided_slice %reshape3A {offsets = [0, 6, 0], sizes = [120, 1, 32], strides = [1, 1, 1]} : vector<120x28x32xf32> to vector<120x1x32xf32>
    %squeeze3A_106 = vector.shape_cast %slice3A_105 : vector<120x1x32xf32> to vector<120x32xf32>
    %get3A_107 = arith.constant 6 : index
    %get3A_108 = arith.constant 0 : index
    %get3A_109 = arith.constant 0 : index
    %get3A_110 = vector.load %arg6[%get3A_107, %get3A_108, %get3A_109] : memref<28x32x256xf32, #tpu.memory_space<vmem>>, vector<1x32x256xf32>
    %get3A_111 = vector.shape_cast %get3A_110 : vector<1x32x256xf32> to vector<32x256xf32>
    %dot_general3A_112 = arith.constant dense<0.000000e+00> : vector<120x256xf32>
    %dot_general3A_113 = tpu.matmul %squeeze3A_106, %get3A_111, %dot_general3A_112 {dimension_numbers = #tpu.dot_dimension_numbers<[1], [0], [0], [1], [0, 0, 1, 1], [], []>, transpose_lhs_hint = false} : vector<120x32xf32>, vector<32x256xf32>, vector<120x256xf32> -> vector<120x256xf32>
    %add3A_114 = arith.addf %add3A_104, %dot_general3A_113 : vector<120x256xf32>
    %slice3A_115 = vector.extract_strided_slice %reshape3A {offsets = [0, 7, 0], sizes = [120, 1, 32], strides = [1, 1, 1]} : vector<120x28x32xf32> to vector<120x1x32xf32>
    %squeeze3A_116 = vector.shape_cast %slice3A_115 : vector<120x1x32xf32> to vector<120x32xf32>
    %get3A_117 = arith.constant 7 : index
    %get3A_118 = arith.constant 0 : index
    %get3A_119 = arith.constant 0 : index
    %get3A_120 = vector.load %arg6[%get3A_117, %get3A_118, %get3A_119] : memref<28x32x256xf32, #tpu.memory_space<vmem>>, vector<1x32x256xf32>
    %get3A_121 = vector.shape_cast %get3A_120 : vector<1x32x256xf32> to vector<32x256xf32>
    %dot_general3A_122 = arith.constant dense<0.000000e+00> : vector<120x256xf32>
    %dot_general3A_123 = tpu.matmul %squeeze3A_116, %get3A_121, %dot_general3A_122 {dimension_numbers = #tpu.dot_dimension_numbers<[1], [0], [0], [1], [0, 0, 1, 1], [], []>, transpose_lhs_hint = false} : vector<120x32xf32>, vector<32x256xf32>, vector<120x256xf32> -> vector<120x256xf32>
    %add3A_124 = arith.addf %add3A_114, %dot_general3A_123 : vector<120x256xf32>
    %slice3A_125 = vector.extract_strided_slice %reshape3A {offsets = [0, 8, 0], sizes = [120, 1, 32], strides = [1, 1, 1]} : vector<120x28x32xf32> to vector<120x1x32xf32>
    %squeeze3A_126 = vector.shape_cast %slice3A_125 : vector<120x1x32xf32> to vector<120x32xf32>
    %get3A_127 = arith.constant 8 : index
    %get3A_128 = arith.constant 0 : index
    %get3A_129 = arith.constant 0 : index
    %get3A_130 = vector.load %arg6[%get3A_127, %get3A_128, %get3A_129] : memref<28x32x256xf32, #tpu.memory_space<vmem>>, vector<1x32x256xf32>
    %get3A_131 = vector.shape_cast %get3A_130 : vector<1x32x256xf32> to vector<32x256xf32>
    %dot_general3A_132 = arith.constant dense<0.000000e+00> : vector<120x256xf32>
    %dot_general3A_133 = tpu.matmul %squeeze3A_126, %get3A_131, %dot_general3A_132 {dimension_numbers = #tpu.dot_dimension_numbers<[1], [0], [0], [1], [0, 0, 1, 1], [], []>, transpose_lhs_hint = false} : vector<120x32xf32>, vector<32x256xf32>, vector<120x256xf32> -> vector<120x256xf32>
    %add3A_134 = arith.addf %add3A_124, %dot_general3A_133 : vector<120x256xf32>
    %slice3A_135 = vector.extract_strided_slice %reshape3A {offsets = [0, 9, 0], sizes = [120, 1, 32], strides = [1, 1, 1]} : vector<120x28x32xf32> to vector<120x1x32xf32>
    %squeeze3A_136 = vector.shape_cast %slice3A_135 : vector<120x1x32xf32> to vector<120x32xf32>
    %get3A_137 = arith.constant 9 : index
    %get3A_138 = arith.constant 0 : index
    %get3A_139 = arith.constant 0 : index
    %get3A_140 = vector.load %arg6[%get3A_137, %get3A_138, %get3A_139] : memref<28x32x256xf32, #tpu.memory_space<vmem>>, vector<1x32x256xf32>
    %get3A_141 = vector.shape_cast %get3A_140 : vector<1x32x256xf32> to vector<32x256xf32>
    %dot_general3A_142 = arith.constant dense<0.000000e+00> : vector<120x256xf32>
    %dot_general3A_143 = tpu.matmul %squeeze3A_136, %get3A_141, %dot_general3A_142 {dimension_numbers = #tpu.dot_dimension_numbers<[1], [0], [0], [1], [0, 0, 1, 1], [], []>, transpose_lhs_hint = false} : vector<120x32xf32>, vector<32x256xf32>, vector<120x256xf32> -> vector<120x256xf32>
    %add3A_144 = arith.addf %add3A_134, %dot_general3A_143 : vector<120x256xf32>
    %slice3A_145 = vector.extract_strided_slice %reshape3A {offsets = [0, 10, 0], sizes = [120, 1, 32], strides = [1, 1, 1]} : vector<120x28x32xf32> to vector<120x1x32xf32>
    %squeeze3A_146 = vector.shape_cast %slice3A_145 : vector<120x1x32xf32> to vector<120x32xf32>
    %get3A_147 = arith.constant 10 : index
    %get3A_148 = arith.constant 0 : index
    %get3A_149 = arith.constant 0 : index
    %get3A_150 = vector.load %arg6[%get3A_147, %get3A_148, %get3A_149] : memref<28x32x256xf32, #tpu.memory_space<vmem>>, vector<1x32x256xf32>
    %get3A_151 = vector.shape_cast %get3A_150 : vector<1x32x256xf32> to vector<32x256xf32>
    %dot_general3A_152 = arith.constant dense<0.000000e+00> : vector<120x256xf32>
    %dot_general3A_153 = tpu.matmul %squeeze3A_146, %get3A_151, %dot_general3A_152 {dimension_numbers = #tpu.dot_dimension_numbers<[1], [0], [0], [1], [0, 0, 1, 1], [], []>, transpose_lhs_hint = false} : vector<120x32xf32>, vector<32x256xf32>, vector<120x256xf32> -> vector<120x256xf32>
    %add3A_154 = arith.addf %add3A_144, %dot_general3A_153 : vector<120x256xf32>
    %slice3A_155 = vector.extract_strided_slice %reshape3A {offsets = [0, 11, 0], sizes = [120, 1, 32], strides = [1, 1, 1]} : vector<120x28x32xf32> to vector<120x1x32xf32>
    %squeeze3A_156 = vector.shape_cast %slice3A_155 : vector<120x1x32xf32> to vector<120x32xf32>
    %get3A_157 = arith.constant 11 : index
    %get3A_158 = arith.constant 0 : index
    %get3A_159 = arith.constant 0 : index
    %get3A_160 = vector.load %arg6[%get3A_157, %get3A_158, %get3A_159] : memref<28x32x256xf32, #tpu.memory_space<vmem>>, vector<1x32x256xf32>
    %get3A_161 = vector.shape_cast %get3A_160 : vector<1x32x256xf32> to vector<32x256xf32>
    %dot_general3A_162 = arith.constant dense<0.000000e+00> : vector<120x256xf32>
    %dot_general3A_163 = tpu.matmul %squeeze3A_156, %get3A_161, %dot_general3A_162 {dimension_numbers = #tpu.dot_dimension_numbers<[1], [0], [0], [1], [0, 0, 1, 1], [], []>, transpose_lhs_hint = false} : vector<120x32xf32>, vector<32x256xf32>, vector<120x256xf32> -> vector<120x256xf32>
    %add3A_164 = arith.addf %add3A_154, %dot_general3A_163 : vector<120x256xf32>
    %slice3A_165 = vector.extract_strided_slice %reshape3A {offsets = [0, 12, 0], sizes = [120, 1, 32], strides = [1, 1, 1]} : vector<120x28x32xf32> to vector<120x1x32xf32>
    %squeeze3A_166 = vector.shape_cast %slice3A_165 : vector<120x1x32xf32> to vector<120x32xf32>
    %get3A_167 = arith.constant 12 : index
    %get3A_168 = arith.constant 0 : index
    %get3A_169 = arith.constant 0 : index
    %get3A_170 = vector.load %arg6[%get3A_167, %get3A_168, %get3A_169] : memref<28x32x256xf32, #tpu.memory_space<vmem>>, vector<1x32x256xf32>
    %get3A_171 = vector.shape_cast %get3A_170 : vector<1x32x256xf32> to vector<32x256xf32>
    %dot_general3A_172 = arith.constant dense<0.000000e+00> : vector<120x256xf32>
    %dot_general3A_173 = tpu.matmul %squeeze3A_166, %get3A_171, %dot_general3A_172 {dimension_numbers = #tpu.dot_dimension_numbers<[1], [0], [0], [1], [0, 0, 1, 1], [], []>, transpose_lhs_hint = false} : vector<120x32xf32>, vector<32x256xf32>, vector<120x256xf32> -> vector<120x256xf32>
    %add3A_174 = arith.addf %add3A_164, %dot_general3A_173 : vector<120x256xf32>
    %slice3A_175 = vector.extract_strided_slice %reshape3A {offsets = [0, 13, 0], sizes = [120, 1, 32], strides = [1, 1, 1]} : vector<120x28x32xf32> to vector<120x1x32xf32>
    %squeeze3A_176 = vector.shape_cast %slice3A_175 : vector<120x1x32xf32> to vector<120x32xf32>
    %get3A_177 = arith.constant 13 : index
    %get3A_178 = arith.constant 0 : index
    %get3A_179 = arith.constant 0 : index
    %get3A_180 = vector.load %arg6[%get3A_177, %get3A_178, %get3A_179] : memref<28x32x256xf32, #tpu.memory_space<vmem>>, vector<1x32x256xf32>
    %get3A_181 = vector.shape_cast %get3A_180 : vector<1x32x256xf32> to vector<32x256xf32>
    %dot_general3A_182 = arith.constant dense<0.000000e+00> : vector<120x256xf32>
    %dot_general3A_183 = tpu.matmul %squeeze3A_176, %get3A_181, %dot_general3A_182 {dimension_numbers = #tpu.dot_dimension_numbers<[1], [0], [0], [1], [0, 0, 1, 1], [], []>, transpose_lhs_hint = false} : vector<120x32xf32>, vector<32x256xf32>, vector<120x256xf32> -> vector<120x256xf32>
    %add3A_184 = arith.addf %add3A_174, %dot_general3A_183 : vector<120x256xf32>
    %slice3A_185 = vector.extract_strided_slice %reshape3A {offsets = [0, 14, 0], sizes = [120, 1, 32], strides = [1, 1, 1]} : vector<120x28x32xf32> to vector<120x1x32xf32>
    %squeeze3A_186 = vector.shape_cast %slice3A_185 : vector<120x1x32xf32> to vector<120x32xf32>
    %get3A_187 = arith.constant 14 : index
    %get3A_188 = arith.constant 0 : index
    %get3A_189 = arith.constant 0 : index
    %get3A_190 = vector.load %arg6[%get3A_187, %get3A_188, %get3A_189] : memref<28x32x256xf32, #tpu.memory_space<vmem>>, vector<1x32x256xf32>
    %get3A_191 = vector.shape_cast %get3A_190 : vector<1x32x256xf32> to vector<32x256xf32>
    %dot_general3A_192 = arith.constant dense<0.000000e+00> : vector<120x256xf32>
    %dot_general3A_193 = tpu.matmul %squeeze3A_186, %get3A_191, %dot_general3A_192 {dimension_numbers = #tpu.dot_dimension_numbers<[1], [0], [0], [1], [0, 0, 1, 1], [], []>, transpose_lhs_hint = false} : vector<120x32xf32>, vector<32x256xf32>, vector<120x256xf32> -> vector<120x256xf32>
    %add3A_194 = arith.addf %add3A_184, %dot_general3A_193 : vector<120x256xf32>
    %slice3A_195 = vector.extract_strided_slice %reshape3A {offsets = [0, 15, 0], sizes = [120, 1, 32], strides = [1, 1, 1]} : vector<120x28x32xf32> to vector<120x1x32xf32>
    %squeeze3A_196 = vector.shape_cast %slice3A_195 : vector<120x1x32xf32> to vector<120x32xf32>
    %get3A_197 = arith.constant 15 : index
    %get3A_198 = arith.constant 0 : index
    %get3A_199 = arith.constant 0 : index
    %get3A_200 = vector.load %arg6[%get3A_197, %get3A_198, %get3A_199] : memref<28x32x256xf32, #tpu.memory_space<vmem>>, vector<1x32x256xf32>
    %get3A_201 = vector.shape_cast %get3A_200 : vector<1x32x256xf32> to vector<32x256xf32>
    %dot_general3A_202 = arith.constant dense<0.000000e+00> : vector<120x256xf32>
    %dot_general3A_203 = tpu.matmul %squeeze3A_196, %get3A_201, %dot_general3A_202 {dimension_numbers = #tpu.dot_dimension_numbers<[1], [0], [0], [1], [0, 0, 1, 1], [], []>, transpose_lhs_hint = false} : vector<120x32xf32>, vector<32x256xf32>, vector<120x256xf32> -> vector<120x256xf32>
    %add3A_204 = arith.addf %add3A_194, %dot_general3A_203 : vector<120x256xf32>
    %slice3A_205 = vector.extract_strided_slice %reshape3A {offsets = [0, 16, 0], sizes = [120, 1, 32], strides = [1, 1, 1]} : vector<120x28x32xf32> to vector<120x1x32xf32>
    %squeeze3A_206 = vector.shape_cast %slice3A_205 : vector<120x1x32xf32> to vector<120x32xf32>
    %get3A_207 = arith.constant 16 : index
    %get3A_208 = arith.constant 0 : index
    %get3A_209 = arith.constant 0 : index
    %get3A_210 = vector.load %arg6[%get3A_207, %get3A_208, %get3A_209] : memref<28x32x256xf32, #tpu.memory_space<vmem>>, vector<1x32x256xf32>
    %get3A_211 = vector.shape_cast %get3A_210 : vector<1x32x256xf32> to vector<32x256xf32>
    %dot_general3A_212 = arith.constant dense<0.000000e+00> : vector<120x256xf32>
    %dot_general3A_213 = tpu.matmul %squeeze3A_206, %get3A_211, %dot_general3A_212 {dimension_numbers = #tpu.dot_dimension_numbers<[1], [0], [0], [1], [0, 0, 1, 1], [], []>, transpose_lhs_hint = false} : vector<120x32xf32>, vector<32x256xf32>, vector<120x256xf32> -> vector<120x256xf32>
    %add3A_214 = arith.addf %add3A_204, %dot_general3A_213 : vector<120x256xf32>
    %slice3A_215 = vector.extract_strided_slice %reshape3A {offsets = [0, 17, 0], sizes = [120, 1, 32], strides = [1, 1, 1]} : vector<120x28x32xf32> to vector<120x1x32xf32>
    %squeeze3A_216 = vector.shape_cast %slice3A_215 : vector<120x1x32xf32> to vector<120x32xf32>
    %get3A_217 = arith.constant 17 : index
    %get3A_218 = arith.constant 0 : index
    %get3A_219 = arith.constant 0 : index
    %get3A_220 = vector.load %arg6[%get3A_217, %get3A_218, %get3A_219] : memref<28x32x256xf32, #tpu.memory_space<vmem>>, vector<1x32x256xf32>
    %get3A_221 = vector.shape_cast %get3A_220 : vector<1x32x256xf32> to vector<32x256xf32>
    %dot_general3A_222 = arith.constant dense<0.000000e+00> : vector<120x256xf32>
    %dot_general3A_223 = tpu.matmul %squeeze3A_216, %get3A_221, %dot_general3A_222 {dimension_numbers = #tpu.dot_dimension_numbers<[1], [0], [0], [1], [0, 0, 1, 1], [], []>, transpose_lhs_hint = false} : vector<120x32xf32>, vector<32x256xf32>, vector<120x256xf32> -> vector<120x256xf32>
    %add3A_224 = arith.addf %add3A_214, %dot_general3A_223 : vector<120x256xf32>
    %slice3A_225 = vector.extract_strided_slice %reshape3A {offsets = [0, 18, 0], sizes = [120, 1, 32], strides = [1, 1, 1]} : vector<120x28x32xf32> to vector<120x1x32xf32>
    %squeeze3A_226 = vector.shape_cast %slice3A_225 : vector<120x1x32xf32> to vector<120x32xf32>
    %get3A_227 = arith.constant 18 : index
    %get3A_228 = arith.constant 0 : index
    %get3A_229 = arith.constant 0 : index
    %get3A_230 = vector.load %arg6[%get3A_227, %get3A_228, %get3A_229] : memref<28x32x256xf32, #tpu.memory_space<vmem>>, vector<1x32x256xf32>
    %get3A_231 = vector.shape_cast %get3A_230 : vector<1x32x256xf32> to vector<32x256xf32>
    %dot_general3A_232 = arith.constant dense<0.000000e+00> : vector<120x256xf32>
    %dot_general3A_233 = tpu.matmul %squeeze3A_226, %get3A_231, %dot_general3A_232 {dimension_numbers = #tpu.dot_dimension_numbers<[1], [0], [0], [1], [0, 0, 1, 1], [], []>, transpose_lhs_hint = false} : vector<120x32xf32>, vector<32x256xf32>, vector<120x256xf32> -> vector<120x256xf32>
    %add3A_234 = arith.addf %add3A_224, %dot_general3A_233 : vector<120x256xf32>
    %slice3A_235 = vector.extract_strided_slice %reshape3A {offsets = [0, 19, 0], sizes = [120, 1, 32], strides = [1, 1, 1]} : vector<120x28x32xf32> to vector<120x1x32xf32>
    %squeeze3A_236 = vector.shape_cast %slice3A_235 : vector<120x1x32xf32> to vector<120x32xf32>
    %get3A_237 = arith.constant 19 : index
    %get3A_238 = arith.constant 0 : index
    %get3A_239 = arith.constant 0 : index
    %get3A_240 = vector.load %arg6[%get3A_237, %get3A_238, %get3A_239] : memref<28x32x256xf32, #tpu.memory_space<vmem>>, vector<1x32x256xf32>
    %get3A_241 = vector.shape_cast %get3A_240 : vector<1x32x256xf32> to vector<32x256xf32>
    %dot_general3A_242 = arith.constant dense<0.000000e+00> : vector<120x256xf32>
    %dot_general3A_243 = tpu.matmul %squeeze3A_236, %get3A_241, %dot_general3A_242 {dimension_numbers = #tpu.dot_dimension_numbers<[1], [0], [0], [1], [0, 0, 1, 1], [], []>, transpose_lhs_hint = false} : vector<120x32xf32>, vector<32x256xf32>, vector<120x256xf32> -> vector<120x256xf32>
    %add3A_244 = arith.addf %add3A_234, %dot_general3A_243 : vector<120x256xf32>
    %slice3A_245 = vector.extract_strided_slice %reshape3A {offsets = [0, 20, 0], sizes = [120, 1, 32], strides = [1, 1, 1]} : vector<120x28x32xf32> to vector<120x1x32xf32>
    %squeeze3A_246 = vector.shape_cast %slice3A_245 : vector<120x1x32xf32> to vector<120x32xf32>
    %get3A_247 = arith.constant 20 : index
    %get3A_248 = arith.constant 0 : index
    %get3A_249 = arith.constant 0 : index
    %get3A_250 = vector.load %arg6[%get3A_247, %get3A_248, %get3A_249] : memref<28x32x256xf32, #tpu.memory_space<vmem>>, vector<1x32x256xf32>
    %get3A_251 = vector.shape_cast %get3A_250 : vector<1x32x256xf32> to vector<32x256xf32>
    %dot_general3A_252 = arith.constant dense<0.000000e+00> : vector<120x256xf32>
    %dot_general3A_253 = tpu.matmul %squeeze3A_246, %get3A_251, %dot_general3A_252 {dimension_numbers = #tpu.dot_dimension_numbers<[1], [0], [0], [1], [0, 0, 1, 1], [], []>, transpose_lhs_hint = false} : vector<120x32xf32>, vector<32x256xf32>, vector<120x256xf32> -> vector<120x256xf32>
    %add3A_254 = arith.addf %add3A_244, %dot_general3A_253 : vector<120x256xf32>
    %slice3A_255 = vector.extract_strided_slice %reshape3A {offsets = [0, 21, 0], sizes = [120, 1, 32], strides = [1, 1, 1]} : vector<120x28x32xf32> to vector<120x1x32xf32>
    %squeeze3A_256 = vector.shape_cast %slice3A_255 : vector<120x1x32xf32> to vector<120x32xf32>
    %get3A_257 = arith.constant 21 : index
    %get3A_258 = arith.constant 0 : index
    %get3A_259 = arith.constant 0 : index
    %get3A_260 = vector.load %arg6[%get3A_257, %get3A_258, %get3A_259] : memref<28x32x256xf32, #tpu.memory_space<vmem>>, vector<1x32x256xf32>
    %get3A_261 = vector.shape_cast %get3A_260 : vector<1x32x256xf32> to vector<32x256xf32>
    %dot_general3A_262 = arith.constant dense<0.000000e+00> : vector<120x256xf32>
    %dot_general3A_263 = tpu.matmul %squeeze3A_256, %get3A_261, %dot_general3A_262 {dimension_numbers = #tpu.dot_dimension_numbers<[1], [0], [0], [1], [0, 0, 1, 1], [], []>, transpose_lhs_hint = false} : vector<120x32xf32>, vector<32x256xf32>, vector<120x256xf32> -> vector<120x256xf32>
    %add3A_264 = arith.addf %add3A_254, %dot_general3A_263 : vector<120x256xf32>
    %slice3A_265 = vector.extract_strided_slice %reshape3A {offsets = [0, 22, 0], sizes = [120, 1, 32], strides = [1, 1, 1]} : vector<120x28x32xf32> to vector<120x1x32xf32>
    %squeeze3A_266 = vector.shape_cast %slice3A_265 : vector<120x1x32xf32> to vector<120x32xf32>
    %get3A_267 = arith.constant 22 : index
    %get3A_268 = arith.constant 0 : index
    %get3A_269 = arith.constant 0 : index
    %get3A_270 = vector.load %arg6[%get3A_267, %get3A_268, %get3A_269] : memref<28x32x256xf32, #tpu.memory_space<vmem>>, vector<1x32x256xf32>
    %get3A_271 = vector.shape_cast %get3A_270 : vector<1x32x256xf32> to vector<32x256xf32>
    %dot_general3A_272 = arith.constant dense<0.000000e+00> : vector<120x256xf32>
    %dot_general3A_273 = tpu.matmul %squeeze3A_266, %get3A_271, %dot_general3A_272 {dimension_numbers = #tpu.dot_dimension_numbers<[1], [0], [0], [1], [0, 0, 1, 1], [], []>, transpose_lhs_hint = false} : vector<120x32xf32>, vector<32x256xf32>, vector<120x256xf32> -> vector<120x256xf32>
    %add3A_274 = arith.addf %add3A_264, %dot_general3A_273 : vector<120x256xf32>
    %slice3A_275 = vector.extract_strided_slice %reshape3A {offsets = [0, 23, 0], sizes = [120, 1, 32], strides = [1, 1, 1]} : vector<120x28x32xf32> to vector<120x1x32xf32>
    %squeeze3A_276 = vector.shape_cast %slice3A_275 : vector<120x1x32xf32> to vector<120x32xf32>
    %get3A_277 = arith.constant 23 : index
    %get3A_278 = arith.constant 0 : index
    %get3A_279 = arith.constant 0 : index
    %get3A_280 = vector.load %arg6[%get3A_277, %get3A_278, %get3A_279] : memref<28x32x256xf32, #tpu.memory_space<vmem>>, vector<1x32x256xf32>
    %get3A_281 = vector.shape_cast %get3A_280 : vector<1x32x256xf32> to vector<32x256xf32>
    %dot_general3A_282 = arith.constant dense<0.000000e+00> : vector<120x256xf32>
    %dot_general3A_283 = tpu.matmul %squeeze3A_276, %get3A_281, %dot_general3A_282 {dimension_numbers = #tpu.dot_dimension_numbers<[1], [0], [0], [1], [0, 0, 1, 1], [], []>, transpose_lhs_hint = false} : vector<120x32xf32>, vector<32x256xf32>, vector<120x256xf32> -> vector<120x256xf32>
    %add3A_284 = arith.addf %add3A_274, %dot_general3A_283 : vector<120x256xf32>
    %slice3A_285 = vector.extract_strided_slice %reshape3A {offsets = [0, 24, 0], sizes = [120, 1, 32], strides = [1, 1, 1]} : vector<120x28x32xf32> to vector<120x1x32xf32>
    %squeeze3A_286 = vector.shape_cast %slice3A_285 : vector<120x1x32xf32> to vector<120x32xf32>
    %get3A_287 = arith.constant 24 : index
    %get3A_288 = arith.constant 0 : index
    %get3A_289 = arith.constant 0 : index
    %get3A_290 = vector.load %arg6[%get3A_287, %get3A_288, %get3A_289] : memref<28x32x256xf32, #tpu.memory_space<vmem>>, vector<1x32x256xf32>
    %get3A_291 = vector.shape_cast %get3A_290 : vector<1x32x256xf32> to vector<32x256xf32>
    %dot_general3A_292 = arith.constant dense<0.000000e+00> : vector<120x256xf32>
    %dot_general3A_293 = tpu.matmul %squeeze3A_286, %get3A_291, %dot_general3A_292 {dimension_numbers = #tpu.dot_dimension_numbers<[1], [0], [0], [1], [0, 0, 1, 1], [], []>, transpose_lhs_hint = false} : vector<120x32xf32>, vector<32x256xf32>, vector<120x256xf32> -> vector<120x256xf32>
    %add3A_294 = arith.addf %add3A_284, %dot_general3A_293 : vector<120x256xf32>
    %slice3A_295 = vector.extract_strided_slice %reshape3A {offsets = [0, 25, 0], sizes = [120, 1, 32], strides = [1, 1, 1]} : vector<120x28x32xf32> to vector<120x1x32xf32>
    %squeeze3A_296 = vector.shape_cast %slice3A_295 : vector<120x1x32xf32> to vector<120x32xf32>
    %get3A_297 = arith.constant 25 : index
    %get3A_298 = arith.constant 0 : index
    %get3A_299 = arith.constant 0 : index
    %get3A_300 = vector.load %arg6[%get3A_297, %get3A_298, %get3A_299] : memref<28x32x256xf32, #tpu.memory_space<vmem>>, vector<1x32x256xf32>
    %get3A_301 = vector.shape_cast %get3A_300 : vector<1x32x256xf32> to vector<32x256xf32>
    %dot_general3A_302 = arith.constant dense<0.000000e+00> : vector<120x256xf32>
    %dot_general3A_303 = tpu.matmul %squeeze3A_296, %get3A_301, %dot_general3A_302 {dimension_numbers = #tpu.dot_dimension_numbers<[1], [0], [0], [1], [0, 0, 1, 1], [], []>, transpose_lhs_hint = false} : vector<120x32xf32>, vector<32x256xf32>, vector<120x256xf32> -> vector<120x256xf32>
    %add3A_304 = arith.addf %add3A_294, %dot_general3A_303 : vector<120x256xf32>
    %slice3A_305 = vector.extract_strided_slice %reshape3A {offsets = [0, 26, 0], sizes = [120, 1, 32], strides = [1, 1, 1]} : vector<120x28x32xf32> to vector<120x1x32xf32>
    %squeeze3A_306 = vector.shape_cast %slice3A_305 : vector<120x1x32xf32> to vector<120x32xf32>
    %get3A_307 = arith.constant 26 : index
    %get3A_308 = arith.constant 0 : index
    %get3A_309 = arith.constant 0 : index
    %get3A_310 = vector.load %arg6[%get3A_307, %get3A_308, %get3A_309] : memref<28x32x256xf32, #tpu.memory_space<vmem>>, vector<1x32x256xf32>
    %get3A_311 = vector.shape_cast %get3A_310 : vector<1x32x256xf32> to vector<32x256xf32>
    %dot_general3A_312 = arith.constant dense<0.000000e+00> : vector<120x256xf32>
    %dot_general3A_313 = tpu.matmul %squeeze3A_306, %get3A_311, %dot_general3A_312 {dimension_numbers = #tpu.dot_dimension_numbers<[1], [0], [0], [1], [0, 0, 1, 1], [], []>, transpose_lhs_hint = false} : vector<120x32xf32>, vector<32x256xf32>, vector<120x256xf32> -> vector<120x256xf32>
    %add3A_314 = arith.addf %add3A_304, %dot_general3A_313 : vector<120x256xf32>
    %slice3A_315 = vector.extract_strided_slice %reshape3A {offsets = [0, 27, 0], sizes = [120, 1, 32], strides = [1, 1, 1]} : vector<120x28x32xf32> to vector<120x1x32xf32>
    %squeeze3A_316 = vector.shape_cast %slice3A_315 : vector<120x1x32xf32> to vector<120x32xf32>
    %get3A_317 = arith.constant 27 : index
    %get3A_318 = arith.constant 0 : index
    %get3A_319 = arith.constant 0 : index
    %get3A_320 = vector.load %arg6[%get3A_317, %get3A_318, %get3A_319] : memref<28x32x256xf32, #tpu.memory_space<vmem>>, vector<1x32x256xf32>
    %get3A_321 = vector.shape_cast %get3A_320 : vector<1x32x256xf32> to vector<32x256xf32>
    %dot_general3A_322 = arith.constant dense<0.000000e+00> : vector<120x256xf32>
    %dot_general3A_323 = tpu.matmul %squeeze3A_316, %get3A_321, %dot_general3A_322 {dimension_numbers = #tpu.dot_dimension_numbers<[1], [0], [0], [1], [0, 0, 1, 1], [], []>, transpose_lhs_hint = false} : vector<120x32xf32>, vector<32x256xf32>, vector<120x256xf32> -> vector<120x256xf32>
    %add3A_324 = arith.addf %add3A_314, %dot_general3A_323 : vector<120x256xf32>
    %mul3A_325 = arith.mulf %add3A_324, %add3A_324 : vector<120x256xf32>
    %reduce_sum3A = arith.constant dense<0.000000e+00> : vector<120xf32>
    %reduce_sum3A_326 = vector.multi_reduction <add>, %mul3A_325, %reduce_sum3A [1] : vector<120x256xf32> to vector<120xf32>
    %broadcast_in_dim3A_327 = vector.shape_cast %reduce_sum3A_326 : vector<120xf32> to vector<120x1xf32>
    %sqrt3A = math.sqrt %broadcast_in_dim3A_327 : vector<120x1xf32>
    %max3A_328 = arith.constant 9.99999996E-13 : f32
    %max3A_329 = vector.broadcast %max3A_328 : f32 to vector<120x1xf32>
    %max3A_330 = arith.maximumf %sqrt3A, %max3A_329 : vector<120x1xf32>
    %div3A = vector.broadcast %max3A_330 : vector<120x1xf32> to vector<120x256xf32>
    %div3A_331 = arith.divf %add3A_324, %div3A : vector<120x256xf32>
    %get3A_332 = arith.constant 0 : index
    %get3A_333 = arith.constant 0 : index
    %get3A_334 = vector.load %arg8[%get3A_332, %get3A_333] : memref<256x2xf32, #tpu.memory_space<vmem>>, vector<256x2xf32>
    %dot_general3A_335 = arith.constant dense<0.000000e+00> : vector<120x2xf32>
    %dot_general3A_336 = tpu.matmul %div3A_331, %get3A_334, %dot_general3A_335 {dimension_numbers = #tpu.dot_dimension_numbers<[1], [0], [0], [1], [0, 0, 1, 1], [], []>, transpose_lhs_hint = false} : vector<120x256xf32>, vector<256x2xf32>, vector<120x2xf32> -> vector<120x2xf32>
    %get3A_337 = arith.constant 0 : index
    %get3A_338 = arith.constant 0 : index
    %get3A_339 = vector.load %arg9[%get3A_337, %get3A_338] : memref<1x2xf32, #tpu.memory_space<vmem>>, vector<1x2xf32>
    %get3A_340 = vector.shape_cast %get3A_339 : vector<1x2xf32> to vector<2xf32>
    %broadcast_in_dim3A_341 = vector.shape_cast %get3A_340 : vector<2xf32> to vector<1x2xf32>
    %add3A_342 = vector.broadcast %broadcast_in_dim3A_341 : vector<1x2xf32> to vector<120x2xf32>
    %add3A_343 = arith.addf %dot_general3A_336, %add3A_342 : vector<120x2xf32>
    %slice3A_344 = vector.extract_strided_slice %add3A_343 {offsets = [0, 0], sizes = [120, 1], strides = [1, 1]} : vector<120x2xf32> to vector<120x1xf32>
    %logistic3A = arith.negf %slice3A_344 : vector<120x1xf32>
    %logistic3A_345 = math.exp %logistic3A : vector<120x1xf32>
    %logistic3A_346 = arith.constant 1.000000e+00 : f32
    %logistic3A_347 = vector.broadcast %logistic3A_346 : f32 to vector<120x1xf32>
    %logistic3A_348 = arith.addf %logistic3A_347, %logistic3A_345 : vector<120x1xf32>
    %logistic3A_349 = arith.divf %logistic3A_347, %logistic3A_348 : vector<120x1xf32>
    %swap3A = arith.constant 0 : index
    %swap3A_350 = arith.constant 0 : index
    %swap3A_351 = vector.load %arg10[%swap3A, %swap3A_350] : memref<120x1xf32, #tpu.memory_space<vmem>>, vector<120x1xf32>
    tpu.vector_store %arg10[%swap3A, %swap3A_350], %logistic3A_349 {strides = array<i32>} : memref<120x1xf32, #tpu.memory_space<vmem>>, vector<120x1xf32>,
    %slice3A_352 = vector.extract_strided_slice %add3A_343 {offsets = [0, 1], sizes = [120, 1], strides = [1, 1]} : vector<120x2xf32> to vector<120x1xf32>
    %swap3A_353 = arith.constant 0 : index
    %swap3A_354 = arith.constant 0 : index
    %swap3A_355 = vector.load %arg11[%swap3A_353, %swap3A_354] : memref<120x1xf32, #tpu.memory_space<vmem>>, vector<120x1xf32>
    tpu.vector_store %arg11[%swap3A_353, %swap3A_354], %slice3A_352 {strides = array<i32>} : memref<120x1xf32, #tpu.memory_space<vmem>>, vector<120x1xf32>,
    return
  }
  func.func @transform_0(%arg0: i32) -> (i32, i32, i32) {
    %c0_i32 = arith.constant 0 : i32
    %c0_i32_0 = arith.constant 0 : i32
    %c0_i32_1 = arith.constant 0 : i32
    return %c0_i32, %arg0, %c0_i32_0 : i32, i32, i32
  }
  func.func @transform_1(%arg0: i32) -> (i32, i32, i32) {
    %c0_i32 = arith.constant 0 : i32
    %c0_i32_0 = arith.constant 0 : i32
    %c0_i32_1 = arith.constant 0 : i32
    return %c0_i32, %arg0, %c0_i32_0 : i32, i32, i32
  }
  func.func @transform_2(%arg0: i32) -> (i32, i32) {
    %c0_i32 = arith.constant 0 : i32
    %c0_i32_0 = arith.constant 0 : i32
    return %arg0, %c0_i32 : i32, i32
  }
  func.func @transform_3(%arg0: i32) -> (i32, i32) {
    %c0_i32 = arith.constant 0 : i32
    %c0_i32_0 = arith.constant 0 : i32
    %c0_i32_1 = arith.constant 0 : i32
    return %c0_i32, %c0_i32_0 : i32, i32
  }
  func.func @transform_4(%arg0: i32) -> (i32, i32) {
    %c0_i32 = arith.constant 0 : i32
    %c0_i32_0 = arith.constant 0 : i32
    %c0_i32_1 = arith.constant 0 : i32
    return %c0_i32, %c0_i32_0 : i32, i32
  }
  func.func @transform_5(%arg0: i32) -> (i32, i32, i32) {
    %c0_i32 = arith.constant 0 : i32
    %c0_i32_0 = arith.constant 0 : i32
    %c0_i32_1 = arith.constant 0 : i32
    %c0_i32_2 = arith.constant 0 : i32
    return %c0_i32, %c0_i32_0, %c0_i32_1 : i32, i32, i32
  }
  func.func @transform_6(%arg0: i32) -> (i32, i32) {
    %c0_i32 = arith.constant 0 : i32
    %c0_i32_0 = arith.constant 0 : i32
    %c0_i32_1 = arith.constant 0 : i32
    return %c0_i32, %c0_i32_0 : i32, i32
  }
  func.func @transform_7(%arg0: i32) -> (i32, i32) {
    %c0_i32 = arith.constant 0 : i32
    %c0_i32_0 = arith.constant 0 : i32
    %c0_i32_1 = arith.constant 0 : i32
    return %c0_i32, %c0_i32_0 : i32, i32
  }
  func.func @transform_8(%arg0: i32) -> (i32, i32) {
    %c0_i32 = arith.constant 0 : i32
    %c0_i32_0 = arith.constant 0 : i32
    %c0_i32_1 = arith.constant 0 : i32
    return %c0_i32, %c0_i32_0 : i32, i32
  }
  func.func @transform_9(%arg0: i32) -> (i32, i32) {
    %c0_i32 = arith.constant 0 : i32
    %c0_i32_0 = arith.constant 0 : i32
    return %arg0, %c0_i32 : i32, i32
  }
  func.func @transform_10(%arg0: i32) -> (i32, i32) {
    %c0_i32 = arith.constant 0 : i32
    %c0_i32_0 = arith.constant 0 : i32
    return %arg0, %c0_i32 : i32, i32
  }
}

</mosaic_0001>

<sc_bundles>
// kernel: kernel.6.cloned.1.call-start
scs
__scs_entry_jumppad:
0x0: {  	(pc) =	sbr.rel $0x88, $3  }
0x1: {  	(tag) =	ssettag $0x0;
	lr =	simm.s32 $0x1  }
0x2: {  	[smem:$0x3F99] =	sst lr;
	_ =	strace $0xD0000000  }
0x3: {  	_ = 	snop  }
0x4: {  	_ = 	snop  }
0x5: {  	_ = 	snop  }
0x6: {  	_ = 	snop  }
0x7: {  	_ = 	snop  }
__scs_overlays_trampoline_lowered:
0x8: {  	[smem:$0x3FA8] =	sst s0  }
0x9: {  	[smem:$0x3FA9] =	sst s1  }
0xa: {  	[smem:$0x3FAA] =	sst s2  }
0xb: {  	[smem:$0x3FAB] =	sst s3  }
0xc: {  	[smem:$0x3FAC] =	sst s4  }
0xd: {  	[smem:$0x3FAD] =	sst s5  }
0xe: {  	[smem:$0x3FAE] =	sst s6  }
0xf: {  	[smem:$0x3FAF] =	sst s7  }
0x10: {  	[smem:$0x3FB0] =	sst s8  }
0x11: {  	[smem:$0x3FB1] =	sst s9;
	s0 =	simm.s32 @!p0 $0x0  }
0x12: {  	s1 =	sld [smem:$0x3F97];
	s0 =	simm.s32 @p0 $0x1  }
0x13: {  	[smem:$0x3FB2] =	sst s0;
	s0 =	simm.s32 @!p1 $0x0  }
0x14: {  	s2 =	sld [smem:$0x3F96];
	s0 =	simm.s32 @p1 $0x1  }
0x15: {  	[smem:$0x3FB3] =	sst s0;
	s0 =	simm.s32 @!p2 $0x0  }
0x16: {  	s3 =	sld [smem:$0x3FDB];
	s0 =	simm.s32 @p2 $0x1  }
0x17: {  	s4 =	simm.s32 $0x1BF5;
	[smem:$0x3FB5] =	sst s0  }
0x18: {  	s0 =	sld [smem:$0x3F98];
	_ =	swait.ge [sflag:s4], $0x0  }
0x19: {  	s7 =	sld [smem:$0x3F99]  }
0x1a: {  	s8 =	sadd.s32 $0xFFFFE003, lr  }
0x1b: {  	s9 =	sadd.s32 $0xFFFFFEF7, lr;
	s5 =	simm.s32 $0xFFFFFFFF;
	p2 =	slt.u32 s8, $0xFFFFF086  }
0x1c: {  	p1 =	slt.u32 s9, $0xF7A;
	s5 =	simm.s32 @!p2 $0x0  }
0x1d: {  	s5 =	simm.s32 @p1 $0x1;
	p0 =	seq.s32 s7, s2  }
0x1e: {  	s7 =	smul.u32 @!p0 $0xF7A, s2;
	p2 =	seq.s32 @!p0 s5, $0x0  }
0x1f: {  	s9 =	smul.u32 $0xF7A, s1;
	s8 =	simm.s32 @!p0 $0x1BF5;
	p2 =	por !p2, p0  }
0x20: {  	[sflag:s8] =	ssyncset.s32 @!p0 $0xFFFFF086;
	s6 =	sadd.s32 @!p0 s3, s7;
	s7 =	simm.s32 @!p0 $0x108  }
0x21: {  	s3 =	sadd.s32 s3, s9;
	s6 =	sadd.s32 @!p0 $0x88, s6;
	s7 =	simm.s32 @p2 $0x1082  }
0x22: {  	[simem:s7], [sflag:s8] =	dma.local @!p0 [hbm:s6], $0xF7A  }
0x23: {  	s9 =	sor.u32 $0xD0000000, s2;
	s6 =	simm.s32 $0x108;
	_ =	swait.ge @!p0 [sflag:s8], $0x0  }
0x24: {  	s3 =	sadd.s32 $0x88, s3;
	s6 =	simm.s32 @!p1 $0x1082;
	[sflag:s4] =	ssyncset.s32 $0xFFFFF086  }
0x25: {  	[simem:s6], [sflag:s4] =	dma.local [hbm:s3], $0xF7A  }
0x26: {  	[smem:$0x3F99] =	sst s1;
	(tag) =	ssettag s2;
	_ =	strace s9  }
0x27: {  	s1 =	sld [smem:$0x3FA9]  }
0x28: {  	s2 =	sld [smem:$0x3FAA]  }
0x29: {  	s4 =	sld [smem:$0x3FAC]  }
0x2a: {  	p0 =	seq.s32 s5, $0x0;
	s5 =	sld [smem:$0x3FAD]  }
0x2b: {  	s6 =	sld [smem:$0x3FAE]  }
0x2c: {  	s7 =	sld [smem:$0x3FAF]  }
0x2d: {  	s3 =	simm.s32 $0x108;
	s8 =	sld [smem:$0x3FB0]  }
0x2e: {  	s3 =	simm.s32 @!p0 $0x1082;
	s9 =	sld [smem:$0x3FB1]  }
0x2f: {  	lr =	sadd.s32 s0, s3;
	s0 =	sld [smem:$0x3FA8]  }
0x30: {  	s3 =	sld [smem:$0x3FAB]  }
0x31: {  	[smem:$0x3FB4] =	sst s10  }
0x32: {  	s10 =	sld [smem:$0x3FB2];
	_ =	sdelay $0x3  }
0x33: {  	p0 =	seq.s32 s10, $0x1;
	s10 =	sld [smem:$0x3FB4];
	_ =	sdelay $0x3  }
0x34: {  	[smem:$0x3FB4] =	sst s10  }
0x35: {  	s10 =	sld [smem:$0x3FB3];
	_ =	sdelay $0x3  }
0x36: {  	p1 =	seq.s32 s10, $0x1;
	s10 =	sld [smem:$0x3FB4];
	_ =	sdelay $0x3  }
0x37: {  	[smem:$0x3FB4] =	sst s10  }
0x38: {  	s10 =	sld [smem:$0x3FB5]  }
0x39: {  	_ = 	snop;
	(pc) =	sbr.ind lr, $3  }
0x3a: {  	_ = 	snop  }
0x3b: {  	_ = 	snop  }
0x3c: {  	p2 =	seq.s32 s10, $0x1;
	s10 =	sld [smem:$0x3FB4]  }
0x3d: {  	_ =	shalt  }
0x3e: {  	_ =	shalt  }
0x3f: {  	_ =	shalt  }
0x40: {  	_ =	shalt  }
0x41: {  	_ =	shalt  }
0x42: {  	_ =	shalt  }
0x43: {  	_ =	shalt  }
0x44: {  	_ =	shalt  }
0x45: {  	_ =	shalt  }
0x46: {  	_ =	shalt  }
0x47: {  	_ =	shalt  }
0x48: {  	_ =	shalt  }
0x49: {  	_ =	shalt  }
0x4a: {  	_ =	shalt  }
0x4b: {  	_ =	shalt  }
0x4c: {  	_ =	shalt  }
0x4d: {  	_ =	shalt  }
0x4e: {  	_ =	shalt  }
0x4f: {  	_ =	shalt  }
0x50: {  	_ =	shalt  }
0x51: {  	_ =	shalt  }
0x52: {  	_ =	shalt  }
0x53: {  	_ =	shalt  }
0x54: {  	_ =	shalt  }
0x55: {  	_ =	shalt  }
0x56: {  	_ =	shalt  }
0x57: {  	_ =	shalt  }
0x58: {  	_ =	shalt  }
0x59: {  	_ =	shalt  }
0x5a: {  	_ =	shalt  }
0x5b: {  	_ =	shalt  }
0x5c: {  	_ =	shalt  }
0x5d: {  	_ =	shalt  }
0x5e: {  	_ =	shalt  }
0x5f: {  	_ =	shalt  }
0x60: {  	_ =	shalt  }
0x61: {  	_ =	shalt  }
0x62: {  	_ =	shalt  }
0x63: {  	_ =	shalt  }
0x64: {  	_ =	shalt  }
0x65: {  	_ =	shalt  }
0x66: {  	_ =	shalt  }
0x67: {  	_ =	shalt  }
0x68: {  	_ =	shalt  }
0x69: {  	_ =	shalt  }
0x6a: {  	_ =	shalt  }
0x6b: {  	_ =	shalt  }
0x6c: {  	_ =	shalt  }
0x6d: {  	_ =	shalt  }
0x6e: {  	_ =	shalt  }
0x6f: {  	_ =	shalt  }
0x70: {  	_ =	shalt  }
0x71: {  	_ =	shalt  }
0x72: {  	_ =	shalt  }
0x73: {  	_ =	shalt  }
0x74: {  	_ =	shalt  }
0x75: {  	_ =	shalt  }
0x76: {  	_ =	shalt  }
0x77: {  	_ =	shalt  }
0x78: {  	_ =	shalt  }
0x79: {  	_ =	shalt  }
0x7a: {  	_ =	shalt  }
0x7b: {  	_ =	shalt  }
0x7c: {  	_ =	shalt  }
0x7d: {  	_ =	shalt  }
0x7e: {  	_ =	shalt  }
0x7f: {  	_ =	shalt  }
0x80: {  	_ =	shalt  }
0x81: {  	_ =	shalt  }
0x82: {  	_ =	shalt  }
0x83: {  	_ =	shalt  }
0x84: {  	_ =	shalt  }
0x85: {  	_ =	shalt  }
0x86: {  	_ =	shalt  }
0x87: {  	_ =	shalt  }
.Lfunc_end0:
.L_simem_size_0:
called_computation_lowered:
.L_overlay_start_0:
0x88: {  	s2 =	sld [smem:$0x3FD9]  }
0x89: {  	s3 =	sld [smem:$0x3FFE];
	_ =	sdelay $0x1  }
0x8a: {  	s1 =	srdreg.scid  }
0x8b: {  	s0 =	sand.u32 $0x1, s1  }
0x8c: {  	s14 =	sshll.u32 s0, $0xA;
	s2 =	sadd.s32 s3, s2  }
0x8d: {  	s2 =	sadd.s32 s2, s14  }
0x8e: {  	[smem:$0x3FC0] =	sst s2  }
0x8f: {  	_ = 	snop  }
0x90: {  	s2 =	sld [smem:$0x3FD0];
	_ =	sdelay $0x2  }
0x91: {  	s15 =	simm.s32 $0xA;
	s4 =	simm.s32 $0x10  }
0x92: {  	[smem:s4], [sflag:s15] =	dma.local [hbm:s2], $0x1  }
0x93: {  	_ =	swait.eq [sflag:s15], $0x1  }
0x94: {  	[sflag:s15] =	ssyncset.done $0x0  }
0x95: {  	[sflag:s15] =	ssyncadd.s32 $0xFFFFFFFF  }
0x96: {  	s16 =	sld [smem:$0x11];
	(tm) =	ssettm $0x1  }
0x97: {  	s17 =	sld [smem:$0x3FFB];
	_ =	sdelay $0x3  }
0x98: {  	_ =	strace s17  }
0x99: {  	s3 =	sld [smem:$0x3FFC];
	_ =	sdelay $0x3  }
0x9a: {  	_ =	strace s3  }
0x9b: {  	s3 =	sld [smem:$0x3FFD];
	_ =	sdelay $0x3  }
0x9c: {  	_ =	strace s3  }
0x9d: {  	_ =	strace $0x8FFFFFFF  }
0x9e: {  	s18 =	sld [smem:$0x3FDB];
	_ =	sdelay $0x1  }
0x9f: {  	s19 =	simm.s32 $_scs_section_size  }
0xa0: {  	s5 =	simm.s32 $_size__tile_overlayer_lowered;
	s6 =	simm.s32 $_tile_overlayer_lowered  }
0xa1: {  	s22 =	simm.s32 $0x1BFF;
	s21 =	sshll.u32 s6, $0x1;
	s3 =	sadd.s32 s19, s18  }
0xa2: {  	s7 =	simm.s32 $0x0;
	s20 =	sshll.u32 s5, $0x1;
	s5 =	sadd.s32 s21, s3  }
0xa3: {  	[timem:s7], [sflag:s22] =	dma.local [hbm:s5], s20  }
0xa4: {  	_ =	swait.ge [sflag:s22], s20  }
0xa5: {  	s4 =	ssub.s32 $0x0, s20;
	[sflag:s22] =	ssyncset.done $0x0  }
0xa6: {  	[sflag:s22] =	ssyncadd.s32 s4;
	_ =	sdelay $0x1  }
0xa7: {  	s23 =	simm.s32 $0x1B8B  }
0xa8: {  	_ =	swait.ge [sflag:s23], $0x1  }
0xa9: {  	[sflag:s23] =	ssyncset.done $0x0  }
0xaa: {  	s25 =	simm.s32 $0x1B8E;
	s24 =	sld [smem:$0x3FFE];
	[sflag:s23] =	ssyncadd.s32 $0xFFFFFFFF  }
0xab: {  	s26 =	simm.s32 $execute0_lowered;
	[smem:$0x3FD2] =	sst s25  }
0xac: {  	s5 =	sshll.u32 s26, $0x1;
	_ =	strace $0x80000046;
	[dreg:$0x1] =	wrdreg $0xFFFFFFFF  }
0xad: {  	s28 =	simm.s32 $_size_execute0_lowered;
	s3 =	sadd.s32 s3, s5;
	[dreg:$0x0] =	wrdreg $0x0  }
0xae: {  	s5 =	sshll.u32 s28, $0x1;
	[dreg:$0x2] =	wrdreg s3  }
0xaf: {  	[dreg:$0x3] =	wrdreg s5  }
0xb0: {  	[dreg:$0x4] =	wrdreg $0xC0  }
0xb1: {  	_ =	task [dreg:s7], $0x5FFFF  }
0xb2: {  	[dreg:$0x1] =	wrdreg $0xFFFFFFFF  }
0xb3: {  	[dreg:$0x0] =	wrdreg $0x60  }
0xb4: {  	[dreg:$0x2] =	wrdreg s24  }
0xb5: {  	[dreg:$0x3] =	wrdreg s16  }
0xb6: {  	[dreg:$0x4] =	wrdreg $0x0  }
0xb7: {  	[dreg:$0x5] =	wrdreg $0x9  }
0xb8: {  	_ =	task.clear_ibuf [dreg:s7], $0x6FFFF;
	_ =	strace $0x90000046  }
0xb9: {  	s29 =	simm.s32 $0x9;
	_ =	strace $0x80000048  }
0xba: {  	_ =	swait.ge [sflag:s29], $0x1  }
0xbb: {  	[sflag:s29] =	ssyncadd.s32 $0xFFFFFFFF  }
0xbc: {  	_ =	strace $0x90000048  }
0xbd: {  	_ =	sfence  }
0xbe: {  	s30 =	sld [smem:$0x0];
	_ =	sdelay $0x2  }
0xbf: {  	s31 =	sshll.u32 s1, $0xD;
	s1 =	sshrl.u32 s1, $0x2  }
0xc0: {  	s3 =	sand.u32 $0x4000, s31;
	s1 =	sadd.s32 s1, s30  }
0xc1: {  	s0 =	sor.u32 s3, s0;
	s1 =	sshll.u32 s1, $0x11  }
0xc2: {  	s0 =	sor.u32 s1, s0  }
0xc3: {  	s0 =	sadd.s32 $0x8F2B, s0  }
0xc4: {  	[sflag:s0] =	ssyncadd.remote.s32 $0x1  }
0xc5: {  	_ =	sfence.sel $0xFFFF  }
0xc6: {  	[dreg:$0x0] =	wrdreg $0xFFFFFFFF;
	(pc) =	sbr.abs _section_cstart, $3  }
0xc7: {  	[dreg:$0x1] =	wrdreg $0xFFFFFFFF  }
0xc8: {  	_ =	task.clear_ibuf [dreg:s7], $0x2FFFF;
	_ =	strace $0x9FFFFFFF  }
0xc9: {  	(tm) =	ssettm $0x7FFFFFFF  }
tec
execute0_lowered:
.L_overlay_start_1:
0x0: {  	(tag) =	ssettag $0x1  }
0x1: {  	s0 =	rddreg [dreg:$0x0];
	s1 =	srdreg.scid  }
0x2: {  	s3 =	rddreg [dreg:$0x2];
	s8 =	stileid.u32  }
0x3: {  	s4 =	simm.s32 $0x0;
	s11 =	simm.s32 $0x2;
	s12 =	simm.s32 $0x4100  }
0x4: {  	s13 =	simm.s32 $0x1900;
	s14 =	simm.s32 $0x200;
	s15 =	simm.s32 $0x1B00  }
0x5: {  	s16 =	simm.s32 $0x1D00;
	s17 =	simm.s32 $0x1F00;
	s18 =	simm.s32 $0x2100  }
0x6: {  	s19 =	simm.s32 $0x2300;
	s20 =	simm.s32 $0x2500;
	s21 =	simm.s32 $0x2700  }
0x7: {  	s22 =	simm.s32 $0x2900;
	s23 =	simm.s32 $0x2B00;
	s28 =	simm.s32 $0x3300  }
0x8: {  	s29 =	simm.s32 $0x3500;
	s30 =	simm.s32 $0x3700;
	s5 =	smul.u32 $0x1900, s8  }
0x9: {  	s31 =	simm.s32 $0x3900;
	s1 =	sand.u32 $0x1, s1;
	s8 =	smul.u32 $0x3200, s8  }
0xa: {  	s10 =	simm.s32 $0x0;
	[smem:$0x7FF] =	sst s4;
	s2 =	smul.u32 $0x32000, s1  }
0xb: {  	s7 =	sadd.s32 $0xC9C00, s0;
	s6 =	smul.u32 $0x19000, s1;
	s1 =	ssub.s32 $0x2, s1  }
0xc: {  	_ =	strace $0x80000047;
	[dreg:$0x4] =	wrdreg s7;
	s24 =	sshrl.u32 s1, $0x1  }
0xd: {  	s7 =	sadd.s32 s5, s3;
	s2 =	sadd.s32 s2, s0;
	s6 =	sadd.s32 s5, s6  }
0xe: {  	s1 =	ssub.s32 s1, s24;
	s24 =	simm.s32 $0x2D00;
	s5 =	simm.s32 $0x1  }
0xf: {  	[dreg:$0x5] =	wrdreg s7;
	s6 =	sshrl.u32 s6, $0x3;
	s25 =	smax.u32 s1, $0x1  }
0x10: {  	s26 =	sadd.s32 s8, s2;
	s8 =	simm.s32 $0x4300;
	s2 =	simm.s32 $0x3D00  }
0x11: {  	s1 =	simm.s32 $0x3F00;
	s0 =	sadd.s32 s6, s0;
	[dreg:$0x7] =	wrdreg s25  }
0x12: {  	s9 =	sadd.s32 $0x1C00, s26;
	s25 =	simm.s32 $0x2F00;
	s0 =	sadd.s32 $0xCA000, s0  }
0x13: {  	s26 =	simm.s32 $0x3100;
	[dreg:$0x6] =	wrdreg s0;
	s0 =	simm.s32 $0x3B00  }
.LBB2_1:
0x14: {  	[dreg:$0x8] =	wrdreg s10  }
0x15: {  	s6 =	rddreg [dreg:$0x4]  }
0x16: {  	[tilespmem:s8], [sflag:$0x2] =	stream.linear.gather [hbm4b:s6+s4], $0x1900, $0x38;
	[tilespmem:$0x5C00] =	vst v63  }
0x17: {  	_ =	swait.ge [sflag:s11], $0x1900  }
0x18: {  	[sflag:s11] =	ssyncset.done $0x0  }
0x19: {  	[sflag:s11] =	ssyncadd.s32 $0xFFFFE700  }
0x1a: {  	[spmem:s7] =	stream.linear.scatter [tilespmem:s8], [sflag:$0x2], $0x1900, $0x38;
	[tilespmem:$0x5C00] =	vst v63  }
0x1b: {  	_ =	swait.ge [sflag:s11], $0x1900  }
0x1c: {  	[sflag:s11] =	ssyncset.done $0x0  }
0x1d: {  	[sflag:s11] =	ssyncadd.s32 $0xFFFFE700  }
0x1e: {  	s8 =	rddreg [dreg:$0x1]  }
0x1f: {  	[tilespmem:s12], [sflag:$0x2] =	stream.linear.gather [hbm4b:s8+s4], $0x200, $0x38;
	[tilespmem:$0x5C00] =	vst v63  }
0x20: {  	_ =	swait.ge [sflag:s11], $0x200  }
0x21: {  	[sflag:s11] =	ssyncset.done $0x0  }
0x22: {  	[sflag:s11] =	ssyncadd.s32 $0xFFFFFE00  }
0x23: {  	s10 =	sadd.s32 $0x0, s9;
	[bflag:$0x0] =	sbarrier.arrive $0xFFFF  }
0x24: {  	[tilespmem:s13], [sflag:$0x2] =	stream.linear.gather [hbm4b:s10+s4], $0x2800, $0x38;
	[tilespmem:$0x5C00] =	vst v63  }
0x25: {  	_ =	swait.ge [sflag:s11], $0x2800  }
0x26: {  	[sflag:s11] =	ssyncset.done $0x0  }
0x27: {  	[sflag:s11] =	ssyncadd.s32 $0xFFFFD800  }
0x28: {  	[spmem:s3] =	stream.indirect.scatter.add.f32 [tilespmem:s12], [sflag:$0x1], $0x1, s13, s14, $0xb8;
	[tilespmem:$0x5C00] =	vst v63  }
0x29: {  	_ = 	snop  }
0x2a: {  	[spmem:s3] =	stream.indirect.scatter.add.f32 [tilespmem:s12], [sflag:$0x1], $0x1, s15, s14, $0xb8;
	[tilespmem:$0x5C00] =	vst v63  }
0x2b: {  	_ = 	snop  }
0x2c: {  	[spmem:s3] =	stream.indirect.scatter.add.f32 [tilespmem:s12], [sflag:$0x1], $0x1, s16, s14, $0xb8;
	[tilespmem:$0x5C00] =	vst v63  }
0x2d: {  	_ = 	snop  }
0x2e: {  	[spmem:s3] =	stream.indirect.scatter.add.f32 [tilespmem:s12], [sflag:$0x1], $0x1, s17, s14, $0xb8;
	[tilespmem:$0x5C00] =	vst v63  }
0x2f: {  	_ = 	snop  }
0x30: {  	[spmem:s3] =	stream.indirect.scatter.add.f32 [tilespmem:s12], [sflag:$0x1], $0x1, s18, s14, $0xb8;
	[tilespmem:$0x5C00] =	vst v63  }
0x31: {  	_ = 	snop  }
0x32: {  	[spmem:s3] =	stream.indirect.scatter.add.f32 [tilespmem:s12], [sflag:$0x1], $0x1, s19, s14, $0xb8;
	[tilespmem:$0x5C00] =	vst v63  }
0x33: {  	_ = 	snop  }
0x34: {  	[spmem:s3] =	stream.indirect.scatter.add.f32 [tilespmem:s12], [sflag:$0x1], $0x1, s20, s14, $0xb8;
	[tilespmem:$0x5C00] =	vst v63  }
0x35: {  	_ = 	snop  }
0x36: {  	[spmem:s3] =	stream.indirect.scatter.add.f32 [tilespmem:s12], [sflag:$0x1], $0x1, s21, s14, $0xb8;
	[tilespmem:$0x5C00] =	vst v63  }
0x37: {  	_ = 	snop  }
0x38: {  	[spmem:s3] =	stream.indirect.scatter.add.f32 [tilespmem:s12], [sflag:$0x1], $0x1, s22, s14, $0xb8;
	[tilespmem:$0x5C00] =	vst v63  }
0x39: {  	_ = 	snop  }
0x3a: {  	[spmem:s3] =	stream.indirect.scatter.add.f32 [tilespmem:s12], [sflag:$0x1], $0x1, s23, s14, $0xb8;
	[tilespmem:$0x5C00] =	vst v63  }
0x3b: {  	_ = 	snop  }
0x3c: {  	[spmem:s3] =	stream.indirect.scatter.add.f32 [tilespmem:s12], [sflag:$0x1], $0x1, s24, s14, $0xb8;
	[tilespmem:$0x5C00] =	vst v63  }
0x3d: {  	_ = 	snop  }
0x3e: {  	[spmem:s3] =	stream.indirect.scatter.add.f32 [tilespmem:s12], [sflag:$0x1], $0x1, s25, s14, $0xb8;
	[tilespmem:$0x5C00] =	vst v63  }
0x3f: {  	_ = 	snop  }
0x40: {  	[spmem:s3] =	stream.indirect.scatter.add.f32 [tilespmem:s12], [sflag:$0x1], $0x1, s26, s14, $0xb8;
	[tilespmem:$0x5C00] =	vst v63  }
0x41: {  	_ = 	snop  }
0x42: {  	[spmem:s3] =	stream.indirect.scatter.add.f32 [tilespmem:s12], [sflag:$0x1], $0x1, s28, s14, $0xb8;
	[tilespmem:$0x5C00] =	vst v63  }
0x43: {  	_ = 	snop  }
0x44: {  	[spmem:s3] =	stream.indirect.scatter.add.f32 [tilespmem:s12], [sflag:$0x1], $0x1, s29, s14, $0xb8;
	[tilespmem:$0x5C00] =	vst v63  }
0x45: {  	_ = 	snop  }
0x46: {  	[spmem:s3] =	stream.indirect.scatter.add.f32 [tilespmem:s12], [sflag:$0x1], $0x1, s30, s14, $0xb8;
	[tilespmem:$0x5C00] =	vst v63  }
0x47: {  	_ = 	snop  }
0x48: {  	[spmem:s3] =	stream.indirect.scatter.add.f32 [tilespmem:s12], [sflag:$0x1], $0x1, s31, s14, $0xb8;
	[tilespmem:$0x5C00] =	vst v63  }
0x49: {  	_ = 	snop  }
0x4a: {  	[spmem:s3] =	stream.indirect.scatter.add.f32 [tilespmem:s12], [sflag:$0x1], $0x1, s0, s14, $0xb8;
	[tilespmem:$0x5C00] =	vst v63  }
0x4b: {  	_ = 	snop  }
0x4c: {  	[spmem:s3] =	stream.indirect.scatter.add.f32 [tilespmem:s12], [sflag:$0x1], $0x1, s2, s14, $0xb8;
	[tilespmem:$0x5C00] =	vst v63  }
0x4d: {  	_ = 	snop  }
0x4e: {  	[spmem:s3] =	stream.indirect.scatter.add.f32 [tilespmem:s12], [sflag:$0x1], $0x1, s1, s14, $0xb8;
	[tilespmem:$0x5C00] =	vst v63  }
0x4f: {  	_ =	swait.ge [sflag:s5], $0x200  }
0x50: {  	[sflag:s5] =	ssyncset.done $0x0  }
0x51: {  	[sflag:s5] =	ssyncadd.s32 $0xFFFFFE00  }
0x52: {  	_ =	swait.ge [sflag:s5], $0x200  }
0x53: {  	[sflag:s5] =	ssyncset.done $0x0  }
0x54: {  	[sflag:s5] =	ssyncadd.s32 $0xFFFFFE00  }
0x55: {  	_ =	swait.ge [sflag:s5], $0x200  }
0x56: {  	[sflag:s5] =	ssyncset.done $0x0  }
0x57: {  	[sflag:s5] =	ssyncadd.s32 $0xFFFFFE00  }
0x58: {  	_ =	swait.ge [sflag:s5], $0x200  }
0x59: {  	[sflag:s5] =	ssyncset.done $0x0  }
0x5a: {  	[sflag:s5] =	ssyncadd.s32 $0xFFFFFE00  }
0x5b: {  	_ =	swait.ge [sflag:s5], $0x200  }
0x5c: {  	[sflag:s5] =	ssyncset.done $0x0  }
0x5d: {  	[sflag:s5] =	ssyncadd.s32 $0xFFFFFE00  }
0x5e: {  	_ =	swait.ge [sflag:s5], $0x200  }
0x5f: {  	[sflag:s5] =	ssyncset.done $0x0  }
0x60: {  	[sflag:s5] =	ssyncadd.s32 $0xFFFFFE00  }
0x61: {  	_ =	swait.ge [sflag:s5], $0x200  }
0x62: {  	[sflag:s5] =	ssyncset.done $0x0  }
0x63: {  	[sflag:s5] =	ssyncadd.s32 $0xFFFFFE00  }
0x64: {  	_ =	swait.ge [sflag:s5], $0x200  }
0x65: {  	[sflag:s5] =	ssyncset.done $0x0  }
0x66: {  	[sflag:s5] =	ssyncadd.s32 $0xFFFFFE00  }
0x67: {  	_ =	swait.ge [sflag:s5], $0x200  }
0x68: {  	[sflag:s5] =	ssyncset.done $0x0  }
0x69: {  	[sflag:s5] =	ssyncadd.s32 $0xFFFFFE00  }
0x6a: {  	_ =	swait.ge [sflag:s5], $0x200  }
0x6b: {  	[sflag:s5] =	ssyncset.done $0x0  }
0x6c: {  	[sflag:s5] =	ssyncadd.s32 $0xFFFFFE00  }
0x6d: {  	_ =	swait.ge [sflag:s5], $0x200  }
0x6e: {  	[sflag:s5] =	ssyncset.done $0x0  }
0x6f: {  	[sflag:s5] =	ssyncadd.s32 $0xFFFFFE00  }
0x70: {  	_ =	swait.ge [sflag:s5], $0x200  }
0x71: {  	[sflag:s5] =	ssyncset.done $0x0  }
0x72: {  	[sflag:s5] =	ssyncadd.s32 $0xFFFFFE00  }
0x73: {  	_ =	swait.ge [sflag:s5], $0x200  }
0x74: {  	[sflag:s5] =	ssyncset.done $0x0  }
0x75: {  	[sflag:s5] =	ssyncadd.s32 $0xFFFFFE00  }
0x76: {  	_ =	swait.ge [sflag:s5], $0x200  }
0x77: {  	[sflag:s5] =	ssyncset.done $0x0  }
0x78: {  	[sflag:s5] =	ssyncadd.s32 $0xFFFFFE00  }
0x79: {  	_ =	swait.ge [sflag:s5], $0x200  }
0x7a: {  	[sflag:s5] =	ssyncset.done $0x0  }
0x7b: {  	[sflag:s5] =	ssyncadd.s32 $0xFFFFFE00  }
0x7c: {  	_ =	swait.ge [sflag:s5], $0x200  }
0x7d: {  	[sflag:s5] =	ssyncset.done $0x0  }
0x7e: {  	[sflag:s5] =	ssyncadd.s32 $0xFFFFFE00  }
0x7f: {  	_ =	swait.ge [sflag:s5], $0x200  }
0x80: {  	[sflag:s5] =	ssyncset.done $0x0  }
0x81: {  	[sflag:s5] =	ssyncadd.s32 $0xFFFFFE00  }
0x82: {  	_ =	swait.ge [sflag:s5], $0x200  }
0x83: {  	[sflag:s5] =	ssyncset.done $0x0  }
0x84: {  	[sflag:s5] =	ssyncadd.s32 $0xFFFFFE00  }
0x85: {  	_ =	swait.ge [sflag:s5], $0x200  }
0x86: {  	[sflag:s5] =	ssyncset.done $0x0  }
0x87: {  	[sflag:s5] =	ssyncadd.s32 $0xFFFFFE00  }
0x88: {  	_ =	swait.ge [sflag:s5], $0x200  }
0x89: {  	s6 =	simm.s32 $0xA00;
	s8 =	simm.s32 $0x500;
	[sflag:s5] =	ssyncset.done $0x0  }
.LBB2_2:
0x8a: {  	s7 =	sadd.s32 s8, s9  }
0x8b: {  	[sflag:s5] =	ssyncadd.s32 $0xFFFFFE00;
	s8 =	smov.u32 s6;
	s10 =	sadd.s32 $0x500, s6  }
0x8c: {  	[tilespmem:s13], [sflag:$0x2] =	stream.linear.gather [hbm4b:s7+s4], $0x2800, $0x38;
	[tilespmem:$0x5C00] =	vst v63  }
0x8d: {  	p0 =	sne.s32 s6, $0x2D00;
	_ =	swait.ge [sflag:s11], $0x2800  }
0x8e: {  	[sflag:s11] =	ssyncset.done $0x0  }
0x8f: {  	[sflag:s11] =	ssyncadd.s32 $0xFFFFD800  }
0x90: {  	[spmem:s3] =	stream.indirect.scatter.add.f32 [tilespmem:s12], [sflag:$0x1], $0x1, s13, s14, $0xb8;
	[tilespmem:$0x5C00] =	vst v63  }
0x91: {  	_ = 	snop  }
0x92: {  	[spmem:s3] =	stream.indirect.scatter.add.f32 [tilespmem:s12], [sflag:$0x1], $0x1, s15, s14, $0xb8;
	[tilespmem:$0x5C00] =	vst v63  }
0x93: {  	_ = 	snop  }
0x94: {  	[spmem:s3] =	stream.indirect.scatter.add.f32 [tilespmem:s12], [sflag:$0x1], $0x1, s16, s14, $0xb8;
	[tilespmem:$0x5C00] =	vst v63  }
0x95: {  	_ = 	snop  }
0x96: {  	[spmem:s3] =	stream.indirect.scatter.add.f32 [tilespmem:s12], [sflag:$0x1], $0x1, s17, s14, $0xb8;
	[tilespmem:$0x5C00] =	vst v63  }
0x97: {  	_ = 	snop  }
0x98: {  	[spmem:s3] =	stream.indirect.scatter.add.f32 [tilespmem:s12], [sflag:$0x1], $0x1, s18, s14, $0xb8;
	[tilespmem:$0x5C00] =	vst v63  }
0x99: {  	_ = 	snop  }
0x9a: {  	[spmem:s3] =	stream.indirect.scatter.add.f32 [tilespmem:s12], [sflag:$0x1], $0x1, s19, s14, $0xb8;
	[tilespmem:$0x5C00] =	vst v63  }
0x9b: {  	_ = 	snop  }
0x9c: {  	[spmem:s3] =	stream.indirect.scatter.add.f32 [tilespmem:s12], [sflag:$0x1], $0x1, s20, s14, $0xb8;
	[tilespmem:$0x5C00] =	vst v63  }
0x9d: {  	_ = 	snop  }
0x9e: {  	[spmem:s3] =	stream.indirect.scatter.add.f32 [tilespmem:s12], [sflag:$0x1], $0x1, s21, s14, $0xb8;
	[tilespmem:$0x5C00] =	vst v63  }
0x9f: {  	_ = 	snop  }
0xa0: {  	[spmem:s3] =	stream.indirect.scatter.add.f32 [tilespmem:s12], [sflag:$0x1], $0x1, s22, s14, $0xb8;
	[tilespmem:$0x5C00] =	vst v63  }
0xa1: {  	_ = 	snop  }
0xa2: {  	[spmem:s3] =	stream.indirect.scatter.add.f32 [tilespmem:s12], [sflag:$0x1], $0x1, s23, s14, $0xb8;
	[tilespmem:$0x5C00] =	vst v63  }
0xa3: {  	_ = 	snop  }
0xa4: {  	[spmem:s3] =	stream.indirect.scatter.add.f32 [tilespmem:s12], [sflag:$0x1], $0x1, s24, s14, $0xb8;
	[tilespmem:$0x5C00] =	vst v63  }
0xa5: {  	_ = 	snop  }
0xa6: {  	[spmem:s3] =	stream.indirect.scatter.add.f32 [tilespmem:s12], [sflag:$0x1], $0x1, s25, s14, $0xb8;
	[tilespmem:$0x5C00] =	vst v63  }
0xa7: {  	_ = 	snop  }
0xa8: {  	[spmem:s3] =	stream.indirect.scatter.add.f32 [tilespmem:s12], [sflag:$0x1], $0x1, s26, s14, $0xb8;
	[tilespmem:$0x5C00] =	vst v63  }
0xa9: {  	_ = 	snop  }
0xaa: {  	[spmem:s3] =	stream.indirect.scatter.add.f32 [tilespmem:s12], [sflag:$0x1], $0x1, s28, s14, $0xb8;
	[tilespmem:$0x5C00] =	vst v63  }
0xab: {  	_ = 	snop  }
0xac: {  	[spmem:s3] =	stream.indirect.scatter.add.f32 [tilespmem:s12], [sflag:$0x1], $0x1, s29, s14, $0xb8;
	[tilespmem:$0x5C00] =	vst v63  }
0xad: {  	_ = 	snop  }
0xae: {  	[spmem:s3] =	stream.indirect.scatter.add.f32 [tilespmem:s12], [sflag:$0x1], $0x1, s30, s14, $0xb8;
	[tilespmem:$0x5C00] =	vst v63  }
0xaf: {  	_ = 	snop  }
0xb0: {  	[spmem:s3] =	stream.indirect.scatter.add.f32 [tilespmem:s12], [sflag:$0x1], $0x1, s31, s14, $0xb8;
	[tilespmem:$0x5C00] =	vst v63  }
0xb1: {  	_ = 	snop  }
0xb2: {  	[spmem:s3] =	stream.indirect.scatter.add.f32 [tilespmem:s12], [sflag:$0x1], $0x1, s0, s14, $0xb8;
	[tilespmem:$0x5C00] =	vst v63  }
0xb3: {  	_ = 	snop  }
0xb4: {  	[spmem:s3] =	stream.indirect.scatter.add.f32 [tilespmem:s12], [sflag:$0x1], $0x1, s2, s14, $0xb8;
	[tilespmem:$0x5C00] =	vst v63  }
0xb5: {  	_ = 	snop  }
0xb6: {  	[spmem:s3] =	stream.indirect.scatter.add.f32 [tilespmem:s12], [sflag:$0x1], $0x1, s1, s14, $0xb8;
	[tilespmem:$0x5C00] =	vst v63  }
0xb7: {  	_ =	swait.ge [sflag:s5], $0x200  }
0xb8: {  	[sflag:s5] =	ssyncset.done $0x0  }
0xb9: {  	[sflag:s5] =	ssyncadd.s32 $0xFFFFFE00  }
0xba: {  	_ =	swait.ge [sflag:s5], $0x200  }
0xbb: {  	[sflag:s5] =	ssyncset.done $0x0  }
0xbc: {  	[sflag:s5] =	ssyncadd.s32 $0xFFFFFE00  }
0xbd: {  	_ =	swait.ge [sflag:s5], $0x200  }
0xbe: {  	[sflag:s5] =	ssyncset.done $0x0  }
0xbf: {  	[sflag:s5] =	ssyncadd.s32 $0xFFFFFE00  }
0xc0: {  	_ =	swait.ge [sflag:s5], $0x200  }
0xc1: {  	[sflag:s5] =	ssyncset.done $0x0  }
0xc2: {  	[sflag:s5] =	ssyncadd.s32 $0xFFFFFE00  }
0xc3: {  	_ =	swait.ge [sflag:s5], $0x200  }
0xc4: {  	[sflag:s5] =	ssyncset.done $0x0  }
0xc5: {  	[sflag:s5] =	ssyncadd.s32 $0xFFFFFE00  }
0xc6: {  	_ =	swait.ge [sflag:s5], $0x200  }
0xc7: {  	[sflag:s5] =	ssyncset.done $0x0  }
0xc8: {  	[sflag:s5] =	ssyncadd.s32 $0xFFFFFE00  }
0xc9: {  	_ =	swait.ge [sflag:s5], $0x200  }
0xca: {  	[sflag:s5] =	ssyncset.done $0x0  }
0xcb: {  	[sflag:s5] =	ssyncadd.s32 $0xFFFFFE00  }
0xcc: {  	_ =	swait.ge [sflag:s5], $0x200  }
0xcd: {  	[sflag:s5] =	ssyncset.done $0x0  }
0xce: {  	[sflag:s5] =	ssyncadd.s32 $0xFFFFFE00  }
0xcf: {  	_ =	swait.ge [sflag:s5], $0x200  }
0xd0: {  	[sflag:s5] =	ssyncset.done $0x0  }
0xd1: {  	[sflag:s5] =	ssyncadd.s32 $0xFFFFFE00  }
0xd2: {  	_ =	swait.ge [sflag:s5], $0x200  }
0xd3: {  	[sflag:s5] =	ssyncset.done $0x0  }
0xd4: {  	[sflag:s5] =	ssyncadd.s32 $0xFFFFFE00  }
0xd5: {  	_ =	swait.ge [sflag:s5], $0x200  }
0xd6: {  	[sflag:s5] =	ssyncset.done $0x0  }
0xd7: {  	[sflag:s5] =	ssyncadd.s32 $0xFFFFFE00  }
0xd8: {  	_ =	swait.ge [sflag:s5], $0x200  }
0xd9: {  	[sflag:s5] =	ssyncset.done $0x0  }
0xda: {  	[sflag:s5] =	ssyncadd.s32 $0xFFFFFE00  }
0xdb: {  	_ =	swait.ge [sflag:s5], $0x200  }
0xdc: {  	[sflag:s5] =	ssyncset.done $0x0  }
0xdd: {  	[sflag:s5] =	ssyncadd.s32 $0xFFFFFE00  }
0xde: {  	_ =	swait.ge [sflag:s5], $0x200  }
0xdf: {  	[sflag:s5] =	ssyncset.done $0x0  }
0xe0: {  	[sflag:s5] =	ssyncadd.s32 $0xFFFFFE00  }
0xe1: {  	_ =	swait.ge [sflag:s5], $0x200  }
0xe2: {  	[sflag:s5] =	ssyncset.done $0x0  }
0xe3: {  	[sflag:s5] =	ssyncadd.s32 $0xFFFFFE00  }
0xe4: {  	_ =	swait.ge [sflag:s5], $0x200  }
0xe5: {  	[sflag:s5] =	ssyncset.done $0x0  }
0xe6: {  	[sflag:s5] =	ssyncadd.s32 $0xFFFFFE00  }
0xe7: {  	_ =	swait.ge [sflag:s5], $0x200  }
0xe8: {  	[sflag:s5] =	ssyncset.done $0x0  }
0xe9: {  	[sflag:s5] =	ssyncadd.s32 $0xFFFFFE00  }
0xea: {  	_ =	swait.ge [sflag:s5], $0x200  }
0xeb: {  	[sflag:s5] =	ssyncset.done $0x0  }
0xec: {  	[sflag:s5] =	ssyncadd.s32 $0xFFFFFE00  }
.Ltmp0:
0xed: {  	_ =	swait.ge [sflag:s5], $0x200;
	(pc) =	sbr.rel @p0 .LBB2_2-.Ltmp0, $4  }
0xee: {  	[sflag:s5] =	ssyncset.done $0x0  }
0xef: {  	[sflag:s5] =	ssyncadd.s32 $0xFFFFFE00  }
0xf0: {  	_ =	swait.ge [sflag:s5], $0x200  }
0xf1: {  	s6 =	smov.u32 s10;
	[sflag:s5] =	ssyncset.done $0x0  }
0xf2: {  	s6 =	sadd.s32 s8, s9;
	[sflag:s5] =	ssyncadd.s32 $0xFFFFFE00  }
0xf3: {  	[tilespmem:s13], [sflag:$0x2] =	stream.linear.gather [hbm4b:s6+s4], $0x2800, $0x38;
	[tilespmem:$0x5C00] =	vst v63  }
0xf4: {  	_ =	swait.ge [sflag:s11], $0x2800  }
0xf5: {  	[sflag:s11] =	ssyncset.done $0x0  }
0xf6: {  	[sflag:s11] =	ssyncadd.s32 $0xFFFFD800  }
0xf7: {  	[spmem:s3] =	stream.indirect.scatter.add.f32 [tilespmem:s12], [sflag:$0x1], $0x1, s13, s14, $0xb8;
	[tilespmem:$0x5C00] =	vst v63  }
0xf8: {  	_ = 	snop  }
0xf9: {  	[spmem:s3] =	stream.indirect.scatter.add.f32 [tilespmem:s12], [sflag:$0x1], $0x1, s15, s14, $0xb8;
	[tilespmem:$0x5C00] =	vst v63  }
0xfa: {  	_ = 	snop  }
0xfb: {  	[spmem:s3] =	stream.indirect.scatter.add.f32 [tilespmem:s12], [sflag:$0x1], $0x1, s16, s14, $0xb8;
	[tilespmem:$0x5C00] =	vst v63  }
0xfc: {  	_ = 	snop  }
0xfd: {  	[spmem:s3] =	stream.indirect.scatter.add.f32 [tilespmem:s12], [sflag:$0x1], $0x1, s17, s14, $0xb8;
	[tilespmem:$0x5C00] =	vst v63  }
0xfe: {  	_ = 	snop  }
0xff: {  	[spmem:s3] =	stream.indirect.scatter.add.f32 [tilespmem:s12], [sflag:$0x1], $0x1, s18, s14, $0xb8;
	[tilespmem:$0x5C00] =	vst v63  }
0x100: {  	_ = 	snop  }
0x101: {  	[spmem:s3] =	stream.indirect.scatter.add.f32 [tilespmem:s12], [sflag:$0x1], $0x1, s19, s14, $0xb8;
	[tilespmem:$0x5C00] =	vst v63  }
0x102: {  	_ = 	snop  }
0x103: {  	[spmem:s3] =	stream.indirect.scatter.add.f32 [tilespmem:s12], [sflag:$0x1], $0x1, s20, s14, $0xb8;
	[tilespmem:$0x5C00] =	vst v63  }
0x104: {  	_ = 	snop  }
0x105: {  	[spmem:s3] =	stream.indirect.scatter.add.f32 [tilespmem:s12], [sflag:$0x1], $0x1, s21, s14, $0xb8;
	[tilespmem:$0x5C00] =	vst v63  }
0x106: {  	_ = 	snop  }
0x107: {  	[spmem:s3] =	stream.indirect.scatter.add.f32 [tilespmem:s12], [sflag:$0x1], $0x1, s22, s14, $0xb8;
	[tilespmem:$0x5C00] =	vst v63  }
0x108: {  	_ = 	snop  }
0x109: {  	[spmem:s3] =	stream.indirect.scatter.add.f32 [tilespmem:s12], [sflag:$0x1], $0x1, s23, s14, $0xb8;
	[tilespmem:$0x5C00] =	vst v63  }
0x10a: {  	_ = 	snop  }
0x10b: {  	[spmem:s3] =	stream.indirect.scatter.add.f32 [tilespmem:s12], [sflag:$0x1], $0x1, s24, s14, $0xb8;
	[tilespmem:$0x5C00] =	vst v63  }
0x10c: {  	_ = 	snop  }
0x10d: {  	[spmem:s3] =	stream.indirect.scatter.add.f32 [tilespmem:s12], [sflag:$0x1], $0x1, s25, s14, $0xb8;
	[tilespmem:$0x5C00] =	vst v63  }
0x10e: {  	_ = 	snop  }
0x10f: {  	[spmem:s3] =	stream.indirect.scatter.add.f32 [tilespmem:s12], [sflag:$0x1], $0x1, s26, s14, $0xb8;
	[tilespmem:$0x5C00] =	vst v63  }
0x110: {  	_ = 	snop  }
0x111: {  	[spmem:s3] =	stream.indirect.scatter.add.f32 [tilespmem:s12], [sflag:$0x1], $0x1, s28, s14, $0xb8;
	[tilespmem:$0x5C00] =	vst v63  }
0x112: {  	_ = 	snop  }
0x113: {  	[spmem:s3] =	stream.indirect.scatter.add.f32 [tilespmem:s12], [sflag:$0x1], $0x1, s29, s14, $0xb8;
	[tilespmem:$0x5C00] =	vst v63  }
0x114: {  	_ = 	snop  }
0x115: {  	[spmem:s3] =	stream.indirect.scatter.add.f32 [tilespmem:s12], [sflag:$0x1], $0x1, s30, s14, $0xb8;
	[tilespmem:$0x5C00] =	vst v63  }
0x116: {  	_ = 	snop  }
0x117: {  	[spmem:s3] =	stream.indirect.scatter.add.f32 [tilespmem:s12], [sflag:$0x1], $0x1, s31, s14, $0xb8;
	[tilespmem:$0x5C00] =	vst v63  }
0x118: {  	_ = 	snop  }
0x119: {  	[spmem:s3] =	stream.indirect.scatter.add.f32 [tilespmem:s12], [sflag:$0x1], $0x1, s0, s14, $0xb8;
	[tilespmem:$0x5C00] =	vst v63  }
0x11a: {  	_ = 	snop  }
0x11b: {  	[spmem:s3] =	stream.indirect.scatter.add.f32 [tilespmem:s12], [sflag:$0x1], $0x1, s2, s14, $0xb8;
	[tilespmem:$0x5C00] =	vst v63  }
0x11c: {  	_ = 	snop  }
0x11d: {  	[spmem:s3] =	stream.indirect.scatter.add.f32 [tilespmem:s12], [sflag:$0x1], $0x1, s1, s14, $0xb8;
	[tilespmem:$0x5C00] =	vst v63  }
0x11e: {  	_ =	swait.ge [sflag:s5], $0x200  }
0x11f: {  	[sflag:s5] =	ssyncset.done $0x0  }
0x120: {  	[sflag:s5] =	ssyncadd.s32 $0xFFFFFE00  }
0x121: {  	_ =	swait.ge [sflag:s5], $0x200  }
0x122: {  	[sflag:s5] =	ssyncset.done $0x0  }
0x123: {  	[sflag:s5] =	ssyncadd.s32 $0xFFFFFE00  }
0x124: {  	_ =	swait.ge [sflag:s5], $0x200  }
0x125: {  	[sflag:s5] =	ssyncset.done $0x0  }
0x126: {  	[sflag:s5] =	ssyncadd.s32 $0xFFFFFE00  }
0x127: {  	_ =	swait.ge [sflag:s5], $0x200  }
0x128: {  	[sflag:s5] =	ssyncset.done $0x0  }
0x129: {  	[sflag:s5] =	ssyncadd.s32 $0xFFFFFE00  }
0x12a: {  	_ =	swait.ge [sflag:s5], $0x200  }
0x12b: {  	[sflag:s5] =	ssyncset.done $0x0  }
0x12c: {  	[sflag:s5] =	ssyncadd.s32 $0xFFFFFE00  }
0x12d: {  	_ =	swait.ge [sflag:s5], $0x200  }
0x12e: {  	[sflag:s5] =	ssyncset.done $0x0  }
0x12f: {  	[sflag:s5] =	ssyncadd.s32 $0xFFFFFE00  }
0x130: {  	_ =	swait.ge [sflag:s5], $0x200  }
0x131: {  	[sflag:s5] =	ssyncset.done $0x0  }
0x132: {  	[sflag:s5] =	ssyncadd.s32 $0xFFFFFE00  }
0x133: {  	_ =	swait.ge [sflag:s5], $0x200  }
0x134: {  	[sflag:s5] =	ssyncset.done $0x0  }
0x135: {  	[sflag:s5] =	ssyncadd.s32 $0xFFFFFE00  }
0x136: {  	_ =	swait.ge [sflag:s5], $0x200  }
0x137: {  	[sflag:s5] =	ssyncset.done $0x0  }
0x138: {  	[sflag:s5] =	ssyncadd.s32 $0xFFFFFE00  }
0x139: {  	_ =	swait.ge [sflag:s5], $0x200  }
0x13a: {  	[sflag:s5] =	ssyncset.done $0x0  }
0x13b: {  	[sflag:s5] =	ssyncadd.s32 $0xFFFFFE00  }
0x13c: {  	_ =	swait.ge [sflag:s5], $0x200  }
0x13d: {  	[sflag:s5] =	ssyncset.done $0x0  }
0x13e: {  	[sflag:s5] =	ssyncadd.s32 $0xFFFFFE00  }
0x13f: {  	_ =	swait.ge [sflag:s5], $0x200  }
0x140: {  	[sflag:s5] =	ssyncset.done $0x0  }
0x141: {  	[sflag:s5] =	ssyncadd.s32 $0xFFFFFE00  }
0x142: {  	_ =	swait.ge [sflag:s5], $0x200  }
0x143: {  	[sflag:s5] =	ssyncset.done $0x0  }
0x144: {  	[sflag:s5] =	ssyncadd.s32 $0xFFFFFE00  }
0x145: {  	_ =	swait.ge [sflag:s5], $0x200  }
0x146: {  	[sflag:s5] =	ssyncset.done $0x0  }
0x147: {  	[sflag:s5] =	ssyncadd.s32 $0xFFFFFE00  }
0x148: {  	_ =	swait.ge [sflag:s5], $0x200  }
0x149: {  	[sflag:s5] =	ssyncset.done $0x0  }
0x14a: {  	[sflag:s5] =	ssyncadd.s32 $0xFFFFFE00  }
0x14b: {  	_ =	swait.ge [sflag:s5], $0x200  }
0x14c: {  	[sflag:s5] =	ssyncset.done $0x0  }
0x14d: {  	[sflag:s5] =	ssyncadd.s32 $0xFFFFFE00  }
0x14e: {  	_ =	swait.ge [sflag:s5], $0x200  }
0x14f: {  	[sflag:s5] =	ssyncset.done $0x0  }
0x150: {  	[sflag:s5] =	ssyncadd.s32 $0xFFFFFE00  }
0x151: {  	_ =	swait.ge [sflag:s5], $0x200  }
0x152: {  	[sflag:s5] =	ssyncset.done $0x0  }
0x153: {  	[sflag:s5] =	ssyncadd.s32 $0xFFFFFE00  }
0x154: {  	_ =	swait.ge [sflag:s5], $0x200  }
0x155: {  	[sflag:s5] =	ssyncset.done $0x0  }
0x156: {  	[sflag:s5] =	ssyncadd.s32 $0xFFFFFE00  }
0x157: {  	_ =	swait.ge [sflag:s5], $0x200  }
0x158: {  	[sflag:s5] =	ssyncset.done $0x0  }
0x159: {  	[sflag:s5] =	ssyncadd.s32 $0xFFFFFE00  }
0x15a: {  	[bflag:$0x0] =	sbarrier.arrive $0xFFFF  }
0x15b: {  	s8 =	simm.s32 $0x4300;
	s7 =	rddreg [dreg:$0x5]  }
0x15c: {  	[tilespmem:s8], [sflag:$0x2] =	stream.linear.gather [spmem:s7], $0x1900, $0x38;
	[tilespmem:$0x5C00] =	vst v63  }
0x15d: {  	_ =	swait.ge [sflag:s11], $0x1900  }
0x15e: {  	[sflag:s11] =	ssyncset.done $0x0  }
0x15f: {  	s10 =	rddreg [dreg:$0x6];
	[sflag:s11] =	ssyncadd.s32 $0xFFFFE700  }
0x160: {  	[hbm4b:s10+s4] =	stream.linear.scatter [tilespmem:s8], [sflag:$0x2], $0x1900, $0x38;
	[tilespmem:$0x5C00] =	vst v63  }
0x161: {  	_ =	swait.ge [sflag:s11], $0x1900  }
0x162: {  	s10 =	rddreg [dreg:$0x8]  }
0x163: {  	s6 =	rddreg [dreg:$0x7];
	s10 =	sadd.s32 $0x1, s10  }
0x164: {  	p0 =	sne.s32 s10, s6  }
.Ltmp1:
0x165: {  	_ = 	snop;
	(pc) =	sbr.rel @p0 .LBB2_1-.Ltmp1, $3  }
0x166: {  	_ =	sdelay $0x1  }
0x167: {  	[sflag:s11] =	ssyncset.done $0x0  }
0x168: {  	[sflag:s11] =	ssyncadd.s32 $0xFFFFE700  }
0x169: {  	_ =	sfence.sel $0x180000  }
0x16a: {  	[bflag:$0x0] =	sbarrier.arrive $0xFFFF  }
0x16b: {  	_ =	strace $0x90000047  }
0x16c: {  	s0 =	stileid.u32;
	[bflag:$0x2] =	sbarrier.arrive $0xFFFF  }
0x16d: {  	p0 =	sne.s32 s0, $0x0;
	s0 =	rddreg [dreg:$0x3]  }
0x16e: {  	s0 =	sadd.s32 @!p0 $0x100000, s0  }
0x16f: {  	[sflag:s0] =	ssyncadd.tile.s32 @!p0 $0x1;
	_ =	shalt  }
.Lfunc_end2:
_tile_overlayer_lowered:
.L_overlay_start_2:
0x170: {  	(tag) =	ssettag $0x2  }
0x171: {  	s0 =	rddreg [dreg:$0x0];
	s2 =	stileid.u32  }
0x172: {  	s1 =	rddreg [dreg:$0x1];
	p0 =	sne.s32 s2, $0x0  }
0x173: {  	s3 =	rddreg [dreg:$0x2];
	[bflag:$0x3] =	sbarrier.arrive $0xFFFF;
	s2 =	simm.s32 @!p0 $0x1C02  }
0x174: {  	[timem:s3], [sflag:s2] =	dma.local @!p0 [hbm:s0], s1  }
0x175: {  	s0 =	simm.s32 @!p0 $0x2  }
0x176: {  	_ =	swait.ge @!p0 [sflag:s0], s1  }
0x177: {  	s1 =	ssub.s32 @!p0 $0x0, s1;
	[sflag:s0] =	ssyncset.done @!p0 $0x0  }
0x178: {  	[sflag:s0] =	ssyncadd.s32 @!p0 s1  }
0x179: {  	[bflag:$0x3] =	sbarrier.arrive $0xFFFF  }
0x17a: {  	_ =	shalt  }

// kernel: kernel.9.cloned.1.call-start
scs
__scs_entry_jumppad:
0x0: {  	(pc) =	sbr.rel $0x88, $3  }
0x1: {  	(tag) =	ssettag $0x0;
	lr =	simm.s32 $0x1  }
0x2: {  	[smem:$0x3F99] =	sst lr;
	_ =	strace $0xD0000000  }
0x3: {  	_ = 	snop  }
0x4: {  	_ = 	snop  }
0x5: {  	_ = 	snop  }
0x6: {  	_ = 	snop  }
0x7: {  	_ = 	snop  }
__scs_overlays_trampoline_lowered:
0x8: {  	[smem:$0x3FA8] =	sst s0  }
0x9: {  	[smem:$0x3FA9] =	sst s1  }
0xa: {  	[smem:$0x3FAA] =	sst s2  }
0xb: {  	[smem:$0x3FAB] =	sst s3  }
0xc: {  	[smem:$0x3FAC] =	sst s4  }
0xd: {  	[smem:$0x3FAD] =	sst s5  }
0xe: {  	[smem:$0x3FAE] =	sst s6  }
0xf: {  	[smem:$0x3FAF] =	sst s7  }
0x10: {  	[smem:$0x3FB0] =	sst s8  }
0x11: {  	[smem:$0x3FB1] =	sst s9;
	s0 =	simm.s32 @!p0 $0x0  }
0x12: {  	s1 =	sld [smem:$0x3F97];
	s0 =	simm.s32 @p0 $0x1  }
0x13: {  	[smem:$0x3FB2] =	sst s0;
	s0 =	simm.s32 @!p1 $0x0  }
0x14: {  	s2 =	sld [smem:$0x3F96];
	s0 =	simm.s32 @p1 $0x1  }
0x15: {  	[smem:$0x3FB3] =	sst s0;
	s0 =	simm.s32 @!p2 $0x0  }
0x16: {  	s3 =	sld [smem:$0x3FDB];
	s0 =	simm.s32 @p2 $0x1  }
0x17: {  	s4 =	simm.s32 $0x1BF5;
	[smem:$0x3FB5] =	sst s0  }
0x18: {  	s0 =	sld [smem:$0x3F98];
	_ =	swait.ge [sflag:s4], $0x0  }
0x19: {  	s7 =	sld [smem:$0x3F99]  }
0x1a: {  	s8 =	sadd.s32 $0xFFFFE003, lr  }
0x1b: {  	s9 =	sadd.s32 $0xFFFFFEF7, lr;
	s5 =	simm.s32 $0xFFFFFFFF;
	p2 =	slt.u32 s8, $0xFFFFF086  }
0x1c: {  	p1 =	slt.u32 s9, $0xF7A;
	s5 =	simm.s32 @!p2 $0x0  }
0x1d: {  	s5 =	simm.s32 @p1 $0x1;
	p0 =	seq.s32 s7, s2  }
0x1e: {  	s7 =	smul.u32 @!p0 $0xF7A, s2;
	p2 =	seq.s32 @!p0 s5, $0x0  }
0x1f: {  	s9 =	smul.u32 $0xF7A, s1;
	s8 =	simm.s32 @!p0 $0x1BF5;
	p2 =	por !p2, p0  }
0x20: {  	[sflag:s8] =	ssyncset.s32 @!p0 $0xFFFFF086;
	s6 =	sadd.s32 @!p0 s3, s7;
	s7 =	simm.s32 @!p0 $0x108  }
0x21: {  	s3 =	sadd.s32 s3, s9;
	s6 =	sadd.s32 @!p0 $0x88, s6;
	s7 =	simm.s32 @p2 $0x1082  }
0x22: {  	[simem:s7], [sflag:s8] =	dma.local @!p0 [hbm:s6], $0xF7A  }
0x23: {  	s9 =	sor.u32 $0xD0000000, s2;
	s6 =	simm.s32 $0x108;
	_ =	swait.ge @!p0 [sflag:s8], $0x0  }
0x24: {  	s3 =	sadd.s32 $0x88, s3;
	s6 =	simm.s32 @!p1 $0x1082;
	[sflag:s4] =	ssyncset.s32 $0xFFFFF086  }
0x25: {  	[simem:s6], [sflag:s4] =	dma.local [hbm:s3], $0xF7A  }
0x26: {  	[smem:$0x3F99] =	sst s1;
	(tag) =	ssettag s2;
	_ =	strace s9  }
0x27: {  	s1 =	sld [smem:$0x3FA9]  }
0x28: {  	s2 =	sld [smem:$0x3FAA]  }
0x29: {  	s4 =	sld [smem:$0x3FAC]  }
0x2a: {  	p0 =	seq.s32 s5, $0x0;
	s5 =	sld [smem:$0x3FAD]  }
0x2b: {  	s6 =	sld [smem:$0x3FAE]  }
0x2c: {  	s7 =	sld [smem:$0x3FAF]  }
0x2d: {  	s3 =	simm.s32 $0x108;
	s8 =	sld [smem:$0x3FB0]  }
0x2e: {  	s3 =	simm.s32 @!p0 $0x1082;
	s9 =	sld [smem:$0x3FB1]  }
0x2f: {  	lr =	sadd.s32 s0, s3;
	s0 =	sld [smem:$0x3FA8]  }
0x30: {  	s3 =	sld [smem:$0x3FAB]  }
0x31: {  	[smem:$0x3FB4] =	sst s10  }
0x32: {  	s10 =	sld [smem:$0x3FB2];
	_ =	sdelay $0x3  }
0x33: {  	p0 =	seq.s32 s10, $0x1;
	s10 =	sld [smem:$0x3FB4];
	_ =	sdelay $0x3  }
0x34: {  	[smem:$0x3FB4] =	sst s10  }
0x35: {  	s10 =	sld [smem:$0x3FB3];
	_ =	sdelay $0x3  }
0x36: {  	p1 =	seq.s32 s10, $0x1;
	s10 =	sld [smem:$0x3FB4];
	_ =	sdelay $0x3  }
0x37: {  	[smem:$0x3FB4] =	sst s10  }
0x38: {  	s10 =	sld [smem:$0x3FB5]  }
0x39: {  	_ = 	snop;
	(pc) =	sbr.ind lr, $3  }
0x3a: {  	_ = 	snop  }
0x3b: {  	_ = 	snop  }
0x3c: {  	p2 =	seq.s32 s10, $0x1;
	s10 =	sld [smem:$0x3FB4]  }
0x3d: {  	_ =	shalt  }
0x3e: {  	_ =	shalt  }
0x3f: {  	_ =	shalt  }
0x40: {  	_ =	shalt  }
0x41: {  	_ =	shalt  }
0x42: {  	_ =	shalt  }
0x43: {  	_ =	shalt  }
0x44: {  	_ =	shalt  }
0x45: {  	_ =	shalt  }
0x46: {  	_ =	shalt  }
0x47: {  	_ =	shalt  }
0x48: {  	_ =	shalt  }
0x49: {  	_ =	shalt  }
0x4a: {  	_ =	shalt  }
0x4b: {  	_ =	shalt  }
0x4c: {  	_ =	shalt  }
0x4d: {  	_ =	shalt  }
0x4e: {  	_ =	shalt  }
0x4f: {  	_ =	shalt  }
0x50: {  	_ =	shalt  }
0x51: {  	_ =	shalt  }
0x52: {  	_ =	shalt  }
0x53: {  	_ =	shalt  }
0x54: {  	_ =	shalt  }
0x55: {  	_ =	shalt  }
0x56: {  	_ =	shalt  }
0x57: {  	_ =	shalt  }
0x58: {  	_ =	shalt  }
0x59: {  	_ =	shalt  }
0x5a: {  	_ =	shalt  }
0x5b: {  	_ =	shalt  }
0x5c: {  	_ =	shalt  }
0x5d: {  	_ =	shalt  }
0x5e: {  	_ =	shalt  }
0x5f: {  	_ =	shalt  }
0x60: {  	_ =	shalt  }
0x61: {  	_ =	shalt  }
0x62: {  	_ =	shalt  }
0x63: {  	_ =	shalt  }
0x64: {  	_ =	shalt  }
0x65: {  	_ =	shalt  }
0x66: {  	_ =	shalt  }
0x67: {  	_ =	shalt  }
0x68: {  	_ =	shalt  }
0x69: {  	_ =	shalt  }
0x6a: {  	_ =	shalt  }
0x6b: {  	_ =	shalt  }
0x6c: {  	_ =	shalt  }
0x6d: {  	_ =	shalt  }
0x6e: {  	_ =	shalt  }
0x6f: {  	_ =	shalt  }
0x70: {  	_ =	shalt  }
0x71: {  	_ =	shalt  }
0x72: {  	_ =	shalt  }
0x73: {  	_ =	shalt  }
0x74: {  	_ =	shalt  }
0x75: {  	_ =	shalt  }
0x76: {  	_ =	shalt  }
0x77: {  	_ =	shalt  }
0x78: {  	_ =	shalt  }
0x79: {  	_ =	shalt  }
0x7a: {  	_ =	shalt  }
0x7b: {  	_ =	shalt  }
0x7c: {  	_ =	shalt  }
0x7d: {  	_ =	shalt  }
0x7e: {  	_ =	shalt  }
0x7f: {  	_ =	shalt  }
0x80: {  	_ =	shalt  }
0x81: {  	_ =	shalt  }
0x82: {  	_ =	shalt  }
0x83: {  	_ =	shalt  }
0x84: {  	_ =	shalt  }
0x85: {  	_ =	shalt  }
0x86: {  	_ =	shalt  }
0x87: {  	_ =	shalt  }
.Lfunc_end0:
.L_simem_size_0:
called_computation.1_lowered:
.L_overlay_start_0:
0x88: {  	s2 =	sld [smem:$0x3FD9]  }
0x89: {  	s3 =	sld [smem:$0x3FFE];
	_ =	sdelay $0x1  }
0x8a: {  	s1 =	srdreg.scid  }
0x8b: {  	s0 =	sand.u32 $0x1, s1  }
0x8c: {  	s16 =	sshll.u32 s0, $0xA;
	s2 =	sadd.s32 s3, s2  }
0x8d: {  	s2 =	sadd.s32 s2, s16  }
0x8e: {  	[smem:$0x3FC0] =	sst s2  }
0x8f: {  	_ = 	snop  }
0x90: {  	(tm) =	ssettm $0x1  }
0x91: {  	s17 =	sld [smem:$0x3FFB];
	_ =	sdelay $0x3  }
0x92: {  	_ =	strace s17  }
0x93: {  	s2 =	sld [smem:$0x3FFC];
	_ =	sdelay $0x3  }
0x94: {  	_ =	strace s2  }
0x95: {  	s2 =	sld [smem:$0x3FFD];
	_ =	sdelay $0x3  }
0x96: {  	_ =	strace s2  }
0x97: {  	_ =	strace $0x8FFFFFFF  }
0x98: {  	s18 =	sld [smem:$0x3FDB];
	_ =	sdelay $0x1  }
0x99: {  	s19 =	simm.s32 $_scs_section_size  }
0x9a: {  	s4 =	simm.s32 $_size__tile_overlayer_lowered;
	s5 =	simm.s32 $_tile_overlayer_lowered  }
0x9b: {  	s22 =	simm.s32 $0x1BFF;
	s21 =	sshll.u32 s5, $0x1;
	s2 =	sadd.s32 s19, s18  }
0x9c: {  	s6 =	simm.s32 $0x0;
	s20 =	sshll.u32 s4, $0x1;
	s4 =	sadd.s32 s21, s2  }
0x9d: {  	[timem:s6], [sflag:s22] =	dma.local [hbm:s4], s20  }
0x9e: {  	_ =	swait.ge [sflag:s22], s20  }
0x9f: {  	s3 =	ssub.s32 $0x0, s20;
	[sflag:s22] =	ssyncset.done $0x0  }
0xa0: {  	[sflag:s22] =	ssyncadd.s32 s3;
	_ =	sdelay $0x1  }
0xa1: {  	s23 =	simm.s32 $0x1B8B  }
0xa2: {  	_ =	swait.ge [sflag:s23], $0x1  }
0xa3: {  	[sflag:s23] =	ssyncset.done $0x0  }
0xa4: {  	s25 =	simm.s32 $0x1B8E;
	s24 =	sld [smem:$0x3FFE];
	[sflag:s23] =	ssyncadd.s32 $0xFFFFFFFF  }
0xa5: {  	s26 =	simm.s32 $execute0_lowered;
	[smem:$0x3FD2] =	sst s25  }
0xa6: {  	s4 =	sshll.u32 s26, $0x1;
	_ =	strace $0x80000049;
	[dreg:$0x1] =	wrdreg $0xFFFFFFFF  }
0xa7: {  	s28 =	simm.s32 $_size_execute0_lowered;
	s2 =	sadd.s32 s2, s4;
	[dreg:$0x0] =	wrdreg $0x0  }
0xa8: {  	s4 =	sshll.u32 s28, $0x1;
	[dreg:$0x2] =	wrdreg s2  }
0xa9: {  	[dreg:$0x3] =	wrdreg s4  }
0xaa: {  	[dreg:$0x4] =	wrdreg $0xC0  }
0xab: {  	_ =	task [dreg:s6], $0x5FFFF  }
0xac: {  	[dreg:$0x1] =	wrdreg $0xFFFFFFFF  }
0xad: {  	[dreg:$0x0] =	wrdreg $0x60  }
0xae: {  	[dreg:$0x2] =	wrdreg s24  }
0xaf: {  	[dreg:$0x3] =	wrdreg $0x32000  }
0xb0: {  	[dreg:$0x4] =	wrdreg $0x4B000  }
0xb1: {  	[dreg:$0x5] =	wrdreg $0x0  }
0xb2: {  	[dreg:$0x6] =	wrdreg $0x19000  }
0xb3: {  	[dreg:$0x7] =	wrdreg $0x9  }
0xb4: {  	_ =	task.clear_ibuf [dreg:s6], $0x8FFFF;
	_ =	strace $0x90000049  }
0xb5: {  	s29 =	simm.s32 $0x9;
	_ =	strace $0x8000004B  }
0xb6: {  	_ =	swait.ge [sflag:s29], $0x1  }
0xb7: {  	[sflag:s29] =	ssyncadd.s32 $0xFFFFFFFF  }
0xb8: {  	_ =	strace $0x9000004B  }
0xb9: {  	_ =	sfence  }
0xba: {  	s30 =	sld [smem:$0x0];
	_ =	sdelay $0x2  }
0xbb: {  	s31 =	sshll.u32 s1, $0xD;
	s1 =	sshrl.u32 s1, $0x2  }
0xbc: {  	s3 =	sand.u32 $0x4000, s31;
	s1 =	sadd.s32 s1, s30  }
0xbd: {  	s0 =	sor.u32 s3, s0;
	s1 =	sshll.u32 s1, $0x11  }
0xbe: {  	s0 =	sor.u32 s1, s0  }
0xbf: {  	s0 =	sadd.s32 $0x8F2B, s0  }
0xc0: {  	[sflag:s0] =	ssyncadd.remote.s32 $0x1  }
0xc1: {  	_ =	sfence.sel $0xFFFF  }
0xc2: {  	[dreg:$0x0] =	wrdreg $0xFFFFFFFF;
	(pc) =	sbr.abs _section_cstart, $3  }
0xc3: {  	[dreg:$0x1] =	wrdreg $0xFFFFFFFF  }
0xc4: {  	_ =	task.clear_ibuf [dreg:s6], $0x2FFFF;
	_ =	strace $0x9FFFFFFF  }
0xc5: {  	(tm) =	ssettm $0x7FFFFFFF  }
tec
execute0_lowered:
.L_overlay_start_1:
0x0: {  	(tag) =	ssettag $0x1  }
0x1: {  	s2 =	rddreg [dreg:$0x0]  }
0x2: {  	s0 =	rddreg [dreg:$0x1]  }
0x3: {  	s1 =	rddreg [dreg:$0x2]  }
0x4: {  	s3 =	rddreg [dreg:$0x3];
	s4 =	srdreg.scid  }
0x5: {  	s5 =	rddreg [dreg:$0x4];
	s11 =	stileid.u32;
	s8 =	simm.s32 $0x0  }
0x6: {  	s15 =	simm.s32 $0x10400;
	s21 =	simm.s32 $0x200;
	s7 =	smul.u32 $0x1900, s11  }
0x7: {  	s12 =	simm.s32 $0x2;
	s4 =	sand.u32 $0x1, s4;
	s25 =	smul.u32 $0x3200, s11  }
0x8: {  	[smem:$0x7FF] =	sst s8;
	s10 =	sadd.s32 $0xC9C00, s2;
	s6 =	smul.u32 $0x32000, s4  }
0x9: {  	s23 =	smul.u32 $0x19000, s4;
	_ =	strace $0x8000004A;
	s4 =	ssub.s32 $0x2, s4  }
0xa: {  	[dreg:$0x8] =	wrdreg s10;
	s9 =	sshrl.u32 s7, $0x3;
	s28 =	sadd.s32 s7, s3  }
0xb: {  	s24 =	sshrl.u32 s4, $0x1;
	s13 =	sadd.s32 s7, s0;
	[dreg:$0xc] =	wrdreg s28  }
0xc: {  	s16 =	sadd.s32 s7, s1;
	s9 =	sadd.s32 s9, s2;
	[dreg:$0x9] =	wrdreg s13  }
0xd: {  	s8 =	sadd.s32 s7, s23;
	s7 =	sadd.s32 s7, s5;
	[dreg:$0xa] =	wrdreg s16  }
0xe: {  	s6 =	sadd.s32 s6, s2;
	s26 =	sadd.s32 $0xCA000, s9;
	[dreg:$0xe] =	wrdreg s7  }
0xf: {  	s4 =	ssub.s32 s4, s24;
	s9 =	sadd.s32 $0xCD200, s9;
	[dreg:$0xb] =	wrdreg s26  }
0x10: {  	s6 =	sadd.s32 s25, s6;
	s4 =	smax.u32 s4, $0x1;
	[dreg:$0xd] =	wrdreg s9  }
0x11: {  	s8 =	sshrl.u32 s8, $0x3;
	s30 =	sadd.s32 $0x1C00, s6;
	[dreg:$0x11] =	wrdreg s4  }
0x12: {  	s2 =	sadd.s32 s8, s2;
	s31 =	sadd.s32 $0x65C00, s6;
	[dreg:$0x6] =	wrdreg s30  }
0x13: {  	s11 =	simm.s32 $0x1;
	s29 =	sadd.s32 $0xD6800, s2;
	[dreg:$0x7] =	wrdreg s31  }
0x14: {  	s10 =	simm.s32 $0x4;
	s2 =	sadd.s32 $0xDCC00, s2;
	[dreg:$0xf] =	wrdreg s29  }
0x15: {  	s7 =	simm.s32 $0x3;
	[dreg:$0x10] =	wrdreg s2;
	s2 =	simm.s32 $0x0  }
.LBB2_1:
0x16: {  	[dreg:$0x12] =	wrdreg s2  }
0x17: {  	s14 =	simm.s32 $0x0;
	s8 =	rddreg [dreg:$0x8];
	s4 =	simm.s32 $0x5  }
0x18: {  	[tilespmem:s15], [sflag:$0x5] =	stream.linear.gather [hbm4b:s8+s14], $0x1900, $0x38;
	[tilespmem:$0x11D00] =	vst v63  }
0x19: {  	_ =	swait.ge [sflag:s4], $0x1900  }
0x1a: {  	[sflag:s4] =	ssyncset.done $0x0  }
0x1b: {  	[sflag:s4] =	ssyncadd.s32 $0xFFFFE700  }
0x1c: {  	[spmem:s13] =	stream.linear.scatter [tilespmem:s15], [sflag:$0x5], $0x1900, $0x38;
	[tilespmem:$0x11D00] =	vst v63  }
0x1d: {  	_ =	swait.ge [sflag:s4], $0x1900  }
0x1e: {  	[sflag:s4] =	ssyncset.done $0x0  }
0x1f: {  	[sflag:s4] =	ssyncadd.s32 $0xFFFFE700  }
0x20: {  	[spmem:s16] =	stream.linear.scatter [tilespmem:s15], [sflag:$0x5], $0x1900, $0x38;
	[tilespmem:$0x11D00] =	vst v63  }
0x21: {  	_ =	swait.ge [sflag:s4], $0x1900  }
0x22: {  	[sflag:s4] =	ssyncset.done $0x0  }
0x23: {  	s23 =	rddreg [dreg:$0xb];
	[sflag:s4] =	ssyncadd.s32 $0xFFFFE700  }
0x24: {  	[tilespmem:s15], [sflag:$0x5] =	stream.linear.gather [hbm4b:s23+s14], $0x1900, $0x38;
	[tilespmem:$0x11D00] =	vst v63  }
0x25: {  	_ =	swait.ge [sflag:s4], $0x1900  }
0x26: {  	[sflag:s4] =	ssyncset.done $0x0  }
0x27: {  	s24 =	rddreg [dreg:$0xc];
	[sflag:s4] =	ssyncadd.s32 $0xFFFFE700  }
0x28: {  	[spmem:s24] =	stream.linear.scatter [tilespmem:s15], [sflag:$0x5], $0x1900, $0x38;
	[tilespmem:$0x11D00] =	vst v63  }
0x29: {  	_ =	swait.ge [sflag:s4], $0x1900  }
0x2a: {  	[sflag:s4] =	ssyncset.done $0x0  }
0x2b: {  	s25 =	rddreg [dreg:$0xd];
	[sflag:s4] =	ssyncadd.s32 $0xFFFFE700  }
0x2c: {  	[tilespmem:s15], [sflag:$0x5] =	stream.linear.gather [hbm4b:s25+s14], $0x1900, $0x38;
	[tilespmem:$0x11D00] =	vst v63  }
0x2d: {  	_ =	swait.ge [sflag:s4], $0x1900  }
0x2e: {  	[sflag:s4] =	ssyncset.done $0x0  }
0x2f: {  	s26 =	rddreg [dreg:$0xe];
	[sflag:s4] =	ssyncadd.s32 $0xFFFFE700  }
0x30: {  	[spmem:s26] =	stream.linear.scatter [tilespmem:s15], [sflag:$0x5], $0x1900, $0x38;
	[tilespmem:$0x11D00] =	vst v63  }
0x31: {  	_ =	swait.ge [sflag:s4], $0x1900  }
0x32: {  	[sflag:s4] =	ssyncset.done $0x0  }
0x33: {  	[sflag:s4] =	ssyncadd.s32 $0xFFFFE700  }
0x34: {  	[bflag:$0x0] =	sbarrier.arrive $0xFFFF  }
0x35: {  	s28 =	rddreg [dreg:$0x7]  }
0x36: {  	s29 =	simm.s32 $0x6400;
	s13 =	sadd.s32 $0x0, s28  }
0x37: {  	[tilespmem:s29], [sflag:$0x5] =	stream.linear.gather [hbm4b:s13+s14], $0x2800, $0x38;
	[tilespmem:$0x11D00] =	vst v63  }
0x38: {  	_ =	swait.ge [sflag:s4], $0x2800  }
0x39: {  	s30 =	rddreg [dreg:$0x6];
	[sflag:s4] =	ssyncset.done $0x0  }
0x3a: {  	s18 =	simm.s32 $0x8C00;
	[sflag:s4] =	ssyncadd.s32 $0xFFFFD800;
	s13 =	sadd.s32 $0x0, s30  }
0x3b: {  	[tilespmem:s18], [sflag:$0x5] =	stream.linear.gather [hbm4b:s13+s14], $0x2800, $0x38;
	[tilespmem:$0x11D00] =	vst v63  }
0x3c: {  	_ =	swait.ge [sflag:s4], $0x2800  }
0x3d: {  	[sflag:s4] =	ssyncset.done $0x0  }
0x3e: {  	s8 =	simm.s32 $0xB400;
	[sflag:s4] =	ssyncadd.s32 $0xFFFFD800  }
0x3f: {  	[tilespmem:s8], [sflag:$0x1] =	stream.indirect.gather [spmem:s3], $0x1, s29, s21, $0xb8;
	[tilespmem:$0x11D00] =	vst v63  }
0x40: {  	s13 =	simm.s32 $0xDC00  }
0x41: {  	[tilespmem:s13], [sflag:$0x2] =	stream.indirect.gather [spmem:s5], $0x1, s29, s21, $0xb8;
	[tilespmem:$0x11D00] =	vst v63  }
0x42: {  	s31 =	simm.s32 $0x6600;
	s9 =	simm.s32 $0xB600  }
0x43: {  	[tilespmem:s9], [sflag:$0x1] =	stream.indirect.gather [spmem:s3], $0x1, s31, s21, $0xb8;
	[tilespmem:$0x11D00] =	vst v63  }
0x44: {  	s15 =	simm.s32 $0xDE00  }
0x45: {  	[tilespmem:s15], [sflag:$0x2] =	stream.indirect.gather [spmem:s5], $0x1, s31, s21, $0xb8;
	[tilespmem:$0x11D00] =	vst v63  }
0x46: {  	s0 =	simm.s32 $0x6800;
	s6 =	simm.s32 $0xB800  }
0x47: {  	[tilespmem:s6], [sflag:$0x1] =	stream.indirect.gather [spmem:s3], $0x1, s0, s21, $0xb8;
	[tilespmem:$0x11D00] =	vst v63  }
0x48: {  	s16 =	simm.s32 $0xE000  }
0x49: {  	[tilespmem:s16], [sflag:$0x2] =	stream.indirect.gather [spmem:s5], $0x1, s0, s21, $0xb8;
	[tilespmem:$0x11D00] =	vst v63  }
0x4a: {  	s2 =	simm.s32 $0x6A00;
	s17 =	simm.s32 $0xBA00  }
0x4b: {  	[tilespmem:s17], [sflag:$0x1] =	stream.indirect.gather [spmem:s3], $0x1, s2, s21, $0xb8;
	[tilespmem:$0x11D00] =	vst v63  }
0x4c: {  	s22 =	simm.s32 $0xE200  }
0x4d: {  	[tilespmem:s22], [sflag:$0x2] =	stream.indirect.gather [spmem:s5], $0x1, s2, s21, $0xb8;
	[tilespmem:$0x11D00] =	vst v63  }
0x4e: {  	s23 =	simm.s32 $0xBC00;
	s4 =	simm.s32 $0x6C00  }
0x4f: {  	[tilespmem:s23], [sflag:$0x1] =	stream.indirect.gather [spmem:s3], $0x1, s4, s21, $0xb8;
	[tilespmem:$0x11D00] =	vst v63  }
0x50: {  	s24 =	simm.s32 $0xE400  }
0x51: {  	[tilespmem:s24], [sflag:$0x2] =	stream.indirect.gather [spmem:s5], $0x1, s4, s21, $0xb8;
	[tilespmem:$0x11D00] =	vst v63  }
0x52: {  	s19 =	simm.s32 $0x6E00;
	s25 =	simm.s32 $0xBE00  }
0x53: {  	[tilespmem:s25], [sflag:$0x1] =	stream.indirect.gather [spmem:s3], $0x1, s19, s21, $0xb8;
	[tilespmem:$0x11D00] =	vst v63  }
0x54: {  	s26 =	simm.s32 $0xE600  }
0x55: {  	[tilespmem:s26], [sflag:$0x2] =	stream.indirect.gather [spmem:s5], $0x1, s19, s21, $0xb8;
	[tilespmem:$0x11D00] =	vst v63  }
0x56: {  	s20 =	simm.s32 $0x7000;
	s28 =	simm.s32 $0xC000  }
0x57: {  	[tilespmem:s28], [sflag:$0x1] =	stream.indirect.gather [spmem:s3], $0x1, s20, s21, $0xb8;
	[tilespmem:$0x11D00] =	vst v63  }
0x58: {  	s29 =	simm.s32 $0xE800  }
0x59: {  	[tilespmem:s29], [sflag:$0x2] =	stream.indirect.gather [spmem:s5], $0x1, s20, s21, $0xb8;
	[tilespmem:$0x11D00] =	vst v63  }
0x5a: {  	s30 =	simm.s32 $0x7200;
	s2 =	simm.s32 $0xC200  }
0x5b: {  	[tilespmem:s2], [sflag:$0x1] =	stream.indirect.gather [spmem:s3], $0x1, s30, s21, $0xb8;
	[tilespmem:$0x11D00] =	vst v63  }
0x5c: {  	s4 =	simm.s32 $0xEA00  }
0x5d: {  	[tilespmem:s4], [sflag:$0x2] =	stream.indirect.gather [spmem:s5], $0x1, s30, s21, $0xb8;
	[tilespmem:$0x11D00] =	vst v63  }
0x5e: {  	s31 =	simm.s32 $0x7400;
	s19 =	simm.s32 $0xC400  }
0x5f: {  	[tilespmem:s19], [sflag:$0x1] =	stream.indirect.gather [spmem:s3], $0x1, s31, s21, $0xb8;
	[tilespmem:$0x11D00] =	vst v63  }
0x60: {  	s20 =	simm.s32 $0xEC00  }
0x61: {  	[tilespmem:s20], [sflag:$0x2] =	stream.indirect.gather [spmem:s5], $0x1, s31, s21, $0xb8;
	[tilespmem:$0x11D00] =	vst v63  }
0x62: {  	s0 =	simm.s32 $0x7600;
	s30 =	simm.s32 $0xC600  }
0x63: {  	[tilespmem:s30], [sflag:$0x1] =	stream.indirect.gather [spmem:s3], $0x1, s0, s21, $0xb8;
	[tilespmem:$0x11D00] =	vst v63  }
0x64: {  	s31 =	simm.s32 $0xEE00  }
0x65: {  	[tilespmem:s31], [sflag:$0x2] =	stream.indirect.gather [spmem:s5], $0x1, s0, s21, $0xb8;
	[tilespmem:$0x11D00] =	vst v63  }
0x66: {  	s14 =	simm.s32 $0x7800;
	s0 =	simm.s32 $0xC800  }
0x67: {  	[tilespmem:s0], [sflag:$0x1] =	stream.indirect.gather [spmem:s3], $0x1, s14, s21, $0xb8;
	[tilespmem:$0x11D00] =	vst v63  }
0x68: {  	s0 =	simm.s32 $0xF000  }
0x69: {  	[tilespmem:s0], [sflag:$0x2] =	stream.indirect.gather [spmem:s5], $0x1, s14, s21, $0xb8;
	[tilespmem:$0x11D00] =	vst v63  }
0x6a: {  	s14 =	simm.s32 $0x7A00;
	s0 =	simm.s32 $0xCA00  }
0x6b: {  	[tilespmem:s0], [sflag:$0x1] =	stream.indirect.gather [spmem:s3], $0x1, s14, s21, $0xb8;
	[tilespmem:$0x11D00] =	vst v63  }
0x6c: {  	s0 =	simm.s32 $0xF200  }
0x6d: {  	[tilespmem:s0], [sflag:$0x2] =	stream.indirect.gather [spmem:s5], $0x1, s14, s21, $0xb8;
	[tilespmem:$0x11D00] =	vst v63  }
0x6e: {  	s14 =	simm.s32 $0x7C00;
	s0 =	simm.s32 $0xCC00  }
0x6f: {  	[tilespmem:s0], [sflag:$0x1] =	stream.indirect.gather [spmem:s3], $0x1, s14, s21, $0xb8;
	[tilespmem:$0x11D00] =	vst v63  }
0x70: {  	s0 =	simm.s32 $0xF400  }
0x71: {  	[tilespmem:s0], [sflag:$0x2] =	stream.indirect.gather [spmem:s5], $0x1, s14, s21, $0xb8;
	[tilespmem:$0x11D00] =	vst v63  }
0x72: {  	s14 =	simm.s32 $0x7E00;
	s0 =	simm.s32 $0xCE00  }
0x73: {  	[tilespmem:s0], [sflag:$0x1] =	stream.indirect.gather [spmem:s3], $0x1, s14, s21, $0xb8;
	[tilespmem:$0x11D00] =	vst v63  }
0x74: {  	s0 =	simm.s32 $0xF600  }
0x75: {  	[tilespmem:s0], [sflag:$0x2] =	stream.indirect.gather [spmem:s5], $0x1, s14, s21, $0xb8;
	[tilespmem:$0x11D00] =	vst v63  }
0x76: {  	s14 =	simm.s32 $0x8000;
	s0 =	simm.s32 $0xD000  }
0x77: {  	[tilespmem:s0], [sflag:$0x1] =	stream.indirect.gather [spmem:s3], $0x1, s14, s21, $0xb8;
	[tilespmem:$0x11D00] =	vst v63  }
0x78: {  	s0 =	simm.s32 $0xF800  }
0x79: {  	[tilespmem:s0], [sflag:$0x2] =	stream.indirect.gather [spmem:s5], $0x1, s14, s21, $0xb8;
	[tilespmem:$0x11D00] =	vst v63  }
0x7a: {  	s14 =	simm.s32 $0x8200;
	s0 =	simm.s32 $0xD200  }
0x7b: {  	[tilespmem:s0], [sflag:$0x1] =	stream.indirect.gather [spmem:s3], $0x1, s14, s21, $0xb8;
	[tilespmem:$0x11D00] =	vst v63  }
0x7c: {  	s0 =	simm.s32 $0xFA00  }
0x7d: {  	[tilespmem:s0], [sflag:$0x2] =	stream.indirect.gather [spmem:s5], $0x1, s14, s21, $0xb8;
	[tilespmem:$0x11D00] =	vst v63  }
0x7e: {  	s14 =	simm.s32 $0x8400;
	s0 =	simm.s32 $0xD400  }
0x7f: {  	[tilespmem:s0], [sflag:$0x1] =	stream.indirect.gather [spmem:s3], $0x1, s14, s21, $0xb8;
	[tilespmem:$0x11D00] =	vst v63  }
0x80: {  	s0 =	simm.s32 $0xFC00  }
0x81: {  	[tilespmem:s0], [sflag:$0x2] =	stream.indirect.gather [spmem:s5], $0x1, s14, s21, $0xb8;
	[tilespmem:$0x11D00] =	vst v63  }
0x82: {  	s14 =	simm.s32 $0x8600;
	s0 =	simm.s32 $0xD600  }
0x83: {  	[tilespmem:s0], [sflag:$0x1] =	stream.indirect.gather [spmem:s3], $0x1, s14, s21, $0xb8;
	[tilespmem:$0x11D00] =	vst v63  }
0x84: {  	s0 =	simm.s32 $0xFE00  }
0x85: {  	[tilespmem:s0], [sflag:$0x2] =	stream.indirect.gather [spmem:s5], $0x1, s14, s21, $0xb8;
	[tilespmem:$0x11D00] =	vst v63  }
0x86: {  	s14 =	simm.s32 $0x8800;
	s0 =	simm.s32 $0xD800  }
0x87: {  	[tilespmem:s0], [sflag:$0x1] =	stream.indirect.gather [spmem:s3], $0x1, s14, s21, $0xb8;
	[tilespmem:$0x11D00] =	vst v63  }
0x88: {  	s0 =	simm.s32 $0x10000  }
0x89: {  	[tilespmem:s0], [sflag:$0x2] =	stream.indirect.gather [spmem:s5], $0x1, s14, s21, $0xb8;
	[tilespmem:$0x11D00] =	vst v63  }
0x8a: {  	s14 =	simm.s32 $0x8A00;
	s0 =	simm.s32 $0xDA00  }
0x8b: {  	[tilespmem:s0], [sflag:$0x1] =	stream.indirect.gather [spmem:s3], $0x1, s14, s21, $0xb8;
	[tilespmem:$0x11D00] =	vst v63  }
0x8c: {  	s0 =	simm.s32 $0x10200  }
0x8d: {  	[tilespmem:s0], [sflag:$0x2] =	stream.indirect.gather [spmem:s5], $0x1, s14, s21, $0xb8;
	[tilespmem:$0x11D00] =	vst v63  }
0x8e: {  	_ =	swait.ge [sflag:s11], $0x200  }
0x8f: {  	[sflag:s11] =	ssyncset.done $0x0  }
0x90: {  	[sflag:s11] =	ssyncadd.s32 $0xFFFFFE00  }
0x91: {  	s0 =	rddreg [dreg:$0x1]  }
0x92: {  	[spmem:s0] =	stream.indirect.scatter.add.f32 [tilespmem:s8], [sflag:$0x3], $0x1, s18, s21, $0xb8;
	[tilespmem:$0x11D00] =	vst v63  }
0x93: {  	_ =	swait.ge [sflag:s12], $0x200  }
0x94: {  	[sflag:s12] =	ssyncset.done $0x0  }
0x95: {  	[sflag:s12] =	ssyncadd.s32 $0xFFFFFE00  }
0x96: {  	[spmem:s1] =	stream.indirect.scatter.add.f32 [tilespmem:s13], [sflag:$0x4], $0x1, s18, s21, $0xb8;
	[tilespmem:$0x11D00] =	vst v63  }
0x97: {  	_ =	swait.ge [sflag:s11], $0x200  }
0x98: {  	[sflag:s11] =	ssyncset.done $0x0  }
0x99: {  	s13 =	simm.s32 $0x8E00;
	[sflag:s11] =	ssyncadd.s32 $0xFFFFFE00  }
0x9a: {  	[spmem:s0] =	stream.indirect.scatter.add.f32 [tilespmem:s9], [sflag:$0x3], $0x1, s13, s21, $0xb8;
	[tilespmem:$0x11D00] =	vst v63  }
0x9b: {  	_ =	swait.ge [sflag:s12], $0x200  }
0x9c: {  	[sflag:s12] =	ssyncset.done $0x0  }
0x9d: {  	[sflag:s12] =	ssyncadd.s32 $0xFFFFFE00  }
0x9e: {  	[spmem:s1] =	stream.indirect.scatter.add.f32 [tilespmem:s15], [sflag:$0x4], $0x1, s13, s21, $0xb8;
	[tilespmem:$0x11D00] =	vst v63  }
0x9f: {  	_ =	swait.ge [sflag:s11], $0x200  }
0xa0: {  	[sflag:s11] =	ssyncset.done $0x0  }
0xa1: {  	s18 =	simm.s32 $0x9000;
	[sflag:s11] =	ssyncadd.s32 $0xFFFFFE00  }
0xa2: {  	[spmem:s0] =	stream.indirect.scatter.add.f32 [tilespmem:s6], [sflag:$0x3], $0x1, s18, s21, $0xb8;
	[tilespmem:$0x11D00] =	vst v63  }
0xa3: {  	_ =	swait.ge [sflag:s12], $0x200  }
0xa4: {  	[sflag:s12] =	ssyncset.done $0x0  }
0xa5: {  	[sflag:s12] =	ssyncadd.s32 $0xFFFFFE00  }
0xa6: {  	[spmem:s1] =	stream.indirect.scatter.add.f32 [tilespmem:s16], [sflag:$0x4], $0x1, s18, s21, $0xb8;
	[tilespmem:$0x11D00] =	vst v63  }
0xa7: {  	_ =	swait.ge [sflag:s11], $0x200  }
0xa8: {  	[sflag:s11] =	ssyncset.done $0x0  }
0xa9: {  	s9 =	simm.s32 $0x9200;
	[sflag:s11] =	ssyncadd.s32 $0xFFFFFE00  }
0xaa: {  	[spmem:s0] =	stream.indirect.scatter.add.f32 [tilespmem:s17], [sflag:$0x3], $0x1, s9, s21, $0xb8;
	[tilespmem:$0x11D00] =	vst v63  }
0xab: {  	_ =	swait.ge [sflag:s12], $0x200  }
0xac: {  	[sflag:s12] =	ssyncset.done $0x0  }
0xad: {  	[sflag:s12] =	ssyncadd.s32 $0xFFFFFE00  }
0xae: {  	[spmem:s1] =	stream.indirect.scatter.add.f32 [tilespmem:s22], [sflag:$0x4], $0x1, s9, s21, $0xb8;
	[tilespmem:$0x11D00] =	vst v63  }
0xaf: {  	_ =	swait.ge [sflag:s11], $0x200  }
0xb0: {  	[sflag:s11] =	ssyncset.done $0x0  }
0xb1: {  	s13 =	simm.s32 $0x9400;
	[sflag:s11] =	ssyncadd.s32 $0xFFFFFE00  }
0xb2: {  	[spmem:s0] =	stream.indirect.scatter.add.f32 [tilespmem:s23], [sflag:$0x3], $0x1, s13, s21, $0xb8;
	[tilespmem:$0x11D00] =	vst v63  }
0xb3: {  	_ =	swait.ge [sflag:s12], $0x200  }
0xb4: {  	[sflag:s12] =	ssyncset.done $0x0  }
0xb5: {  	[sflag:s12] =	ssyncadd.s32 $0xFFFFFE00  }
0xb6: {  	[spmem:s1] =	stream.indirect.scatter.add.f32 [tilespmem:s24], [sflag:$0x4], $0x1, s13, s21, $0xb8;
	[tilespmem:$0x11D00] =	vst v63  }
0xb7: {  	_ =	swait.ge [sflag:s11], $0x200  }
0xb8: {  	[sflag:s11] =	ssyncset.done $0x0  }
0xb9: {  	s15 =	simm.s32 $0x9600;
	[sflag:s11] =	ssyncadd.s32 $0xFFFFFE00  }
0xba: {  	[spmem:s0] =	stream.indirect.scatter.add.f32 [tilespmem:s25], [sflag:$0x3], $0x1, s15, s21, $0xb8;
	[tilespmem:$0x11D00] =	vst v63  }
0xbb: {  	_ =	swait.ge [sflag:s12], $0x200  }
0xbc: {  	[sflag:s12] =	ssyncset.done $0x0  }
0xbd: {  	[sflag:s12] =	ssyncadd.s32 $0xFFFFFE00  }
0xbe: {  	[spmem:s1] =	stream.indirect.scatter.add.f32 [tilespmem:s26], [sflag:$0x4], $0x1, s15, s21, $0xb8;
	[tilespmem:$0x11D00] =	vst v63  }
0xbf: {  	_ =	swait.ge [sflag:s11], $0x200  }
0xc0: {  	[sflag:s11] =	ssyncset.done $0x0  }
0xc1: {  	s16 =	simm.s32 $0x9800;
	[sflag:s11] =	ssyncadd.s32 $0xFFFFFE00  }
0xc2: {  	[spmem:s0] =	stream.indirect.scatter.add.f32 [tilespmem:s28], [sflag:$0x3], $0x1, s16, s21, $0xb8;
	[tilespmem:$0x11D00] =	vst v63  }
0xc3: {  	_ =	swait.ge [sflag:s12], $0x200  }
0xc4: {  	[sflag:s12] =	ssyncset.done $0x0  }
0xc5: {  	[sflag:s12] =	ssyncadd.s32 $0xFFFFFE00  }
0xc6: {  	[spmem:s1] =	stream.indirect.scatter.add.f32 [tilespmem:s29], [sflag:$0x4], $0x1, s16, s21, $0xb8;
	[tilespmem:$0x11D00] =	vst v63  }
0xc7: {  	_ =	swait.ge [sflag:s11], $0x200  }
0xc8: {  	[sflag:s11] =	ssyncset.done $0x0  }
0xc9: {  	s17 =	simm.s32 $0x9A00;
	[sflag:s11] =	ssyncadd.s32 $0xFFFFFE00  }
0xca: {  	[spmem:s0] =	stream.indirect.scatter.add.f32 [tilespmem:s2], [sflag:$0x3], $0x1, s17, s21, $0xb8;
	[tilespmem:$0x11D00] =	vst v63  }
0xcb: {  	_ =	swait.ge [sflag:s12], $0x200  }
0xcc: {  	[sflag:s12] =	ssyncset.done $0x0  }
0xcd: {  	[sflag:s12] =	ssyncadd.s32 $0xFFFFFE00  }
0xce: {  	[spmem:s1] =	stream.indirect.scatter.add.f32 [tilespmem:s4], [sflag:$0x4], $0x1, s17, s21, $0xb8;
	[tilespmem:$0x11D00] =	vst v63  }
0xcf: {  	_ =	swait.ge [sflag:s11], $0x200  }
0xd0: {  	[sflag:s11] =	ssyncset.done $0x0  }
0xd1: {  	s18 =	simm.s32 $0x9C00;
	[sflag:s11] =	ssyncadd.s32 $0xFFFFFE00  }
0xd2: {  	[spmem:s0] =	stream.indirect.scatter.add.f32 [tilespmem:s19], [sflag:$0x3], $0x1, s18, s21, $0xb8;
	[tilespmem:$0x11D00] =	vst v63  }
0xd3: {  	_ =	swait.ge [sflag:s12], $0x200  }
0xd4: {  	[sflag:s12] =	ssyncset.done $0x0  }
0xd5: {  	[sflag:s12] =	ssyncadd.s32 $0xFFFFFE00  }
0xd6: {  	[spmem:s1] =	stream.indirect.scatter.add.f32 [tilespmem:s20], [sflag:$0x4], $0x1, s18, s21, $0xb8;
	[tilespmem:$0x11D00] =	vst v63  }
0xd7: {  	_ =	swait.ge [sflag:s11], $0x200  }
0xd8: {  	[sflag:s11] =	ssyncset.done $0x0  }
0xd9: {  	s19 =	simm.s32 $0x9E00;
	[sflag:s11] =	ssyncadd.s32 $0xFFFFFE00  }
0xda: {  	[spmem:s0] =	stream.indirect.scatter.add.f32 [tilespmem:s30], [sflag:$0x3], $0x1, s19, s21, $0xb8;
	[tilespmem:$0x11D00] =	vst v63  }
0xdb: {  	_ =	swait.ge [sflag:s12], $0x200  }
0xdc: {  	[sflag:s12] =	ssyncset.done $0x0  }
0xdd: {  	[sflag:s12] =	ssyncadd.s32 $0xFFFFFE00  }
0xde: {  	[spmem:s1] =	stream.indirect.scatter.add.f32 [tilespmem:s31], [sflag:$0x4], $0x1, s19, s21, $0xb8;
	[tilespmem:$0x11D00] =	vst v63  }
0xdf: {  	_ =	swait.ge [sflag:s11], $0x200  }
0xe0: {  	[sflag:s11] =	ssyncset.done $0x0  }
0xe1: {  	s22 =	simm.s32 $0xC800;
	s20 =	simm.s32 $0xA000;
	[sflag:s11] =	ssyncadd.s32 $0xFFFFFE00  }
0xe2: {  	[spmem:s0] =	stream.indirect.scatter.add.f32 [tilespmem:s22], [sflag:$0x3], $0x1, s20, s21, $0xb8;
	[tilespmem:$0x11D00] =	vst v63  }
0xe3: {  	_ =	swait.ge [sflag:s12], $0x200  }
0xe4: {  	[sflag:s12] =	ssyncset.done $0x0  }
0xe5: {  	s23 =	simm.s32 $0xF000;
	[sflag:s12] =	ssyncadd.s32 $0xFFFFFE00  }
0xe6: {  	[spmem:s1] =	stream.indirect.scatter.add.f32 [tilespmem:s23], [sflag:$0x4], $0x1, s20, s21, $0xb8;
	[tilespmem:$0x11D00] =	vst v63  }
0xe7: {  	_ =	swait.ge [sflag:s11], $0x200  }
0xe8: {  	[sflag:s11] =	ssyncset.done $0x0  }
0xe9: {  	s24 =	simm.s32 $0xA200;
	s25 =	simm.s32 $0xCA00;
	[sflag:s11] =	ssyncadd.s32 $0xFFFFFE00  }
0xea: {  	[spmem:s0] =	stream.indirect.scatter.add.f32 [tilespmem:s25], [sflag:$0x3], $0x1, s24, s21, $0xb8;
	[tilespmem:$0x11D00] =	vst v63  }
0xeb: {  	_ =	swait.ge [sflag:s12], $0x200  }
0xec: {  	[sflag:s12] =	ssyncset.done $0x0  }
0xed: {  	s26 =	simm.s32 $0xF200;
	[sflag:s12] =	ssyncadd.s32 $0xFFFFFE00  }
0xee: {  	[spmem:s1] =	stream.indirect.scatter.add.f32 [tilespmem:s26], [sflag:$0x4], $0x1, s24, s21, $0xb8;
	[tilespmem:$0x11D00] =	vst v63  }
0xef: {  	_ =	swait.ge [sflag:s11], $0x200  }
0xf0: {  	[sflag:s11] =	ssyncset.done $0x0  }
0xf1: {  	s28 =	simm.s32 $0xA400;
	s29 =	simm.s32 $0xCC00;
	[sflag:s11] =	ssyncadd.s32 $0xFFFFFE00  }
0xf2: {  	[spmem:s0] =	stream.indirect.scatter.add.f32 [tilespmem:s29], [sflag:$0x3], $0x1, s28, s21, $0xb8;
	[tilespmem:$0x11D00] =	vst v63  }
0xf3: {  	_ =	swait.ge [sflag:s12], $0x200  }
0xf4: {  	[sflag:s12] =	ssyncset.done $0x0  }
0xf5: {  	s30 =	simm.s32 $0xF400;
	[sflag:s12] =	ssyncadd.s32 $0xFFFFFE00  }
0xf6: {  	[spmem:s1] =	stream.indirect.scatter.add.f32 [tilespmem:s30], [sflag:$0x4], $0x1, s28, s21, $0xb8;
	[tilespmem:$0x11D00] =	vst v63  }
0xf7: {  	_ =	swait.ge [sflag:s11], $0x200  }
0xf8: {  	[sflag:s11] =	ssyncset.done $0x0  }
0xf9: {  	s6 =	simm.s32 $0xCE00;
	s31 =	simm.s32 $0xA600;
	[sflag:s11] =	ssyncadd.s32 $0xFFFFFE00  }
0xfa: {  	[spmem:s0] =	stream.indirect.scatter.add.f32 [tilespmem:s6], [sflag:$0x3], $0x1, s31, s21, $0xb8;
	[tilespmem:$0x11D00] =	vst v63  }
0xfb: {  	_ =	swait.ge [sflag:s12], $0x200  }
0xfc: {  	[sflag:s12] =	ssyncset.done $0x0  }
0xfd: {  	s8 =	simm.s32 $0xF600;
	[sflag:s12] =	ssyncadd.s32 $0xFFFFFE00  }
0xfe: {  	[spmem:s1] =	stream.indirect.scatter.add.f32 [tilespmem:s8], [sflag:$0x4], $0x1, s31, s21, $0xb8;
	[tilespmem:$0x11D00] =	vst v63  }
0xff: {  	_ =	swait.ge [sflag:s11], $0x200  }
0x100: {  	[sflag:s11] =	ssyncset.done $0x0  }
0x101: {  	s9 =	simm.s32 $0xA800;
	s13 =	simm.s32 $0xD000;
	[sflag:s11] =	ssyncadd.s32 $0xFFFFFE00  }
0x102: {  	[spmem:s0] =	stream.indirect.scatter.add.f32 [tilespmem:s13], [sflag:$0x3], $0x1, s9, s21, $0xb8;
	[tilespmem:$0x11D00] =	vst v63  }
0x103: {  	_ =	swait.ge [sflag:s12], $0x200  }
0x104: {  	[sflag:s12] =	ssyncset.done $0x0  }
0x105: {  	s15 =	simm.s32 $0xF800;
	[sflag:s12] =	ssyncadd.s32 $0xFFFFFE00  }
0x106: {  	[spmem:s1] =	stream.indirect.scatter.add.f32 [tilespmem:s15], [sflag:$0x4], $0x1, s9, s21, $0xb8;
	[tilespmem:$0x11D00] =	vst v63  }
0x107: {  	_ =	swait.ge [sflag:s11], $0x200  }
0x108: {  	[sflag:s11] =	ssyncset.done $0x0  }
0x109: {  	s16 =	simm.s32 $0xAA00;
	s17 =	simm.s32 $0xD200;
	[sflag:s11] =	ssyncadd.s32 $0xFFFFFE00  }
0x10a: {  	[spmem:s0] =	stream.indirect.scatter.add.f32 [tilespmem:s17], [sflag:$0x3], $0x1, s16, s21, $0xb8;
	[tilespmem:$0x11D00] =	vst v63  }
0x10b: {  	_ =	swait.ge [sflag:s12], $0x200  }
0x10c: {  	[sflag:s12] =	ssyncset.done $0x0  }
0x10d: {  	s18 =	simm.s32 $0xFA00;
	[sflag:s12] =	ssyncadd.s32 $0xFFFFFE00  }
0x10e: {  	[spmem:s1] =	stream.indirect.scatter.add.f32 [tilespmem:s18], [sflag:$0x4], $0x1, s16, s21, $0xb8;
	[tilespmem:$0x11D00] =	vst v63  }
0x10f: {  	_ =	swait.ge [sflag:s11], $0x200  }
0x110: {  	[sflag:s11] =	ssyncset.done $0x0  }
0x111: {  	s19 =	simm.s32 $0xAC00;
	s20 =	simm.s32 $0xD400;
	[sflag:s11] =	ssyncadd.s32 $0xFFFFFE00  }
0x112: {  	[spmem:s0] =	stream.indirect.scatter.add.f32 [tilespmem:s20], [sflag:$0x3], $0x1, s19, s21, $0xb8;
	[tilespmem:$0x11D00] =	vst v63  }
0x113: {  	_ =	swait.ge [sflag:s12], $0x200  }
0x114: {  	[sflag:s12] =	ssyncset.done $0x0  }
0x115: {  	s22 =	simm.s32 $0xFC00;
	[sflag:s12] =	ssyncadd.s32 $0xFFFFFE00  }
0x116: {  	[spmem:s1] =	stream.indirect.scatter.add.f32 [tilespmem:s22], [sflag:$0x4], $0x1, s19, s21, $0xb8;
	[tilespmem:$0x11D00] =	vst v63  }
0x117: {  	_ =	swait.ge [sflag:s11], $0x200  }
0x118: {  	[sflag:s11] =	ssyncset.done $0x0  }
0x119: {  	s23 =	simm.s32 $0xAE00;
	s24 =	simm.s32 $0xD600;
	[sflag:s11] =	ssyncadd.s32 $0xFFFFFE00  }
0x11a: {  	[spmem:s0] =	stream.indirect.scatter.add.f32 [tilespmem:s24], [sflag:$0x3], $0x1, s23, s21, $0xb8;
	[tilespmem:$0x11D00] =	vst v63  }
0x11b: {  	_ =	swait.ge [sflag:s12], $0x200  }
0x11c: {  	[sflag:s12] =	ssyncset.done $0x0  }
0x11d: {  	s25 =	simm.s32 $0xFE00;
	[sflag:s12] =	ssyncadd.s32 $0xFFFFFE00  }
0x11e: {  	[spmem:s1] =	stream.indirect.scatter.add.f32 [tilespmem:s25], [sflag:$0x4], $0x1, s23, s21, $0xb8;
	[tilespmem:$0x11D00] =	vst v63  }
0x11f: {  	_ =	swait.ge [sflag:s11], $0x200  }
0x120: {  	[sflag:s11] =	ssyncset.done $0x0  }
0x121: {  	s26 =	simm.s32 $0xB000;
	s28 =	simm.s32 $0xD800;
	[sflag:s11] =	ssyncadd.s32 $0xFFFFFE00  }
0x122: {  	[spmem:s0] =	stream.indirect.scatter.add.f32 [tilespmem:s28], [sflag:$0x3], $0x1, s26, s21, $0xb8;
	[tilespmem:$0x11D00] =	vst v63  }
0x123: {  	_ =	swait.ge [sflag:s12], $0x200  }
0x124: {  	[sflag:s12] =	ssyncset.done $0x0  }
0x125: {  	s29 =	simm.s32 $0x10000;
	[sflag:s12] =	ssyncadd.s32 $0xFFFFFE00  }
0x126: {  	[spmem:s1] =	stream.indirect.scatter.add.f32 [tilespmem:s29], [sflag:$0x4], $0x1, s26, s21, $0xb8;
	[tilespmem:$0x11D00] =	vst v63  }
0x127: {  	_ =	swait.ge [sflag:s11], $0x200  }
0x128: {  	[sflag:s11] =	ssyncset.done $0x0  }
0x129: {  	s30 =	simm.s32 $0xB200;
	s31 =	simm.s32 $0xDA00;
	[sflag:s11] =	ssyncadd.s32 $0xFFFFFE00  }
0x12a: {  	[spmem:s0] =	stream.indirect.scatter.add.f32 [tilespmem:s31], [sflag:$0x3], $0x1, s30, s21, $0xb8;
	[tilespmem:$0x11D00] =	vst v63  }
0x12b: {  	_ =	swait.ge [sflag:s12], $0x200  }
0x12c: {  	[sflag:s12] =	ssyncset.done $0x0  }
0x12d: {  	s14 =	simm.s32 $0x10200;
	[sflag:s12] =	ssyncadd.s32 $0xFFFFFE00  }
0x12e: {  	[spmem:s1] =	stream.indirect.scatter.add.f32 [tilespmem:s14], [sflag:$0x4], $0x1, s30, s21, $0xb8;
	[tilespmem:$0x11D00] =	vst v63  }
0x12f: {  	_ =	swait.ge [sflag:s7], $0x200  }
0x130: {  	[sflag:s7] =	ssyncset.done $0x0  }
0x131: {  	[sflag:s7] =	ssyncadd.s32 $0xFFFFFE00  }
0x132: {  	_ =	swait.ge [sflag:s10], $0x200  }
0x133: {  	[sflag:s10] =	ssyncset.done $0x0  }
0x134: {  	[sflag:s10] =	ssyncadd.s32 $0xFFFFFE00  }
0x135: {  	_ =	swait.ge [sflag:s7], $0x200  }
0x136: {  	[sflag:s7] =	ssyncset.done $0x0  }
0x137: {  	[sflag:s7] =	ssyncadd.s32 $0xFFFFFE00  }
0x138: {  	_ =	swait.ge [sflag:s10], $0x200  }
0x139: {  	[sflag:s10] =	ssyncset.done $0x0  }
0x13a: {  	[sflag:s10] =	ssyncadd.s32 $0xFFFFFE00  }
0x13b: {  	_ =	swait.ge [sflag:s7], $0x200  }
0x13c: {  	[sflag:s7] =	ssyncset.done $0x0  }
0x13d: {  	[sflag:s7] =	ssyncadd.s32 $0xFFFFFE00  }
0x13e: {  	_ =	swait.ge [sflag:s10], $0x200  }
0x13f: {  	[sflag:s10] =	ssyncset.done $0x0  }
0x140: {  	[sflag:s10] =	ssyncadd.s32 $0xFFFFFE00  }
0x141: {  	_ =	swait.ge [sflag:s7], $0x200  }
0x142: {  	[sflag:s7] =	ssyncset.done $0x0  }
0x143: {  	[sflag:s7] =	ssyncadd.s32 $0xFFFFFE00  }
0x144: {  	_ =	swait.ge [sflag:s10], $0x200  }
0x145: {  	[sflag:s10] =	ssyncset.done $0x0  }
0x146: {  	[sflag:s10] =	ssyncadd.s32 $0xFFFFFE00  }
0x147: {  	_ =	swait.ge [sflag:s7], $0x200  }
0x148: {  	[sflag:s7] =	ssyncset.done $0x0  }
0x149: {  	[sflag:s7] =	ssyncadd.s32 $0xFFFFFE00  }
0x14a: {  	_ =	swait.ge [sflag:s10], $0x200  }
0x14b: {  	[sflag:s10] =	ssyncset.done $0x0  }
0x14c: {  	[sflag:s10] =	ssyncadd.s32 $0xFFFFFE00  }
0x14d: {  	_ =	swait.ge [sflag:s7], $0x200  }
0x14e: {  	[sflag:s7] =	ssyncset.done $0x0  }
0x14f: {  	[sflag:s7] =	ssyncadd.s32 $0xFFFFFE00  }
0x150: {  	_ =	swait.ge [sflag:s10], $0x200  }
0x151: {  	[sflag:s10] =	ssyncset.done $0x0  }
0x152: {  	[sflag:s10] =	ssyncadd.s32 $0xFFFFFE00  }
0x153: {  	_ =	swait.ge [sflag:s7], $0x200  }
0x154: {  	[sflag:s7] =	ssyncset.done $0x0  }
0x155: {  	[sflag:s7] =	ssyncadd.s32 $0xFFFFFE00  }
0x156: {  	_ =	swait.ge [sflag:s10], $0x200  }
0x157: {  	[sflag:s10] =	ssyncset.done $0x0  }
0x158: {  	[sflag:s10] =	ssyncadd.s32 $0xFFFFFE00  }
0x159: {  	_ =	swait.ge [sflag:s7], $0x200  }
0x15a: {  	[sflag:s7] =	ssyncset.done $0x0  }
0x15b: {  	[sflag:s7] =	ssyncadd.s32 $0xFFFFFE00  }
0x15c: {  	_ =	swait.ge [sflag:s10], $0x200  }
0x15d: {  	[sflag:s10] =	ssyncset.done $0x0  }
0x15e: {  	[sflag:s10] =	ssyncadd.s32 $0xFFFFFE00  }
0x15f: {  	_ =	swait.ge [sflag:s7], $0x200  }
0x160: {  	[sflag:s7] =	ssyncset.done $0x0  }
0x161: {  	[sflag:s7] =	ssyncadd.s32 $0xFFFFFE00  }
0x162: {  	_ =	swait.ge [sflag:s10], $0x200  }
0x163: {  	[sflag:s10] =	ssyncset.done $0x0  }
0x164: {  	[sflag:s10] =	ssyncadd.s32 $0xFFFFFE00  }
0x165: {  	_ =	swait.ge [sflag:s7], $0x200  }
0x166: {  	[sflag:s7] =	ssyncset.done $0x0  }
0x167: {  	[sflag:s7] =	ssyncadd.s32 $0xFFFFFE00  }
0x168: {  	_ =	swait.ge [sflag:s10], $0x200  }
0x169: {  	[sflag:s10] =	ssyncset.done $0x0  }
0x16a: {  	[sflag:s10] =	ssyncadd.s32 $0xFFFFFE00  }
0x16b: {  	_ =	swait.ge [sflag:s7], $0x200  }
0x16c: {  	[sflag:s7] =	ssyncset.done $0x0  }
0x16d: {  	[sflag:s7] =	ssyncadd.s32 $0xFFFFFE00  }
0x16e: {  	_ =	swait.ge [sflag:s10], $0x200  }
0x16f: {  	[sflag:s10] =	ssyncset.done $0x0  }
0x170: {  	[sflag:s10] =	ssyncadd.s32 $0xFFFFFE00  }
0x171: {  	_ =	swait.ge [sflag:s7], $0x200  }
0x172: {  	[sflag:s7] =	ssyncset.done $0x0  }
0x173: {  	[sflag:s7] =	ssyncadd.s32 $0xFFFFFE00  }
0x174: {  	_ =	swait.ge [sflag:s10], $0x200  }
0x175: {  	[sflag:s10] =	ssyncset.done $0x0  }
0x176: {  	[sflag:s10] =	ssyncadd.s32 $0xFFFFFE00  }
0x177: {  	_ =	swait.ge [sflag:s7], $0x200  }
0x178: {  	[sflag:s7] =	ssyncset.done $0x0  }
0x179: {  	[sflag:s7] =	ssyncadd.s32 $0xFFFFFE00  }
0x17a: {  	_ =	swait.ge [sflag:s10], $0x200  }
0x17b: {  	[sflag:s10] =	ssyncset.done $0x0  }
0x17c: {  	[sflag:s10] =	ssyncadd.s32 $0xFFFFFE00  }
0x17d: {  	_ =	swait.ge [sflag:s7], $0x200  }
0x17e: {  	[sflag:s7] =	ssyncset.done $0x0  }
0x17f: {  	[sflag:s7] =	ssyncadd.s32 $0xFFFFFE00  }
0x180: {  	_ =	swait.ge [sflag:s10], $0x200  }
0x181: {  	[sflag:s10] =	ssyncset.done $0x0  }
0x182: {  	[sflag:s10] =	ssyncadd.s32 $0xFFFFFE00  }
0x183: {  	_ =	swait.ge [sflag:s7], $0x200  }
0x184: {  	[sflag:s7] =	ssyncset.done $0x0  }
0x185: {  	[sflag:s7] =	ssyncadd.s32 $0xFFFFFE00  }
0x186: {  	_ =	swait.ge [sflag:s10], $0x200  }
0x187: {  	[sflag:s10] =	ssyncset.done $0x0  }
0x188: {  	[sflag:s10] =	ssyncadd.s32 $0xFFFFFE00  }
0x189: {  	_ =	swait.ge [sflag:s7], $0x200  }
0x18a: {  	[sflag:s7] =	ssyncset.done $0x0  }
0x18b: {  	[sflag:s7] =	ssyncadd.s32 $0xFFFFFE00  }
0x18c: {  	_ =	swait.ge [sflag:s10], $0x200  }
0x18d: {  	[sflag:s10] =	ssyncset.done $0x0  }
0x18e: {  	[sflag:s10] =	ssyncadd.s32 $0xFFFFFE00  }
0x18f: {  	_ =	swait.ge [sflag:s7], $0x200  }
0x190: {  	[sflag:s7] =	ssyncset.done $0x0  }
0x191: {  	[sflag:s7] =	ssyncadd.s32 $0xFFFFFE00  }
0x192: {  	_ =	swait.ge [sflag:s10], $0x200  }
0x193: {  	[sflag:s10] =	ssyncset.done $0x0  }
0x194: {  	[sflag:s10] =	ssyncadd.s32 $0xFFFFFE00  }
0x195: {  	_ =	swait.ge [sflag:s7], $0x200  }
0x196: {  	[sflag:s7] =	ssyncset.done $0x0  }
0x197: {  	[sflag:s7] =	ssyncadd.s32 $0xFFFFFE00  }
0x198: {  	_ =	swait.ge [sflag:s10], $0x200  }
0x199: {  	[sflag:s10] =	ssyncset.done $0x0  }
0x19a: {  	[sflag:s10] =	ssyncadd.s32 $0xFFFFFE00  }
0x19b: {  	_ =	swait.ge [sflag:s7], $0x200  }
0x19c: {  	[sflag:s7] =	ssyncset.done $0x0  }
0x19d: {  	[sflag:s7] =	ssyncadd.s32 $0xFFFFFE00  }
0x19e: {  	_ =	swait.ge [sflag:s10], $0x200  }
0x19f: {  	[sflag:s10] =	ssyncset.done $0x0  }
0x1a0: {  	[sflag:s10] =	ssyncadd.s32 $0xFFFFFE00  }
0x1a1: {  	_ =	swait.ge [sflag:s7], $0x200  }
0x1a2: {  	[sflag:s7] =	ssyncset.done $0x0  }
0x1a3: {  	[sflag:s7] =	ssyncadd.s32 $0xFFFFFE00  }
0x1a4: {  	s13 =	simm.s32 $0x500;
	_ =	swait.ge [sflag:s10], $0x200  }
0x1a5: {  	s14 =	simm.s32 $0xA00;
	s15 =	rddreg [dreg:$0x7];
	[sflag:s10] =	ssyncset.done $0x0  }
.LBB2_2:
0x1a6: {  	[sflag:s10] =	ssyncadd.s32 $0xFFFFFE00;
	s15 =	sadd.s32 s13, s15  }
0x1a7: {  	s8 =	simm.s32 $0x0;
	s2 =	simm.s32 $0x6400;
	s4 =	simm.s32 $0x5  }
0x1a8: {  	[tilespmem:s2], [sflag:$0x5] =	stream.linear.gather [hbm4b:s15+s8], $0x2800, $0x38;
	[tilespmem:$0x11D00] =	vst v63  }
0x1a9: {  	_ =	swait.ge [sflag:s4], $0x2800  }
0x1aa: {  	s29 =	rddreg [dreg:$0x6];
	[sflag:s4] =	ssyncset.done $0x0  }
0x1ab: {  	s18 =	simm.s32 $0x8C00;
	[sflag:s4] =	ssyncadd.s32 $0xFFFFD800;
	s15 =	sadd.s32 s13, s29  }
0x1ac: {  	[tilespmem:s18], [sflag:$0x5] =	stream.linear.gather [hbm4b:s15+s8], $0x2800, $0x38;
	[tilespmem:$0x11D00] =	vst v63  }
0x1ad: {  	_ =	swait.ge [sflag:s4], $0x2800  }
0x1ae: {  	[sflag:s4] =	ssyncset.done $0x0  }
0x1af: {  	s8 =	simm.s32 $0xB400;
	[sflag:s4] =	ssyncadd.s32 $0xFFFFD800  }
0x1b0: {  	[tilespmem:s8], [sflag:$0x1] =	stream.indirect.gather [spmem:s3], $0x1, s2, s21, $0xb8;
	[tilespmem:$0x11D00] =	vst v63  }
0x1b1: {  	s15 =	simm.s32 $0xDC00  }
0x1b2: {  	[tilespmem:s15], [sflag:$0x2] =	stream.indirect.gather [spmem:s5], $0x1, s2, s21, $0xb8;
	[tilespmem:$0x11D00] =	vst v63  }
0x1b3: {  	s30 =	simm.s32 $0x6600;
	s9 =	simm.s32 $0xB600  }
0x1b4: {  	[tilespmem:s9], [sflag:$0x1] =	stream.indirect.gather [spmem:s3], $0x1, s30, s21, $0xb8;
	[tilespmem:$0x11D00] =	vst v63  }
0x1b5: {  	s17 =	simm.s32 $0xDE00  }
0x1b6: {  	[tilespmem:s17], [sflag:$0x2] =	stream.indirect.gather [spmem:s5], $0x1, s30, s21, $0xb8;
	[tilespmem:$0x11D00] =	vst v63  }
0x1b7: {  	s31 =	simm.s32 $0x6800;
	s6 =	simm.s32 $0xB800  }
0x1b8: {  	[tilespmem:s6], [sflag:$0x1] =	stream.indirect.gather [spmem:s3], $0x1, s31, s21, $0xb8;
	[tilespmem:$0x11D00] =	vst v63  }
0x1b9: {  	s22 =	simm.s32 $0xE000  }
0x1ba: {  	[tilespmem:s22], [sflag:$0x2] =	stream.indirect.gather [spmem:s5], $0x1, s31, s21, $0xb8;
	[tilespmem:$0x11D00] =	vst v63  }
0x1bb: {  	s0 =	simm.s32 $0x6A00;
	s23 =	simm.s32 $0xBA00  }
0x1bc: {  	[tilespmem:s23], [sflag:$0x1] =	stream.indirect.gather [spmem:s3], $0x1, s0, s21, $0xb8;
	[tilespmem:$0x11D00] =	vst v63  }
0x1bd: {  	s24 =	simm.s32 $0xE200  }
0x1be: {  	[tilespmem:s24], [sflag:$0x2] =	stream.indirect.gather [spmem:s5], $0x1, s0, s21, $0xb8;
	[tilespmem:$0x11D00] =	vst v63  }
0x1bf: {  	s25 =	simm.s32 $0xBC00;
	s2 =	simm.s32 $0x6C00  }
0x1c0: {  	[tilespmem:s25], [sflag:$0x1] =	stream.indirect.gather [spmem:s3], $0x1, s2, s21, $0xb8;
	[tilespmem:$0x11D00] =	vst v63  }
0x1c1: {  	s26 =	simm.s32 $0xE400  }
0x1c2: {  	[tilespmem:s26], [sflag:$0x2] =	stream.indirect.gather [spmem:s5], $0x1, s2, s21, $0xb8;
	[tilespmem:$0x11D00] =	vst v63  }
0x1c3: {  	s28 =	simm.s32 $0xBE00;
	s4 =	simm.s32 $0x6E00  }
0x1c4: {  	[tilespmem:s28], [sflag:$0x1] =	stream.indirect.gather [spmem:s3], $0x1, s4, s21, $0xb8;
	[tilespmem:$0x11D00] =	vst v63  }
0x1c5: {  	s29 =	simm.s32 $0xE600  }
0x1c6: {  	[tilespmem:s29], [sflag:$0x2] =	stream.indirect.gather [spmem:s5], $0x1, s4, s21, $0xb8;
	[tilespmem:$0x11D00] =	vst v63  }
0x1c7: {  	s19 =	simm.s32 $0x7000;
	s30 =	simm.s32 $0xC000  }
0x1c8: {  	[tilespmem:s30], [sflag:$0x1] =	stream.indirect.gather [spmem:s3], $0x1, s19, s21, $0xb8;
	[tilespmem:$0x11D00] =	vst v63  }
0x1c9: {  	s31 =	simm.s32 $0xE800  }
0x1ca: {  	[tilespmem:s31], [sflag:$0x2] =	stream.indirect.gather [spmem:s5], $0x1, s19, s21, $0xb8;
	[tilespmem:$0x11D00] =	vst v63  }
0x1cb: {  	s20 =	simm.s32 $0x7200;
	s2 =	simm.s32 $0xC200  }
0x1cc: {  	[tilespmem:s2], [sflag:$0x1] =	stream.indirect.gather [spmem:s3], $0x1, s20, s21, $0xb8;
	[tilespmem:$0x11D00] =	vst v63  }
0x1cd: {  	s4 =	simm.s32 $0xEA00  }
0x1ce: {  	[tilespmem:s4], [sflag:$0x2] =	stream.indirect.gather [spmem:s5], $0x1, s20, s21, $0xb8;
	[tilespmem:$0x11D00] =	vst v63  }
0x1cf: {  	s0 =	simm.s32 $0x7400;
	s19 =	simm.s32 $0xC400  }
0x1d0: {  	[tilespmem:s19], [sflag:$0x1] =	stream.indirect.gather [spmem:s3], $0x1, s0, s21, $0xb8;
	[tilespmem:$0x11D00] =	vst v63  }
0x1d1: {  	s16 =	smov.u32 s14;
	s20 =	simm.s32 $0xEC00  }
0x1d2: {  	[tilespmem:s20], [sflag:$0x2] =	stream.indirect.gather [spmem:s5], $0x1, s0, s21, $0xb8;
	[tilespmem:$0x11D00] =	vst v63  }
0x1d3: {  	s13 =	smov.u32 s16;
	s16 =	simm.s32 $0x7600;
	s0 =	simm.s32 $0xC600  }
0x1d4: {  	[tilespmem:s0], [sflag:$0x1] =	stream.indirect.gather [spmem:s3], $0x1, s16, s21, $0xb8;
	[tilespmem:$0x11D00] =	vst v63  }
0x1d5: {  	s0 =	simm.s32 $0xEE00  }
0x1d6: {  	[tilespmem:s0], [sflag:$0x2] =	stream.indirect.gather [spmem:s5], $0x1, s16, s21, $0xb8;
	[tilespmem:$0x11D00] =	vst v63  }
0x1d7: {  	s16 =	simm.s32 $0x7800;
	s0 =	simm.s32 $0xC800  }
0x1d8: {  	[tilespmem:s0], [sflag:$0x1] =	stream.indirect.gather [spmem:s3], $0x1, s16, s21, $0xb8;
	[tilespmem:$0x11D00] =	vst v63  }
0x1d9: {  	s0 =	simm.s32 $0xF000  }
0x1da: {  	[tilespmem:s0], [sflag:$0x2] =	stream.indirect.gather [spmem:s5], $0x1, s16, s21, $0xb8;
	[tilespmem:$0x11D00] =	vst v63  }
0x1db: {  	s16 =	simm.s32 $0x7A00;
	s0 =	simm.s32 $0xCA00  }
0x1dc: {  	[tilespmem:s0], [sflag:$0x1] =	stream.indirect.gather [spmem:s3], $0x1, s16, s21, $0xb8;
	[tilespmem:$0x11D00] =	vst v63  }
0x1dd: {  	s0 =	simm.s32 $0xF200  }
0x1de: {  	[tilespmem:s0], [sflag:$0x2] =	stream.indirect.gather [spmem:s5], $0x1, s16, s21, $0xb8;
	[tilespmem:$0x11D00] =	vst v63  }
0x1df: {  	s16 =	simm.s32 $0x7C00;
	s0 =	simm.s32 $0xCC00  }
0x1e0: {  	[tilespmem:s0], [sflag:$0x1] =	stream.indirect.gather [spmem:s3], $0x1, s16, s21, $0xb8;
	[tilespmem:$0x11D00] =	vst v63  }
0x1e1: {  	s0 =	simm.s32 $0xF400  }
0x1e2: {  	[tilespmem:s0], [sflag:$0x2] =	stream.indirect.gather [spmem:s5], $0x1, s16, s21, $0xb8;
	[tilespmem:$0x11D00] =	vst v63  }
0x1e3: {  	s16 =	simm.s32 $0x7E00;
	s0 =	simm.s32 $0xCE00  }
0x1e4: {  	[tilespmem:s0], [sflag:$0x1] =	stream.indirect.gather [spmem:s3], $0x1, s16, s21, $0xb8;
	[tilespmem:$0x11D00] =	vst v63  }
0x1e5: {  	s0 =	simm.s32 $0xF600  }
0x1e6: {  	[tilespmem:s0], [sflag:$0x2] =	stream.indirect.gather [spmem:s5], $0x1, s16, s21, $0xb8;
	[tilespmem:$0x11D00] =	vst v63  }
0x1e7: {  	s16 =	simm.s32 $0x8000;
	s0 =	simm.s32 $0xD000  }
0x1e8: {  	[tilespmem:s0], [sflag:$0x1] =	stream.indirect.gather [spmem:s3], $0x1, s16, s21, $0xb8;
	[tilespmem:$0x11D00] =	vst v63  }
0x1e9: {  	s0 =	simm.s32 $0xF800  }
0x1ea: {  	[tilespmem:s0], [sflag:$0x2] =	stream.indirect.gather [spmem:s5], $0x1, s16, s21, $0xb8;
	[tilespmem:$0x11D00] =	vst v63  }
0x1eb: {  	s16 =	simm.s32 $0x8200;
	s0 =	simm.s32 $0xD200  }
0x1ec: {  	[tilespmem:s0], [sflag:$0x1] =	stream.indirect.gather [spmem:s3], $0x1, s16, s21, $0xb8;
	[tilespmem:$0x11D00] =	vst v63  }
0x1ed: {  	s0 =	simm.s32 $0xFA00  }
0x1ee: {  	[tilespmem:s0], [sflag:$0x2] =	stream.indirect.gather [spmem:s5], $0x1, s16, s21, $0xb8;
	[tilespmem:$0x11D00] =	vst v63  }
0x1ef: {  	s16 =	simm.s32 $0x8400;
	s0 =	simm.s32 $0xD400  }
0x1f0: {  	[tilespmem:s0], [sflag:$0x1] =	stream.indirect.gather [spmem:s3], $0x1, s16, s21, $0xb8;
	[tilespmem:$0x11D00] =	vst v63  }
0x1f1: {  	s0 =	simm.s32 $0xFC00  }
0x1f2: {  	[tilespmem:s0], [sflag:$0x2] =	stream.indirect.gather [spmem:s5], $0x1, s16, s21, $0xb8;
	[tilespmem:$0x11D00] =	vst v63  }
0x1f3: {  	s16 =	simm.s32 $0x8600;
	s0 =	simm.s32 $0xD600  }
0x1f4: {  	[tilespmem:s0], [sflag:$0x1] =	stream.indirect.gather [spmem:s3], $0x1, s16, s21, $0xb8;
	[tilespmem:$0x11D00] =	vst v63  }
0x1f5: {  	s0 =	simm.s32 $0xFE00  }
0x1f6: {  	[tilespmem:s0], [sflag:$0x2] =	stream.indirect.gather [spmem:s5], $0x1, s16, s21, $0xb8;
	[tilespmem:$0x11D00] =	vst v63  }
0x1f7: {  	s16 =	simm.s32 $0x8800;
	s0 =	simm.s32 $0xD800  }
0x1f8: {  	[tilespmem:s0], [sflag:$0x1] =	stream.indirect.gather [spmem:s3], $0x1, s16, s21, $0xb8;
	[tilespmem:$0x11D00] =	vst v63  }
0x1f9: {  	s0 =	simm.s32 $0x10000  }
0x1fa: {  	[tilespmem:s0], [sflag:$0x2] =	stream.indirect.gather [spmem:s5], $0x1, s16, s21, $0xb8;
	[tilespmem:$0x11D00] =	vst v63  }
0x1fb: {  	s16 =	simm.s32 $0x8A00;
	s0 =	simm.s32 $0xDA00  }
0x1fc: {  	[tilespmem:s0], [sflag:$0x1] =	stream.indirect.gather [spmem:s3], $0x1, s16, s21, $0xb8;
	[tilespmem:$0x11D00] =	vst v63  }
0x1fd: {  	s0 =	simm.s32 $0x10200  }
0x1fe: {  	[tilespmem:s0], [sflag:$0x2] =	stream.indirect.gather [spmem:s5], $0x1, s16, s21, $0xb8;
	[tilespmem:$0x11D00] =	vst v63  }
0x1ff: {  	_ =	swait.ge [sflag:s11], $0x200  }
0x200: {  	[sflag:s11] =	ssyncset.done $0x0  }
0x201: {  	[sflag:s11] =	ssyncadd.s32 $0xFFFFFE00  }
0x202: {  	s0 =	rddreg [dreg:$0x1]  }
0x203: {  	[spmem:s0] =	stream.indirect.scatter.add.f32 [tilespmem:s8], [sflag:$0x3], $0x1, s18, s21, $0xb8;
	[tilespmem:$0x11D00] =	vst v63  }
0x204: {  	_ =	swait.ge [sflag:s12], $0x200  }
0x205: {  	[sflag:s12] =	ssyncset.done $0x0  }
0x206: {  	[sflag:s12] =	ssyncadd.s32 $0xFFFFFE00  }
0x207: {  	[spmem:s1] =	stream.indirect.scatter.add.f32 [tilespmem:s15], [sflag:$0x4], $0x1, s18, s21, $0xb8;
	[tilespmem:$0x11D00] =	vst v63  }
0x208: {  	_ =	swait.ge [sflag:s11], $0x200  }
0x209: {  	[sflag:s11] =	ssyncset.done $0x0  }
0x20a: {  	s15 =	simm.s32 $0x8E00;
	[sflag:s11] =	ssyncadd.s32 $0xFFFFFE00  }
0x20b: {  	[spmem:s0] =	stream.indirect.scatter.add.f32 [tilespmem:s9], [sflag:$0x3], $0x1, s15, s21, $0xb8;
	[tilespmem:$0x11D00] =	vst v63  }
0x20c: {  	_ =	swait.ge [sflag:s12], $0x200  }
0x20d: {  	[sflag:s12] =	ssyncset.done $0x0  }
0x20e: {  	[sflag:s12] =	ssyncadd.s32 $0xFFFFFE00  }
0x20f: {  	[spmem:s1] =	stream.indirect.scatter.add.f32 [tilespmem:s17], [sflag:$0x4], $0x1, s15, s21, $0xb8;
	[tilespmem:$0x11D00] =	vst v63  }
0x210: {  	_ =	swait.ge [sflag:s11], $0x200  }
0x211: {  	[sflag:s11] =	ssyncset.done $0x0  }
0x212: {  	s18 =	simm.s32 $0x9000;
	[sflag:s11] =	ssyncadd.s32 $0xFFFFFE00  }
0x213: {  	[spmem:s0] =	stream.indirect.scatter.add.f32 [tilespmem:s6], [sflag:$0x3], $0x1, s18, s21, $0xb8;
	[tilespmem:$0x11D00] =	vst v63  }
0x214: {  	_ =	swait.ge [sflag:s12], $0x200  }
0x215: {  	[sflag:s12] =	ssyncset.done $0x0  }
0x216: {  	[sflag:s12] =	ssyncadd.s32 $0xFFFFFE00  }
0x217: {  	[spmem:s1] =	stream.indirect.scatter.add.f32 [tilespmem:s22], [sflag:$0x4], $0x1, s18, s21, $0xb8;
	[tilespmem:$0x11D00] =	vst v63  }
0x218: {  	_ =	swait.ge [sflag:s11], $0x200  }
0x219: {  	[sflag:s11] =	ssyncset.done $0x0  }
0x21a: {  	s22 =	simm.s32 $0x9200;
	[sflag:s11] =	ssyncadd.s32 $0xFFFFFE00  }
0x21b: {  	[spmem:s0] =	stream.indirect.scatter.add.f32 [tilespmem:s23], [sflag:$0x3], $0x1, s22, s21, $0xb8;
	[tilespmem:$0x11D00] =	vst v63  }
0x21c: {  	_ =	swait.ge [sflag:s12], $0x200  }
0x21d: {  	[sflag:s12] =	ssyncset.done $0x0  }
0x21e: {  	[sflag:s12] =	ssyncadd.s32 $0xFFFFFE00  }
0x21f: {  	[spmem:s1] =	stream.indirect.scatter.add.f32 [tilespmem:s24], [sflag:$0x4], $0x1, s22, s21, $0xb8;
	[tilespmem:$0x11D00] =	vst v63  }
0x220: {  	_ =	swait.ge [sflag:s11], $0x200  }
0x221: {  	[sflag:s11] =	ssyncset.done $0x0  }
0x222: {  	s24 =	simm.s32 $0x9400;
	[sflag:s11] =	ssyncadd.s32 $0xFFFFFE00  }
0x223: {  	[spmem:s0] =	stream.indirect.scatter.add.f32 [tilespmem:s25], [sflag:$0x3], $0x1, s24, s21, $0xb8;
	[tilespmem:$0x11D00] =	vst v63  }
0x224: {  	_ =	swait.ge [sflag:s12], $0x200  }
0x225: {  	[sflag:s12] =	ssyncset.done $0x0  }
0x226: {  	[sflag:s12] =	ssyncadd.s32 $0xFFFFFE00  }
0x227: {  	[spmem:s1] =	stream.indirect.scatter.add.f32 [tilespmem:s26], [sflag:$0x4], $0x1, s24, s21, $0xb8;
	[tilespmem:$0x11D00] =	vst v63  }
0x228: {  	_ =	swait.ge [sflag:s11], $0x200  }
0x229: {  	[sflag:s11] =	ssyncset.done $0x0  }
0x22a: {  	s26 =	simm.s32 $0x9600;
	[sflag:s11] =	ssyncadd.s32 $0xFFFFFE00  }
0x22b: {  	[spmem:s0] =	stream.indirect.scatter.add.f32 [tilespmem:s28], [sflag:$0x3], $0x1, s26, s21, $0xb8;
	[tilespmem:$0x11D00] =	vst v63  }
0x22c: {  	_ =	swait.ge [sflag:s12], $0x200  }
0x22d: {  	[sflag:s12] =	ssyncset.done $0x0  }
0x22e: {  	[sflag:s12] =	ssyncadd.s32 $0xFFFFFE00  }
0x22f: {  	[spmem:s1] =	stream.indirect.scatter.add.f32 [tilespmem:s29], [sflag:$0x4], $0x1, s26, s21, $0xb8;
	[tilespmem:$0x11D00] =	vst v63  }
0x230: {  	_ =	swait.ge [sflag:s11], $0x200  }
0x231: {  	[sflag:s11] =	ssyncset.done $0x0  }
0x232: {  	s29 =	simm.s32 $0x9800;
	[sflag:s11] =	ssyncadd.s32 $0xFFFFFE00  }
0x233: {  	[spmem:s0] =	stream.indirect.scatter.add.f32 [tilespmem:s30], [sflag:$0x3], $0x1, s29, s21, $0xb8;
	[tilespmem:$0x11D00] =	vst v63  }
0x234: {  	_ =	swait.ge [sflag:s12], $0x200  }
0x235: {  	[sflag:s12] =	ssyncset.done $0x0  }
0x236: {  	[sflag:s12] =	ssyncadd.s32 $0xFFFFFE00  }
0x237: {  	[spmem:s1] =	stream.indirect.scatter.add.f32 [tilespmem:s31], [sflag:$0x4], $0x1, s29, s21, $0xb8;
	[tilespmem:$0x11D00] =	vst v63  }
0x238: {  	_ =	swait.ge [sflag:s11], $0x200  }
0x239: {  	[sflag:s11] =	ssyncset.done $0x0  }
0x23a: {  	s31 =	simm.s32 $0x9A00;
	[sflag:s11] =	ssyncadd.s32 $0xFFFFFE00  }
0x23b: {  	[spmem:s0] =	stream.indirect.scatter.add.f32 [tilespmem:s2], [sflag:$0x3], $0x1, s31, s21, $0xb8;
	[tilespmem:$0x11D00] =	vst v63  }
0x23c: {  	_ =	swait.ge [sflag:s12], $0x200  }
0x23d: {  	[sflag:s12] =	ssyncset.done $0x0  }
0x23e: {  	[sflag:s12] =	ssyncadd.s32 $0xFFFFFE00  }
0x23f: {  	[spmem:s1] =	stream.indirect.scatter.add.f32 [tilespmem:s4], [sflag:$0x4], $0x1, s31, s21, $0xb8;
	[tilespmem:$0x11D00] =	vst v63  }
0x240: {  	_ =	swait.ge [sflag:s11], $0x200  }
0x241: {  	[sflag:s11] =	ssyncset.done $0x0  }
0x242: {  	s8 =	simm.s32 $0x9C00;
	[sflag:s11] =	ssyncadd.s32 $0xFFFFFE00  }
0x243: {  	[spmem:s0] =	stream.indirect.scatter.add.f32 [tilespmem:s19], [sflag:$0x3], $0x1, s8, s21, $0xb8;
	[tilespmem:$0x11D00] =	vst v63  }
0x244: {  	_ =	swait.ge [sflag:s12], $0x200  }
0x245: {  	[sflag:s12] =	ssyncset.done $0x0  }
0x246: {  	[sflag:s12] =	ssyncadd.s32 $0xFFFFFE00  }
0x247: {  	[spmem:s1] =	stream.indirect.scatter.add.f32 [tilespmem:s20], [sflag:$0x4], $0x1, s8, s21, $0xb8;
	[tilespmem:$0x11D00] =	vst v63  }
0x248: {  	_ =	swait.ge [sflag:s11], $0x200  }
0x249: {  	[sflag:s11] =	ssyncset.done $0x0  }
0x24a: {  	s9 =	simm.s32 $0x9E00;
	s15 =	simm.s32 $0xC600;
	[sflag:s11] =	ssyncadd.s32 $0xFFFFFE00  }
0x24b: {  	[spmem:s0] =	stream.indirect.scatter.add.f32 [tilespmem:s15], [sflag:$0x3], $0x1, s9, s21, $0xb8;
	[tilespmem:$0x11D00] =	vst v63  }
0x24c: {  	_ =	swait.ge [sflag:s12], $0x200  }
0x24d: {  	[sflag:s12] =	ssyncset.done $0x0  }
0x24e: {  	s17 =	simm.s32 $0xEE00;
	[sflag:s12] =	ssyncadd.s32 $0xFFFFFE00  }
0x24f: {  	[spmem:s1] =	stream.indirect.scatter.add.f32 [tilespmem:s17], [sflag:$0x4], $0x1, s9, s21, $0xb8;
	[tilespmem:$0x11D00] =	vst v63  }
0x250: {  	_ =	swait.ge [sflag:s11], $0x200  }
0x251: {  	[sflag:s11] =	ssyncset.done $0x0  }
0x252: {  	s18 =	simm.s32 $0xA000;
	s19 =	simm.s32 $0xC800;
	[sflag:s11] =	ssyncadd.s32 $0xFFFFFE00  }
0x253: {  	[spmem:s0] =	stream.indirect.scatter.add.f32 [tilespmem:s19], [sflag:$0x3], $0x1, s18, s21, $0xb8;
	[tilespmem:$0x11D00] =	vst v63  }
0x254: {  	_ =	swait.ge [sflag:s12], $0x200  }
0x255: {  	[sflag:s12] =	ssyncset.done $0x0  }
0x256: {  	s20 =	simm.s32 $0xF000;
	[sflag:s12] =	ssyncadd.s32 $0xFFFFFE00  }
0x257: {  	[spmem:s1] =	stream.indirect.scatter.add.f32 [tilespmem:s20], [sflag:$0x4], $0x1, s18, s21, $0xb8;
	[tilespmem:$0x11D00] =	vst v63  }
0x258: {  	_ =	swait.ge [sflag:s11], $0x200  }
0x259: {  	[sflag:s11] =	ssyncset.done $0x0  }
0x25a: {  	s23 =	simm.s32 $0xCA00;
	s22 =	simm.s32 $0xA200;
	[sflag:s11] =	ssyncadd.s32 $0xFFFFFE00  }
0x25b: {  	[spmem:s0] =	stream.indirect.scatter.add.f32 [tilespmem:s23], [sflag:$0x3], $0x1, s22, s21, $0xb8;
	[tilespmem:$0x11D00] =	vst v63  }
0x25c: {  	_ =	swait.ge [sflag:s12], $0x200  }
0x25d: {  	[sflag:s12] =	ssyncset.done $0x0  }
0x25e: {  	s24 =	simm.s32 $0xF200;
	[sflag:s12] =	ssyncadd.s32 $0xFFFFFE00  }
0x25f: {  	[spmem:s1] =	stream.indirect.scatter.add.f32 [tilespmem:s24], [sflag:$0x4], $0x1, s22, s21, $0xb8;
	[tilespmem:$0x11D00] =	vst v63  }
0x260: {  	_ =	swait.ge [sflag:s11], $0x200  }
0x261: {  	[sflag:s11] =	ssyncset.done $0x0  }
0x262: {  	s25 =	simm.s32 $0xA400;
	s26 =	simm.s32 $0xCC00;
	[sflag:s11] =	ssyncadd.s32 $0xFFFFFE00  }
0x263: {  	[spmem:s0] =	stream.indirect.scatter.add.f32 [tilespmem:s26], [sflag:$0x3], $0x1, s25, s21, $0xb8;
	[tilespmem:$0x11D00] =	vst v63  }
0x264: {  	_ =	swait.ge [sflag:s12], $0x200  }
0x265: {  	[sflag:s12] =	ssyncset.done $0x0  }
0x266: {  	s28 =	simm.s32 $0xF400;
	[sflag:s12] =	ssyncadd.s32 $0xFFFFFE00  }
0x267: {  	[spmem:s1] =	stream.indirect.scatter.add.f32 [tilespmem:s28], [sflag:$0x4], $0x1, s25, s21, $0xb8;
	[tilespmem:$0x11D00] =	vst v63  }
0x268: {  	_ =	swait.ge [sflag:s11], $0x200  }
0x269: {  	[sflag:s11] =	ssyncset.done $0x0  }
0x26a: {  	s30 =	simm.s32 $0xCE00;
	s29 =	simm.s32 $0xA600;
	[sflag:s11] =	ssyncadd.s32 $0xFFFFFE00  }
0x26b: {  	[spmem:s0] =	stream.indirect.scatter.add.f32 [tilespmem:s30], [sflag:$0x3], $0x1, s29, s21, $0xb8;
	[tilespmem:$0x11D00] =	vst v63  }
0x26c: {  	_ =	swait.ge [sflag:s12], $0x200  }
0x26d: {  	[sflag:s12] =	ssyncset.done $0x0  }
0x26e: {  	s31 =	simm.s32 $0xF600;
	[sflag:s12] =	ssyncadd.s32 $0xFFFFFE00  }
0x26f: {  	[spmem:s1] =	stream.indirect.scatter.add.f32 [tilespmem:s31], [sflag:$0x4], $0x1, s29, s21, $0xb8;
	[tilespmem:$0x11D00] =	vst v63  }
0x270: {  	_ =	swait.ge [sflag:s11], $0x200  }
0x271: {  	[sflag:s11] =	ssyncset.done $0x0  }
0x272: {  	s6 =	simm.s32 $0xA800;
	s8 =	simm.s32 $0xD000;
	[sflag:s11] =	ssyncadd.s32 $0xFFFFFE00  }
0x273: {  	[spmem:s0] =	stream.indirect.scatter.add.f32 [tilespmem:s8], [sflag:$0x3], $0x1, s6, s21, $0xb8;
	[tilespmem:$0x11D00] =	vst v63  }
0x274: {  	_ =	swait.ge [sflag:s12], $0x200  }
0x275: {  	[sflag:s12] =	ssyncset.done $0x0  }
0x276: {  	s9 =	simm.s32 $0xF800;
	[sflag:s12] =	ssyncadd.s32 $0xFFFFFE00  }
0x277: {  	[spmem:s1] =	stream.indirect.scatter.add.f32 [tilespmem:s9], [sflag:$0x4], $0x1, s6, s21, $0xb8;
	[tilespmem:$0x11D00] =	vst v63  }
0x278: {  	_ =	swait.ge [sflag:s11], $0x200  }
0x279: {  	[sflag:s11] =	ssyncset.done $0x0  }
0x27a: {  	s15 =	simm.s32 $0xAA00;
	s17 =	simm.s32 $0xD200;
	[sflag:s11] =	ssyncadd.s32 $0xFFFFFE00  }
0x27b: {  	[spmem:s0] =	stream.indirect.scatter.add.f32 [tilespmem:s17], [sflag:$0x3], $0x1, s15, s21, $0xb8;
	[tilespmem:$0x11D00] =	vst v63  }
0x27c: {  	_ =	swait.ge [sflag:s12], $0x200  }
0x27d: {  	[sflag:s12] =	ssyncset.done $0x0  }
0x27e: {  	s18 =	simm.s32 $0xFA00;
	[sflag:s12] =	ssyncadd.s32 $0xFFFFFE00  }
0x27f: {  	[spmem:s1] =	stream.indirect.scatter.add.f32 [tilespmem:s18], [sflag:$0x4], $0x1, s15, s21, $0xb8;
	[tilespmem:$0x11D00] =	vst v63  }
0x280: {  	_ =	swait.ge [sflag:s11], $0x200  }
0x281: {  	[sflag:s11] =	ssyncset.done $0x0  }
0x282: {  	s19 =	simm.s32 $0xAC00;
	s20 =	simm.s32 $0xD400;
	[sflag:s11] =	ssyncadd.s32 $0xFFFFFE00  }
0x283: {  	[spmem:s0] =	stream.indirect.scatter.add.f32 [tilespmem:s20], [sflag:$0x3], $0x1, s19, s21, $0xb8;
	[tilespmem:$0x11D00] =	vst v63  }
0x284: {  	_ =	swait.ge [sflag:s12], $0x200  }
0x285: {  	[sflag:s12] =	ssyncset.done $0x0  }
0x286: {  	s22 =	simm.s32 $0xFC00;
	[sflag:s12] =	ssyncadd.s32 $0xFFFFFE00  }
0x287: {  	[spmem:s1] =	stream.indirect.scatter.add.f32 [tilespmem:s22], [sflag:$0x4], $0x1, s19, s21, $0xb8;
	[tilespmem:$0x11D00] =	vst v63  }
0x288: {  	_ =	swait.ge [sflag:s11], $0x200  }
0x289: {  	[sflag:s11] =	ssyncset.done $0x0  }
0x28a: {  	s23 =	simm.s32 $0xAE00;
	s24 =	simm.s32 $0xD600;
	[sflag:s11] =	ssyncadd.s32 $0xFFFFFE00  }
0x28b: {  	[spmem:s0] =	stream.indirect.scatter.add.f32 [tilespmem:s24], [sflag:$0x3], $0x1, s23, s21, $0xb8;
	[tilespmem:$0x11D00] =	vst v63  }
0x28c: {  	_ =	swait.ge [sflag:s12], $0x200  }
0x28d: {  	[sflag:s12] =	ssyncset.done $0x0  }
0x28e: {  	s25 =	simm.s32 $0xFE00;
	[sflag:s12] =	ssyncadd.s32 $0xFFFFFE00  }
0x28f: {  	[spmem:s1] =	stream.indirect.scatter.add.f32 [tilespmem:s25], [sflag:$0x4], $0x1, s23, s21, $0xb8;
	[tilespmem:$0x11D00] =	vst v63  }
0x290: {  	_ =	swait.ge [sflag:s11], $0x200  }
0x291: {  	[sflag:s11] =	ssyncset.done $0x0  }
0x292: {  	s26 =	simm.s32 $0xB000;
	s28 =	simm.s32 $0xD800;
	[sflag:s11] =	ssyncadd.s32 $0xFFFFFE00  }
0x293: {  	[spmem:s0] =	stream.indirect.scatter.add.f32 [tilespmem:s28], [sflag:$0x3], $0x1, s26, s21, $0xb8;
	[tilespmem:$0x11D00] =	vst v63  }
0x294: {  	_ =	swait.ge [sflag:s12], $0x200  }
0x295: {  	[sflag:s12] =	ssyncset.done $0x0  }
0x296: {  	s29 =	simm.s32 $0x10000;
	[sflag:s12] =	ssyncadd.s32 $0xFFFFFE00  }
0x297: {  	[spmem:s1] =	stream.indirect.scatter.add.f32 [tilespmem:s29], [sflag:$0x4], $0x1, s26, s21, $0xb8;
	[tilespmem:$0x11D00] =	vst v63  }
0x298: {  	_ =	swait.ge [sflag:s11], $0x200  }
0x299: {  	[sflag:s11] =	ssyncset.done $0x0  }
0x29a: {  	s30 =	simm.s32 $0xB200;
	s31 =	simm.s32 $0xDA00;
	[sflag:s11] =	ssyncadd.s32 $0xFFFFFE00  }
0x29b: {  	[spmem:s0] =	stream.indirect.scatter.add.f32 [tilespmem:s31], [sflag:$0x3], $0x1, s30, s21, $0xb8;
	[tilespmem:$0x11D00] =	vst v63  }
0x29c: {  	_ =	swait.ge [sflag:s12], $0x200  }
0x29d: {  	[sflag:s12] =	ssyncset.done $0x0  }
0x29e: {  	s16 =	simm.s32 $0x10200;
	[sflag:s12] =	ssyncadd.s32 $0xFFFFFE00  }
0x29f: {  	[spmem:s1] =	stream.indirect.scatter.add.f32 [tilespmem:s16], [sflag:$0x4], $0x1, s30, s21, $0xb8;
	[tilespmem:$0x11D00] =	vst v63  }
0x2a0: {  	_ =	swait.ge [sflag:s7], $0x200  }
0x2a1: {  	[sflag:s7] =	ssyncset.done $0x0  }
0x2a2: {  	[sflag:s7] =	ssyncadd.s32 $0xFFFFFE00  }
0x2a3: {  	_ =	swait.ge [sflag:s10], $0x200  }
0x2a4: {  	[sflag:s10] =	ssyncset.done $0x0  }
0x2a5: {  	[sflag:s10] =	ssyncadd.s32 $0xFFFFFE00  }
0x2a6: {  	_ =	swait.ge [sflag:s7], $0x200  }
0x2a7: {  	[sflag:s7] =	ssyncset.done $0x0  }
0x2a8: {  	[sflag:s7] =	ssyncadd.s32 $0xFFFFFE00  }
0x2a9: {  	_ =	swait.ge [sflag:s10], $0x200  }
0x2aa: {  	[sflag:s10] =	ssyncset.done $0x0  }
0x2ab: {  	[sflag:s10] =	ssyncadd.s32 $0xFFFFFE00  }
0x2ac: {  	_ =	swait.ge [sflag:s7], $0x200  }
0x2ad: {  	[sflag:s7] =	ssyncset.done $0x0  }
0x2ae: {  	[sflag:s7] =	ssyncadd.s32 $0xFFFFFE00  }
0x2af: {  	_ =	swait.ge [sflag:s10], $0x200  }
0x2b0: {  	[sflag:s10] =	ssyncset.done $0x0  }
0x2b1: {  	[sflag:s10] =	ssyncadd.s32 $0xFFFFFE00  }
0x2b2: {  	_ =	swait.ge [sflag:s7], $0x200  }
0x2b3: {  	[sflag:s7] =	ssyncset.done $0x0  }
0x2b4: {  	[sflag:s7] =	ssyncadd.s32 $0xFFFFFE00  }
0x2b5: {  	_ =	swait.ge [sflag:s10], $0x200  }
0x2b6: {  	[sflag:s10] =	ssyncset.done $0x0  }
0x2b7: {  	[sflag:s10] =	ssyncadd.s32 $0xFFFFFE00  }
0x2b8: {  	_ =	swait.ge [sflag:s7], $0x200  }
0x2b9: {  	[sflag:s7] =	ssyncset.done $0x0  }
0x2ba: {  	[sflag:s7] =	ssyncadd.s32 $0xFFFFFE00  }
0x2bb: {  	_ =	swait.ge [sflag:s10], $0x200  }
0x2bc: {  	[sflag:s10] =	ssyncset.done $0x0  }
0x2bd: {  	[sflag:s10] =	ssyncadd.s32 $0xFFFFFE00  }
0x2be: {  	_ =	swait.ge [sflag:s7], $0x200  }
0x2bf: {  	[sflag:s7] =	ssyncset.done $0x0  }
0x2c0: {  	[sflag:s7] =	ssyncadd.s32 $0xFFFFFE00  }
0x2c1: {  	_ =	swait.ge [sflag:s10], $0x200  }
0x2c2: {  	[sflag:s10] =	ssyncset.done $0x0  }
0x2c3: {  	[sflag:s10] =	ssyncadd.s32 $0xFFFFFE00  }
0x2c4: {  	_ =	swait.ge [sflag:s7], $0x200  }
0x2c5: {  	[sflag:s7] =	ssyncset.done $0x0  }
0x2c6: {  	[sflag:s7] =	ssyncadd.s32 $0xFFFFFE00  }
0x2c7: {  	_ =	swait.ge [sflag:s10], $0x200  }
0x2c8: {  	[sflag:s10] =	ssyncset.done $0x0  }
0x2c9: {  	[sflag:s10] =	ssyncadd.s32 $0xFFFFFE00  }
0x2ca: {  	_ =	swait.ge [sflag:s7], $0x200  }
0x2cb: {  	[sflag:s7] =	ssyncset.done $0x0  }
0x2cc: {  	[sflag:s7] =	ssyncadd.s32 $0xFFFFFE00  }
0x2cd: {  	_ =	swait.ge [sflag:s10], $0x200  }
0x2ce: {  	[sflag:s10] =	ssyncset.done $0x0  }
0x2cf: {  	[sflag:s10] =	ssyncadd.s32 $0xFFFFFE00  }
0x2d0: {  	_ =	swait.ge [sflag:s7], $0x200  }
0x2d1: {  	[sflag:s7] =	ssyncset.done $0x0  }
0x2d2: {  	[sflag:s7] =	ssyncadd.s32 $0xFFFFFE00  }
0x2d3: {  	_ =	swait.ge [sflag:s10], $0x200  }
0x2d4: {  	[sflag:s10] =	ssyncset.done $0x0  }
0x2d5: {  	[sflag:s10] =	ssyncadd.s32 $0xFFFFFE00  }
0x2d6: {  	_ =	swait.ge [sflag:s7], $0x200  }
0x2d7: {  	[sflag:s7] =	ssyncset.done $0x0  }
0x2d8: {  	[sflag:s7] =	ssyncadd.s32 $0xFFFFFE00  }
0x2d9: {  	_ =	swait.ge [sflag:s10], $0x200  }
0x2da: {  	[sflag:s10] =	ssyncset.done $0x0  }
0x2db: {  	[sflag:s10] =	ssyncadd.s32 $0xFFFFFE00  }
0x2dc: {  	_ =	swait.ge [sflag:s7], $0x200  }
0x2dd: {  	[sflag:s7] =	ssyncset.done $0x0  }
0x2de: {  	[sflag:s7] =	ssyncadd.s32 $0xFFFFFE00  }
0x2df: {  	_ =	swait.ge [sflag:s10], $0x200  }
0x2e0: {  	[sflag:s10] =	ssyncset.done $0x0  }
0x2e1: {  	[sflag:s10] =	ssyncadd.s32 $0xFFFFFE00  }
0x2e2: {  	_ =	swait.ge [sflag:s7], $0x200  }
0x2e3: {  	[sflag:s7] =	ssyncset.done $0x0  }
0x2e4: {  	[sflag:s7] =	ssyncadd.s32 $0xFFFFFE00  }
0x2e5: {  	_ =	swait.ge [sflag:s10], $0x200  }
0x2e6: {  	[sflag:s10] =	ssyncset.done $0x0  }
0x2e7: {  	[sflag:s10] =	ssyncadd.s32 $0xFFFFFE00  }
0x2e8: {  	_ =	swait.ge [sflag:s7], $0x200  }
0x2e9: {  	[sflag:s7] =	ssyncset.done $0x0  }
0x2ea: {  	[sflag:s7] =	ssyncadd.s32 $0xFFFFFE00  }
0x2eb: {  	_ =	swait.ge [sflag:s10], $0x200  }
0x2ec: {  	[sflag:s10] =	ssyncset.done $0x0  }
0x2ed: {  	[sflag:s10] =	ssyncadd.s32 $0xFFFFFE00  }
0x2ee: {  	_ =	swait.ge [sflag:s7], $0x200  }
0x2ef: {  	[sflag:s7] =	ssyncset.done $0x0  }
0x2f0: {  	[sflag:s7] =	ssyncadd.s32 $0xFFFFFE00  }
0x2f1: {  	_ =	swait.ge [sflag:s10], $0x200  }
0x2f2: {  	[sflag:s10] =	ssyncset.done $0x0  }
0x2f3: {  	[sflag:s10] =	ssyncadd.s32 $0xFFFFFE00  }
0x2f4: {  	_ =	swait.ge [sflag:s7], $0x200  }
0x2f5: {  	[sflag:s7] =	ssyncset.done $0x0  }
0x2f6: {  	[sflag:s7] =	ssyncadd.s32 $0xFFFFFE00  }
0x2f7: {  	_ =	swait.ge [sflag:s10], $0x200  }
0x2f8: {  	[sflag:s10] =	ssyncset.done $0x0  }
0x2f9: {  	[sflag:s10] =	ssyncadd.s32 $0xFFFFFE00  }
0x2fa: {  	_ =	swait.ge [sflag:s7], $0x200  }
0x2fb: {  	[sflag:s7] =	ssyncset.done $0x0  }
0x2fc: {  	[sflag:s7] =	ssyncadd.s32 $0xFFFFFE00  }
0x2fd: {  	_ =	swait.ge [sflag:s10], $0x200  }
0x2fe: {  	[sflag:s10] =	ssyncset.done $0x0  }
0x2ff: {  	[sflag:s10] =	ssyncadd.s32 $0xFFFFFE00  }
0x300: {  	_ =	swait.ge [sflag:s7], $0x200  }
0x301: {  	[sflag:s7] =	ssyncset.done $0x0  }
0x302: {  	[sflag:s7] =	ssyncadd.s32 $0xFFFFFE00  }
0x303: {  	_ =	swait.ge [sflag:s10], $0x200  }
0x304: {  	[sflag:s10] =	ssyncset.done $0x0  }
0x305: {  	[sflag:s10] =	ssyncadd.s32 $0xFFFFFE00  }
0x306: {  	_ =	swait.ge [sflag:s7], $0x200  }
0x307: {  	[sflag:s7] =	ssyncset.done $0x0  }
0x308: {  	[sflag:s7] =	ssyncadd.s32 $0xFFFFFE00  }
0x309: {  	_ =	swait.ge [sflag:s10], $0x200  }
0x30a: {  	[sflag:s10] =	ssyncset.done $0x0  }
0x30b: {  	[sflag:s10] =	ssyncadd.s32 $0xFFFFFE00  }
0x30c: {  	_ =	swait.ge [sflag:s7], $0x200  }
0x30d: {  	[sflag:s7] =	ssyncset.done $0x0  }
0x30e: {  	[sflag:s7] =	ssyncadd.s32 $0xFFFFFE00  }
0x30f: {  	_ =	swait.ge [sflag:s10], $0x200  }
0x310: {  	[sflag:s10] =	ssyncset.done $0x0  }
0x311: {  	p0 =	sne.s32 s14, $0x2D00;
	[sflag:s10] =	ssyncadd.s32 $0xFFFFFE00  }
.Ltmp0:
0x312: {  	_ =	swait.ge [sflag:s7], $0x200;
	(pc) =	sbr.rel @p0 .LBB2_2-.Ltmp0, $4  }
0x313: {  	[sflag:s7] =	ssyncset.done $0x0  }
0x314: {  	[sflag:s7] =	ssyncadd.s32 $0xFFFFFE00  }
0x315: {  	_ =	swait.ge [sflag:s10], $0x200  }
0x316: {  	s14 =	sadd.s32 $0x500, s14;
	s15 =	rddreg [dreg:$0x7];
	[sflag:s10] =	ssyncset.done $0x0  }
0x317: {  	[sflag:s10] =	ssyncadd.s32 $0xFFFFFE00;
	s14 =	sadd.s32 s13, s15  }
0x318: {  	s4 =	simm.s32 $0x0;
	s2 =	simm.s32 $0x6400;
	s31 =	simm.s32 $0x5  }
0x319: {  	[tilespmem:s2], [sflag:$0x5] =	stream.linear.gather [hbm4b:s14+s4], $0x2800, $0x38;
	[tilespmem:$0x11D00] =	vst v63  }
0x31a: {  	_ =	swait.ge [sflag:s31], $0x2800  }
0x31b: {  	s28 =	rddreg [dreg:$0x6];
	[sflag:s31] =	ssyncset.done $0x0  }
0x31c: {  	s18 =	simm.s32 $0x8C00;
	s29 =	sadd.s32 s13, s28;
	[sflag:s31] =	ssyncadd.s32 $0xFFFFD800  }
0x31d: {  	[tilespmem:s18], [sflag:$0x5] =	stream.linear.gather [hbm4b:s29+s4], $0x2800, $0x38;
	[tilespmem:$0x11D00] =	vst v63  }
0x31e: {  	_ =	swait.ge [sflag:s31], $0x2800  }
0x31f: {  	[sflag:s31] =	ssyncset.done $0x0  }
0x320: {  	s8 =	simm.s32 $0xB400;
	[sflag:s31] =	ssyncadd.s32 $0xFFFFD800  }
0x321: {  	[tilespmem:s8], [sflag:$0x1] =	stream.indirect.gather [spmem:s3], $0x1, s2, s21, $0xb8;
	[tilespmem:$0x11D00] =	vst v63  }
0x322: {  	s13 =	simm.s32 $0xDC00  }
0x323: {  	[tilespmem:s13], [sflag:$0x2] =	stream.indirect.gather [spmem:s5], $0x1, s2, s21, $0xb8;
	[tilespmem:$0x11D00] =	vst v63  }
0x324: {  	s30 =	simm.s32 $0x6600;
	s9 =	simm.s32 $0xB600  }
0x325: {  	[tilespmem:s9], [sflag:$0x1] =	stream.indirect.gather [spmem:s3], $0x1, s30, s21, $0xb8;
	[tilespmem:$0x11D00] =	vst v63  }
0x326: {  	s16 =	simm.s32 $0xDE00  }
0x327: {  	[tilespmem:s16], [sflag:$0x2] =	stream.indirect.gather [spmem:s5], $0x1, s30, s21, $0xb8;
	[tilespmem:$0x11D00] =	vst v63  }
0x328: {  	s0 =	simm.s32 $0x6800;
	s6 =	simm.s32 $0xB800  }
0x329: {  	[tilespmem:s6], [sflag:$0x1] =	stream.indirect.gather [spmem:s3], $0x1, s0, s21, $0xb8;
	[tilespmem:$0x11D00] =	vst v63  }
0x32a: {  	s17 =	simm.s32 $0xE000  }
0x32b: {  	[tilespmem:s17], [sflag:$0x2] =	stream.indirect.gather [spmem:s5], $0x1, s0, s21, $0xb8;
	[tilespmem:$0x11D00] =	vst v63  }
0x32c: {  	s22 =	simm.s32 $0xBA00;
	s2 =	simm.s32 $0x6A00  }
0x32d: {  	[tilespmem:s22], [sflag:$0x1] =	stream.indirect.gather [spmem:s3], $0x1, s2, s21, $0xb8;
	[tilespmem:$0x11D00] =	vst v63  }
0x32e: {  	s23 =	simm.s32 $0xE200  }
0x32f: {  	[tilespmem:s23], [sflag:$0x2] =	stream.indirect.gather [spmem:s5], $0x1, s2, s21, $0xb8;
	[tilespmem:$0x11D00] =	vst v63  }
0x330: {  	s24 =	simm.s32 $0xBC00;
	s4 =	simm.s32 $0x6C00  }
0x331: {  	[tilespmem:s24], [sflag:$0x1] =	stream.indirect.gather [spmem:s3], $0x1, s4, s21, $0xb8;
	[tilespmem:$0x11D00] =	vst v63  }
0x332: {  	s25 =	simm.s32 $0xE400  }
0x333: {  	[tilespmem:s25], [sflag:$0x2] =	stream.indirect.gather [spmem:s5], $0x1, s4, s21, $0xb8;
	[tilespmem:$0x11D00] =	vst v63  }
0x334: {  	s15 =	simm.s32 $0x6E00;
	s26 =	simm.s32 $0xBE00  }
0x335: {  	[tilespmem:s26], [sflag:$0x1] =	stream.indirect.gather [spmem:s3], $0x1, s15, s21, $0xb8;
	[tilespmem:$0x11D00] =	vst v63  }
0x336: {  	s28 =	simm.s32 $0xE600  }
0x337: {  	[tilespmem:s28], [sflag:$0x2] =	stream.indirect.gather [spmem:s5], $0x1, s15, s21, $0xb8;
	[tilespmem:$0x11D00] =	vst v63  }
0x338: {  	s19 =	simm.s32 $0x7000;
	s29 =	simm.s32 $0xC000  }
0x339: {  	[tilespmem:s29], [sflag:$0x1] =	stream.indirect.gather [spmem:s3], $0x1, s19, s21, $0xb8;
	[tilespmem:$0x11D00] =	vst v63  }
0x33a: {  	s30 =	simm.s32 $0xE800  }
0x33b: {  	[tilespmem:s30], [sflag:$0x2] =	stream.indirect.gather [spmem:s5], $0x1, s19, s21, $0xb8;
	[tilespmem:$0x11D00] =	vst v63  }
0x33c: {  	s20 =	simm.s32 $0x7200;
	s2 =	simm.s32 $0xC200  }
0x33d: {  	[tilespmem:s2], [sflag:$0x1] =	stream.indirect.gather [spmem:s3], $0x1, s20, s21, $0xb8;
	[tilespmem:$0x11D00] =	vst v63  }
0x33e: {  	s4 =	simm.s32 $0xEA00  }
0x33f: {  	[tilespmem:s4], [sflag:$0x2] =	stream.indirect.gather [spmem:s5], $0x1, s20, s21, $0xb8;
	[tilespmem:$0x11D00] =	vst v63  }
0x340: {  	s0 =	simm.s32 $0x7400;
	s19 =	simm.s32 $0xC400  }
0x341: {  	[tilespmem:s19], [sflag:$0x1] =	stream.indirect.gather [spmem:s3], $0x1, s0, s21, $0xb8;
	[tilespmem:$0x11D00] =	vst v63  }
0x342: {  	s20 =	simm.s32 $0xEC00  }
0x343: {  	[tilespmem:s20], [sflag:$0x2] =	stream.indirect.gather [spmem:s5], $0x1, s0, s21, $0xb8;
	[tilespmem:$0x11D00] =	vst v63  }
0x344: {  	s14 =	simm.s32 $0x7600;
	s15 =	simm.s32 $0xC600  }
0x345: {  	[tilespmem:s15], [sflag:$0x1] =	stream.indirect.gather [spmem:s3], $0x1, s14, s21, $0xb8;
	[tilespmem:$0x11D00] =	vst v63  }
0x346: {  	s0 =	simm.s32 $0xEE00  }
0x347: {  	[tilespmem:s0], [sflag:$0x2] =	stream.indirect.gather [spmem:s5], $0x1, s14, s21, $0xb8;
	[tilespmem:$0x11D00] =	vst v63  }
0x348: {  	s14 =	simm.s32 $0x7800;
	s0 =	simm.s32 $0xC800  }
0x349: {  	[tilespmem:s0], [sflag:$0x1] =	stream.indirect.gather [spmem:s3], $0x1, s14, s21, $0xb8;
	[tilespmem:$0x11D00] =	vst v63  }
0x34a: {  	s0 =	simm.s32 $0xF000  }
0x34b: {  	[tilespmem:s0], [sflag:$0x2] =	stream.indirect.gather [spmem:s5], $0x1, s14, s21, $0xb8;
	[tilespmem:$0x11D00] =	vst v63  }
0x34c: {  	s14 =	simm.s32 $0x7A00;
	s0 =	simm.s32 $0xCA00  }
0x34d: {  	[tilespmem:s0], [sflag:$0x1] =	stream.indirect.gather [spmem:s3], $0x1, s14, s21, $0xb8;
	[tilespmem:$0x11D00] =	vst v63  }
0x34e: {  	s0 =	simm.s32 $0xF200  }
0x34f: {  	[tilespmem:s0], [sflag:$0x2] =	stream.indirect.gather [spmem:s5], $0x1, s14, s21, $0xb8;
	[tilespmem:$0x11D00] =	vst v63  }
0x350: {  	s14 =	simm.s32 $0x7C00;
	s0 =	simm.s32 $0xCC00  }
0x351: {  	[tilespmem:s0], [sflag:$0x1] =	stream.indirect.gather [spmem:s3], $0x1, s14, s21, $0xb8;
	[tilespmem:$0x11D00] =	vst v63  }
0x352: {  	s0 =	simm.s32 $0xF400  }
0x353: {  	[tilespmem:s0], [sflag:$0x2] =	stream.indirect.gather [spmem:s5], $0x1, s14, s21, $0xb8;
	[tilespmem:$0x11D00] =	vst v63  }
0x354: {  	s14 =	simm.s32 $0x7E00;
	s0 =	simm.s32 $0xCE00  }
0x355: {  	[tilespmem:s0], [sflag:$0x1] =	stream.indirect.gather [spmem:s3], $0x1, s14, s21, $0xb8;
	[tilespmem:$0x11D00] =	vst v63  }
0x356: {  	s0 =	simm.s32 $0xF600  }
0x357: {  	[tilespmem:s0], [sflag:$0x2] =	stream.indirect.gather [spmem:s5], $0x1, s14, s21, $0xb8;
	[tilespmem:$0x11D00] =	vst v63  }
0x358: {  	s14 =	simm.s32 $0x8000;
	s0 =	simm.s32 $0xD000  }
0x359: {  	[tilespmem:s0], [sflag:$0x1] =	stream.indirect.gather [spmem:s3], $0x1, s14, s21, $0xb8;
	[tilespmem:$0x11D00] =	vst v63  }
0x35a: {  	s0 =	simm.s32 $0xF800  }
0x35b: {  	[tilespmem:s0], [sflag:$0x2] =	stream.indirect.gather [spmem:s5], $0x1, s14, s21, $0xb8;
	[tilespmem:$0x11D00] =	vst v63  }
0x35c: {  	s14 =	simm.s32 $0x8200;
	s0 =	simm.s32 $0xD200  }
0x35d: {  	[tilespmem:s0], [sflag:$0x1] =	stream.indirect.gather [spmem:s3], $0x1, s14, s21, $0xb8;
	[tilespmem:$0x11D00] =	vst v63  }
0x35e: {  	s0 =	simm.s32 $0xFA00  }
0x35f: {  	[tilespmem:s0], [sflag:$0x2] =	stream.indirect.gather [spmem:s5], $0x1, s14, s21, $0xb8;
	[tilespmem:$0x11D00] =	vst v63  }
0x360: {  	s14 =	simm.s32 $0x8400;
	s0 =	simm.s32 $0xD400  }
0x361: {  	[tilespmem:s0], [sflag:$0x1] =	stream.indirect.gather [spmem:s3], $0x1, s14, s21, $0xb8;
	[tilespmem:$0x11D00] =	vst v63  }
0x362: {  	s0 =	simm.s32 $0xFC00  }
0x363: {  	[tilespmem:s0], [sflag:$0x2] =	stream.indirect.gather [spmem:s5], $0x1, s14, s21, $0xb8;
	[tilespmem:$0x11D00] =	vst v63  }
0x364: {  	s14 =	simm.s32 $0x8600;
	s0 =	simm.s32 $0xD600  }
0x365: {  	[tilespmem:s0], [sflag:$0x1] =	stream.indirect.gather [spmem:s3], $0x1, s14, s21, $0xb8;
	[tilespmem:$0x11D00] =	vst v63  }
0x366: {  	s0 =	simm.s32 $0xFE00  }
0x367: {  	[tilespmem:s0], [sflag:$0x2] =	stream.indirect.gather [spmem:s5], $0x1, s14, s21, $0xb8;
	[tilespmem:$0x11D00] =	vst v63  }
0x368: {  	s14 =	simm.s32 $0x8800;
	s0 =	simm.s32 $0xD800  }
0x369: {  	[tilespmem:s0], [sflag:$0x1] =	stream.indirect.gather [spmem:s3], $0x1, s14, s21, $0xb8;
	[tilespmem:$0x11D00] =	vst v63  }
0x36a: {  	s0 =	simm.s32 $0x10000  }
0x36b: {  	[tilespmem:s0], [sflag:$0x2] =	stream.indirect.gather [spmem:s5], $0x1, s14, s21, $0xb8;
	[tilespmem:$0x11D00] =	vst v63  }
0x36c: {  	s14 =	simm.s32 $0x8A00;
	s0 =	simm.s32 $0xDA00  }
0x36d: {  	[tilespmem:s0], [sflag:$0x1] =	stream.indirect.gather [spmem:s3], $0x1, s14, s21, $0xb8;
	[tilespmem:$0x11D00] =	vst v63  }
0x36e: {  	s0 =	simm.s32 $0x10200  }
0x36f: {  	[tilespmem:s0], [sflag:$0x2] =	stream.indirect.gather [spmem:s5], $0x1, s14, s21, $0xb8;
	[tilespmem:$0x11D00] =	vst v63  }
0x370: {  	_ =	swait.ge [sflag:s11], $0x200  }
0x371: {  	[sflag:s11] =	ssyncset.done $0x0  }
0x372: {  	[sflag:s11] =	ssyncadd.s32 $0xFFFFFE00  }
0x373: {  	s0 =	rddreg [dreg:$0x1]  }
0x374: {  	[spmem:s0] =	stream.indirect.scatter.add.f32 [tilespmem:s8], [sflag:$0x3], $0x1, s18, s21, $0xb8;
	[tilespmem:$0x11D00] =	vst v63  }
0x375: {  	_ =	swait.ge [sflag:s12], $0x200  }
0x376: {  	[sflag:s12] =	ssyncset.done $0x0  }
0x377: {  	[sflag:s12] =	ssyncadd.s32 $0xFFFFFE00  }
0x378: {  	[spmem:s1] =	stream.indirect.scatter.add.f32 [tilespmem:s13], [sflag:$0x4], $0x1, s18, s21, $0xb8;
	[tilespmem:$0x11D00] =	vst v63  }
0x379: {  	_ =	swait.ge [sflag:s11], $0x200  }
0x37a: {  	[sflag:s11] =	ssyncset.done $0x0  }
0x37b: {  	s13 =	simm.s32 $0x8E00;
	[sflag:s11] =	ssyncadd.s32 $0xFFFFFE00  }
0x37c: {  	[spmem:s0] =	stream.indirect.scatter.add.f32 [tilespmem:s9], [sflag:$0x3], $0x1, s13, s21, $0xb8;
	[tilespmem:$0x11D00] =	vst v63  }
0x37d: {  	_ =	swait.ge [sflag:s12], $0x200  }
0x37e: {  	[sflag:s12] =	ssyncset.done $0x0  }
0x37f: {  	[sflag:s12] =	ssyncadd.s32 $0xFFFFFE00  }
0x380: {  	[spmem:s1] =	stream.indirect.scatter.add.f32 [tilespmem:s16], [sflag:$0x4], $0x1, s13, s21, $0xb8;
	[tilespmem:$0x11D00] =	vst v63  }
0x381: {  	_ =	swait.ge [sflag:s11], $0x200  }
0x382: {  	[sflag:s11] =	ssyncset.done $0x0  }
0x383: {  	s16 =	simm.s32 $0x9000;
	[sflag:s11] =	ssyncadd.s32 $0xFFFFFE00  }
0x384: {  	[spmem:s0] =	stream.indirect.scatter.add.f32 [tilespmem:s6], [sflag:$0x3], $0x1, s16, s21, $0xb8;
	[tilespmem:$0x11D00] =	vst v63  }
0x385: {  	_ =	swait.ge [sflag:s12], $0x200  }
0x386: {  	[sflag:s12] =	ssyncset.done $0x0  }
0x387: {  	[sflag:s12] =	ssyncadd.s32 $0xFFFFFE00  }
0x388: {  	[spmem:s1] =	stream.indirect.scatter.add.f32 [tilespmem:s17], [sflag:$0x4], $0x1, s16, s21, $0xb8;
	[tilespmem:$0x11D00] =	vst v63  }
0x389: {  	_ =	swait.ge [sflag:s11], $0x200  }
0x38a: {  	[sflag:s11] =	ssyncset.done $0x0  }
0x38b: {  	s18 =	simm.s32 $0x9200;
	[sflag:s11] =	ssyncadd.s32 $0xFFFFFE00  }
0x38c: {  	[spmem:s0] =	stream.indirect.scatter.add.f32 [tilespmem:s22], [sflag:$0x3], $0x1, s18, s21, $0xb8;
	[tilespmem:$0x11D00] =	vst v63  }
0x38d: {  	_ =	swait.ge [sflag:s12], $0x200  }
0x38e: {  	[sflag:s12] =	ssyncset.done $0x0  }
0x38f: {  	[sflag:s12] =	ssyncadd.s32 $0xFFFFFE00  }
0x390: {  	[spmem:s1] =	stream.indirect.scatter.add.f32 [tilespmem:s23], [sflag:$0x4], $0x1, s18, s21, $0xb8;
	[tilespmem:$0x11D00] =	vst v63  }
0x391: {  	_ =	swait.ge [sflag:s11], $0x200  }
0x392: {  	[sflag:s11] =	ssyncset.done $0x0  }
0x393: {  	s23 =	simm.s32 $0x9400;
	[sflag:s11] =	ssyncadd.s32 $0xFFFFFE00  }
0x394: {  	[spmem:s0] =	stream.indirect.scatter.add.f32 [tilespmem:s24], [sflag:$0x3], $0x1, s23, s21, $0xb8;
	[tilespmem:$0x11D00] =	vst v63  }
0x395: {  	_ =	swait.ge [sflag:s12], $0x200  }
0x396: {  	[sflag:s12] =	ssyncset.done $0x0  }
0x397: {  	[sflag:s12] =	ssyncadd.s32 $0xFFFFFE00  }
0x398: {  	[spmem:s1] =	stream.indirect.scatter.add.f32 [tilespmem:s25], [sflag:$0x4], $0x1, s23, s21, $0xb8;
	[tilespmem:$0x11D00] =	vst v63  }
0x399: {  	_ =	swait.ge [sflag:s11], $0x200  }
0x39a: {  	[sflag:s11] =	ssyncset.done $0x0  }
0x39b: {  	s25 =	simm.s32 $0x9600;
	[sflag:s11] =	ssyncadd.s32 $0xFFFFFE00  }
0x39c: {  	[spmem:s0] =	stream.indirect.scatter.add.f32 [tilespmem:s26], [sflag:$0x3], $0x1, s25, s21, $0xb8;
	[tilespmem:$0x11D00] =	vst v63  }
0x39d: {  	_ =	swait.ge [sflag:s12], $0x200  }
0x39e: {  	[sflag:s12] =	ssyncset.done $0x0  }
0x39f: {  	[sflag:s12] =	ssyncadd.s32 $0xFFFFFE00  }
0x3a0: {  	[spmem:s1] =	stream.indirect.scatter.add.f32 [tilespmem:s28], [sflag:$0x4], $0x1, s25, s21, $0xb8;
	[tilespmem:$0x11D00] =	vst v63  }
0x3a1: {  	_ =	swait.ge [sflag:s11], $0x200  }
0x3a2: {  	[sflag:s11] =	ssyncset.done $0x0  }
0x3a3: {  	s28 =	simm.s32 $0x9800;
	[sflag:s11] =	ssyncadd.s32 $0xFFFFFE00  }
0x3a4: {  	[spmem:s0] =	stream.indirect.scatter.add.f32 [tilespmem:s29], [sflag:$0x3], $0x1, s28, s21, $0xb8;
	[tilespmem:$0x11D00] =	vst v63  }
0x3a5: {  	_ =	swait.ge [sflag:s12], $0x200  }
0x3a6: {  	[sflag:s12] =	ssyncset.done $0x0  }
0x3a7: {  	[sflag:s12] =	ssyncadd.s32 $0xFFFFFE00  }
0x3a8: {  	[spmem:s1] =	stream.indirect.scatter.add.f32 [tilespmem:s30], [sflag:$0x4], $0x1, s28, s21, $0xb8;
	[tilespmem:$0x11D00] =	vst v63  }
0x3a9: {  	_ =	swait.ge [sflag:s11], $0x200  }
0x3aa: {  	[sflag:s11] =	ssyncset.done $0x0  }
0x3ab: {  	s29 =	simm.s32 $0x9A00;
	[sflag:s11] =	ssyncadd.s32 $0xFFFFFE00  }
0x3ac: {  	[spmem:s0] =	stream.indirect.scatter.add.f32 [tilespmem:s2], [sflag:$0x3], $0x1, s29, s21, $0xb8;
	[tilespmem:$0x11D00] =	vst v63  }
0x3ad: {  	_ =	swait.ge [sflag:s12], $0x200  }
0x3ae: {  	[sflag:s12] =	ssyncset.done $0x0  }
0x3af: {  	[sflag:s12] =	ssyncadd.s32 $0xFFFFFE00  }
0x3b0: {  	[spmem:s1] =	stream.indirect.scatter.add.f32 [tilespmem:s4], [sflag:$0x4], $0x1, s29, s21, $0xb8;
	[tilespmem:$0x11D00] =	vst v63  }
0x3b1: {  	_ =	swait.ge [sflag:s11], $0x200  }
0x3b2: {  	[sflag:s11] =	ssyncset.done $0x0  }
0x3b3: {  	s30 =	simm.s32 $0x9C00;
	[sflag:s11] =	ssyncadd.s32 $0xFFFFFE00  }
0x3b4: {  	[spmem:s0] =	stream.indirect.scatter.add.f32 [tilespmem:s19], [sflag:$0x3], $0x1, s30, s21, $0xb8;
	[tilespmem:$0x11D00] =	vst v63  }
0x3b5: {  	_ =	swait.ge [sflag:s12], $0x200  }
0x3b6: {  	[sflag:s12] =	ssyncset.done $0x0  }
0x3b7: {  	[sflag:s12] =	ssyncadd.s32 $0xFFFFFE00  }
0x3b8: {  	[spmem:s1] =	stream.indirect.scatter.add.f32 [tilespmem:s20], [sflag:$0x4], $0x1, s30, s21, $0xb8;
	[tilespmem:$0x11D00] =	vst v63  }
0x3b9: {  	_ =	swait.ge [sflag:s11], $0x200  }
0x3ba: {  	[sflag:s11] =	ssyncset.done $0x0  }
0x3bb: {  	s4 =	simm.s32 $0x9E00;
	[sflag:s11] =	ssyncadd.s32 $0xFFFFFE00  }
0x3bc: {  	[spmem:s0] =	stream.indirect.scatter.add.f32 [tilespmem:s15], [sflag:$0x3], $0x1, s4, s21, $0xb8;
	[tilespmem:$0x11D00] =	vst v63  }
0x3bd: {  	_ =	swait.ge [sflag:s12], $0x200  }
0x3be: {  	[sflag:s12] =	ssyncset.done $0x0  }
0x3bf: {  	s6 =	simm.s32 $0xEE00;
	[sflag:s12] =	ssyncadd.s32 $0xFFFFFE00  }
0x3c0: {  	[spmem:s1] =	stream.indirect.scatter.add.f32 [tilespmem:s6], [sflag:$0x4], $0x1, s4, s21, $0xb8;
	[tilespmem:$0x11D00] =	vst v63  }
0x3c1: {  	_ =	swait.ge [sflag:s11], $0x200  }
0x3c2: {  	[sflag:s11] =	ssyncset.done $0x0  }
0x3c3: {  	s8 =	simm.s32 $0xA000;
	s9 =	simm.s32 $0xC800;
	[sflag:s11] =	ssyncadd.s32 $0xFFFFFE00  }
0x3c4: {  	[spmem:s0] =	stream.indirect.scatter.add.f32 [tilespmem:s9], [sflag:$0x3], $0x1, s8, s21, $0xb8;
	[tilespmem:$0x11D00] =	vst v63  }
0x3c5: {  	_ =	swait.ge [sflag:s12], $0x200  }
0x3c6: {  	[sflag:s12] =	ssyncset.done $0x0  }
0x3c7: {  	s13 =	simm.s32 $0xF000;
	[sflag:s12] =	ssyncadd.s32 $0xFFFFFE00  }
0x3c8: {  	[spmem:s1] =	stream.indirect.scatter.add.f32 [tilespmem:s13], [sflag:$0x4], $0x1, s8, s21, $0xb8;
	[tilespmem:$0x11D00] =	vst v63  }
0x3c9: {  	_ =	swait.ge [sflag:s11], $0x200  }
0x3ca: {  	[sflag:s11] =	ssyncset.done $0x0  }
0x3cb: {  	s16 =	simm.s32 $0xCA00;
	s15 =	simm.s32 $0xA200;
	[sflag:s11] =	ssyncadd.s32 $0xFFFFFE00  }
0x3cc: {  	[spmem:s0] =	stream.indirect.scatter.add.f32 [tilespmem:s16], [sflag:$0x3], $0x1, s15, s21, $0xb8;
	[tilespmem:$0x11D00] =	vst v63  }
0x3cd: {  	_ =	swait.ge [sflag:s12], $0x200  }
0x3ce: {  	[sflag:s12] =	ssyncset.done $0x0  }
0x3cf: {  	s17 =	simm.s32 $0xF200;
	[sflag:s12] =	ssyncadd.s32 $0xFFFFFE00  }
0x3d0: {  	[spmem:s1] =	stream.indirect.scatter.add.f32 [tilespmem:s17], [sflag:$0x4], $0x1, s15, s21, $0xb8;
	[tilespmem:$0x11D00] =	vst v63  }
0x3d1: {  	_ =	swait.ge [sflag:s11], $0x200  }
0x3d2: {  	[sflag:s11] =	ssyncset.done $0x0  }
0x3d3: {  	s18 =	simm.s32 $0xA400;
	s19 =	simm.s32 $0xCC00;
	[sflag:s11] =	ssyncadd.s32 $0xFFFFFE00  }
0x3d4: {  	[spmem:s0] =	stream.indirect.scatter.add.f32 [tilespmem:s19], [sflag:$0x3], $0x1, s18, s21, $0xb8;
	[tilespmem:$0x11D00] =	vst v63  }
0x3d5: {  	_ =	swait.ge [sflag:s12], $0x200  }
0x3d6: {  	[sflag:s12] =	ssyncset.done $0x0  }
0x3d7: {  	s20 =	simm.s32 $0xF400;
	[sflag:s12] =	ssyncadd.s32 $0xFFFFFE00  }
0x3d8: {  	[spmem:s1] =	stream.indirect.scatter.add.f32 [tilespmem:s20], [sflag:$0x4], $0x1, s18, s21, $0xb8;
	[tilespmem:$0x11D00] =	vst v63  }
0x3d9: {  	_ =	swait.ge [sflag:s11], $0x200  }
0x3da: {  	[sflag:s11] =	ssyncset.done $0x0  }
0x3db: {  	s22 =	simm.s32 $0xA600;
	s23 =	simm.s32 $0xCE00;
	[sflag:s11] =	ssyncadd.s32 $0xFFFFFE00  }
0x3dc: {  	[spmem:s0] =	stream.indirect.scatter.add.f32 [tilespmem:s23], [sflag:$0x3], $0x1, s22, s21, $0xb8;
	[tilespmem:$0x11D00] =	vst v63  }
0x3dd: {  	_ =	swait.ge [sflag:s12], $0x200  }
0x3de: {  	[sflag:s12] =	ssyncset.done $0x0  }
0x3df: {  	s24 =	simm.s32 $0xF600;
	[sflag:s12] =	ssyncadd.s32 $0xFFFFFE00  }
0x3e0: {  	[spmem:s1] =	stream.indirect.scatter.add.f32 [tilespmem:s24], [sflag:$0x4], $0x1, s22, s21, $0xb8;
	[tilespmem:$0x11D00] =	vst v63  }
0x3e1: {  	_ =	swait.ge [sflag:s11], $0x200  }
0x3e2: {  	[sflag:s11] =	ssyncset.done $0x0  }
0x3e3: {  	s26 =	simm.s32 $0xD000;
	s25 =	simm.s32 $0xA800;
	[sflag:s11] =	ssyncadd.s32 $0xFFFFFE00  }
0x3e4: {  	[spmem:s0] =	stream.indirect.scatter.add.f32 [tilespmem:s26], [sflag:$0x3], $0x1, s25, s21, $0xb8;
	[tilespmem:$0x11D00] =	vst v63  }
0x3e5: {  	_ =	swait.ge [sflag:s12], $0x200  }
0x3e6: {  	[sflag:s12] =	ssyncset.done $0x0  }
0x3e7: {  	s28 =	simm.s32 $0xF800;
	[sflag:s12] =	ssyncadd.s32 $0xFFFFFE00  }
0x3e8: {  	[spmem:s1] =	stream.indirect.scatter.add.f32 [tilespmem:s28], [sflag:$0x4], $0x1, s25, s21, $0xb8;
	[tilespmem:$0x11D00] =	vst v63  }
0x3e9: {  	_ =	swait.ge [sflag:s11], $0x200  }
0x3ea: {  	[sflag:s11] =	ssyncset.done $0x0  }
0x3eb: {  	s29 =	simm.s32 $0xAA00;
	s30 =	simm.s32 $0xD200;
	[sflag:s11] =	ssyncadd.s32 $0xFFFFFE00  }
0x3ec: {  	[spmem:s0] =	stream.indirect.scatter.add.f32 [tilespmem:s30], [sflag:$0x3], $0x1, s29, s21, $0xb8;
	[tilespmem:$0x11D00] =	vst v63  }
0x3ed: {  	_ =	swait.ge [sflag:s12], $0x200  }
0x3ee: {  	[sflag:s12] =	ssyncset.done $0x0  }
0x3ef: {  	s6 =	simm.s32 $0xFA00;
	[sflag:s12] =	ssyncadd.s32 $0xFFFFFE00  }
0x3f0: {  	[spmem:s1] =	stream.indirect.scatter.add.f32 [tilespmem:s6], [sflag:$0x4], $0x1, s29, s21, $0xb8;
	[tilespmem:$0x11D00] =	vst v63  }
0x3f1: {  	_ =	swait.ge [sflag:s11], $0x200  }
0x3f2: {  	[sflag:s11] =	ssyncset.done $0x0  }
0x3f3: {  	s9 =	simm.s32 $0xD400;
	s8 =	simm.s32 $0xAC00;
	[sflag:s11] =	ssyncadd.s32 $0xFFFFFE00  }
0x3f4: {  	[spmem:s0] =	stream.indirect.scatter.add.f32 [tilespmem:s9], [sflag:$0x3], $0x1, s8, s21, $0xb8;
	[tilespmem:$0x11D00] =	vst v63  }
0x3f5: {  	_ =	swait.ge [sflag:s12], $0x200  }
0x3f6: {  	[sflag:s12] =	ssyncset.done $0x0  }
0x3f7: {  	s13 =	simm.s32 $0xFC00;
	[sflag:s12] =	ssyncadd.s32 $0xFFFFFE00  }
0x3f8: {  	[spmem:s1] =	stream.indirect.scatter.add.f32 [tilespmem:s13], [sflag:$0x4], $0x1, s8, s21, $0xb8;
	[tilespmem:$0x11D00] =	vst v63  }
0x3f9: {  	_ =	swait.ge [sflag:s11], $0x200  }
0x3fa: {  	[sflag:s11] =	ssyncset.done $0x0  }
0x3fb: {  	s16 =	simm.s32 $0xD600;
	s15 =	simm.s32 $0xAE00;
	[sflag:s11] =	ssyncadd.s32 $0xFFFFFE00  }
0x3fc: {  	[spmem:s0] =	stream.indirect.scatter.add.f32 [tilespmem:s16], [sflag:$0x3], $0x1, s15, s21, $0xb8;
	[tilespmem:$0x11D00] =	vst v63  }
0x3fd: {  	_ =	swait.ge [sflag:s12], $0x200  }
0x3fe: {  	[sflag:s12] =	ssyncset.done $0x0  }
0x3ff: {  	s17 =	simm.s32 $0xFE00;
	[sflag:s12] =	ssyncadd.s32 $0xFFFFFE00  }
0x400: {  	[spmem:s1] =	stream.indirect.scatter.add.f32 [tilespmem:s17], [sflag:$0x4], $0x1, s15, s21, $0xb8;
	[tilespmem:$0x11D00] =	vst v63  }
0x401: {  	_ =	swait.ge [sflag:s11], $0x200  }
0x402: {  	[sflag:s11] =	ssyncset.done $0x0  }
0x403: {  	s19 =	simm.s32 $0xD800;
	s18 =	simm.s32 $0xB000;
	[sflag:s11] =	ssyncadd.s32 $0xFFFFFE00  }
0x404: {  	[spmem:s0] =	stream.indirect.scatter.add.f32 [tilespmem:s19], [sflag:$0x3], $0x1, s18, s21, $0xb8;
	[tilespmem:$0x11D00] =	vst v63  }
0x405: {  	_ =	swait.ge [sflag:s12], $0x200  }
0x406: {  	[sflag:s12] =	ssyncset.done $0x0  }
0x407: {  	s20 =	simm.s32 $0x10000;
	[sflag:s12] =	ssyncadd.s32 $0xFFFFFE00  }
0x408: {  	[spmem:s1] =	stream.indirect.scatter.add.f32 [tilespmem:s20], [sflag:$0x4], $0x1, s18, s21, $0xb8;
	[tilespmem:$0x11D00] =	vst v63  }
0x409: {  	_ =	swait.ge [sflag:s11], $0x200  }
0x40a: {  	[sflag:s11] =	ssyncset.done $0x0  }
0x40b: {  	s23 =	simm.s32 $0xDA00;
	s22 =	simm.s32 $0xB200;
	[sflag:s11] =	ssyncadd.s32 $0xFFFFFE00  }
0x40c: {  	[spmem:s0] =	stream.indirect.scatter.add.f32 [tilespmem:s23], [sflag:$0x3], $0x1, s22, s21, $0xb8;
	[tilespmem:$0x11D00] =	vst v63  }
0x40d: {  	_ =	swait.ge [sflag:s12], $0x200  }
0x40e: {  	[sflag:s12] =	ssyncset.done $0x0  }
0x40f: {  	s14 =	simm.s32 $0x10200;
	[sflag:s12] =	ssyncadd.s32 $0xFFFFFE00  }
0x410: {  	[spmem:s1] =	stream.indirect.scatter.add.f32 [tilespmem:s14], [sflag:$0x4], $0x1, s22, s21, $0xb8;
	[tilespmem:$0x11D00] =	vst v63  }
0x411: {  	_ =	swait.ge [sflag:s7], $0x200  }
0x412: {  	[sflag:s7] =	ssyncset.done $0x0  }
0x413: {  	[sflag:s7] =	ssyncadd.s32 $0xFFFFFE00  }
0x414: {  	_ =	swait.ge [sflag:s10], $0x200  }
0x415: {  	[sflag:s10] =	ssyncset.done $0x0  }
0x416: {  	[sflag:s10] =	ssyncadd.s32 $0xFFFFFE00  }
0x417: {  	_ =	swait.ge [sflag:s7], $0x200  }
0x418: {  	[sflag:s7] =	ssyncset.done $0x0  }
0x419: {  	[sflag:s7] =	ssyncadd.s32 $0xFFFFFE00  }
0x41a: {  	_ =	swait.ge [sflag:s10], $0x200  }
0x41b: {  	[sflag:s10] =	ssyncset.done $0x0  }
0x41c: {  	[sflag:s10] =	ssyncadd.s32 $0xFFFFFE00  }
0x41d: {  	_ =	swait.ge [sflag:s7], $0x200  }
0x41e: {  	[sflag:s7] =	ssyncset.done $0x0  }
0x41f: {  	[sflag:s7] =	ssyncadd.s32 $0xFFFFFE00  }
0x420: {  	_ =	swait.ge [sflag:s10], $0x200  }
0x421: {  	[sflag:s10] =	ssyncset.done $0x0  }
0x422: {  	[sflag:s10] =	ssyncadd.s32 $0xFFFFFE00  }
0x423: {  	_ =	swait.ge [sflag:s7], $0x200  }
0x424: {  	[sflag:s7] =	ssyncset.done $0x0  }
0x425: {  	[sflag:s7] =	ssyncadd.s32 $0xFFFFFE00  }
0x426: {  	_ =	swait.ge [sflag:s10], $0x200  }
0x427: {  	[sflag:s10] =	ssyncset.done $0x0  }
0x428: {  	[sflag:s10] =	ssyncadd.s32 $0xFFFFFE00  }
0x429: {  	_ =	swait.ge [sflag:s7], $0x200  }
0x42a: {  	[sflag:s7] =	ssyncset.done $0x0  }
0x42b: {  	[sflag:s7] =	ssyncadd.s32 $0xFFFFFE00  }
0x42c: {  	_ =	swait.ge [sflag:s10], $0x200  }
0x42d: {  	[sflag:s10] =	ssyncset.done $0x0  }
0x42e: {  	[sflag:s10] =	ssyncadd.s32 $0xFFFFFE00  }
0x42f: {  	_ =	swait.ge [sflag:s7], $0x200  }
0x430: {  	[sflag:s7] =	ssyncset.done $0x0  }
0x431: {  	[sflag:s7] =	ssyncadd.s32 $0xFFFFFE00  }
0x432: {  	_ =	swait.ge [sflag:s10], $0x200  }
0x433: {  	[sflag:s10] =	ssyncset.done $0x0  }
0x434: {  	[sflag:s10] =	ssyncadd.s32 $0xFFFFFE00  }
0x435: {  	_ =	swait.ge [sflag:s7], $0x200  }
0x436: {  	[sflag:s7] =	ssyncset.done $0x0  }
0x437: {  	[sflag:s7] =	ssyncadd.s32 $0xFFFFFE00  }
0x438: {  	_ =	swait.ge [sflag:s10], $0x200  }
0x439: {  	[sflag:s10] =	ssyncset.done $0x0  }
0x43a: {  	[sflag:s10] =	ssyncadd.s32 $0xFFFFFE00  }
0x43b: {  	_ =	swait.ge [sflag:s7], $0x200  }
0x43c: {  	[sflag:s7] =	ssyncset.done $0x0  }
0x43d: {  	[sflag:s7] =	ssyncadd.s32 $0xFFFFFE00  }
0x43e: {  	_ =	swait.ge [sflag:s10], $0x200  }
0x43f: {  	[sflag:s10] =	ssyncset.done $0x0  }
0x440: {  	[sflag:s10] =	ssyncadd.s32 $0xFFFFFE00  }
0x441: {  	_ =	swait.ge [sflag:s7], $0x200  }
0x442: {  	[sflag:s7] =	ssyncset.done $0x0  }
0x443: {  	[sflag:s7] =	ssyncadd.s32 $0xFFFFFE00  }
0x444: {  	_ =	swait.ge [sflag:s10], $0x200  }
0x445: {  	[sflag:s10] =	ssyncset.done $0x0  }
0x446: {  	[sflag:s10] =	ssyncadd.s32 $0xFFFFFE00  }
0x447: {  	_ =	swait.ge [sflag:s7], $0x200  }
0x448: {  	[sflag:s7] =	ssyncset.done $0x0  }
0x449: {  	[sflag:s7] =	ssyncadd.s32 $0xFFFFFE00  }
0x44a: {  	_ =	swait.ge [sflag:s10], $0x200  }
0x44b: {  	[sflag:s10] =	ssyncset.done $0x0  }
0x44c: {  	[sflag:s10] =	ssyncadd.s32 $0xFFFFFE00  }
0x44d: {  	_ =	swait.ge [sflag:s7], $0x200  }
0x44e: {  	[sflag:s7] =	ssyncset.done $0x0  }
0x44f: {  	[sflag:s7] =	ssyncadd.s32 $0xFFFFFE00  }
0x450: {  	_ =	swait.ge [sflag:s10], $0x200  }
0x451: {  	[sflag:s10] =	ssyncset.done $0x0  }
0x452: {  	[sflag:s10] =	ssyncadd.s32 $0xFFFFFE00  }
0x453: {  	_ =	swait.ge [sflag:s7], $0x200  }
0x454: {  	[sflag:s7] =	ssyncset.done $0x0  }
0x455: {  	[sflag:s7] =	ssyncadd.s32 $0xFFFFFE00  }
0x456: {  	_ =	swait.ge [sflag:s10], $0x200  }
0x457: {  	[sflag:s10] =	ssyncset.done $0x0  }
0x458: {  	[sflag:s10] =	ssyncadd.s32 $0xFFFFFE00  }
0x459: {  	_ =	swait.ge [sflag:s7], $0x200  }
0x45a: {  	[sflag:s7] =	ssyncset.done $0x0  }
0x45b: {  	[sflag:s7] =	ssyncadd.s32 $0xFFFFFE00  }
0x45c: {  	_ =	swait.ge [sflag:s10], $0x200  }
0x45d: {  	[sflag:s10] =	ssyncset.done $0x0  }
0x45e: {  	[sflag:s10] =	ssyncadd.s32 $0xFFFFFE00  }
0x45f: {  	_ =	swait.ge [sflag:s7], $0x200  }
0x460: {  	[sflag:s7] =	ssyncset.done $0x0  }
0x461: {  	[sflag:s7] =	ssyncadd.s32 $0xFFFFFE00  }
0x462: {  	_ =	swait.ge [sflag:s10], $0x200  }
0x463: {  	[sflag:s10] =	ssyncset.done $0x0  }
0x464: {  	[sflag:s10] =	ssyncadd.s32 $0xFFFFFE00  }
0x465: {  	_ =	swait.ge [sflag:s7], $0x200  }
0x466: {  	[sflag:s7] =	ssyncset.done $0x0  }
0x467: {  	[sflag:s7] =	ssyncadd.s32 $0xFFFFFE00  }
0x468: {  	_ =	swait.ge [sflag:s10], $0x200  }
0x469: {  	[sflag:s10] =	ssyncset.done $0x0  }
0x46a: {  	[sflag:s10] =	ssyncadd.s32 $0xFFFFFE00  }
0x46b: {  	_ =	swait.ge [sflag:s7], $0x200  }
0x46c: {  	[sflag:s7] =	ssyncset.done $0x0  }
0x46d: {  	[sflag:s7] =	ssyncadd.s32 $0xFFFFFE00  }
0x46e: {  	_ =	swait.ge [sflag:s10], $0x200  }
0x46f: {  	[sflag:s10] =	ssyncset.done $0x0  }
0x470: {  	[sflag:s10] =	ssyncadd.s32 $0xFFFFFE00  }
0x471: {  	_ =	swait.ge [sflag:s7], $0x200  }
0x472: {  	[sflag:s7] =	ssyncset.done $0x0  }
0x473: {  	[sflag:s7] =	ssyncadd.s32 $0xFFFFFE00  }
0x474: {  	_ =	swait.ge [sflag:s10], $0x200  }
0x475: {  	[sflag:s10] =	ssyncset.done $0x0  }
0x476: {  	[sflag:s10] =	ssyncadd.s32 $0xFFFFFE00  }
0x477: {  	_ =	swait.ge [sflag:s7], $0x200  }
0x478: {  	[sflag:s7] =	ssyncset.done $0x0  }
0x479: {  	[sflag:s7] =	ssyncadd.s32 $0xFFFFFE00  }
0x47a: {  	_ =	swait.ge [sflag:s10], $0x200  }
0x47b: {  	[sflag:s10] =	ssyncset.done $0x0  }
0x47c: {  	[sflag:s10] =	ssyncadd.s32 $0xFFFFFE00  }
0x47d: {  	_ =	swait.ge [sflag:s7], $0x200  }
0x47e: {  	[sflag:s7] =	ssyncset.done $0x0  }
0x47f: {  	[sflag:s7] =	ssyncadd.s32 $0xFFFFFE00  }
0x480: {  	_ =	swait.ge [sflag:s10], $0x200  }
0x481: {  	[sflag:s10] =	ssyncset.done $0x0  }
0x482: {  	[sflag:s10] =	ssyncadd.s32 $0xFFFFFE00  }
0x483: {  	_ =	swait.ge [sflag:s7], $0x200  }
0x484: {  	[sflag:s7] =	ssyncset.done $0x0  }
0x485: {  	[sflag:s7] =	ssyncadd.s32 $0xFFFFFE00  }
0x486: {  	_ =	swait.ge [sflag:s10], $0x200  }
0x487: {  	[sflag:s10] =	ssyncset.done $0x0  }
0x488: {  	[sflag:s10] =	ssyncadd.s32 $0xFFFFFE00  }
0x489: {  	[bflag:$0x0] =	sbarrier.arrive $0xFFFF  }
0x48a: {  	s24 =	simm.s32 $0x10400;
	s13 =	rddreg [dreg:$0x9]  }
0x48b: {  	[tilespmem:s24], [sflag:$0x5] =	stream.linear.gather [spmem:s13], $0x1900, $0x38;
	[tilespmem:$0x11D00] =	vst v63  }
0x48c: {  	_ =	swait.ge [sflag:s31], $0x1900  }
0x48d: {  	[sflag:s31] =	ssyncset.done $0x0  }
0x48e: {  	s26 =	simm.s32 $0x0;
	s25 =	rddreg [dreg:$0xf];
	[sflag:s31] =	ssyncadd.s32 $0xFFFFE700  }
0x48f: {  	[hbm4b:s25+s26] =	stream.linear.scatter [tilespmem:s24], [sflag:$0x5], $0x1900, $0x38;
	[tilespmem:$0x11D00] =	vst v63  }
0x490: {  	_ =	swait.ge [sflag:s31], $0x1900  }
0x491: {  	[sflag:s31] =	ssyncset.done $0x0  }
0x492: {  	s16 =	rddreg [dreg:$0xa];
	[sflag:s31] =	ssyncadd.s32 $0xFFFFE700  }
0x493: {  	[tilespmem:s24], [sflag:$0x5] =	stream.linear.gather [spmem:s16], $0x1900, $0x38;
	[tilespmem:$0x11D00] =	vst v63  }
0x494: {  	_ =	swait.ge [sflag:s31], $0x1900  }
0x495: {  	[sflag:s31] =	ssyncset.done $0x0  }
0x496: {  	s28 =	rddreg [dreg:$0x10];
	[sflag:s31] =	ssyncadd.s32 $0xFFFFE700  }
0x497: {  	[hbm4b:s28+s26] =	stream.linear.scatter [tilespmem:s24], [sflag:$0x5], $0x1900, $0x38;
	[tilespmem:$0x11D00] =	vst v63  }
0x498: {  	_ =	swait.ge [sflag:s31], $0x1900  }
0x499: {  	s29 =	rddreg [dreg:$0x12]  }
0x49a: {  	s30 =	rddreg [dreg:$0x11];
	s2 =	sadd.s32 $0x1, s29  }
0x49b: {  	p0 =	sne.s32 s2, s30  }
.Ltmp1:
0x49c: {  	_ = 	snop;
	(pc) =	sbr.rel @p0 .LBB2_1-.Ltmp1, $3  }
0x49d: {  	_ =	sdelay $0x1  }
0x49e: {  	[sflag:s31] =	ssyncset.done $0x0  }
0x49f: {  	s15 =	simm.s32 $0x10400;
	[sflag:s31] =	ssyncadd.s32 $0xFFFFE700  }
0x4a0: {  	_ =	sfence.sel $0x180000  }
0x4a1: {  	[bflag:$0x0] =	sbarrier.arrive $0xFFFF  }
0x4a2: {  	_ =	strace $0x9000004A  }
0x4a3: {  	s0 =	stileid.u32;
	[bflag:$0x2] =	sbarrier.arrive $0xFFFF  }
0x4a4: {  	p0 =	sne.s32 s0, $0x0;
	s0 =	rddreg [dreg:$0x5]  }
0x4a5: {  	s0 =	sadd.s32 @!p0 $0x100000, s0  }
0x4a6: {  	[sflag:s0] =	ssyncadd.tile.s32 @!p0 $0x1;
	_ =	shalt  }
.Lfunc_end2:
_tile_overlayer_lowered:
.L_overlay_start_2:
0x4a7: {  	(tag) =	ssettag $0x2  }
0x4a8: {  	s0 =	rddreg [dreg:$0x0];
	s2 =	stileid.u32  }
0x4a9: {  	s1 =	rddreg [dreg:$0x1];
	p0 =	sne.s32 s2, $0x0  }
0x4aa: {  	s3 =	rddreg [dreg:$0x2];
	[bflag:$0x3] =	sbarrier.arrive $0xFFFF;
	s2 =	simm.s32 @!p0 $0x1C05  }
0x4ab: {  	[timem:s3], [sflag:s2] =	dma.local @!p0 [hbm:s0], s1  }
0x4ac: {  	s0 =	simm.s32 @!p0 $0x5  }
0x4ad: {  	_ =	swait.ge @!p0 [sflag:s0], s1  }
0x4ae: {  	s1 =	ssub.s32 @!p0 $0x0, s1;
	[sflag:s0] =	ssyncset.done @!p0 $0x0  }
0x4af: {  	[sflag:s0] =	ssyncadd.s32 @!p0 s1  }
0x4b0: {  	[bflag:$0x3] =	sbarrier.arrive $0xFFFF  }
0x4b1: {  	_ =	shalt  }

</sc_bundles>
